<compile_context>
chip_gen: v7x
topology: tpu7x:2x2x1
jax: 0.10.2.dev20260603
libtpu: 0.0.44.dev20260713+nightly
codegen_flags: <defaults>
</compile_context>

<pallas_src>
import jax
import jax.numpy as jnp
from jax import lax
from jax.experimental import pallas as pl
from jax.experimental.pallas import tpu as pltpu
from jax.experimental.pallas import tpu_sc as plsc

_NC = 2
_NS = 16
_B = 80
_ZB = 128
_RPAD = _NS * _ZB


def _edge_body_den(src_h, dst_h, ewb_h, g_h, out_h, den_h,
                   src_v, dst_v, rows_a, rows_b, ewc_a, ewc_b,
                   zacc_v, zden_v, acc_sh, den_sh, sga, sgb, ssa, ssb):
    _edge_common(src_h, dst_h, ewb_h, g_h, out_h, den_h,
                 src_v, dst_v, rows_a, rows_b, ewc_a, ewc_b,
                 zacc_v, zden_v, acc_sh, den_sh, sga, sgb, ssa, ssb)


def _edge_body_noden(src_h, dst_h, ewb_h, g_h, out_h,
                     src_v, dst_v, rows_a, rows_b, ewc_a, ewc_b,
                     zacc_v, acc_sh, sga, sgb, ssa, ssb):
    _edge_common(src_h, dst_h, ewb_h, g_h, out_h, None,
                 src_v, dst_v, rows_a, rows_b, ewc_a, ewc_b,
                 zacc_v, None, acc_sh, None, sga, sgb, ssa, ssb)


def _edge_common(src_h, dst_h, ewb_h, g_h, out_h, den_h,
                 src_v, dst_v, rows_a, rows_b, ewc_a, ewc_b,
                 zacc_v, zden_v, acc_sh, den_sh, sga, sgb, ssa, ssb):
    n_pad, wd = acc_sh.shape
    ch, b = src_v.shape
    rps = n_pad // _NS
    zn = rps // _ZB
    c = lax.axis_index("c")
    s = lax.axis_index("s")

    def zrow(i, carry):
        for cc in range(wd // 16):
            zacc_v[i, pl.ds(cc * 16, 16)] = jnp.zeros((16,), jnp.float32)
        if zden_v is not None:
            zden_v[i, :] = jnp.zeros((16,), jnp.float32)
        return carry

    lax.fori_loop(0, _ZB, zrow, 0)
    for z in range(zn):
        row0 = s * rps + z * _ZB
        pltpu.sync_copy(zacc_v, acc_sh.at[pl.ds(row0, _ZB)])
        if den_sh is not None:
            pltpu.sync_copy(zden_v, den_sh.at[pl.ds(row0, _ZB)])
    plsc.subcore_barrier()

    pltpu.sync_copy(src_h.at[s], src_v)
    pltpu.sync_copy(dst_h.at[s], dst_v)

    def start_gather(j, rows_v, ewc_v, sem):
        pltpu.async_copy(g_h.at[c].at[src_v.at[j]], rows_v, sem)
        pltpu.async_copy(ewb_h.at[s, j], ewc_v, sem)

    def wait_gather(j, rows_v, ewc_v, sem):
        pltpu.make_async_copy(g_h.at[c].at[src_v.at[j]], rows_v, sem).wait()
        pltpu.make_async_copy(ewb_h.at[s, j], ewc_v, sem).wait()

    def scale(rows_v, ewc_v):
        def grp(g8, carry):
            for i in range(8):
                e = g8 * 8 + i
                wv = ewc_v[e, :]
                for cc in range(wd // 16):
                    sl = pl.ds(cc * 16, 16)
                    rows_v[e, sl] = rows_v[e, sl] * wv
            return carry
        lax.fori_loop(0, b // 8, grp, 0)

    def proc(j, rows_v, ewc_v):
        scale(rows_v, ewc_v)
        pltpu.sync_copy(rows_v, acc_sh.at[dst_v.at[j]], add=True)
        if den_sh is not None:
            @pl.when(c == 0)
            def _():
                pltpu.sync_copy(ewc_v, den_sh.at[dst_v.at[j]], add=True)

    start_gather(0, rows_a, ewc_a, sga)
    start_gather(1, rows_b, ewc_b, sgb)

    def pair(p, carry):
        j = 2 * p
        wait_gather(j, rows_a, ewc_a, sga)
        proc(j, rows_a, ewc_a)

        @pl.when(j + 2 < ch)
        def _():
            start_gather(j + 2, rows_a, ewc_a, sga)

        wait_gather(j + 1, rows_b, ewc_b, sgb)
        proc(j + 1, rows_b, ewc_b)

        @pl.when(j + 3 < ch)
        def _():
            start_gather(j + 3, rows_b, ewc_b, sgb)

        return carry

    lax.fori_loop(0, ch // 2, pair, 0)
    plsc.subcore_barrier()

    row0 = s * rps
    pltpu.sync_copy(acc_sh.at[pl.ds(row0, rps)], out_h.at[c, pl.ds(row0, rps)])
    if den_sh is not None:
        @pl.when(c == 0)
        def _():
            pltpu.sync_copy(den_sh.at[pl.ds(row0, rps)],
                            den_h.at[pl.ds(row0, rps)])


def _make_edge_call(n_pad, wd, ch, with_den):
    mesh = plsc.VectorSubcoreMesh(core_axis_name="c", subcore_axis_name="s",
                                  num_cores=_NC, num_subcores=_NS)
    out_type = [jax.ShapeDtypeStruct((_NC, n_pad, wd), jnp.float32)]
    scratch = [
        pltpu.VMEM((ch, _B), jnp.int32),
        pltpu.VMEM((ch, _B), jnp.int32),
        pltpu.VMEM((_B, wd), jnp.float32),
        pltpu.VMEM((_B, wd), jnp.float32),
        pltpu.VMEM((_B, 16), jnp.float32),
        pltpu.VMEM((_B, 16), jnp.float32),
        pltpu.VMEM((_ZB, wd), jnp.float32),
    ]
    if with_den:
        out_type.append(jax.ShapeDtypeStruct((n_pad, 16), jnp.float32))
        scratch.append(pltpu.VMEM((_ZB, 16), jnp.float32))
    scratch.append(pltpu.VMEM_SHARED((n_pad, wd), jnp.float32))
    if with_den:
        scratch.append(pltpu.VMEM_SHARED((n_pad, 16), jnp.float32))
    scratch += [pltpu.SemaphoreType.DMA] * 4
    body = _edge_body_den if with_den else _edge_body_noden
    return pl.kernel(body, out_type=tuple(out_type), mesh=mesh,
                     scratch_types=scratch,
                     compiler_params=pltpu.CompilerParams(
                         use_tc_tiling_on_sc=False))


def _tc_ewb_body(w_ref, o_ref):
    o_ref[...] = jnp.broadcast_to(w_ref[...], o_ref.shape)


def _tc_pre_body(x_ref, wln_ref, bln_ref, wla_ref, wlb_ref, wr_ref, b_ref,
                 ga_ref, gb_ref, r_ref):
    lx = jnp.maximum(
        jnp.dot(x_ref[...], wln_ref[...], preferred_element_type=jnp.float32)
        + bln_ref[...], 0.0)
    ga_ref[...] = jnp.dot(lx, wla_ref[...], preferred_element_type=jnp.float32)
    gb_ref[...] = jnp.dot(lx, wlb_ref[...], preferred_element_type=jnp.float32)
    r_ref[...] = jnp.dot(lx, wr_ref[...],
                         preferred_element_type=jnp.float32) + b_ref[...]


def _tc_mid_body(ta_ref, tb_ref, d_ref, r_ref,
                 wln_ref, bln_ref, wla_ref, wlb_ref, wr_ref, b_ref,
                 ga_ref, gb_ref, r2_ref):
    den = jnp.maximum(d_ref[...][:, :1], 1e-6)
    t = jnp.concatenate([ta_ref[...], tb_ref[...]], axis=1)
    rst = t / den + r_ref[...]
    lx = jnp.maximum(
        jnp.dot(rst, wln_ref[...], preferred_element_type=jnp.float32)
        + bln_ref[...], 0.0)
    ga_ref[...] = jnp.dot(lx, wla_ref[...], preferred_element_type=jnp.float32)
    gb_ref[...] = jnp.dot(lx, wlb_ref[...], preferred_element_type=jnp.float32)
    r2_ref[...] = jnp.dot(lx, wr_ref[...],
                          preferred_element_type=jnp.float32) + b_ref[...]


def _tc_post_body(ta_ref, tb_ref, d_ref, r_ref, o_ref):
    den = jnp.maximum(d_ref[...][:, :1], 1e-6)
    t = jnp.concatenate([ta_ref[...], tb_ref[...]], axis=1)
    o_ref[...] = t / den + r_ref[...]


def _row_spec(rb, w):
    return pl.BlockSpec((rb, w), lambda i: (i, 0))


def _full_spec(shape):
    return pl.BlockSpec(shape, lambda i: tuple(0 for _ in shape))


def kernel(x, edge_index, edge_weight, W_ln1, b_ln1, W_l1, W_r1, b1,
           W_ln2, b_ln2, W_l2, W_r2, b2):
    n, d = x.shape
    h = W_l1.shape[1]
    cdim = W_l2.shape[1]
    e = edge_weight.shape[0]
    eps = e // _NS
    ch = eps // _B
    rb = 2000
    grid = (n // rb,)
    n_pad = ((n + _RPAD - 1) // _RPAD) * _RPAD

    src = edge_index[0].reshape(_NS, ch, _B)
    dst = edge_index[1].reshape(_NS, ch, _B)

    eb = 4000
    ewb = pl.pallas_call(
        _tc_ewb_body,
        grid=(e // eb,),
        in_specs=[pl.BlockSpec((eb, 1), lambda i: (i, 0))],
        out_specs=pl.BlockSpec((eb, 16), lambda i: (i, 0)),
        out_shape=jax.ShapeDtypeStruct((e, 16), jnp.float32),
    )(edge_weight.reshape(e, 1))
    ewb_r = ewb.reshape(_NS, ch, _B, 16)

    g1a, g1b, r1 = pl.pallas_call(
        _tc_pre_body,
        grid=grid,
        in_specs=[_row_spec(rb, d), _full_spec((d, d)), _full_spec((1, d)),
                  _full_spec((d, h // 2)), _full_spec((d, h // 2)),
                  _full_spec((d, h)), _full_spec((1, h))],
        out_specs=[_row_spec(rb, h // 2), _row_spec(rb, h // 2),
                   _row_spec(rb, h)],
        out_shape=[jax.ShapeDtypeStruct((n, h // 2), jnp.float32),
                   jax.ShapeDtypeStruct((n, h // 2), jnp.float32),
                   jax.ShapeDtypeStruct((n, h), jnp.float32)],
    )(x, W_ln1, b_ln1.reshape(1, d), W_l1[:, :h // 2], W_l1[:, h // 2:],
      W_r1, b1.reshape(1, h))

    g1s = jnp.stack([g1a, g1b])
    t1p, denp = _make_edge_call(n_pad, h // 2, ch, True)(src, dst, ewb_r, g1s)

    g2a, g2b, r2 = pl.pallas_call(
        _tc_mid_body,
        grid=grid,
        in_specs=[_row_spec(rb, h // 2), _row_spec(rb, h // 2),
                  _row_spec(rb, 16), _row_spec(rb, h),
                  _full_spec((h, h)), _full_spec((1, h)),
                  _full_spec((h, cdim // 2)), _full_spec((h, cdim // 2)),
                  _full_spec((h, cdim)), _full_spec((1, cdim))],
        out_specs=[_row_spec(rb, cdim // 2), _row_spec(rb, cdim // 2),
                   _row_spec(rb, cdim)],
        out_shape=[jax.ShapeDtypeStruct((n, cdim // 2), jnp.float32),
                   jax.ShapeDtypeStruct((n, cdim // 2), jnp.float32),
                   jax.ShapeDtypeStruct((n, cdim), jnp.float32)],
    )(t1p[0, :n], t1p[1, :n], denp[:n], r1, W_ln2, b_ln2.reshape(1, h),
      W_l2[:, :cdim // 2], W_l2[:, cdim // 2:], W_r2, b2.reshape(1, cdim))

    g2s = jnp.stack([g2a, g2b])
    (t2p,) = _make_edge_call(n_pad, cdim // 2, ch, False)(src, dst, ewb_r, g2s)

    out = pl.pallas_call(
        _tc_post_body,
        grid=grid,
        in_specs=[_row_spec(rb, cdim // 2), _row_spec(rb, cdim // 2),
                  _row_spec(rb, 16), _row_spec(rb, cdim)],
        out_specs=_row_spec(rb, cdim),
        out_shape=jax.ShapeDtypeStruct((n, cdim), jnp.float32),
    )(t2p[0, :n], t2p[1, :n], denp[:n], r2)
    return out

# --- scband reference (transcript-rebuilt; emitter-appended) ---
"""Pipeline reference for scband-net-82068235092725 (READ-ONLY COPY).

The authoritative reference and input builder live on the scoring server;
editing this copy changes nothing except your own understanding.
"""

import jax, jax.numpy as jnp
import numpy as np

N = 10000
E = 320000
D = 128
H = 128
C = 64


def setup_inputs(seed: int = 0) -> dict:
    key = jax.random.key(seed)
    ks = jax.random.split(key, 14)
    x = jax.random.normal(ks[0], (N, D), dtype=jnp.float32)
    edge_index = jax.random.randint(ks[1], (2, E), 0, N)
    edge_weight = jax.random.uniform(ks[2], (E,), dtype=jnp.float32)
    def lin(k, fi, fo):
        return jax.random.normal(k, (fi, fo), dtype=jnp.float32) * (1.0 / np.sqrt(fi))
    W_ln1 = lin(ks[3], D, D)
    b_ln1 = jnp.zeros((D,), jnp.float32)
    W_l1 = lin(ks[4], D, H)
    W_r1 = lin(ks[5], D, H)
    b1 = jnp.zeros((H,), jnp.float32)
    W_ln2 = lin(ks[6], H, H)
    b_ln2 = jnp.zeros((H,), jnp.float32)
    W_l2 = lin(ks[7], H, C)
    W_r2 = lin(ks[8], H, C)
    b2 = jnp.zeros((C,), jnp.float32)
    return {"x": x, "edge_index": edge_index, "edge_weight": edge_weight,
            "W_ln1": W_ln1, "b_ln1": b_ln1, "W_l1": W_l1, "W_r1": W_r1, "b1": b1,
            "W_ln2": W_ln2, "b_ln2": b_ln2, "W_l2": W_l2, "W_r2": W_r2, "b2": b2}


def _sage_conv(h, edge_index, ew, Wl, Wr, b):
    # weighted-mean neighborhood aggregation (SAGEConv, aggr='mean', normalize=False)
    src = edge_index[0]
    dst = edge_index[1]
    msg = h[src] * ew[:, None]                              # gather (SparseCore)
    s = jax.ops.segment_sum(msg, dst, num_segments=h.shape[0])   # scatter-add
    denom = jax.ops.segment_sum(ew, dst, num_segments=h.shape[0])
    agg = s / jnp.maximum(denom, 1e-6)[:, None]
    return agg @ Wl + h @ Wr + b


def reference(x, edge_index, edge_weight, W_ln1, b_ln1, W_l1, W_r1, b1,
              W_ln2, b_ln2, W_l2, W_r2, b2):
    lx1 = jax.nn.relu(x @ W_ln1 + b_ln1)
    rst1 = _sage_conv(lx1, edge_index, edge_weight, W_l1, W_r1, b1)
    lx2 = jax.nn.relu(rst1 @ W_ln2 + b_ln2)
    rst2 = _sage_conv(lx2, edge_index, edge_weight, W_l2, W_r2, b2)
    return rst2

if __name__ == "__main__":
    import jax
    _d = setup_inputs()
    print(jax.jit(kernel)(*tuple(_d.values())))

</pallas_src>

<mosaic_0001>
#map = affine_map<(d0, d1) -> (0, 0, 0)>
#map1 = affine_map<(d0, d1) -> (0, 0, 0, 0)>
#map2 = affine_map<(d0, d1) -> (0, 0)>
module attributes {stable_mosaic.version = 14 : i64} {
  func.func @_edge_body_den(%arg0: i32, %arg1: i32, %arg2: memref<16x250x80xi32, #tpu.memory_space<hbm>>, %arg3: memref<16x250x80xi32, #tpu.memory_space<hbm>>, %arg4: memref<16x250x80x16xf32, #tpu.memory_space<hbm>>, %arg5: memref<2x10000x64xf32, #tpu.memory_space<hbm>>, %arg6: memref<2x10240x64xf32, #tpu.memory_space<hbm>>, %arg7: memref<10240x16xf32, #tpu.memory_space<hbm>>, %arg8: memref<250x80xi32, #tpu.memory_space<vmem>>, %arg9: memref<250x80xi32, #tpu.memory_space<vmem>>, %arg10: memref<80x64xf32, #tpu.memory_space<vmem>>, %arg11: memref<80x64xf32, #tpu.memory_space<vmem>>, %arg12: memref<80x16xf32, #tpu.memory_space<vmem>>, %arg13: memref<80x16xf32, #tpu.memory_space<vmem>>, %arg14: memref<128x64xf32, #tpu.memory_space<vmem>>, %arg15: memref<128x16xf32, #tpu.memory_space<vmem>>, %arg16: memref<10240x64xf32, #tpu.memory_space<vmem_shared>>, %arg17: memref<10240x16xf32, #tpu.memory_space<vmem_shared>>, %arg18: memref<!tpu.dma_semaphore, #tpu.memory_space<semaphore_mem>>, %arg19: memref<!tpu.dma_semaphore, #tpu.memory_space<semaphore_mem>>, %arg20: memref<!tpu.dma_semaphore, #tpu.memory_space<semaphore_mem>>, %arg21: memref<!tpu.dma_semaphore, #tpu.memory_space<semaphore_mem>>) attributes {dimension_semantics = [#tpu.dimension_semantics<core_parallel>, #tpu.dimension_semantics<subcore_parallel>], iteration_bounds = array<i64: 2, 16>, scalar_prefetch = 0 : i64, scratch_operands = 14 : i64, tpu.core_type = #tpu.core_type<sc_vector_subcore>, window_params = [{transform_indices = #map}, {transform_indices = #map}, {transform_indices = #map1}, {transform_indices = #map}, {transform_indices = #map}, {transform_indices = #map2}]} {
    %scan3A = arith.constant 0 : i32
    %scan3A_0 = arith.constant 0 : i32
    %scan3A_1 = arith.constant 128 : i32
    %scan3A_2 = arith.addi %scan3A_0, %scan3A_1 : i32
    %scan3A_3 = arith.constant 1 : i32
    scf.for %scan3A_73 = %scan3A_0 to %scan3A_2 step %scan3A_3  : i32 {
      %broadcast_in_dim3A = arith.constant 0.000000e+00 : f32
      %broadcast_in_dim3A_74 = vector.broadcast %broadcast_in_dim3A : f32 to vector<16xf32>
      %swap3A = arith.index_cast %scan3A_73 : i32 to index
      %swap3A_75 = arith.constant 0 : index
      %swap3A_76 = tpu.vector_load %arg14[%swap3A, %swap3A_75] {strides = array<i32>} : memref<128x64xf32, #tpu.memory_space<vmem>>, vector<1x16xf32>,
      %swap3A_77 = vector.shape_cast %swap3A_76 : vector<1x16xf32> to vector<16xf32>
      %swap3A_78 = vector.shape_cast %broadcast_in_dim3A_74 : vector<16xf32> to vector<1x16xf32>
      tpu.vector_store %arg14[%swap3A, %swap3A_75], %swap3A_78 {strides = array<i32>} : memref<128x64xf32, #tpu.memory_space<vmem>>, vector<1x16xf32>,
      %broadcast_in_dim3A_79 = arith.constant 0.000000e+00 : f32
      %broadcast_in_dim3A_80 = vector.broadcast %broadcast_in_dim3A_79 : f32 to vector<16xf32>
      %swap3A_81 = arith.index_cast %scan3A_73 : i32 to index
      %swap3A_82 = arith.constant 16 : index
      %swap3A_83 = tpu.vector_load %arg14[%swap3A_81, %swap3A_82] {strides = array<i32>} : memref<128x64xf32, #tpu.memory_space<vmem>>, vector<1x16xf32>,
      %swap3A_84 = vector.shape_cast %swap3A_83 : vector<1x16xf32> to vector<16xf32>
      %swap3A_85 = vector.shape_cast %broadcast_in_dim3A_80 : vector<16xf32> to vector<1x16xf32>
      tpu.vector_store %arg14[%swap3A_81, %swap3A_82], %swap3A_85 {strides = array<i32>} : memref<128x64xf32, #tpu.memory_space<vmem>>, vector<1x16xf32>,
      %broadcast_in_dim3A_86 = arith.constant 0.000000e+00 : f32
      %broadcast_in_dim3A_87 = vector.broadcast %broadcast_in_dim3A_86 : f32 to vector<16xf32>
      %swap3A_88 = arith.index_cast %scan3A_73 : i32 to index
      %swap3A_89 = arith.constant 32 : index
      %swap3A_90 = tpu.vector_load %arg14[%swap3A_88, %swap3A_89] {strides = array<i32>} : memref<128x64xf32, #tpu.memory_space<vmem>>, vector<1x16xf32>,
      %swap3A_91 = vector.shape_cast %swap3A_90 : vector<1x16xf32> to vector<16xf32>
      %swap3A_92 = vector.shape_cast %broadcast_in_dim3A_87 : vector<16xf32> to vector<1x16xf32>
      tpu.vector_store %arg14[%swap3A_88, %swap3A_89], %swap3A_92 {strides = array<i32>} : memref<128x64xf32, #tpu.memory_space<vmem>>, vector<1x16xf32>,
      %broadcast_in_dim3A_93 = arith.constant 0.000000e+00 : f32
      %broadcast_in_dim3A_94 = vector.broadcast %broadcast_in_dim3A_93 : f32 to vector<16xf32>
      %swap3A_95 = arith.index_cast %scan3A_73 : i32 to index
      %swap3A_96 = arith.constant 48 : index
      %swap3A_97 = tpu.vector_load %arg14[%swap3A_95, %swap3A_96] {strides = array<i32>} : memref<128x64xf32, #tpu.memory_space<vmem>>, vector<1x16xf32>,
      %swap3A_98 = vector.shape_cast %swap3A_97 : vector<1x16xf32> to vector<16xf32>
      %swap3A_99 = vector.shape_cast %broadcast_in_dim3A_94 : vector<16xf32> to vector<1x16xf32>
      tpu.vector_store %arg14[%swap3A_95, %swap3A_96], %swap3A_99 {strides = array<i32>} : memref<128x64xf32, #tpu.memory_space<vmem>>, vector<1x16xf32>,
      %broadcast_in_dim3A_100 = arith.constant 0.000000e+00 : f32
      %broadcast_in_dim3A_101 = vector.broadcast %broadcast_in_dim3A_100 : f32 to vector<16xf32>
      %swap3A_102 = arith.index_cast %scan3A_73 : i32 to index
      %swap3A_103 = arith.constant 0 : index
      %swap3A_104 = tpu.vector_load %arg15[%swap3A_102, %swap3A_103] {strides = array<i32>} : memref<128x16xf32, #tpu.memory_space<vmem>>, vector<1x16xf32>,
      %swap3A_105 = vector.shape_cast %swap3A_104 : vector<1x16xf32> to vector<16xf32>
      %swap3A_106 = vector.shape_cast %broadcast_in_dim3A_101 : vector<16xf32> to vector<1x16xf32>
      tpu.vector_store %arg15[%swap3A_102, %swap3A_103], %swap3A_106 {strides = array<i32>} : memref<128x16xf32, #tpu.memory_space<vmem>>, vector<1x16xf32>,
    }
    %scan3A_4 = arith.constant 128 : i32
    %mul3A = arith.constant 640 : i32
    %mul3A_5 = arith.muli %arg1, %mul3A : i32
    %add3A = arith.constant 0 : i32
    %add3A_6 = arith.addi %mul3A_5, %add3A : i32
    "tpu.region"() ({
      %run_scoped3A = tpu.sem_alloc : memref<!tpu.dma_semaphore, #tpu.memory_space<semaphore_mem>>
      %dma_start3A_73 = arith.constant 0 : i32
      %dma_start3A_74 = tpu.memref_slice %arg16[%add3A_6, %dma_start3A_73] : memref<10240x64xf32, #tpu.memory_space<vmem_shared>> -> memref<128x64xf32, #tpu.memory_space<vmem_shared>>
      %dma_start3A_75 = arith.constant 0 : i32
      %dma_start3A_76 = tpu.memref_slice %arg16[%add3A_6, %dma_start3A_75] : memref<10240x64xf32, #tpu.memory_space<vmem_shared>> -> memref<128x64xf32, #tpu.memory_space<vmem_shared>>
      tpu.enqueue_dma source(%arg14 : memref<128x64xf32, #tpu.memory_space<vmem>>) target(%dma_start3A_76 : memref<128x64xf32, #tpu.memory_space<vmem_shared>>) target_semaphore(%run_scoped3A : memref<!tpu.dma_semaphore, #tpu.memory_space<semaphore_mem>>)
      %dma_wait3A = arith.constant 0 : i32
      %dma_wait3A_77 = tpu.memref_slice %arg16[%add3A_6, %dma_wait3A] : memref<10240x64xf32, #tpu.memory_space<vmem_shared>> -> memref<128x64xf32, #tpu.memory_space<vmem_shared>>
      %dma_wait3A_78 = arith.constant 0 : i32
      %dma_wait3A_79 = tpu.memref_slice %arg16[%add3A_6, %dma_wait3A_78] : memref<10240x64xf32, #tpu.memory_space<vmem_shared>> -> memref<128x64xf32, #tpu.memory_space<vmem_shared>>
      tpu.wait_dma2 semaphore(%run_scoped3A : memref<!tpu.dma_semaphore, #tpu.memory_space<semaphore_mem>>) src(%arg14 : memref<128x64xf32, #tpu.memory_space<vmem>>) dst(%dma_wait3A_79 : memref<128x64xf32, #tpu.memory_space<vmem_shared>>)
      tpu.yield
    }) : () -> ()
    "tpu.region"() ({
      %run_scoped3A = tpu.sem_alloc : memref<!tpu.dma_semaphore, #tpu.memory_space<semaphore_mem>>
      %dma_start3A_73 = arith.constant 0 : i32
      %dma_start3A_74 = tpu.memref_slice %arg17[%add3A_6, %dma_start3A_73] : memref<10240x16xf32, #tpu.memory_space<vmem_shared>> -> memref<128x16xf32, #tpu.memory_space<vmem_shared>>
      %dma_start3A_75 = arith.constant 0 : i32
      %dma_start3A_76 = tpu.memref_slice %arg17[%add3A_6, %dma_start3A_75] : memref<10240x16xf32, #tpu.memory_space<vmem_shared>> -> memref<128x16xf32, #tpu.memory_space<vmem_shared>>
      tpu.enqueue_dma source(%arg15 : memref<128x16xf32, #tpu.memory_space<vmem>>) target(%dma_start3A_76 : memref<128x16xf32, #tpu.memory_space<vmem_shared>>) target_semaphore(%run_scoped3A : memref<!tpu.dma_semaphore, #tpu.memory_space<semaphore_mem>>)
      %dma_wait3A = arith.constant 0 : i32
      %dma_wait3A_77 = tpu.memref_slice %arg17[%add3A_6, %dma_wait3A] : memref<10240x16xf32, #tpu.memory_space<vmem_shared>> -> memref<128x16xf32, #tpu.memory_space<vmem_shared>>
      %dma_wait3A_78 = arith.constant 0 : i32
      %dma_wait3A_79 = tpu.memref_slice %arg17[%add3A_6, %dma_wait3A_78] : memref<10240x16xf32, #tpu.memory_space<vmem_shared>> -> memref<128x16xf32, #tpu.memory_space<vmem_shared>>
      tpu.wait_dma2 semaphore(%run_scoped3A : memref<!tpu.dma_semaphore, #tpu.memory_space<semaphore_mem>>) src(%arg15 : memref<128x16xf32, #tpu.memory_space<vmem>>) dst(%dma_wait3A_79 : memref<128x16xf32, #tpu.memory_space<vmem_shared>>)
      tpu.yield
    }) : () -> ()
    %mul3A_7 = arith.constant 640 : i32
    %mul3A_8 = arith.muli %arg1, %mul3A_7 : i32
    %add3A_9 = arith.constant 128 : i32
    %add3A_10 = arith.addi %mul3A_8, %add3A_9 : i32
    "tpu.region"() ({
      %run_scoped3A = tpu.sem_alloc : memref<!tpu.dma_semaphore, #tpu.memory_space<semaphore_mem>>
      %dma_start3A_73 = arith.constant 0 : i32
      %dma_start3A_74 = tpu.memref_slice %arg16[%add3A_10, %dma_start3A_73] : memref<10240x64xf32, #tpu.memory_space<vmem_shared>> -> memref<128x64xf32, #tpu.memory_space<vmem_shared>>
      %dma_start3A_75 = arith.constant 0 : i32
      %dma_start3A_76 = tpu.memref_slice %arg16[%add3A_10, %dma_start3A_75] : memref<10240x64xf32, #tpu.memory_space<vmem_shared>> -> memref<128x64xf32, #tpu.memory_space<vmem_shared>>
      tpu.enqueue_dma source(%arg14 : memref<128x64xf32, #tpu.memory_space<vmem>>) target(%dma_start3A_76 : memref<128x64xf32, #tpu.memory_space<vmem_shared>>) target_semaphore(%run_scoped3A : memref<!tpu.dma_semaphore, #tpu.memory_space<semaphore_mem>>)
      %dma_wait3A = arith.constant 0 : i32
      %dma_wait3A_77 = tpu.memref_slice %arg16[%add3A_10, %dma_wait3A] : memref<10240x64xf32, #tpu.memory_space<vmem_shared>> -> memref<128x64xf32, #tpu.memory_space<vmem_shared>>
      %dma_wait3A_78 = arith.constant 0 : i32
      %dma_wait3A_79 = tpu.memref_slice %arg16[%add3A_10, %dma_wait3A_78] : memref<10240x64xf32, #tpu.memory_space<vmem_shared>> -> memref<128x64xf32, #tpu.memory_space<vmem_shared>>
      tpu.wait_dma2 semaphore(%run_scoped3A : memref<!tpu.dma_semaphore, #tpu.memory_space<semaphore_mem>>) src(%arg14 : memref<128x64xf32, #tpu.memory_space<vmem>>) dst(%dma_wait3A_79 : memref<128x64xf32, #tpu.memory_space<vmem_shared>>)
      tpu.yield
    }) : () -> ()
    "tpu.region"() ({
      %run_scoped3A = tpu.sem_alloc : memref<!tpu.dma_semaphore, #tpu.memory_space<semaphore_mem>>
      %dma_start3A_73 = arith.constant 0 : i32
      %dma_start3A_74 = tpu.memref_slice %arg17[%add3A_10, %dma_start3A_73] : memref<10240x16xf32, #tpu.memory_space<vmem_shared>> -> memref<128x16xf32, #tpu.memory_space<vmem_shared>>
      %dma_start3A_75 = arith.constant 0 : i32
      %dma_start3A_76 = tpu.memref_slice %arg17[%add3A_10, %dma_start3A_75] : memref<10240x16xf32, #tpu.memory_space<vmem_shared>> -> memref<128x16xf32, #tpu.memory_space<vmem_shared>>
      tpu.enqueue_dma source(%arg15 : memref<128x16xf32, #tpu.memory_space<vmem>>) target(%dma_start3A_76 : memref<128x16xf32, #tpu.memory_space<vmem_shared>>) target_semaphore(%run_scoped3A : memref<!tpu.dma_semaphore, #tpu.memory_space<semaphore_mem>>)
      %dma_wait3A = arith.constant 0 : i32
      %dma_wait3A_77 = tpu.memref_slice %arg17[%add3A_10, %dma_wait3A] : memref<10240x16xf32, #tpu.memory_space<vmem_shared>> -> memref<128x16xf32, #tpu.memory_space<vmem_shared>>
      %dma_wait3A_78 = arith.constant 0 : i32
      %dma_wait3A_79 = tpu.memref_slice %arg17[%add3A_10, %dma_wait3A_78] : memref<10240x16xf32, #tpu.memory_space<vmem_shared>> -> memref<128x16xf32, #tpu.memory_space<vmem_shared>>
      tpu.wait_dma2 semaphore(%run_scoped3A : memref<!tpu.dma_semaphore, #tpu.memory_space<semaphore_mem>>) src(%arg15 : memref<128x16xf32, #tpu.memory_space<vmem>>) dst(%dma_wait3A_79 : memref<128x16xf32, #tpu.memory_space<vmem_shared>>)
      tpu.yield
    }) : () -> ()
    %mul3A_11 = arith.constant 640 : i32
    %mul3A_12 = arith.muli %arg1, %mul3A_11 : i32
    %add3A_13 = arith.constant 256 : i32
    %add3A_14 = arith.addi %mul3A_12, %add3A_13 : i32
    "tpu.region"() ({
      %run_scoped3A = tpu.sem_alloc : memref<!tpu.dma_semaphore, #tpu.memory_space<semaphore_mem>>
      %dma_start3A_73 = arith.constant 0 : i32
      %dma_start3A_74 = tpu.memref_slice %arg16[%add3A_14, %dma_start3A_73] : memref<10240x64xf32, #tpu.memory_space<vmem_shared>> -> memref<128x64xf32, #tpu.memory_space<vmem_shared>>
      %dma_start3A_75 = arith.constant 0 : i32
      %dma_start3A_76 = tpu.memref_slice %arg16[%add3A_14, %dma_start3A_75] : memref<10240x64xf32, #tpu.memory_space<vmem_shared>> -> memref<128x64xf32, #tpu.memory_space<vmem_shared>>
      tpu.enqueue_dma source(%arg14 : memref<128x64xf32, #tpu.memory_space<vmem>>) target(%dma_start3A_76 : memref<128x64xf32, #tpu.memory_space<vmem_shared>>) target_semaphore(%run_scoped3A : memref<!tpu.dma_semaphore, #tpu.memory_space<semaphore_mem>>)
      %dma_wait3A = arith.constant 0 : i32
      %dma_wait3A_77 = tpu.memref_slice %arg16[%add3A_14, %dma_wait3A] : memref<10240x64xf32, #tpu.memory_space<vmem_shared>> -> memref<128x64xf32, #tpu.memory_space<vmem_shared>>
      %dma_wait3A_78 = arith.constant 0 : i32
      %dma_wait3A_79 = tpu.memref_slice %arg16[%add3A_14, %dma_wait3A_78] : memref<10240x64xf32, #tpu.memory_space<vmem_shared>> -> memref<128x64xf32, #tpu.memory_space<vmem_shared>>
      tpu.wait_dma2 semaphore(%run_scoped3A : memref<!tpu.dma_semaphore, #tpu.memory_space<semaphore_mem>>) src(%arg14 : memref<128x64xf32, #tpu.memory_space<vmem>>) dst(%dma_wait3A_79 : memref<128x64xf32, #tpu.memory_space<vmem_shared>>)
      tpu.yield
    }) : () -> ()
    "tpu.region"() ({
      %run_scoped3A = tpu.sem_alloc : memref<!tpu.dma_semaphore, #tpu.memory_space<semaphore_mem>>
      %dma_start3A_73 = arith.constant 0 : i32
      %dma_start3A_74 = tpu.memref_slice %arg17[%add3A_14, %dma_start3A_73] : memref<10240x16xf32, #tpu.memory_space<vmem_shared>> -> memref<128x16xf32, #tpu.memory_space<vmem_shared>>
      %dma_start3A_75 = arith.constant 0 : i32
      %dma_start3A_76 = tpu.memref_slice %arg17[%add3A_14, %dma_start3A_75] : memref<10240x16xf32, #tpu.memory_space<vmem_shared>> -> memref<128x16xf32, #tpu.memory_space<vmem_shared>>
      tpu.enqueue_dma source(%arg15 : memref<128x16xf32, #tpu.memory_space<vmem>>) target(%dma_start3A_76 : memref<128x16xf32, #tpu.memory_space<vmem_shared>>) target_semaphore(%run_scoped3A : memref<!tpu.dma_semaphore, #tpu.memory_space<semaphore_mem>>)
      %dma_wait3A = arith.constant 0 : i32
      %dma_wait3A_77 = tpu.memref_slice %arg17[%add3A_14, %dma_wait3A] : memref<10240x16xf32, #tpu.memory_space<vmem_shared>> -> memref<128x16xf32, #tpu.memory_space<vmem_shared>>
      %dma_wait3A_78 = arith.constant 0 : i32
      %dma_wait3A_79 = tpu.memref_slice %arg17[%add3A_14, %dma_wait3A_78] : memref<10240x16xf32, #tpu.memory_space<vmem_shared>> -> memref<128x16xf32, #tpu.memory_space<vmem_shared>>
      tpu.wait_dma2 semaphore(%run_scoped3A : memref<!tpu.dma_semaphore, #tpu.memory_space<semaphore_mem>>) src(%arg15 : memref<128x16xf32, #tpu.memory_space<vmem>>) dst(%dma_wait3A_79 : memref<128x16xf32, #tpu.memory_space<vmem_shared>>)
      tpu.yield
    }) : () -> ()
    %mul3A_15 = arith.constant 640 : i32
    %mul3A_16 = arith.muli %arg1, %mul3A_15 : i32
    %add3A_17 = arith.constant 384 : i32
    %add3A_18 = arith.addi %mul3A_16, %add3A_17 : i32
    "tpu.region"() ({
      %run_scoped3A = tpu.sem_alloc : memref<!tpu.dma_semaphore, #tpu.memory_space<semaphore_mem>>
      %dma_start3A_73 = arith.constant 0 : i32
      %dma_start3A_74 = tpu.memref_slice %arg16[%add3A_18, %dma_start3A_73] : memref<10240x64xf32, #tpu.memory_space<vmem_shared>> -> memref<128x64xf32, #tpu.memory_space<vmem_shared>>
      %dma_start3A_75 = arith.constant 0 : i32
      %dma_start3A_76 = tpu.memref_slice %arg16[%add3A_18, %dma_start3A_75] : memref<10240x64xf32, #tpu.memory_space<vmem_shared>> -> memref<128x64xf32, #tpu.memory_space<vmem_shared>>
      tpu.enqueue_dma source(%arg14 : memref<128x64xf32, #tpu.memory_space<vmem>>) target(%dma_start3A_76 : memref<128x64xf32, #tpu.memory_space<vmem_shared>>) target_semaphore(%run_scoped3A : memref<!tpu.dma_semaphore, #tpu.memory_space<semaphore_mem>>)
      %dma_wait3A = arith.constant 0 : i32
      %dma_wait3A_77 = tpu.memref_slice %arg16[%add3A_18, %dma_wait3A] : memref<10240x64xf32, #tpu.memory_space<vmem_shared>> -> memref<128x64xf32, #tpu.memory_space<vmem_shared>>
      %dma_wait3A_78 = arith.constant 0 : i32
      %dma_wait3A_79 = tpu.memref_slice %arg16[%add3A_18, %dma_wait3A_78] : memref<10240x64xf32, #tpu.memory_space<vmem_shared>> -> memref<128x64xf32, #tpu.memory_space<vmem_shared>>
      tpu.wait_dma2 semaphore(%run_scoped3A : memref<!tpu.dma_semaphore, #tpu.memory_space<semaphore_mem>>) src(%arg14 : memref<128x64xf32, #tpu.memory_space<vmem>>) dst(%dma_wait3A_79 : memref<128x64xf32, #tpu.memory_space<vmem_shared>>)
      tpu.yield
    }) : () -> ()
    "tpu.region"() ({
      %run_scoped3A = tpu.sem_alloc : memref<!tpu.dma_semaphore, #tpu.memory_space<semaphore_mem>>
      %dma_start3A_73 = arith.constant 0 : i32
      %dma_start3A_74 = tpu.memref_slice %arg17[%add3A_18, %dma_start3A_73] : memref<10240x16xf32, #tpu.memory_space<vmem_shared>> -> memref<128x16xf32, #tpu.memory_space<vmem_shared>>
      %dma_start3A_75 = arith.constant 0 : i32
      %dma_start3A_76 = tpu.memref_slice %arg17[%add3A_18, %dma_start3A_75] : memref<10240x16xf32, #tpu.memory_space<vmem_shared>> -> memref<128x16xf32, #tpu.memory_space<vmem_shared>>
      tpu.enqueue_dma source(%arg15 : memref<128x16xf32, #tpu.memory_space<vmem>>) target(%dma_start3A_76 : memref<128x16xf32, #tpu.memory_space<vmem_shared>>) target_semaphore(%run_scoped3A : memref<!tpu.dma_semaphore, #tpu.memory_space<semaphore_mem>>)
      %dma_wait3A = arith.constant 0 : i32
      %dma_wait3A_77 = tpu.memref_slice %arg17[%add3A_18, %dma_wait3A] : memref<10240x16xf32, #tpu.memory_space<vmem_shared>> -> memref<128x16xf32, #tpu.memory_space<vmem_shared>>
      %dma_wait3A_78 = arith.constant 0 : i32
      %dma_wait3A_79 = tpu.memref_slice %arg17[%add3A_18, %dma_wait3A_78] : memref<10240x16xf32, #tpu.memory_space<vmem_shared>> -> memref<128x16xf32, #tpu.memory_space<vmem_shared>>
      tpu.wait_dma2 semaphore(%run_scoped3A : memref<!tpu.dma_semaphore, #tpu.memory_space<semaphore_mem>>) src(%arg15 : memref<128x16xf32, #tpu.memory_space<vmem>>) dst(%dma_wait3A_79 : memref<128x16xf32, #tpu.memory_space<vmem_shared>>)
      tpu.yield
    }) : () -> ()
    %mul3A_19 = arith.constant 640 : i32
    %mul3A_20 = arith.muli %arg1, %mul3A_19 : i32
    %add3A_21 = arith.constant 512 : i32
    %add3A_22 = arith.addi %mul3A_20, %add3A_21 : i32
    "tpu.region"() ({
      %run_scoped3A = tpu.sem_alloc : memref<!tpu.dma_semaphore, #tpu.memory_space<semaphore_mem>>
      %dma_start3A_73 = arith.constant 0 : i32
      %dma_start3A_74 = tpu.memref_slice %arg16[%add3A_22, %dma_start3A_73] : memref<10240x64xf32, #tpu.memory_space<vmem_shared>> -> memref<128x64xf32, #tpu.memory_space<vmem_shared>>
      %dma_start3A_75 = arith.constant 0 : i32
      %dma_start3A_76 = tpu.memref_slice %arg16[%add3A_22, %dma_start3A_75] : memref<10240x64xf32, #tpu.memory_space<vmem_shared>> -> memref<128x64xf32, #tpu.memory_space<vmem_shared>>
      tpu.enqueue_dma source(%arg14 : memref<128x64xf32, #tpu.memory_space<vmem>>) target(%dma_start3A_76 : memref<128x64xf32, #tpu.memory_space<vmem_shared>>) target_semaphore(%run_scoped3A : memref<!tpu.dma_semaphore, #tpu.memory_space<semaphore_mem>>)
      %dma_wait3A = arith.constant 0 : i32
      %dma_wait3A_77 = tpu.memref_slice %arg16[%add3A_22, %dma_wait3A] : memref<10240x64xf32, #tpu.memory_space<vmem_shared>> -> memref<128x64xf32, #tpu.memory_space<vmem_shared>>
      %dma_wait3A_78 = arith.constant 0 : i32
      %dma_wait3A_79 = tpu.memref_slice %arg16[%add3A_22, %dma_wait3A_78] : memref<10240x64xf32, #tpu.memory_space<vmem_shared>> -> memref<128x64xf32, #tpu.memory_space<vmem_shared>>
      tpu.wait_dma2 semaphore(%run_scoped3A : memref<!tpu.dma_semaphore, #tpu.memory_space<semaphore_mem>>) src(%arg14 : memref<128x64xf32, #tpu.memory_space<vmem>>) dst(%dma_wait3A_79 : memref<128x64xf32, #tpu.memory_space<vmem_shared>>)
      tpu.yield
    }) : () -> ()
    "tpu.region"() ({
      %run_scoped3A = tpu.sem_alloc : memref<!tpu.dma_semaphore, #tpu.memory_space<semaphore_mem>>
      %dma_start3A_73 = arith.constant 0 : i32
      %dma_start3A_74 = tpu.memref_slice %arg17[%add3A_22, %dma_start3A_73] : memref<10240x16xf32, #tpu.memory_space<vmem_shared>> -> memref<128x16xf32, #tpu.memory_space<vmem_shared>>
      %dma_start3A_75 = arith.constant 0 : i32
      %dma_start3A_76 = tpu.memref_slice %arg17[%add3A_22, %dma_start3A_75] : memref<10240x16xf32, #tpu.memory_space<vmem_shared>> -> memref<128x16xf32, #tpu.memory_space<vmem_shared>>
      tpu.enqueue_dma source(%arg15 : memref<128x16xf32, #tpu.memory_space<vmem>>) target(%dma_start3A_76 : memref<128x16xf32, #tpu.memory_space<vmem_shared>>) target_semaphore(%run_scoped3A : memref<!tpu.dma_semaphore, #tpu.memory_space<semaphore_mem>>)
      %dma_wait3A = arith.constant 0 : i32
      %dma_wait3A_77 = tpu.memref_slice %arg17[%add3A_22, %dma_wait3A] : memref<10240x16xf32, #tpu.memory_space<vmem_shared>> -> memref<128x16xf32, #tpu.memory_space<vmem_shared>>
      %dma_wait3A_78 = arith.constant 0 : i32
      %dma_wait3A_79 = tpu.memref_slice %arg17[%add3A_22, %dma_wait3A_78] : memref<10240x16xf32, #tpu.memory_space<vmem_shared>> -> memref<128x16xf32, #tpu.memory_space<vmem_shared>>
      tpu.wait_dma2 semaphore(%run_scoped3A : memref<!tpu.dma_semaphore, #tpu.memory_space<semaphore_mem>>) src(%arg15 : memref<128x16xf32, #tpu.memory_space<vmem>>) dst(%dma_wait3A_79 : memref<128x16xf32, #tpu.memory_space<vmem_shared>>)
      tpu.yield
    }) : () -> ()
    %barrier3A = arith.constant 0 : index
    tpu.barrier barrier_id(%barrier3A)
    "tpu.region"() ({
      %run_scoped3A = tpu.sem_alloc : memref<!tpu.dma_semaphore, #tpu.memory_space<semaphore_mem>>
      %dma_start3A_73 = arith.constant 0 : i32
      %dma_start3A_74 = arith.constant 0 : i32
      %dma_start3A_75 = tpu.memref_slice %arg2[%arg1, %dma_start3A_73, %dma_start3A_74] : memref<16x250x80xi32, #tpu.memory_space<hbm>> -> memref<1x250x80xi32, #tpu.memory_space<hbm>>
      %dma_start3A_76 = tpu.memref_squeeze %dma_start3A_75 : memref<1x250x80xi32, #tpu.memory_space<hbm>> -> memref<250x80xi32, #tpu.memory_space<hbm>>
      %dma_start3A_77 = arith.constant 0 : i32
      %dma_start3A_78 = arith.constant 0 : i32
      %dma_start3A_79 = tpu.memref_slice %arg2[%arg1, %dma_start3A_77, %dma_start3A_78] : memref<16x250x80xi32, #tpu.memory_space<hbm>> -> memref<1x250x80xi32, #tpu.memory_space<hbm>>
      %dma_start3A_80 = tpu.memref_squeeze %dma_start3A_79 : memref<1x250x80xi32, #tpu.memory_space<hbm>> -> memref<250x80xi32, #tpu.memory_space<hbm>>
      tpu.enqueue_dma source(%dma_start3A_80 : memref<250x80xi32, #tpu.memory_space<hbm>>) target(%arg8 : memref<250x80xi32, #tpu.memory_space<vmem>>) target_semaphore(%run_scoped3A : memref<!tpu.dma_semaphore, #tpu.memory_space<semaphore_mem>>)
      %dma_wait3A = arith.constant 0 : i32
      %dma_wait3A_81 = arith.constant 0 : i32
      %dma_wait3A_82 = tpu.memref_slice %arg2[%arg1, %dma_wait3A, %dma_wait3A_81] : memref<16x250x80xi32, #tpu.memory_space<hbm>> -> memref<1x250x80xi32, #tpu.memory_space<hbm>>
      %dma_wait3A_83 = tpu.memref_squeeze %dma_wait3A_82 : memref<1x250x80xi32, #tpu.memory_space<hbm>> -> memref<250x80xi32, #tpu.memory_space<hbm>>
      %dma_wait3A_84 = arith.constant 0 : i32
      %dma_wait3A_85 = arith.constant 0 : i32
      %dma_wait3A_86 = tpu.memref_slice %arg2[%arg1, %dma_wait3A_84, %dma_wait3A_85] : memref<16x250x80xi32, #tpu.memory_space<hbm>> -> memref<1x250x80xi32, #tpu.memory_space<hbm>>
      %dma_wait3A_87 = tpu.memref_squeeze %dma_wait3A_86 : memref<1x250x80xi32, #tpu.memory_space<hbm>> -> memref<250x80xi32, #tpu.memory_space<hbm>>
      tpu.wait_dma2 semaphore(%run_scoped3A : memref<!tpu.dma_semaphore, #tpu.memory_space<semaphore_mem>>) src(%dma_wait3A_87 : memref<250x80xi32, #tpu.memory_space<hbm>>) dst(%arg8 : memref<250x80xi32, #tpu.memory_space<vmem>>)
      tpu.yield
    }) : () -> ()
    "tpu.region"() ({
      %run_scoped3A = tpu.sem_alloc : memref<!tpu.dma_semaphore, #tpu.memory_space<semaphore_mem>>
      %dma_start3A_73 = arith.constant 0 : i32
      %dma_start3A_74 = arith.constant 0 : i32
      %dma_start3A_75 = tpu.memref_slice %arg3[%arg1, %dma_start3A_73, %dma_start3A_74] : memref<16x250x80xi32, #tpu.memory_space<hbm>> -> memref<1x250x80xi32, #tpu.memory_space<hbm>>
      %dma_start3A_76 = tpu.memref_squeeze %dma_start3A_75 : memref<1x250x80xi32, #tpu.memory_space<hbm>> -> memref<250x80xi32, #tpu.memory_space<hbm>>
      %dma_start3A_77 = arith.constant 0 : i32
      %dma_start3A_78 = arith.constant 0 : i32
      %dma_start3A_79 = tpu.memref_slice %arg3[%arg1, %dma_start3A_77, %dma_start3A_78] : memref<16x250x80xi32, #tpu.memory_space<hbm>> -> memref<1x250x80xi32, #tpu.memory_space<hbm>>
      %dma_start3A_80 = tpu.memref_squeeze %dma_start3A_79 : memref<1x250x80xi32, #tpu.memory_space<hbm>> -> memref<250x80xi32, #tpu.memory_space<hbm>>
      tpu.enqueue_dma source(%dma_start3A_80 : memref<250x80xi32, #tpu.memory_space<hbm>>) target(%arg9 : memref<250x80xi32, #tpu.memory_space<vmem>>) target_semaphore(%run_scoped3A : memref<!tpu.dma_semaphore, #tpu.memory_space<semaphore_mem>>)
      %dma_wait3A = arith.constant 0 : i32
      %dma_wait3A_81 = arith.constant 0 : i32
      %dma_wait3A_82 = tpu.memref_slice %arg3[%arg1, %dma_wait3A, %dma_wait3A_81] : memref<16x250x80xi32, #tpu.memory_space<hbm>> -> memref<1x250x80xi32, #tpu.memory_space<hbm>>
      %dma_wait3A_83 = tpu.memref_squeeze %dma_wait3A_82 : memref<1x250x80xi32, #tpu.memory_space<hbm>> -> memref<250x80xi32, #tpu.memory_space<hbm>>
      %dma_wait3A_84 = arith.constant 0 : i32
      %dma_wait3A_85 = arith.constant 0 : i32
      %dma_wait3A_86 = tpu.memref_slice %arg3[%arg1, %dma_wait3A_84, %dma_wait3A_85] : memref<16x250x80xi32, #tpu.memory_space<hbm>> -> memref<1x250x80xi32, #tpu.memory_space<hbm>>
      %dma_wait3A_87 = tpu.memref_squeeze %dma_wait3A_86 : memref<1x250x80xi32, #tpu.memory_space<hbm>> -> memref<250x80xi32, #tpu.memory_space<hbm>>
      tpu.wait_dma2 semaphore(%run_scoped3A : memref<!tpu.dma_semaphore, #tpu.memory_space<semaphore_mem>>) src(%dma_wait3A_87 : memref<250x80xi32, #tpu.memory_space<hbm>>) dst(%arg9 : memref<250x80xi32, #tpu.memory_space<vmem>>)
      tpu.yield
    }) : () -> ()
    %dma_start3A = arith.constant 0 : i32
    %dma_start3A_23 = arith.constant 0 : i32
    %dma_start3A_24 = tpu.memref_slice %arg8[%dma_start3A, %dma_start3A_23] : memref<250x80xi32, #tpu.memory_space<vmem>> -> memref<1x80xi32, #tpu.memory_space<vmem>>
    %dma_start3A_25 = tpu.memref_squeeze %dma_start3A_24 : memref<1x80xi32, #tpu.memory_space<vmem>> -> memref<80xi32, #tpu.memory_space<vmem>>
    %dma_start3A_26 = arith.constant 0 : i32
    %dma_start3A_27 = arith.constant 0 : i32
    %dma_start3A_28 = tpu.memref_slice %arg5[%arg0, %dma_start3A_26, %dma_start3A_27] : memref<2x10000x64xf32, #tpu.memory_space<hbm>> -> memref<1x10000x64xf32, #tpu.memory_space<hbm>>
    %dma_start3A_29 = tpu.memref_squeeze %dma_start3A_28 : memref<1x10000x64xf32, #tpu.memory_space<hbm>> -> memref<10000x64xf32, #tpu.memory_space<hbm>>
    %dma_start3A_30 = arith.constant 0 : i32
    %dma_start3A_31 = arith.constant 0 : i32
    %dma_start3A_32 = tpu.memref_slice %dma_start3A_29[%dma_start3A_30, %dma_start3A_31] : memref<10000x64xf32, #tpu.memory_space<hbm>> -> memref<10000x64xf32, #tpu.memory_space<hbm>>
    tpu.enqueue_indirect_dma source(%dma_start3A_32 : memref<10000x64xf32, #tpu.memory_space<hbm>>) target(%arg10 : memref<80x64xf32, #tpu.memory_space<vmem>>) offsets(%dma_start3A_25 : memref<80xi32, #tpu.memory_space<vmem>>) semaphore(%arg18 : memref<!tpu.dma_semaphore, #tpu.memory_space<semaphore_mem>>)
    %dma_start3A_33 = arith.constant 0 : i32
    %dma_start3A_34 = arith.constant 0 : i32
    %dma_start3A_35 = arith.constant 0 : i32
    %dma_start3A_36 = tpu.memref_slice %arg4[%arg1, %dma_start3A_33, %dma_start3A_34, %dma_start3A_35] : memref<16x250x80x16xf32, #tpu.memory_space<hbm>> -> memref<1x1x80x16xf32, #tpu.memory_space<hbm>>
    %dma_start3A_37 = tpu.memref_squeeze %dma_start3A_36 : memref<1x1x80x16xf32, #tpu.memory_space<hbm>> -> memref<80x16xf32, #tpu.memory_space<hbm>>
    %dma_start3A_38 = arith.constant 0 : i32
    %dma_start3A_39 = arith.constant 0 : i32
    %dma_start3A_40 = tpu.memref_slice %arg4[%arg1, %dma_start3A_33, %dma_start3A_38, %dma_start3A_39] : memref<16x250x80x16xf32, #tpu.memory_space<hbm>> -> memref<1x1x80x16xf32, #tpu.memory_space<hbm>>
    %dma_start3A_41 = tpu.memref_squeeze %dma_start3A_40 : memref<1x1x80x16xf32, #tpu.memory_space<hbm>> -> memref<80x16xf32, #tpu.memory_space<hbm>>
    tpu.enqueue_dma source(%dma_start3A_41 : memref<80x16xf32, #tpu.memory_space<hbm>>) target(%arg12 : memref<80x16xf32, #tpu.memory_space<vmem>>) target_semaphore(%arg18 : memref<!tpu.dma_semaphore, #tpu.memory_space<semaphore_mem>>)
    %dma_start3A_42 = arith.constant 1 : i32
    %dma_start3A_43 = arith.constant 0 : i32
    %dma_start3A_44 = tpu.memref_slice %arg8[%dma_start3A_42, %dma_start3A_43] : memref<250x80xi32, #tpu.memory_space<vmem>> -> memref<1x80xi32, #tpu.memory_space<vmem>>
    %dma_start3A_45 = tpu.memref_squeeze %dma_start3A_44 : memref<1x80xi32, #tpu.memory_space<vmem>> -> memref<80xi32, #tpu.memory_space<vmem>>
    %dma_start3A_46 = arith.constant 0 : i32
    %dma_start3A_47 = arith.constant 0 : i32
    %dma_start3A_48 = tpu.memref_slice %arg5[%arg0, %dma_start3A_46, %dma_start3A_47] : memref<2x10000x64xf32, #tpu.memory_space<hbm>> -> memref<1x10000x64xf32, #tpu.memory_space<hbm>>
    %dma_start3A_49 = tpu.memref_squeeze %dma_start3A_48 : memref<1x10000x64xf32, #tpu.memory_space<hbm>> -> memref<10000x64xf32, #tpu.memory_space<hbm>>
    %dma_start3A_50 = arith.constant 0 : i32
    %dma_start3A_51 = arith.constant 0 : i32
    %dma_start3A_52 = tpu.memref_slice %dma_start3A_49[%dma_start3A_50, %dma_start3A_51] : memref<10000x64xf32, #tpu.memory_space<hbm>> -> memref<10000x64xf32, #tpu.memory_space<hbm>>
    tpu.enqueue_indirect_dma source(%dma_start3A_52 : memref<10000x64xf32, #tpu.memory_space<hbm>>) target(%arg11 : memref<80x64xf32, #tpu.memory_space<vmem>>) offsets(%dma_start3A_45 : memref<80xi32, #tpu.memory_space<vmem>>) semaphore(%arg19 : memref<!tpu.dma_semaphore, #tpu.memory_space<semaphore_mem>>)
    %dma_start3A_53 = arith.constant 1 : i32
    %dma_start3A_54 = arith.constant 0 : i32
    %dma_start3A_55 = arith.constant 0 : i32
    %dma_start3A_56 = tpu.memref_slice %arg4[%arg1, %dma_start3A_53, %dma_start3A_54, %dma_start3A_55] : memref<16x250x80x16xf32, #tpu.memory_space<hbm>> -> memref<1x1x80x16xf32, #tpu.memory_space<hbm>>
    %dma_start3A_57 = tpu.memref_squeeze %dma_start3A_56 : memref<1x1x80x16xf32, #tpu.memory_space<hbm>> -> memref<80x16xf32, #tpu.memory_space<hbm>>
    %dma_start3A_58 = arith.constant 0 : i32
    %dma_start3A_59 = arith.constant 0 : i32
    %dma_start3A_60 = tpu.memref_slice %arg4[%arg1, %dma_start3A_53, %dma_start3A_58, %dma_start3A_59] : memref<16x250x80x16xf32, #tpu.memory_space<hbm>> -> memref<1x1x80x16xf32, #tpu.memory_space<hbm>>
    %dma_start3A_61 = tpu.memref_squeeze %dma_start3A_60 : memref<1x1x80x16xf32, #tpu.memory_space<hbm>> -> memref<80x16xf32, #tpu.memory_space<hbm>>
    tpu.enqueue_dma source(%dma_start3A_61 : memref<80x16xf32, #tpu.memory_space<hbm>>) target(%arg13 : memref<80x16xf32, #tpu.memory_space<vmem>>) target_semaphore(%arg19 : memref<!tpu.dma_semaphore, #tpu.memory_space<semaphore_mem>>)
    %scan3A_62 = arith.constant 0 : i32
    %scan3A_63 = arith.constant 0 : i32
    %scan3A_64 = arith.constant 125 : i32
    %scan3A_65 = arith.addi %scan3A_63, %scan3A_64 : i32
    %scan3A_66 = arith.constant 1 : i32
    scf.for %scan3A_73 = %scan3A_63 to %scan3A_65 step %scan3A_66  : i32 {
      %mul3A_74 = arith.constant 2 : i32
      %mul3A_75 = arith.muli %mul3A_74, %scan3A_73 : i32
      %dma_wait3A = arith.constant 0 : i32
      %dma_wait3A_76 = tpu.memref_slice %arg8[%mul3A_75, %dma_wait3A] : memref<250x80xi32, #tpu.memory_space<vmem>> -> memref<1x80xi32, #tpu.memory_space<vmem>>
      %dma_wait3A_77 = tpu.memref_squeeze %dma_wait3A_76 : memref<1x80xi32, #tpu.memory_space<vmem>> -> memref<80xi32, #tpu.memory_space<vmem>>
      %dma_wait3A_78 = arith.constant 0 : i32
      %dma_wait3A_79 = arith.constant 0 : i32
      %dma_wait3A_80 = tpu.memref_slice %arg5[%arg0, %dma_wait3A_78, %dma_wait3A_79] : memref<2x10000x64xf32, #tpu.memory_space<hbm>> -> memref<1x10000x64xf32, #tpu.memory_space<hbm>>
      %dma_wait3A_81 = tpu.memref_squeeze %dma_wait3A_80 : memref<1x10000x64xf32, #tpu.memory_space<hbm>> -> memref<10000x64xf32, #tpu.memory_space<hbm>>
      %dma_wait3A_82 = arith.constant 0 : i32
      %dma_wait3A_83 = arith.constant 0 : i32
      %dma_wait3A_84 = tpu.memref_slice %dma_wait3A_81[%dma_wait3A_82, %dma_wait3A_83] : memref<10000x64xf32, #tpu.memory_space<hbm>> -> memref<10000x64xf32, #tpu.memory_space<hbm>>
      tpu.wait_indirect_dma semaphore(%arg18 : memref<!tpu.dma_semaphore, #tpu.memory_space<semaphore_mem>>) src(%dma_wait3A_84 : memref<10000x64xf32, #tpu.memory_space<hbm>>) dst(%arg10 : memref<80x64xf32, #tpu.memory_space<vmem>>)
      %dma_wait3A_85 = arith.constant 0 : i32
      %dma_wait3A_86 = arith.constant 0 : i32
      %dma_wait3A_87 = tpu.memref_slice %arg4[%arg1, %mul3A_75, %dma_wait3A_85, %dma_wait3A_86] : memref<16x250x80x16xf32, #tpu.memory_space<hbm>> -> memref<1x1x80x16xf32, #tpu.memory_space<hbm>>
      %dma_wait3A_88 = tpu.memref_squeeze %dma_wait3A_87 : memref<1x1x80x16xf32, #tpu.memory_space<hbm>> -> memref<80x16xf32, #tpu.memory_space<hbm>>
      %dma_wait3A_89 = arith.constant 0 : i32
      %dma_wait3A_90 = arith.constant 0 : i32
      %dma_wait3A_91 = tpu.memref_slice %arg4[%arg1, %mul3A_75, %dma_wait3A_89, %dma_wait3A_90] : memref<16x250x80x16xf32, #tpu.memory_space<hbm>> -> memref<1x1x80x16xf32, #tpu.memory_space<hbm>>
      %dma_wait3A_92 = tpu.memref_squeeze %dma_wait3A_91 : memref<1x1x80x16xf32, #tpu.memory_space<hbm>> -> memref<80x16xf32, #tpu.memory_space<hbm>>
      tpu.wait_dma2 semaphore(%arg18 : memref<!tpu.dma_semaphore, #tpu.memory_space<semaphore_mem>>) src(%dma_wait3A_92 : memref<80x16xf32, #tpu.memory_space<hbm>>) dst(%arg12 : memref<80x16xf32, #tpu.memory_space<vmem>>)
      %scan3A_93 = arith.constant 0 : i32
      %scan3A_94 = arith.constant 0 : i32
      %scan3A_95 = arith.constant 10 : i32
      %scan3A_96 = arith.addi %scan3A_94, %scan3A_95 : i32
      %scan3A_97 = arith.constant 1 : i32
      scf.for %scan3A_150 = %scan3A_94 to %scan3A_96 step %scan3A_97  : i32 {
        %mul3A_151 = arith.constant 8 : i32
        %mul3A_152 = arith.muli %scan3A_150, %mul3A_151 : i32
        %add3A_153 = arith.constant 0 : i32
        %add3A_154 = arith.addi %mul3A_152, %add3A_153 : i32
        %get3A = arith.index_cast %add3A_154 : i32 to index
        %get3A_155 = arith.constant 0 : index
        %get3A_156 = tpu.vector_load %arg12[%get3A, %get3A_155] {strides = array<i32>} : memref<80x16xf32, #tpu.memory_space<vmem>>, vector<1x16xf32>,
        %get3A_157 = vector.shape_cast %get3A_156 : vector<1x16xf32> to vector<16xf32>
        %get3A_158 = arith.index_cast %add3A_154 : i32 to index
        %get3A_159 = arith.constant 0 : index
        %get3A_160 = tpu.vector_load %arg10[%get3A_158, %get3A_159] {strides = array<i32>} : memref<80x64xf32, #tpu.memory_space<vmem>>, vector<1x16xf32>,
        %get3A_161 = vector.shape_cast %get3A_160 : vector<1x16xf32> to vector<16xf32>
        %mul3A_162 = arith.mulf %get3A_161, %get3A_157 : vector<16xf32>
        %swap3A = arith.index_cast %add3A_154 : i32 to index
        %swap3A_163 = arith.constant 0 : index
        %swap3A_164 = tpu.vector_load %arg10[%swap3A, %swap3A_163] {strides = array<i32>} : memref<80x64xf32, #tpu.memory_space<vmem>>, vector<1x16xf32>,
        %swap3A_165 = vector.shape_cast %swap3A_164 : vector<1x16xf32> to vector<16xf32>
        %swap3A_166 = vector.shape_cast %mul3A_162 : vector<16xf32> to vector<1x16xf32>
        tpu.vector_store %arg10[%swap3A, %swap3A_163], %swap3A_166 {strides = array<i32>} : memref<80x64xf32, #tpu.memory_space<vmem>>, vector<1x16xf32>,
        %get3A_167 = arith.index_cast %add3A_154 : i32 to index
        %get3A_168 = arith.constant 16 : index
        %get3A_169 = tpu.vector_load %arg10[%get3A_167, %get3A_168] {strides = array<i32>} : memref<80x64xf32, #tpu.memory_space<vmem>>, vector<1x16xf32>,
        %get3A_170 = vector.shape_cast %get3A_169 : vector<1x16xf32> to vector<16xf32>
        %mul3A_171 = arith.mulf %get3A_170, %get3A_157 : vector<16xf32>
        %swap3A_172 = arith.index_cast %add3A_154 : i32 to index
        %swap3A_173 = arith.constant 16 : index
        %swap3A_174 = tpu.vector_load %arg10[%swap3A_172, %swap3A_173] {strides = array<i32>} : memref<80x64xf32, #tpu.memory_space<vmem>>, vector<1x16xf32>,
        %swap3A_175 = vector.shape_cast %swap3A_174 : vector<1x16xf32> to vector<16xf32>
        %swap3A_176 = vector.shape_cast %mul3A_171 : vector<16xf32> to vector<1x16xf32>
        tpu.vector_store %arg10[%swap3A_172, %swap3A_173], %swap3A_176 {strides = array<i32>} : memref<80x64xf32, #tpu.memory_space<vmem>>, vector<1x16xf32>,
        %get3A_177 = arith.index_cast %add3A_154 : i32 to index
        %get3A_178 = arith.constant 32 : index
        %get3A_179 = tpu.vector_load %arg10[%get3A_177, %get3A_178] {strides = array<i32>} : memref<80x64xf32, #tpu.memory_space<vmem>>, vector<1x16xf32>,
        %get3A_180 = vector.shape_cast %get3A_179 : vector<1x16xf32> to vector<16xf32>
        %mul3A_181 = arith.mulf %get3A_180, %get3A_157 : vector<16xf32>
        %swap3A_182 = arith.index_cast %add3A_154 : i32 to index
        %swap3A_183 = arith.constant 32 : index
        %swap3A_184 = tpu.vector_load %arg10[%swap3A_182, %swap3A_183] {strides = array<i32>} : memref<80x64xf32, #tpu.memory_space<vmem>>, vector<1x16xf32>,
        %swap3A_185 = vector.shape_cast %swap3A_184 : vector<1x16xf32> to vector<16xf32>
        %swap3A_186 = vector.shape_cast %mul3A_181 : vector<16xf32> to vector<1x16xf32>
        tpu.vector_store %arg10[%swap3A_182, %swap3A_183], %swap3A_186 {strides = array<i32>} : memref<80x64xf32, #tpu.memory_space<vmem>>, vector<1x16xf32>,
        %get3A_187 = arith.index_cast %add3A_154 : i32 to index
        %get3A_188 = arith.constant 48 : index
        %get3A_189 = tpu.vector_load %arg10[%get3A_187, %get3A_188] {strides = array<i32>} : memref<80x64xf32, #tpu.memory_space<vmem>>, vector<1x16xf32>,
        %get3A_190 = vector.shape_cast %get3A_189 : vector<1x16xf32> to vector<16xf32>
        %mul3A_191 = arith.mulf %get3A_190, %get3A_157 : vector<16xf32>
        %swap3A_192 = arith.index_cast %add3A_154 : i32 to index
        %swap3A_193 = arith.constant 48 : index
        %swap3A_194 = tpu.vector_load %arg10[%swap3A_192, %swap3A_193] {strides = array<i32>} : memref<80x64xf32, #tpu.memory_space<vmem>>, vector<1x16xf32>,
        %swap3A_195 = vector.shape_cast %swap3A_194 : vector<1x16xf32> to vector<16xf32>
        %swap3A_196 = vector.shape_cast %mul3A_191 : vector<16xf32> to vector<1x16xf32>
        tpu.vector_store %arg10[%swap3A_192, %swap3A_193], %swap3A_196 {strides = array<i32>} : memref<80x64xf32, #tpu.memory_space<vmem>>, vector<1x16xf32>,
        %mul3A_197 = arith.constant 8 : i32
        %mul3A_198 = arith.muli %scan3A_150, %mul3A_197 : i32
        %add3A_199 = arith.constant 1 : i32
        %add3A_200 = arith.addi %mul3A_198, %add3A_199 : i32
        %get3A_201 = arith.index_cast %add3A_200 : i32 to index
        %get3A_202 = arith.constant 0 : index
        %get3A_203 = tpu.vector_load %arg12[%get3A_201, %get3A_202] {strides = array<i32>} : memref<80x16xf32, #tpu.memory_space<vmem>>, vector<1x16xf32>,
        %get3A_204 = vector.shape_cast %get3A_203 : vector<1x16xf32> to vector<16xf32>
        %get3A_205 = arith.index_cast %add3A_200 : i32 to index
        %get3A_206 = arith.constant 0 : index
        %get3A_207 = tpu.vector_load %arg10[%get3A_205, %get3A_206] {strides = array<i32>} : memref<80x64xf32, #tpu.memory_space<vmem>>, vector<1x16xf32>,
        %get3A_208 = vector.shape_cast %get3A_207 : vector<1x16xf32> to vector<16xf32>
        %mul3A_209 = arith.mulf %get3A_208, %get3A_204 : vector<16xf32>
        %swap3A_210 = arith.index_cast %add3A_200 : i32 to index
        %swap3A_211 = arith.constant 0 : index
        %swap3A_212 = tpu.vector_load %arg10[%swap3A_210, %swap3A_211] {strides = array<i32>} : memref<80x64xf32, #tpu.memory_space<vmem>>, vector<1x16xf32>,
        %swap3A_213 = vector.shape_cast %swap3A_212 : vector<1x16xf32> to vector<16xf32>
        %swap3A_214 = vector.shape_cast %mul3A_209 : vector<16xf32> to vector<1x16xf32>
        tpu.vector_store %arg10[%swap3A_210, %swap3A_211], %swap3A_214 {strides = array<i32>} : memref<80x64xf32, #tpu.memory_space<vmem>>, vector<1x16xf32>,
        %get3A_215 = arith.index_cast %add3A_200 : i32 to index
        %get3A_216 = arith.constant 16 : index
        %get3A_217 = tpu.vector_load %arg10[%get3A_215, %get3A_216] {strides = array<i32>} : memref<80x64xf32, #tpu.memory_space<vmem>>, vector<1x16xf32>,
        %get3A_218 = vector.shape_cast %get3A_217 : vector<1x16xf32> to vector<16xf32>
        %mul3A_219 = arith.mulf %get3A_218, %get3A_204 : vector<16xf32>
        %swap3A_220 = arith.index_cast %add3A_200 : i32 to index
        %swap3A_221 = arith.constant 16 : index
        %swap3A_222 = tpu.vector_load %arg10[%swap3A_220, %swap3A_221] {strides = array<i32>} : memref<80x64xf32, #tpu.memory_space<vmem>>, vector<1x16xf32>,
        %swap3A_223 = vector.shape_cast %swap3A_222 : vector<1x16xf32> to vector<16xf32>
        %swap3A_224 = vector.shape_cast %mul3A_219 : vector<16xf32> to vector<1x16xf32>
        tpu.vector_store %arg10[%swap3A_220, %swap3A_221], %swap3A_224 {strides = array<i32>} : memref<80x64xf32, #tpu.memory_space<vmem>>, vector<1x16xf32>,
        %get3A_225 = arith.index_cast %add3A_200 : i32 to index
        %get3A_226 = arith.constant 32 : index
        %get3A_227 = tpu.vector_load %arg10[%get3A_225, %get3A_226] {strides = array<i32>} : memref<80x64xf32, #tpu.memory_space<vmem>>, vector<1x16xf32>,
        %get3A_228 = vector.shape_cast %get3A_227 : vector<1x16xf32> to vector<16xf32>
        %mul3A_229 = arith.mulf %get3A_228, %get3A_204 : vector<16xf32>
        %swap3A_230 = arith.index_cast %add3A_200 : i32 to index
        %swap3A_231 = arith.constant 32 : index
        %swap3A_232 = tpu.vector_load %arg10[%swap3A_230, %swap3A_231] {strides = array<i32>} : memref<80x64xf32, #tpu.memory_space<vmem>>, vector<1x16xf32>,
        %swap3A_233 = vector.shape_cast %swap3A_232 : vector<1x16xf32> to vector<16xf32>
        %swap3A_234 = vector.shape_cast %mul3A_229 : vector<16xf32> to vector<1x16xf32>
        tpu.vector_store %arg10[%swap3A_230, %swap3A_231], %swap3A_234 {strides = array<i32>} : memref<80x64xf32, #tpu.memory_space<vmem>>, vector<1x16xf32>,
        %get3A_235 = arith.index_cast %add3A_200 : i32 to index
        %get3A_236 = arith.constant 48 : index
        %get3A_237 = tpu.vector_load %arg10[%get3A_235, %get3A_236] {strides = array<i32>} : memref<80x64xf32, #tpu.memory_space<vmem>>, vector<1x16xf32>,
        %get3A_238 = vector.shape_cast %get3A_237 : vector<1x16xf32> to vector<16xf32>
        %mul3A_239 = arith.mulf %get3A_238, %get3A_204 : vector<16xf32>
        %swap3A_240 = arith.index_cast %add3A_200 : i32 to index
        %swap3A_241 = arith.constant 48 : index
        %swap3A_242 = tpu.vector_load %arg10[%swap3A_240, %swap3A_241] {strides = array<i32>} : memref<80x64xf32, #tpu.memory_space<vmem>>, vector<1x16xf32>,
        %swap3A_243 = vector.shape_cast %swap3A_242 : vector<1x16xf32> to vector<16xf32>
        %swap3A_244 = vector.shape_cast %mul3A_239 : vector<16xf32> to vector<1x16xf32>
        tpu.vector_store %arg10[%swap3A_240, %swap3A_241], %swap3A_244 {strides = array<i32>} : memref<80x64xf32, #tpu.memory_space<vmem>>, vector<1x16xf32>,
        %mul3A_245 = arith.constant 8 : i32
        %mul3A_246 = arith.muli %scan3A_150, %mul3A_245 : i32
        %add3A_247 = arith.constant 2 : i32
        %add3A_248 = arith.addi %mul3A_246, %add3A_247 : i32
        %get3A_249 = arith.index_cast %add3A_248 : i32 to index
        %get3A_250 = arith.constant 0 : index
        %get3A_251 = tpu.vector_load %arg12[%get3A_249, %get3A_250] {strides = array<i32>} : memref<80x16xf32, #tpu.memory_space<vmem>>, vector<1x16xf32>,
        %get3A_252 = vector.shape_cast %get3A_251 : vector<1x16xf32> to vector<16xf32>
        %get3A_253 = arith.index_cast %add3A_248 : i32 to index
        %get3A_254 = arith.constant 0 : index
        %get3A_255 = tpu.vector_load %arg10[%get3A_253, %get3A_254] {strides = array<i32>} : memref<80x64xf32, #tpu.memory_space<vmem>>, vector<1x16xf32>,
        %get3A_256 = vector.shape_cast %get3A_255 : vector<1x16xf32> to vector<16xf32>
        %mul3A_257 = arith.mulf %get3A_256, %get3A_252 : vector<16xf32>
        %swap3A_258 = arith.index_cast %add3A_248 : i32 to index
        %swap3A_259 = arith.constant 0 : index
        %swap3A_260 = tpu.vector_load %arg10[%swap3A_258, %swap3A_259] {strides = array<i32>} : memref<80x64xf32, #tpu.memory_space<vmem>>, vector<1x16xf32>,
        %swap3A_261 = vector.shape_cast %swap3A_260 : vector<1x16xf32> to vector<16xf32>
        %swap3A_262 = vector.shape_cast %mul3A_257 : vector<16xf32> to vector<1x16xf32>
        tpu.vector_store %arg10[%swap3A_258, %swap3A_259], %swap3A_262 {strides = array<i32>} : memref<80x64xf32, #tpu.memory_space<vmem>>, vector<1x16xf32>,
        %get3A_263 = arith.index_cast %add3A_248 : i32 to index
        %get3A_264 = arith.constant 16 : index
        %get3A_265 = tpu.vector_load %arg10[%get3A_263, %get3A_264] {strides = array<i32>} : memref<80x64xf32, #tpu.memory_space<vmem>>, vector<1x16xf32>,
        %get3A_266 = vector.shape_cast %get3A_265 : vector<1x16xf32> to vector<16xf32>
        %mul3A_267 = arith.mulf %get3A_266, %get3A_252 : vector<16xf32>
        %swap3A_268 = arith.index_cast %add3A_248 : i32 to index
        %swap3A_269 = arith.constant 16 : index
        %swap3A_270 = tpu.vector_load %arg10[%swap3A_268, %swap3A_269] {strides = array<i32>} : memref<80x64xf32, #tpu.memory_space<vmem>>, vector<1x16xf32>,
        %swap3A_271 = vector.shape_cast %swap3A_270 : vector<1x16xf32> to vector<16xf32>
        %swap3A_272 = vector.shape_cast %mul3A_267 : vector<16xf32> to vector<1x16xf32>
        tpu.vector_store %arg10[%swap3A_268, %swap3A_269], %swap3A_272 {strides = array<i32>} : memref<80x64xf32, #tpu.memory_space<vmem>>, vector<1x16xf32>,
        %get3A_273 = arith.index_cast %add3A_248 : i32 to index
        %get3A_274 = arith.constant 32 : index
        %get3A_275 = tpu.vector_load %arg10[%get3A_273, %get3A_274] {strides = array<i32>} : memref<80x64xf32, #tpu.memory_space<vmem>>, vector<1x16xf32>,
        %get3A_276 = vector.shape_cast %get3A_275 : vector<1x16xf32> to vector<16xf32>
        %mul3A_277 = arith.mulf %get3A_276, %get3A_252 : vector<16xf32>
        %swap3A_278 = arith.index_cast %add3A_248 : i32 to index
        %swap3A_279 = arith.constant 32 : index
        %swap3A_280 = tpu.vector_load %arg10[%swap3A_278, %swap3A_279] {strides = array<i32>} : memref<80x64xf32, #tpu.memory_space<vmem>>, vector<1x16xf32>,
        %swap3A_281 = vector.shape_cast %swap3A_280 : vector<1x16xf32> to vector<16xf32>
        %swap3A_282 = vector.shape_cast %mul3A_277 : vector<16xf32> to vector<1x16xf32>
        tpu.vector_store %arg10[%swap3A_278, %swap3A_279], %swap3A_282 {strides = array<i32>} : memref<80x64xf32, #tpu.memory_space<vmem>>, vector<1x16xf32>,
        %get3A_283 = arith.index_cast %add3A_248 : i32 to index
        %get3A_284 = arith.constant 48 : index
        %get3A_285 = tpu.vector_load %arg10[%get3A_283, %get3A_284] {strides = array<i32>} : memref<80x64xf32, #tpu.memory_space<vmem>>, vector<1x16xf32>,
        %get3A_286 = vector.shape_cast %get3A_285 : vector<1x16xf32> to vector<16xf32>
        %mul3A_287 = arith.mulf %get3A_286, %get3A_252 : vector<16xf32>
        %swap3A_288 = arith.index_cast %add3A_248 : i32 to index
        %swap3A_289 = arith.constant 48 : index
        %swap3A_290 = tpu.vector_load %arg10[%swap3A_288, %swap3A_289] {strides = array<i32>} : memref<80x64xf32, #tpu.memory_space<vmem>>, vector<1x16xf32>,
        %swap3A_291 = vector.shape_cast %swap3A_290 : vector<1x16xf32> to vector<16xf32>
        %swap3A_292 = vector.shape_cast %mul3A_287 : vector<16xf32> to vector<1x16xf32>
        tpu.vector_store %arg10[%swap3A_288, %swap3A_289], %swap3A_292 {strides = array<i32>} : memref<80x64xf32, #tpu.memory_space<vmem>>, vector<1x16xf32>,
        %mul3A_293 = arith.constant 8 : i32
        %mul3A_294 = arith.muli %scan3A_150, %mul3A_293 : i32
        %add3A_295 = arith.constant 3 : i32
        %add3A_296 = arith.addi %mul3A_294, %add3A_295 : i32
        %get3A_297 = arith.index_cast %add3A_296 : i32 to index
        %get3A_298 = arith.constant 0 : index
        %get3A_299 = tpu.vector_load %arg12[%get3A_297, %get3A_298] {strides = array<i32>} : memref<80x16xf32, #tpu.memory_space<vmem>>, vector<1x16xf32>,
        %get3A_300 = vector.shape_cast %get3A_299 : vector<1x16xf32> to vector<16xf32>
        %get3A_301 = arith.index_cast %add3A_296 : i32 to index
        %get3A_302 = arith.constant 0 : index
        %get3A_303 = tpu.vector_load %arg10[%get3A_301, %get3A_302] {strides = array<i32>} : memref<80x64xf32, #tpu.memory_space<vmem>>, vector<1x16xf32>,
        %get3A_304 = vector.shape_cast %get3A_303 : vector<1x16xf32> to vector<16xf32>
        %mul3A_305 = arith.mulf %get3A_304, %get3A_300 : vector<16xf32>
        %swap3A_306 = arith.index_cast %add3A_296 : i32 to index
        %swap3A_307 = arith.constant 0 : index
        %swap3A_308 = tpu.vector_load %arg10[%swap3A_306, %swap3A_307] {strides = array<i32>} : memref<80x64xf32, #tpu.memory_space<vmem>>, vector<1x16xf32>,
        %swap3A_309 = vector.shape_cast %swap3A_308 : vector<1x16xf32> to vector<16xf32>
        %swap3A_310 = vector.shape_cast %mul3A_305 : vector<16xf32> to vector<1x16xf32>
        tpu.vector_store %arg10[%swap3A_306, %swap3A_307], %swap3A_310 {strides = array<i32>} : memref<80x64xf32, #tpu.memory_space<vmem>>, vector<1x16xf32>,
        %get3A_311 = arith.index_cast %add3A_296 : i32 to index
        %get3A_312 = arith.constant 16 : index
        %get3A_313 = tpu.vector_load %arg10[%get3A_311, %get3A_312] {strides = array<i32>} : memref<80x64xf32, #tpu.memory_space<vmem>>, vector<1x16xf32>,
        %get3A_314 = vector.shape_cast %get3A_313 : vector<1x16xf32> to vector<16xf32>
        %mul3A_315 = arith.mulf %get3A_314, %get3A_300 : vector<16xf32>
        %swap3A_316 = arith.index_cast %add3A_296 : i32 to index
        %swap3A_317 = arith.constant 16 : index
        %swap3A_318 = tpu.vector_load %arg10[%swap3A_316, %swap3A_317] {strides = array<i32>} : memref<80x64xf32, #tpu.memory_space<vmem>>, vector<1x16xf32>,
        %swap3A_319 = vector.shape_cast %swap3A_318 : vector<1x16xf32> to vector<16xf32>
        %swap3A_320 = vector.shape_cast %mul3A_315 : vector<16xf32> to vector<1x16xf32>
        tpu.vector_store %arg10[%swap3A_316, %swap3A_317], %swap3A_320 {strides = array<i32>} : memref<80x64xf32, #tpu.memory_space<vmem>>, vector<1x16xf32>,
        %get3A_321 = arith.index_cast %add3A_296 : i32 to index
        %get3A_322 = arith.constant 32 : index
        %get3A_323 = tpu.vector_load %arg10[%get3A_321, %get3A_322] {strides = array<i32>} : memref<80x64xf32, #tpu.memory_space<vmem>>, vector<1x16xf32>,
        %get3A_324 = vector.shape_cast %get3A_323 : vector<1x16xf32> to vector<16xf32>
        %mul3A_325 = arith.mulf %get3A_324, %get3A_300 : vector<16xf32>
        %swap3A_326 = arith.index_cast %add3A_296 : i32 to index
        %swap3A_327 = arith.constant 32 : index
        %swap3A_328 = tpu.vector_load %arg10[%swap3A_326, %swap3A_327] {strides = array<i32>} : memref<80x64xf32, #tpu.memory_space<vmem>>, vector<1x16xf32>,
        %swap3A_329 = vector.shape_cast %swap3A_328 : vector<1x16xf32> to vector<16xf32>
        %swap3A_330 = vector.shape_cast %mul3A_325 : vector<16xf32> to vector<1x16xf32>
        tpu.vector_store %arg10[%swap3A_326, %swap3A_327], %swap3A_330 {strides = array<i32>} : memref<80x64xf32, #tpu.memory_space<vmem>>, vector<1x16xf32>,
        %get3A_331 = arith.index_cast %add3A_296 : i32 to index
        %get3A_332 = arith.constant 48 : index
        %get3A_333 = tpu.vector_load %arg10[%get3A_331, %get3A_332] {strides = array<i32>} : memref<80x64xf32, #tpu.memory_space<vmem>>, vector<1x16xf32>,
        %get3A_334 = vector.shape_cast %get3A_333 : vector<1x16xf32> to vector<16xf32>
        %mul3A_335 = arith.mulf %get3A_334, %get3A_300 : vector<16xf32>
        %swap3A_336 = arith.index_cast %add3A_296 : i32 to index
        %swap3A_337 = arith.constant 48 : index
        %swap3A_338 = tpu.vector_load %arg10[%swap3A_336, %swap3A_337] {strides = array<i32>} : memref<80x64xf32, #tpu.memory_space<vmem>>, vector<1x16xf32>,
        %swap3A_339 = vector.shape_cast %swap3A_338 : vector<1x16xf32> to vector<16xf32>
        %swap3A_340 = vector.shape_cast %mul3A_335 : vector<16xf32> to vector<1x16xf32>
        tpu.vector_store %arg10[%swap3A_336, %swap3A_337], %swap3A_340 {strides = array<i32>} : memref<80x64xf32, #tpu.memory_space<vmem>>, vector<1x16xf32>,
        %mul3A_341 = arith.constant 8 : i32
        %mul3A_342 = arith.muli %scan3A_150, %mul3A_341 : i32
        %add3A_343 = arith.constant 4 : i32
        %add3A_344 = arith.addi %mul3A_342, %add3A_343 : i32
        %get3A_345 = arith.index_cast %add3A_344 : i32 to index
        %get3A_346 = arith.constant 0 : index
        %get3A_347 = tpu.vector_load %arg12[%get3A_345, %get3A_346] {strides = array<i32>} : memref<80x16xf32, #tpu.memory_space<vmem>>, vector<1x16xf32>,
        %get3A_348 = vector.shape_cast %get3A_347 : vector<1x16xf32> to vector<16xf32>
        %get3A_349 = arith.index_cast %add3A_344 : i32 to index
        %get3A_350 = arith.constant 0 : index
        %get3A_351 = tpu.vector_load %arg10[%get3A_349, %get3A_350] {strides = array<i32>} : memref<80x64xf32, #tpu.memory_space<vmem>>, vector<1x16xf32>,
        %get3A_352 = vector.shape_cast %get3A_351 : vector<1x16xf32> to vector<16xf32>
        %mul3A_353 = arith.mulf %get3A_352, %get3A_348 : vector<16xf32>
        %swap3A_354 = arith.index_cast %add3A_344 : i32 to index
        %swap3A_355 = arith.constant 0 : index
        %swap3A_356 = tpu.vector_load %arg10[%swap3A_354, %swap3A_355] {strides = array<i32>} : memref<80x64xf32, #tpu.memory_space<vmem>>, vector<1x16xf32>,
        %swap3A_357 = vector.shape_cast %swap3A_356 : vector<1x16xf32> to vector<16xf32>
        %swap3A_358 = vector.shape_cast %mul3A_353 : vector<16xf32> to vector<1x16xf32>
        tpu.vector_store %arg10[%swap3A_354, %swap3A_355], %swap3A_358 {strides = array<i32>} : memref<80x64xf32, #tpu.memory_space<vmem>>, vector<1x16xf32>,
        %get3A_359 = arith.index_cast %add3A_344 : i32 to index
        %get3A_360 = arith.constant 16 : index
        %get3A_361 = tpu.vector_load %arg10[%get3A_359, %get3A_360] {strides = array<i32>} : memref<80x64xf32, #tpu.memory_space<vmem>>, vector<1x16xf32>,
        %get3A_362 = vector.shape_cast %get3A_361 : vector<1x16xf32> to vector<16xf32>
        %mul3A_363 = arith.mulf %get3A_362, %get3A_348 : vector<16xf32>
        %swap3A_364 = arith.index_cast %add3A_344 : i32 to index
        %swap3A_365 = arith.constant 16 : index
        %swap3A_366 = tpu.vector_load %arg10[%swap3A_364, %swap3A_365] {strides = array<i32>} : memref<80x64xf32, #tpu.memory_space<vmem>>, vector<1x16xf32>,
        %swap3A_367 = vector.shape_cast %swap3A_366 : vector<1x16xf32> to vector<16xf32>
        %swap3A_368 = vector.shape_cast %mul3A_363 : vector<16xf32> to vector<1x16xf32>
        tpu.vector_store %arg10[%swap3A_364, %swap3A_365], %swap3A_368 {strides = array<i32>} : memref<80x64xf32, #tpu.memory_space<vmem>>, vector<1x16xf32>,
        %get3A_369 = arith.index_cast %add3A_344 : i32 to index
        %get3A_370 = arith.constant 32 : index
        %get3A_371 = tpu.vector_load %arg10[%get3A_369, %get3A_370] {strides = array<i32>} : memref<80x64xf32, #tpu.memory_space<vmem>>, vector<1x16xf32>,
        %get3A_372 = vector.shape_cast %get3A_371 : vector<1x16xf32> to vector<16xf32>
        %mul3A_373 = arith.mulf %get3A_372, %get3A_348 : vector<16xf32>
        %swap3A_374 = arith.index_cast %add3A_344 : i32 to index
        %swap3A_375 = arith.constant 32 : index
        %swap3A_376 = tpu.vector_load %arg10[%swap3A_374, %swap3A_375] {strides = array<i32>} : memref<80x64xf32, #tpu.memory_space<vmem>>, vector<1x16xf32>,
        %swap3A_377 = vector.shape_cast %swap3A_376 : vector<1x16xf32> to vector<16xf32>
        %swap3A_378 = vector.shape_cast %mul3A_373 : vector<16xf32> to vector<1x16xf32>
        tpu.vector_store %arg10[%swap3A_374, %swap3A_375], %swap3A_378 {strides = array<i32>} : memref<80x64xf32, #tpu.memory_space<vmem>>, vector<1x16xf32>,
        %get3A_379 = arith.index_cast %add3A_344 : i32 to index
        %get3A_380 = arith.constant 48 : index
        %get3A_381 = tpu.vector_load %arg10[%get3A_379, %get3A_380] {strides = array<i32>} : memref<80x64xf32, #tpu.memory_space<vmem>>, vector<1x16xf32>,
        %get3A_382 = vector.shape_cast %get3A_381 : vector<1x16xf32> to vector<16xf32>
        %mul3A_383 = arith.mulf %get3A_382, %get3A_348 : vector<16xf32>
        %swap3A_384 = arith.index_cast %add3A_344 : i32 to index
        %swap3A_385 = arith.constant 48 : index
        %swap3A_386 = tpu.vector_load %arg10[%swap3A_384, %swap3A_385] {strides = array<i32>} : memref<80x64xf32, #tpu.memory_space<vmem>>, vector<1x16xf32>,
        %swap3A_387 = vector.shape_cast %swap3A_386 : vector<1x16xf32> to vector<16xf32>
        %swap3A_388 = vector.shape_cast %mul3A_383 : vector<16xf32> to vector<1x16xf32>
        tpu.vector_store %arg10[%swap3A_384, %swap3A_385], %swap3A_388 {strides = array<i32>} : memref<80x64xf32, #tpu.memory_space<vmem>>, vector<1x16xf32>,
        %mul3A_389 = arith.constant 8 : i32
        %mul3A_390 = arith.muli %scan3A_150, %mul3A_389 : i32
        %add3A_391 = arith.constant 5 : i32
        %add3A_392 = arith.addi %mul3A_390, %add3A_391 : i32
        %get3A_393 = arith.index_cast %add3A_392 : i32 to index
        %get3A_394 = arith.constant 0 : index
        %get3A_395 = tpu.vector_load %arg12[%get3A_393, %get3A_394] {strides = array<i32>} : memref<80x16xf32, #tpu.memory_space<vmem>>, vector<1x16xf32>,
        %get3A_396 = vector.shape_cast %get3A_395 : vector<1x16xf32> to vector<16xf32>
        %get3A_397 = arith.index_cast %add3A_392 : i32 to index
        %get3A_398 = arith.constant 0 : index
        %get3A_399 = tpu.vector_load %arg10[%get3A_397, %get3A_398] {strides = array<i32>} : memref<80x64xf32, #tpu.memory_space<vmem>>, vector<1x16xf32>,
        %get3A_400 = vector.shape_cast %get3A_399 : vector<1x16xf32> to vector<16xf32>
        %mul3A_401 = arith.mulf %get3A_400, %get3A_396 : vector<16xf32>
        %swap3A_402 = arith.index_cast %add3A_392 : i32 to index
        %swap3A_403 = arith.constant 0 : index
        %swap3A_404 = tpu.vector_load %arg10[%swap3A_402, %swap3A_403] {strides = array<i32>} : memref<80x64xf32, #tpu.memory_space<vmem>>, vector<1x16xf32>,
        %swap3A_405 = vector.shape_cast %swap3A_404 : vector<1x16xf32> to vector<16xf32>
        %swap3A_406 = vector.shape_cast %mul3A_401 : vector<16xf32> to vector<1x16xf32>
        tpu.vector_store %arg10[%swap3A_402, %swap3A_403], %swap3A_406 {strides = array<i32>} : memref<80x64xf32, #tpu.memory_space<vmem>>, vector<1x16xf32>,
        %get3A_407 = arith.index_cast %add3A_392 : i32 to index
        %get3A_408 = arith.constant 16 : index
        %get3A_409 = tpu.vector_load %arg10[%get3A_407, %get3A_408] {strides = array<i32>} : memref<80x64xf32, #tpu.memory_space<vmem>>, vector<1x16xf32>,
        %get3A_410 = vector.shape_cast %get3A_409 : vector<1x16xf32> to vector<16xf32>
        %mul3A_411 = arith.mulf %get3A_410, %get3A_396 : vector<16xf32>
        %swap3A_412 = arith.index_cast %add3A_392 : i32 to index
        %swap3A_413 = arith.constant 16 : index
        %swap3A_414 = tpu.vector_load %arg10[%swap3A_412, %swap3A_413] {strides = array<i32>} : memref<80x64xf32, #tpu.memory_space<vmem>>, vector<1x16xf32>,
        %swap3A_415 = vector.shape_cast %swap3A_414 : vector<1x16xf32> to vector<16xf32>
        %swap3A_416 = vector.shape_cast %mul3A_411 : vector<16xf32> to vector<1x16xf32>
        tpu.vector_store %arg10[%swap3A_412, %swap3A_413], %swap3A_416 {strides = array<i32>} : memref<80x64xf32, #tpu.memory_space<vmem>>, vector<1x16xf32>,
        %get3A_417 = arith.index_cast %add3A_392 : i32 to index
        %get3A_418 = arith.constant 32 : index
        %get3A_419 = tpu.vector_load %arg10[%get3A_417, %get3A_418] {strides = array<i32>} : memref<80x64xf32, #tpu.memory_space<vmem>>, vector<1x16xf32>,
        %get3A_420 = vector.shape_cast %get3A_419 : vector<1x16xf32> to vector<16xf32>
        %mul3A_421 = arith.mulf %get3A_420, %get3A_396 : vector<16xf32>
        %swap3A_422 = arith.index_cast %add3A_392 : i32 to index
        %swap3A_423 = arith.constant 32 : index
        %swap3A_424 = tpu.vector_load %arg10[%swap3A_422, %swap3A_423] {strides = array<i32>} : memref<80x64xf32, #tpu.memory_space<vmem>>, vector<1x16xf32>,
        %swap3A_425 = vector.shape_cast %swap3A_424 : vector<1x16xf32> to vector<16xf32>
        %swap3A_426 = vector.shape_cast %mul3A_421 : vector<16xf32> to vector<1x16xf32>
        tpu.vector_store %arg10[%swap3A_422, %swap3A_423], %swap3A_426 {strides = array<i32>} : memref<80x64xf32, #tpu.memory_space<vmem>>, vector<1x16xf32>,
        %get3A_427 = arith.index_cast %add3A_392 : i32 to index
        %get3A_428 = arith.constant 48 : index
        %get3A_429 = tpu.vector_load %arg10[%get3A_427, %get3A_428] {strides = array<i32>} : memref<80x64xf32, #tpu.memory_space<vmem>>, vector<1x16xf32>,
        %get3A_430 = vector.shape_cast %get3A_429 : vector<1x16xf32> to vector<16xf32>
        %mul3A_431 = arith.mulf %get3A_430, %get3A_396 : vector<16xf32>
        %swap3A_432 = arith.index_cast %add3A_392 : i32 to index
        %swap3A_433 = arith.constant 48 : index
        %swap3A_434 = tpu.vector_load %arg10[%swap3A_432, %swap3A_433] {strides = array<i32>} : memref<80x64xf32, #tpu.memory_space<vmem>>, vector<1x16xf32>,
        %swap3A_435 = vector.shape_cast %swap3A_434 : vector<1x16xf32> to vector<16xf32>
        %swap3A_436 = vector.shape_cast %mul3A_431 : vector<16xf32> to vector<1x16xf32>
        tpu.vector_store %arg10[%swap3A_432, %swap3A_433], %swap3A_436 {strides = array<i32>} : memref<80x64xf32, #tpu.memory_space<vmem>>, vector<1x16xf32>,
        %mul3A_437 = arith.constant 8 : i32
        %mul3A_438 = arith.muli %scan3A_150, %mul3A_437 : i32
        %add3A_439 = arith.constant 6 : i32
        %add3A_440 = arith.addi %mul3A_438, %add3A_439 : i32
        %get3A_441 = arith.index_cast %add3A_440 : i32 to index
        %get3A_442 = arith.constant 0 : index
        %get3A_443 = tpu.vector_load %arg12[%get3A_441, %get3A_442] {strides = array<i32>} : memref<80x16xf32, #tpu.memory_space<vmem>>, vector<1x16xf32>,
        %get3A_444 = vector.shape_cast %get3A_443 : vector<1x16xf32> to vector<16xf32>
        %get3A_445 = arith.index_cast %add3A_440 : i32 to index
        %get3A_446 = arith.constant 0 : index
        %get3A_447 = tpu.vector_load %arg10[%get3A_445, %get3A_446] {strides = array<i32>} : memref<80x64xf32, #tpu.memory_space<vmem>>, vector<1x16xf32>,
        %get3A_448 = vector.shape_cast %get3A_447 : vector<1x16xf32> to vector<16xf32>
        %mul3A_449 = arith.mulf %get3A_448, %get3A_444 : vector<16xf32>
        %swap3A_450 = arith.index_cast %add3A_440 : i32 to index
        %swap3A_451 = arith.constant 0 : index
        %swap3A_452 = tpu.vector_load %arg10[%swap3A_450, %swap3A_451] {strides = array<i32>} : memref<80x64xf32, #tpu.memory_space<vmem>>, vector<1x16xf32>,
        %swap3A_453 = vector.shape_cast %swap3A_452 : vector<1x16xf32> to vector<16xf32>
        %swap3A_454 = vector.shape_cast %mul3A_449 : vector<16xf32> to vector<1x16xf32>
        tpu.vector_store %arg10[%swap3A_450, %swap3A_451], %swap3A_454 {strides = array<i32>} : memref<80x64xf32, #tpu.memory_space<vmem>>, vector<1x16xf32>,
        %get3A_455 = arith.index_cast %add3A_440 : i32 to index
        %get3A_456 = arith.constant 16 : index
        %get3A_457 = tpu.vector_load %arg10[%get3A_455, %get3A_456] {strides = array<i32>} : memref<80x64xf32, #tpu.memory_space<vmem>>, vector<1x16xf32>,
        %get3A_458 = vector.shape_cast %get3A_457 : vector<1x16xf32> to vector<16xf32>
        %mul3A_459 = arith.mulf %get3A_458, %get3A_444 : vector<16xf32>
        %swap3A_460 = arith.index_cast %add3A_440 : i32 to index
        %swap3A_461 = arith.constant 16 : index
        %swap3A_462 = tpu.vector_load %arg10[%swap3A_460, %swap3A_461] {strides = array<i32>} : memref<80x64xf32, #tpu.memory_space<vmem>>, vector<1x16xf32>,
        %swap3A_463 = vector.shape_cast %swap3A_462 : vector<1x16xf32> to vector<16xf32>
        %swap3A_464 = vector.shape_cast %mul3A_459 : vector<16xf32> to vector<1x16xf32>
        tpu.vector_store %arg10[%swap3A_460, %swap3A_461], %swap3A_464 {strides = array<i32>} : memref<80x64xf32, #tpu.memory_space<vmem>>, vector<1x16xf32>,
        %get3A_465 = arith.index_cast %add3A_440 : i32 to index
        %get3A_466 = arith.constant 32 : index
        %get3A_467 = tpu.vector_load %arg10[%get3A_465, %get3A_466] {strides = array<i32>} : memref<80x64xf32, #tpu.memory_space<vmem>>, vector<1x16xf32>,
        %get3A_468 = vector.shape_cast %get3A_467 : vector<1x16xf32> to vector<16xf32>
        %mul3A_469 = arith.mulf %get3A_468, %get3A_444 : vector<16xf32>
        %swap3A_470 = arith.index_cast %add3A_440 : i32 to index
        %swap3A_471 = arith.constant 32 : index
        %swap3A_472 = tpu.vector_load %arg10[%swap3A_470, %swap3A_471] {strides = array<i32>} : memref<80x64xf32, #tpu.memory_space<vmem>>, vector<1x16xf32>,
        %swap3A_473 = vector.shape_cast %swap3A_472 : vector<1x16xf32> to vector<16xf32>
        %swap3A_474 = vector.shape_cast %mul3A_469 : vector<16xf32> to vector<1x16xf32>
        tpu.vector_store %arg10[%swap3A_470, %swap3A_471], %swap3A_474 {strides = array<i32>} : memref<80x64xf32, #tpu.memory_space<vmem>>, vector<1x16xf32>,
        %get3A_475 = arith.index_cast %add3A_440 : i32 to index
        %get3A_476 = arith.constant 48 : index
        %get3A_477 = tpu.vector_load %arg10[%get3A_475, %get3A_476] {strides = array<i32>} : memref<80x64xf32, #tpu.memory_space<vmem>>, vector<1x16xf32>,
        %get3A_478 = vector.shape_cast %get3A_477 : vector<1x16xf32> to vector<16xf32>
        %mul3A_479 = arith.mulf %get3A_478, %get3A_444 : vector<16xf32>
        %swap3A_480 = arith.index_cast %add3A_440 : i32 to index
        %swap3A_481 = arith.constant 48 : index
        %swap3A_482 = tpu.vector_load %arg10[%swap3A_480, %swap3A_481] {strides = array<i32>} : memref<80x64xf32, #tpu.memory_space<vmem>>, vector<1x16xf32>,
        %swap3A_483 = vector.shape_cast %swap3A_482 : vector<1x16xf32> to vector<16xf32>
        %swap3A_484 = vector.shape_cast %mul3A_479 : vector<16xf32> to vector<1x16xf32>
        tpu.vector_store %arg10[%swap3A_480, %swap3A_481], %swap3A_484 {strides = array<i32>} : memref<80x64xf32, #tpu.memory_space<vmem>>, vector<1x16xf32>,
        %mul3A_485 = arith.constant 8 : i32
        %mul3A_486 = arith.muli %scan3A_150, %mul3A_485 : i32
        %add3A_487 = arith.constant 7 : i32
        %add3A_488 = arith.addi %mul3A_486, %add3A_487 : i32
        %get3A_489 = arith.index_cast %add3A_488 : i32 to index
        %get3A_490 = arith.constant 0 : index
        %get3A_491 = tpu.vector_load %arg12[%get3A_489, %get3A_490] {strides = array<i32>} : memref<80x16xf32, #tpu.memory_space<vmem>>, vector<1x16xf32>,
        %get3A_492 = vector.shape_cast %get3A_491 : vector<1x16xf32> to vector<16xf32>
        %get3A_493 = arith.index_cast %add3A_488 : i32 to index
        %get3A_494 = arith.constant 0 : index
        %get3A_495 = tpu.vector_load %arg10[%get3A_493, %get3A_494] {strides = array<i32>} : memref<80x64xf32, #tpu.memory_space<vmem>>, vector<1x16xf32>,
        %get3A_496 = vector.shape_cast %get3A_495 : vector<1x16xf32> to vector<16xf32>
        %mul3A_497 = arith.mulf %get3A_496, %get3A_492 : vector<16xf32>
        %swap3A_498 = arith.index_cast %add3A_488 : i32 to index
        %swap3A_499 = arith.constant 0 : index
        %swap3A_500 = tpu.vector_load %arg10[%swap3A_498, %swap3A_499] {strides = array<i32>} : memref<80x64xf32, #tpu.memory_space<vmem>>, vector<1x16xf32>,
        %swap3A_501 = vector.shape_cast %swap3A_500 : vector<1x16xf32> to vector<16xf32>
        %swap3A_502 = vector.shape_cast %mul3A_497 : vector<16xf32> to vector<1x16xf32>
        tpu.vector_store %arg10[%swap3A_498, %swap3A_499], %swap3A_502 {strides = array<i32>} : memref<80x64xf32, #tpu.memory_space<vmem>>, vector<1x16xf32>,
        %get3A_503 = arith.index_cast %add3A_488 : i32 to index
        %get3A_504 = arith.constant 16 : index
        %get3A_505 = tpu.vector_load %arg10[%get3A_503, %get3A_504] {strides = array<i32>} : memref<80x64xf32, #tpu.memory_space<vmem>>, vector<1x16xf32>,
        %get3A_506 = vector.shape_cast %get3A_505 : vector<1x16xf32> to vector<16xf32>
        %mul3A_507 = arith.mulf %get3A_506, %get3A_492 : vector<16xf32>
        %swap3A_508 = arith.index_cast %add3A_488 : i32 to index
        %swap3A_509 = arith.constant 16 : index
        %swap3A_510 = tpu.vector_load %arg10[%swap3A_508, %swap3A_509] {strides = array<i32>} : memref<80x64xf32, #tpu.memory_space<vmem>>, vector<1x16xf32>,
        %swap3A_511 = vector.shape_cast %swap3A_510 : vector<1x16xf32> to vector<16xf32>
        %swap3A_512 = vector.shape_cast %mul3A_507 : vector<16xf32> to vector<1x16xf32>
        tpu.vector_store %arg10[%swap3A_508, %swap3A_509], %swap3A_512 {strides = array<i32>} : memref<80x64xf32, #tpu.memory_space<vmem>>, vector<1x16xf32>,
        %get3A_513 = arith.index_cast %add3A_488 : i32 to index
        %get3A_514 = arith.constant 32 : index
        %get3A_515 = tpu.vector_load %arg10[%get3A_513, %get3A_514] {strides = array<i32>} : memref<80x64xf32, #tpu.memory_space<vmem>>, vector<1x16xf32>,
        %get3A_516 = vector.shape_cast %get3A_515 : vector<1x16xf32> to vector<16xf32>
        %mul3A_517 = arith.mulf %get3A_516, %get3A_492 : vector<16xf32>
        %swap3A_518 = arith.index_cast %add3A_488 : i32 to index
        %swap3A_519 = arith.constant 32 : index
        %swap3A_520 = tpu.vector_load %arg10[%swap3A_518, %swap3A_519] {strides = array<i32>} : memref<80x64xf32, #tpu.memory_space<vmem>>, vector<1x16xf32>,
        %swap3A_521 = vector.shape_cast %swap3A_520 : vector<1x16xf32> to vector<16xf32>
        %swap3A_522 = vector.shape_cast %mul3A_517 : vector<16xf32> to vector<1x16xf32>
        tpu.vector_store %arg10[%swap3A_518, %swap3A_519], %swap3A_522 {strides = array<i32>} : memref<80x64xf32, #tpu.memory_space<vmem>>, vector<1x16xf32>,
        %get3A_523 = arith.index_cast %add3A_488 : i32 to index
        %get3A_524 = arith.constant 48 : index
        %get3A_525 = tpu.vector_load %arg10[%get3A_523, %get3A_524] {strides = array<i32>} : memref<80x64xf32, #tpu.memory_space<vmem>>, vector<1x16xf32>,
        %get3A_526 = vector.shape_cast %get3A_525 : vector<1x16xf32> to vector<16xf32>
        %mul3A_527 = arith.mulf %get3A_526, %get3A_492 : vector<16xf32>
        %swap3A_528 = arith.index_cast %add3A_488 : i32 to index
        %swap3A_529 = arith.constant 48 : index
        %swap3A_530 = tpu.vector_load %arg10[%swap3A_528, %swap3A_529] {strides = array<i32>} : memref<80x64xf32, #tpu.memory_space<vmem>>, vector<1x16xf32>,
        %swap3A_531 = vector.shape_cast %swap3A_530 : vector<1x16xf32> to vector<16xf32>
        %swap3A_532 = vector.shape_cast %mul3A_527 : vector<16xf32> to vector<1x16xf32>
        tpu.vector_store %arg10[%swap3A_528, %swap3A_529], %swap3A_532 {strides = array<i32>} : memref<80x64xf32, #tpu.memory_space<vmem>>, vector<1x16xf32>,
      }
      %scan3A_98 = arith.constant 10 : i32
      "tpu.region"() ({
        %run_scoped3A = tpu.sem_alloc : memref<!tpu.dma_semaphore, #tpu.memory_space<semaphore_mem>>
        %dma_start3A_150 = arith.constant 0 : i32
        %dma_start3A_151 = tpu.memref_slice %arg9[%mul3A_75, %dma_start3A_150] : memref<250x80xi32, #tpu.memory_space<vmem>> -> memref<1x80xi32, #tpu.memory_space<vmem>>
        %dma_start3A_152 = tpu.memref_squeeze %dma_start3A_151 : memref<1x80xi32, #tpu.memory_space<vmem>> -> memref<80xi32, #tpu.memory_space<vmem>>
        %dma_start3A_153 = arith.constant 0 : i32
        %dma_start3A_154 = arith.constant 0 : i32
        %dma_start3A_155 = tpu.memref_slice %arg16[%dma_start3A_153, %dma_start3A_154] : memref<10240x64xf32, #tpu.memory_space<vmem_shared>> -> memref<10240x64xf32, #tpu.memory_space<vmem_shared>>
        tpu.enqueue_indirect_dma source(%arg10 : memref<80x64xf32, #tpu.memory_space<vmem>>) target(%dma_start3A_155 : memref<10240x64xf32, #tpu.memory_space<vmem_shared>>) offsets(%dma_start3A_152 : memref<80xi32, #tpu.memory_space<vmem>>) semaphore(%run_scoped3A : memref<!tpu.dma_semaphore, #tpu.memory_space<semaphore_mem>>) {add = true}
        %dma_wait3A_156 = arith.constant 0 : i32
        %dma_wait3A_157 = tpu.memref_slice %arg9[%mul3A_75, %dma_wait3A_156] : memref<250x80xi32, #tpu.memory_space<vmem>> -> memref<1x80xi32, #tpu.memory_space<vmem>>
        %dma_wait3A_158 = tpu.memref_squeeze %dma_wait3A_157 : memref<1x80xi32, #tpu.memory_space<vmem>> -> memref<80xi32, #tpu.memory_space<vmem>>
        %dma_wait3A_159 = arith.constant 0 : i32
        %dma_wait3A_160 = arith.constant 0 : i32
        %dma_wait3A_161 = tpu.memref_slice %arg16[%dma_wait3A_159, %dma_wait3A_160] : memref<10240x64xf32, #tpu.memory_space<vmem_shared>> -> memref<10240x64xf32, #tpu.memory_space<vmem_shared>>
        tpu.wait_indirect_dma semaphore(%run_scoped3A : memref<!tpu.dma_semaphore, #tpu.memory_space<semaphore_mem>>) src(%arg10 : memref<80x64xf32, #tpu.memory_space<vmem>>) dst(%dma_wait3A_161 : memref<10240x64xf32, #tpu.memory_space<vmem_shared>>)
        tpu.yield
      }) : () -> ()
      %eq3A_99 = arith.constant 0 : i32
      %eq3A_100 = arith.cmpi eq, %arg0, %eq3A_99 : i32
      %convert_element_type3A_101 = arith.extui %eq3A_100 : i1 to i32
      %cond3A_102 = arith.constant 0 : i32
      %cond3A_103 = arith.cmpi ne, %convert_element_type3A_101, %cond3A_102 : i32
      scf.if %cond3A_103 {
        "tpu.region"() ({
          %run_scoped3A = tpu.sem_alloc : memref<!tpu.dma_semaphore, #tpu.memory_space<semaphore_mem>>
          %dma_start3A_150 = arith.constant 0 : i32
          %dma_start3A_151 = tpu.memref_slice %arg9[%mul3A_75, %dma_start3A_150] : memref<250x80xi32, #tpu.memory_space<vmem>> -> memref<1x80xi32, #tpu.memory_space<vmem>>
          %dma_start3A_152 = tpu.memref_squeeze %dma_start3A_151 : memref<1x80xi32, #tpu.memory_space<vmem>> -> memref<80xi32, #tpu.memory_space<vmem>>
          %dma_start3A_153 = arith.constant 0 : i32
          %dma_start3A_154 = arith.constant 0 : i32
          %dma_start3A_155 = tpu.memref_slice %arg17[%dma_start3A_153, %dma_start3A_154] : memref<10240x16xf32, #tpu.memory_space<vmem_shared>> -> memref<10240x16xf32, #tpu.memory_space<vmem_shared>>
          tpu.enqueue_indirect_dma source(%arg12 : memref<80x16xf32, #tpu.memory_space<vmem>>) target(%dma_start3A_155 : memref<10240x16xf32, #tpu.memory_space<vmem_shared>>) offsets(%dma_start3A_152 : memref<80xi32, #tpu.memory_space<vmem>>) semaphore(%run_scoped3A : memref<!tpu.dma_semaphore, #tpu.memory_space<semaphore_mem>>) {add = true}
          %dma_wait3A_156 = arith.constant 0 : i32
          %dma_wait3A_157 = tpu.memref_slice %arg9[%mul3A_75, %dma_wait3A_156] : memref<250x80xi32, #tpu.memory_space<vmem>> -> memref<1x80xi32, #tpu.memory_space<vmem>>
          %dma_wait3A_158 = tpu.memref_squeeze %dma_wait3A_157 : memref<1x80xi32, #tpu.memory_space<vmem>> -> memref<80xi32, #tpu.memory_space<vmem>>
          %dma_wait3A_159 = arith.constant 0 : i32
          %dma_wait3A_160 = arith.constant 0 : i32
          %dma_wait3A_161 = tpu.memref_slice %arg17[%dma_wait3A_159, %dma_wait3A_160] : memref<10240x16xf32, #tpu.memory_space<vmem_shared>> -> memref<10240x16xf32, #tpu.memory_space<vmem_shared>>
          tpu.wait_indirect_dma semaphore(%run_scoped3A : memref<!tpu.dma_semaphore, #tpu.memory_space<semaphore_mem>>) src(%arg12 : memref<80x16xf32, #tpu.memory_space<vmem>>) dst(%dma_wait3A_161 : memref<10240x16xf32, #tpu.memory_space<vmem_shared>>)
          tpu.yield
        }) : () -> ()
      } else {
      }
      %add3A_104 = arith.constant 2 : i32
      %add3A_105 = arith.addi %mul3A_75, %add3A_104 : i32
      %lt3A = arith.constant 250 : i32
      %lt3A_106 = arith.cmpi slt, %add3A_105, %lt3A : i32
      %convert_element_type3A_107 = arith.extui %lt3A_106 : i1 to i32
      %cond3A_108 = arith.constant 0 : i32
      %cond3A_109 = arith.cmpi ne, %convert_element_type3A_107, %cond3A_108 : i32
      scf.if %cond3A_109 {
        %add3A_150 = arith.constant 2 : i32
        %add3A_151 = arith.addi %mul3A_75, %add3A_150 : i32
        %dma_start3A_152 = arith.constant 0 : i32
        %dma_start3A_153 = tpu.memref_slice %arg8[%add3A_151, %dma_start3A_152] : memref<250x80xi32, #tpu.memory_space<vmem>> -> memref<1x80xi32, #tpu.memory_space<vmem>>
        %dma_start3A_154 = tpu.memref_squeeze %dma_start3A_153 : memref<1x80xi32, #tpu.memory_space<vmem>> -> memref<80xi32, #tpu.memory_space<vmem>>
        %dma_start3A_155 = arith.constant 0 : i32
        %dma_start3A_156 = arith.constant 0 : i32
        %dma_start3A_157 = tpu.memref_slice %arg5[%arg0, %dma_start3A_155, %dma_start3A_156] : memref<2x10000x64xf32, #tpu.memory_space<hbm>> -> memref<1x10000x64xf32, #tpu.memory_space<hbm>>
        %dma_start3A_158 = tpu.memref_squeeze %dma_start3A_157 : memref<1x10000x64xf32, #tpu.memory_space<hbm>> -> memref<10000x64xf32, #tpu.memory_space<hbm>>
        %dma_start3A_159 = arith.constant 0 : i32
        %dma_start3A_160 = arith.constant 0 : i32
        %dma_start3A_161 = tpu.memref_slice %dma_start3A_158[%dma_start3A_159, %dma_start3A_160] : memref<10000x64xf32, #tpu.memory_space<hbm>> -> memref<10000x64xf32, #tpu.memory_space<hbm>>
        tpu.enqueue_indirect_dma source(%dma_start3A_161 : memref<10000x64xf32, #tpu.memory_space<hbm>>) target(%arg10 : memref<80x64xf32, #tpu.memory_space<vmem>>) offsets(%dma_start3A_154 : memref<80xi32, #tpu.memory_space<vmem>>) semaphore(%arg18 : memref<!tpu.dma_semaphore, #tpu.memory_space<semaphore_mem>>)
        %dma_start3A_162 = arith.constant 0 : i32
        %dma_start3A_163 = arith.constant 0 : i32
        %dma_start3A_164 = tpu.memref_slice %arg4[%arg1, %add3A_151, %dma_start3A_162, %dma_start3A_163] : memref<16x250x80x16xf32, #tpu.memory_space<hbm>> -> memref<1x1x80x16xf32, #tpu.memory_space<hbm>>
        %dma_start3A_165 = tpu.memref_squeeze %dma_start3A_164 : memref<1x1x80x16xf32, #tpu.memory_space<hbm>> -> memref<80x16xf32, #tpu.memory_space<hbm>>
        %dma_start3A_166 = arith.constant 0 : i32
        %dma_start3A_167 = arith.constant 0 : i32
        %dma_start3A_168 = tpu.memref_slice %arg4[%arg1, %add3A_151, %dma_start3A_166, %dma_start3A_167] : memref<16x250x80x16xf32, #tpu.memory_space<hbm>> -> memref<1x1x80x16xf32, #tpu.memory_space<hbm>>
        %dma_start3A_169 = tpu.memref_squeeze %dma_start3A_168 : memref<1x1x80x16xf32, #tpu.memory_space<hbm>> -> memref<80x16xf32, #tpu.memory_space<hbm>>
        tpu.enqueue_dma source(%dma_start3A_169 : memref<80x16xf32, #tpu.memory_space<hbm>>) target(%arg12 : memref<80x16xf32, #tpu.memory_space<vmem>>) target_semaphore(%arg18 : memref<!tpu.dma_semaphore, #tpu.memory_space<semaphore_mem>>)
      } else {
      }
      %add3A_110 = arith.constant 1 : i32
      %add3A_111 = arith.addi %mul3A_75, %add3A_110 : i32
      %dma_wait3A_112 = arith.constant 0 : i32
      %dma_wait3A_113 = tpu.memref_slice %arg8[%add3A_111, %dma_wait3A_112] : memref<250x80xi32, #tpu.memory_space<vmem>> -> memref<1x80xi32, #tpu.memory_space<vmem>>
      %dma_wait3A_114 = tpu.memref_squeeze %dma_wait3A_113 : memref<1x80xi32, #tpu.memory_space<vmem>> -> memref<80xi32, #tpu.memory_space<vmem>>
      %dma_wait3A_115 = arith.constant 0 : i32
      %dma_wait3A_116 = arith.constant 0 : i32
      %dma_wait3A_117 = tpu.memref_slice %arg5[%arg0, %dma_wait3A_115, %dma_wait3A_116] : memref<2x10000x64xf32, #tpu.memory_space<hbm>> -> memref<1x10000x64xf32, #tpu.memory_space<hbm>>
      %dma_wait3A_118 = tpu.memref_squeeze %dma_wait3A_117 : memref<1x10000x64xf32, #tpu.memory_space<hbm>> -> memref<10000x64xf32, #tpu.memory_space<hbm>>
      %dma_wait3A_119 = arith.constant 0 : i32
      %dma_wait3A_120 = arith.constant 0 : i32
      %dma_wait3A_121 = tpu.memref_slice %dma_wait3A_118[%dma_wait3A_119, %dma_wait3A_120] : memref<10000x64xf32, #tpu.memory_space<hbm>> -> memref<10000x64xf32, #tpu.memory_space<hbm>>
      tpu.wait_indirect_dma semaphore(%arg19 : memref<!tpu.dma_semaphore, #tpu.memory_space<semaphore_mem>>) src(%dma_wait3A_121 : memref<10000x64xf32, #tpu.memory_space<hbm>>) dst(%arg11 : memref<80x64xf32, #tpu.memory_space<vmem>>)
      %dma_wait3A_122 = arith.constant 0 : i32
      %dma_wait3A_123 = arith.constant 0 : i32
      %dma_wait3A_124 = tpu.memref_slice %arg4[%arg1, %add3A_111, %dma_wait3A_122, %dma_wait3A_123] : memref<16x250x80x16xf32, #tpu.memory_space<hbm>> -> memref<1x1x80x16xf32, #tpu.memory_space<hbm>>
      %dma_wait3A_125 = tpu.memref_squeeze %dma_wait3A_124 : memref<1x1x80x16xf32, #tpu.memory_space<hbm>> -> memref<80x16xf32, #tpu.memory_space<hbm>>
      %dma_wait3A_126 = arith.constant 0 : i32
      %dma_wait3A_127 = arith.constant 0 : i32
      %dma_wait3A_128 = tpu.memref_slice %arg4[%arg1, %add3A_111, %dma_wait3A_126, %dma_wait3A_127] : memref<16x250x80x16xf32, #tpu.memory_space<hbm>> -> memref<1x1x80x16xf32, #tpu.memory_space<hbm>>
      %dma_wait3A_129 = tpu.memref_squeeze %dma_wait3A_128 : memref<1x1x80x16xf32, #tpu.memory_space<hbm>> -> memref<80x16xf32, #tpu.memory_space<hbm>>
      tpu.wait_dma2 semaphore(%arg19 : memref<!tpu.dma_semaphore, #tpu.memory_space<semaphore_mem>>) src(%dma_wait3A_129 : memref<80x16xf32, #tpu.memory_space<hbm>>) dst(%arg13 : memref<80x16xf32, #tpu.memory_space<vmem>>)
      %add3A_130 = arith.constant 1 : i32
      %add3A_131 = arith.addi %mul3A_75, %add3A_130 : i32
      %scan3A_132 = arith.constant 0 : i32
      %scan3A_133 = arith.constant 0 : i32
      %scan3A_134 = arith.constant 10 : i32
      %scan3A_135 = arith.addi %scan3A_133, %scan3A_134 : i32
      %scan3A_136 = arith.constant 1 : i32
      scf.for %scan3A_150 = %scan3A_133 to %scan3A_135 step %scan3A_136  : i32 {
        %mul3A_151 = arith.constant 8 : i32
        %mul3A_152 = arith.muli %scan3A_150, %mul3A_151 : i32
        %add3A_153 = arith.constant 0 : i32
        %add3A_154 = arith.addi %mul3A_152, %add3A_153 : i32
        %get3A = arith.index_cast %add3A_154 : i32 to index
        %get3A_155 = arith.constant 0 : index
        %get3A_156 = tpu.vector_load %arg13[%get3A, %get3A_155] {strides = array<i32>} : memref<80x16xf32, #tpu.memory_space<vmem>>, vector<1x16xf32>,
        %get3A_157 = vector.shape_cast %get3A_156 : vector<1x16xf32> to vector<16xf32>
        %get3A_158 = arith.index_cast %add3A_154 : i32 to index
        %get3A_159 = arith.constant 0 : index
        %get3A_160 = tpu.vector_load %arg11[%get3A_158, %get3A_159] {strides = array<i32>} : memref<80x64xf32, #tpu.memory_space<vmem>>, vector<1x16xf32>,
        %get3A_161 = vector.shape_cast %get3A_160 : vector<1x16xf32> to vector<16xf32>
        %mul3A_162 = arith.mulf %get3A_161, %get3A_157 : vector<16xf32>
        %swap3A = arith.index_cast %add3A_154 : i32 to index
        %swap3A_163 = arith.constant 0 : index
        %swap3A_164 = tpu.vector_load %arg11[%swap3A, %swap3A_163] {strides = array<i32>} : memref<80x64xf32, #tpu.memory_space<vmem>>, vector<1x16xf32>,
        %swap3A_165 = vector.shape_cast %swap3A_164 : vector<1x16xf32> to vector<16xf32>
        %swap3A_166 = vector.shape_cast %mul3A_162 : vector<16xf32> to vector<1x16xf32>
        tpu.vector_store %arg11[%swap3A, %swap3A_163], %swap3A_166 {strides = array<i32>} : memref<80x64xf32, #tpu.memory_space<vmem>>, vector<1x16xf32>,
        %get3A_167 = arith.index_cast %add3A_154 : i32 to index
        %get3A_168 = arith.constant 16 : index
        %get3A_169 = tpu.vector_load %arg11[%get3A_167, %get3A_168] {strides = array<i32>} : memref<80x64xf32, #tpu.memory_space<vmem>>, vector<1x16xf32>,
        %get3A_170 = vector.shape_cast %get3A_169 : vector<1x16xf32> to vector<16xf32>
        %mul3A_171 = arith.mulf %get3A_170, %get3A_157 : vector<16xf32>
        %swap3A_172 = arith.index_cast %add3A_154 : i32 to index
        %swap3A_173 = arith.constant 16 : index
        %swap3A_174 = tpu.vector_load %arg11[%swap3A_172, %swap3A_173] {strides = array<i32>} : memref<80x64xf32, #tpu.memory_space<vmem>>, vector<1x16xf32>,
        %swap3A_175 = vector.shape_cast %swap3A_174 : vector<1x16xf32> to vector<16xf32>
        %swap3A_176 = vector.shape_cast %mul3A_171 : vector<16xf32> to vector<1x16xf32>
        tpu.vector_store %arg11[%swap3A_172, %swap3A_173], %swap3A_176 {strides = array<i32>} : memref<80x64xf32, #tpu.memory_space<vmem>>, vector<1x16xf32>,
        %get3A_177 = arith.index_cast %add3A_154 : i32 to index
        %get3A_178 = arith.constant 32 : index
        %get3A_179 = tpu.vector_load %arg11[%get3A_177, %get3A_178] {strides = array<i32>} : memref<80x64xf32, #tpu.memory_space<vmem>>, vector<1x16xf32>,
        %get3A_180 = vector.shape_cast %get3A_179 : vector<1x16xf32> to vector<16xf32>
        %mul3A_181 = arith.mulf %get3A_180, %get3A_157 : vector<16xf32>
        %swap3A_182 = arith.index_cast %add3A_154 : i32 to index
        %swap3A_183 = arith.constant 32 : index
        %swap3A_184 = tpu.vector_load %arg11[%swap3A_182, %swap3A_183] {strides = array<i32>} : memref<80x64xf32, #tpu.memory_space<vmem>>, vector<1x16xf32>,
        %swap3A_185 = vector.shape_cast %swap3A_184 : vector<1x16xf32> to vector<16xf32>
        %swap3A_186 = vector.shape_cast %mul3A_181 : vector<16xf32> to vector<1x16xf32>
        tpu.vector_store %arg11[%swap3A_182, %swap3A_183], %swap3A_186 {strides = array<i32>} : memref<80x64xf32, #tpu.memory_space<vmem>>, vector<1x16xf32>,
        %get3A_187 = arith.index_cast %add3A_154 : i32 to index
        %get3A_188 = arith.constant 48 : index
        %get3A_189 = tpu.vector_load %arg11[%get3A_187, %get3A_188] {strides = array<i32>} : memref<80x64xf32, #tpu.memory_space<vmem>>, vector<1x16xf32>,
        %get3A_190 = vector.shape_cast %get3A_189 : vector<1x16xf32> to vector<16xf32>
        %mul3A_191 = arith.mulf %get3A_190, %get3A_157 : vector<16xf32>
        %swap3A_192 = arith.index_cast %add3A_154 : i32 to index
        %swap3A_193 = arith.constant 48 : index
        %swap3A_194 = tpu.vector_load %arg11[%swap3A_192, %swap3A_193] {strides = array<i32>} : memref<80x64xf32, #tpu.memory_space<vmem>>, vector<1x16xf32>,
        %swap3A_195 = vector.shape_cast %swap3A_194 : vector<1x16xf32> to vector<16xf32>
        %swap3A_196 = vector.shape_cast %mul3A_191 : vector<16xf32> to vector<1x16xf32>
        tpu.vector_store %arg11[%swap3A_192, %swap3A_193], %swap3A_196 {strides = array<i32>} : memref<80x64xf32, #tpu.memory_space<vmem>>, vector<1x16xf32>,
        %mul3A_197 = arith.constant 8 : i32
        %mul3A_198 = arith.muli %scan3A_150, %mul3A_197 : i32
        %add3A_199 = arith.constant 1 : i32
        %add3A_200 = arith.addi %mul3A_198, %add3A_199 : i32
        %get3A_201 = arith.index_cast %add3A_200 : i32 to index
        %get3A_202 = arith.constant 0 : index
        %get3A_203 = tpu.vector_load %arg13[%get3A_201, %get3A_202] {strides = array<i32>} : memref<80x16xf32, #tpu.memory_space<vmem>>, vector<1x16xf32>,
        %get3A_204 = vector.shape_cast %get3A_203 : vector<1x16xf32> to vector<16xf32>
        %get3A_205 = arith.index_cast %add3A_200 : i32 to index
        %get3A_206 = arith.constant 0 : index
        %get3A_207 = tpu.vector_load %arg11[%get3A_205, %get3A_206] {strides = array<i32>} : memref<80x64xf32, #tpu.memory_space<vmem>>, vector<1x16xf32>,
        %get3A_208 = vector.shape_cast %get3A_207 : vector<1x16xf32> to vector<16xf32>
        %mul3A_209 = arith.mulf %get3A_208, %get3A_204 : vector<16xf32>
        %swap3A_210 = arith.index_cast %add3A_200 : i32 to index
        %swap3A_211 = arith.constant 0 : index
        %swap3A_212 = tpu.vector_load %arg11[%swap3A_210, %swap3A_211] {strides = array<i32>} : memref<80x64xf32, #tpu.memory_space<vmem>>, vector<1x16xf32>,
        %swap3A_213 = vector.shape_cast %swap3A_212 : vector<1x16xf32> to vector<16xf32>
        %swap3A_214 = vector.shape_cast %mul3A_209 : vector<16xf32> to vector<1x16xf32>
        tpu.vector_store %arg11[%swap3A_210, %swap3A_211], %swap3A_214 {strides = array<i32>} : memref<80x64xf32, #tpu.memory_space<vmem>>, vector<1x16xf32>,
        %get3A_215 = arith.index_cast %add3A_200 : i32 to index
        %get3A_216 = arith.constant 16 : index
        %get3A_217 = tpu.vector_load %arg11[%get3A_215, %get3A_216] {strides = array<i32>} : memref<80x64xf32, #tpu.memory_space<vmem>>, vector<1x16xf32>,
        %get3A_218 = vector.shape_cast %get3A_217 : vector<1x16xf32> to vector<16xf32>
        %mul3A_219 = arith.mulf %get3A_218, %get3A_204 : vector<16xf32>
        %swap3A_220 = arith.index_cast %add3A_200 : i32 to index
        %swap3A_221 = arith.constant 16 : index
        %swap3A_222 = tpu.vector_load %arg11[%swap3A_220, %swap3A_221] {strides = array<i32>} : memref<80x64xf32, #tpu.memory_space<vmem>>, vector<1x16xf32>,
        %swap3A_223 = vector.shape_cast %swap3A_222 : vector<1x16xf32> to vector<16xf32>
        %swap3A_224 = vector.shape_cast %mul3A_219 : vector<16xf32> to vector<1x16xf32>
        tpu.vector_store %arg11[%swap3A_220, %swap3A_221], %swap3A_224 {strides = array<i32>} : memref<80x64xf32, #tpu.memory_space<vmem>>, vector<1x16xf32>,
        %get3A_225 = arith.index_cast %add3A_200 : i32 to index
        %get3A_226 = arith.constant 32 : index
        %get3A_227 = tpu.vector_load %arg11[%get3A_225, %get3A_226] {strides = array<i32>} : memref<80x64xf32, #tpu.memory_space<vmem>>, vector<1x16xf32>,
        %get3A_228 = vector.shape_cast %get3A_227 : vector<1x16xf32> to vector<16xf32>
        %mul3A_229 = arith.mulf %get3A_228, %get3A_204 : vector<16xf32>
        %swap3A_230 = arith.index_cast %add3A_200 : i32 to index
        %swap3A_231 = arith.constant 32 : index
        %swap3A_232 = tpu.vector_load %arg11[%swap3A_230, %swap3A_231] {strides = array<i32>} : memref<80x64xf32, #tpu.memory_space<vmem>>, vector<1x16xf32>,
        %swap3A_233 = vector.shape_cast %swap3A_232 : vector<1x16xf32> to vector<16xf32>
        %swap3A_234 = vector.shape_cast %mul3A_229 : vector<16xf32> to vector<1x16xf32>
        tpu.vector_store %arg11[%swap3A_230, %swap3A_231], %swap3A_234 {strides = array<i32>} : memref<80x64xf32, #tpu.memory_space<vmem>>, vector<1x16xf32>,
        %get3A_235 = arith.index_cast %add3A_200 : i32 to index
        %get3A_236 = arith.constant 48 : index
        %get3A_237 = tpu.vector_load %arg11[%get3A_235, %get3A_236] {strides = array<i32>} : memref<80x64xf32, #tpu.memory_space<vmem>>, vector<1x16xf32>,
        %get3A_238 = vector.shape_cast %get3A_237 : vector<1x16xf32> to vector<16xf32>
        %mul3A_239 = arith.mulf %get3A_238, %get3A_204 : vector<16xf32>
        %swap3A_240 = arith.index_cast %add3A_200 : i32 to index
        %swap3A_241 = arith.constant 48 : index
        %swap3A_242 = tpu.vector_load %arg11[%swap3A_240, %swap3A_241] {strides = array<i32>} : memref<80x64xf32, #tpu.memory_space<vmem>>, vector<1x16xf32>,
        %swap3A_243 = vector.shape_cast %swap3A_242 : vector<1x16xf32> to vector<16xf32>
        %swap3A_244 = vector.shape_cast %mul3A_239 : vector<16xf32> to vector<1x16xf32>
        tpu.vector_store %arg11[%swap3A_240, %swap3A_241], %swap3A_244 {strides = array<i32>} : memref<80x64xf32, #tpu.memory_space<vmem>>, vector<1x16xf32>,
        %mul3A_245 = arith.constant 8 : i32
        %mul3A_246 = arith.muli %scan3A_150, %mul3A_245 : i32
        %add3A_247 = arith.constant 2 : i32
        %add3A_248 = arith.addi %mul3A_246, %add3A_247 : i32
        %get3A_249 = arith.index_cast %add3A_248 : i32 to index
        %get3A_250 = arith.constant 0 : index
        %get3A_251 = tpu.vector_load %arg13[%get3A_249, %get3A_250] {strides = array<i32>} : memref<80x16xf32, #tpu.memory_space<vmem>>, vector<1x16xf32>,
        %get3A_252 = vector.shape_cast %get3A_251 : vector<1x16xf32> to vector<16xf32>
        %get3A_253 = arith.index_cast %add3A_248 : i32 to index
        %get3A_254 = arith.constant 0 : index
        %get3A_255 = tpu.vector_load %arg11[%get3A_253, %get3A_254] {strides = array<i32>} : memref<80x64xf32, #tpu.memory_space<vmem>>, vector<1x16xf32>,
        %get3A_256 = vector.shape_cast %get3A_255 : vector<1x16xf32> to vector<16xf32>
        %mul3A_257 = arith.mulf %get3A_256, %get3A_252 : vector<16xf32>
        %swap3A_258 = arith.index_cast %add3A_248 : i32 to index
        %swap3A_259 = arith.constant 0 : index
        %swap3A_260 = tpu.vector_load %arg11[%swap3A_258, %swap3A_259] {strides = array<i32>} : memref<80x64xf32, #tpu.memory_space<vmem>>, vector<1x16xf32>,
        %swap3A_261 = vector.shape_cast %swap3A_260 : vector<1x16xf32> to vector<16xf32>
        %swap3A_262 = vector.shape_cast %mul3A_257 : vector<16xf32> to vector<1x16xf32>
        tpu.vector_store %arg11[%swap3A_258, %swap3A_259], %swap3A_262 {strides = array<i32>} : memref<80x64xf32, #tpu.memory_space<vmem>>, vector<1x16xf32>,
        %get3A_263 = arith.index_cast %add3A_248 : i32 to index
        %get3A_264 = arith.constant 16 : index
        %get3A_265 = tpu.vector_load %arg11[%get3A_263, %get3A_264] {strides = array<i32>} : memref<80x64xf32, #tpu.memory_space<vmem>>, vector<1x16xf32>,
        %get3A_266 = vector.shape_cast %get3A_265 : vector<1x16xf32> to vector<16xf32>
        %mul3A_267 = arith.mulf %get3A_266, %get3A_252 : vector<16xf32>
        %swap3A_268 = arith.index_cast %add3A_248 : i32 to index
        %swap3A_269 = arith.constant 16 : index
        %swap3A_270 = tpu.vector_load %arg11[%swap3A_268, %swap3A_269] {strides = array<i32>} : memref<80x64xf32, #tpu.memory_space<vmem>>, vector<1x16xf32>,
        %swap3A_271 = vector.shape_cast %swap3A_270 : vector<1x16xf32> to vector<16xf32>
        %swap3A_272 = vector.shape_cast %mul3A_267 : vector<16xf32> to vector<1x16xf32>
        tpu.vector_store %arg11[%swap3A_268, %swap3A_269], %swap3A_272 {strides = array<i32>} : memref<80x64xf32, #tpu.memory_space<vmem>>, vector<1x16xf32>,
        %get3A_273 = arith.index_cast %add3A_248 : i32 to index
        %get3A_274 = arith.constant 32 : index
        %get3A_275 = tpu.vector_load %arg11[%get3A_273, %get3A_274] {strides = array<i32>} : memref<80x64xf32, #tpu.memory_space<vmem>>, vector<1x16xf32>,
        %get3A_276 = vector.shape_cast %get3A_275 : vector<1x16xf32> to vector<16xf32>
        %mul3A_277 = arith.mulf %get3A_276, %get3A_252 : vector<16xf32>
        %swap3A_278 = arith.index_cast %add3A_248 : i32 to index
        %swap3A_279 = arith.constant 32 : index
        %swap3A_280 = tpu.vector_load %arg11[%swap3A_278, %swap3A_279] {strides = array<i32>} : memref<80x64xf32, #tpu.memory_space<vmem>>, vector<1x16xf32>,
        %swap3A_281 = vector.shape_cast %swap3A_280 : vector<1x16xf32> to vector<16xf32>
        %swap3A_282 = vector.shape_cast %mul3A_277 : vector<16xf32> to vector<1x16xf32>
        tpu.vector_store %arg11[%swap3A_278, %swap3A_279], %swap3A_282 {strides = array<i32>} : memref<80x64xf32, #tpu.memory_space<vmem>>, vector<1x16xf32>,
        %get3A_283 = arith.index_cast %add3A_248 : i32 to index
        %get3A_284 = arith.constant 48 : index
        %get3A_285 = tpu.vector_load %arg11[%get3A_283, %get3A_284] {strides = array<i32>} : memref<80x64xf32, #tpu.memory_space<vmem>>, vector<1x16xf32>,
        %get3A_286 = vector.shape_cast %get3A_285 : vector<1x16xf32> to vector<16xf32>
        %mul3A_287 = arith.mulf %get3A_286, %get3A_252 : vector<16xf32>
        %swap3A_288 = arith.index_cast %add3A_248 : i32 to index
        %swap3A_289 = arith.constant 48 : index
        %swap3A_290 = tpu.vector_load %arg11[%swap3A_288, %swap3A_289] {strides = array<i32>} : memref<80x64xf32, #tpu.memory_space<vmem>>, vector<1x16xf32>,
        %swap3A_291 = vector.shape_cast %swap3A_290 : vector<1x16xf32> to vector<16xf32>
        %swap3A_292 = vector.shape_cast %mul3A_287 : vector<16xf32> to vector<1x16xf32>
        tpu.vector_store %arg11[%swap3A_288, %swap3A_289], %swap3A_292 {strides = array<i32>} : memref<80x64xf32, #tpu.memory_space<vmem>>, vector<1x16xf32>,
        %mul3A_293 = arith.constant 8 : i32
        %mul3A_294 = arith.muli %scan3A_150, %mul3A_293 : i32
        %add3A_295 = arith.constant 3 : i32
        %add3A_296 = arith.addi %mul3A_294, %add3A_295 : i32
        %get3A_297 = arith.index_cast %add3A_296 : i32 to index
        %get3A_298 = arith.constant 0 : index
        %get3A_299 = tpu.vector_load %arg13[%get3A_297, %get3A_298] {strides = array<i32>} : memref<80x16xf32, #tpu.memory_space<vmem>>, vector<1x16xf32>,
        %get3A_300 = vector.shape_cast %get3A_299 : vector<1x16xf32> to vector<16xf32>
        %get3A_301 = arith.index_cast %add3A_296 : i32 to index
        %get3A_302 = arith.constant 0 : index
        %get3A_303 = tpu.vector_load %arg11[%get3A_301, %get3A_302] {strides = array<i32>} : memref<80x64xf32, #tpu.memory_space<vmem>>, vector<1x16xf32>,
        %get3A_304 = vector.shape_cast %get3A_303 : vector<1x16xf32> to vector<16xf32>
        %mul3A_305 = arith.mulf %get3A_304, %get3A_300 : vector<16xf32>
        %swap3A_306 = arith.index_cast %add3A_296 : i32 to index
        %swap3A_307 = arith.constant 0 : index
        %swap3A_308 = tpu.vector_load %arg11[%swap3A_306, %swap3A_307] {strides = array<i32>} : memref<80x64xf32, #tpu.memory_space<vmem>>, vector<1x16xf32>,
        %swap3A_309 = vector.shape_cast %swap3A_308 : vector<1x16xf32> to vector<16xf32>
        %swap3A_310 = vector.shape_cast %mul3A_305 : vector<16xf32> to vector<1x16xf32>
        tpu.vector_store %arg11[%swap3A_306, %swap3A_307], %swap3A_310 {strides = array<i32>} : memref<80x64xf32, #tpu.memory_space<vmem>>, vector<1x16xf32>,
        %get3A_311 = arith.index_cast %add3A_296 : i32 to index
        %get3A_312 = arith.constant 16 : index
        %get3A_313 = tpu.vector_load %arg11[%get3A_311, %get3A_312] {strides = array<i32>} : memref<80x64xf32, #tpu.memory_space<vmem>>, vector<1x16xf32>,
        %get3A_314 = vector.shape_cast %get3A_313 : vector<1x16xf32> to vector<16xf32>
        %mul3A_315 = arith.mulf %get3A_314, %get3A_300 : vector<16xf32>
        %swap3A_316 = arith.index_cast %add3A_296 : i32 to index
        %swap3A_317 = arith.constant 16 : index
        %swap3A_318 = tpu.vector_load %arg11[%swap3A_316, %swap3A_317] {strides = array<i32>} : memref<80x64xf32, #tpu.memory_space<vmem>>, vector<1x16xf32>,
        %swap3A_319 = vector.shape_cast %swap3A_318 : vector<1x16xf32> to vector<16xf32>
        %swap3A_320 = vector.shape_cast %mul3A_315 : vector<16xf32> to vector<1x16xf32>
        tpu.vector_store %arg11[%swap3A_316, %swap3A_317], %swap3A_320 {strides = array<i32>} : memref<80x64xf32, #tpu.memory_space<vmem>>, vector<1x16xf32>,
        %get3A_321 = arith.index_cast %add3A_296 : i32 to index
        %get3A_322 = arith.constant 32 : index
        %get3A_323 = tpu.vector_load %arg11[%get3A_321, %get3A_322] {strides = array<i32>} : memref<80x64xf32, #tpu.memory_space<vmem>>, vector<1x16xf32>,
        %get3A_324 = vector.shape_cast %get3A_323 : vector<1x16xf32> to vector<16xf32>
        %mul3A_325 = arith.mulf %get3A_324, %get3A_300 : vector<16xf32>
        %swap3A_326 = arith.index_cast %add3A_296 : i32 to index
        %swap3A_327 = arith.constant 32 : index
        %swap3A_328 = tpu.vector_load %arg11[%swap3A_326, %swap3A_327] {strides = array<i32>} : memref<80x64xf32, #tpu.memory_space<vmem>>, vector<1x16xf32>,
        %swap3A_329 = vector.shape_cast %swap3A_328 : vector<1x16xf32> to vector<16xf32>
        %swap3A_330 = vector.shape_cast %mul3A_325 : vector<16xf32> to vector<1x16xf32>
        tpu.vector_store %arg11[%swap3A_326, %swap3A_327], %swap3A_330 {strides = array<i32>} : memref<80x64xf32, #tpu.memory_space<vmem>>, vector<1x16xf32>,
        %get3A_331 = arith.index_cast %add3A_296 : i32 to index
        %get3A_332 = arith.constant 48 : index
        %get3A_333 = tpu.vector_load %arg11[%get3A_331, %get3A_332] {strides = array<i32>} : memref<80x64xf32, #tpu.memory_space<vmem>>, vector<1x16xf32>,
        %get3A_334 = vector.shape_cast %get3A_333 : vector<1x16xf32> to vector<16xf32>
        %mul3A_335 = arith.mulf %get3A_334, %get3A_300 : vector<16xf32>
        %swap3A_336 = arith.index_cast %add3A_296 : i32 to index
        %swap3A_337 = arith.constant 48 : index
        %swap3A_338 = tpu.vector_load %arg11[%swap3A_336, %swap3A_337] {strides = array<i32>} : memref<80x64xf32, #tpu.memory_space<vmem>>, vector<1x16xf32>,
        %swap3A_339 = vector.shape_cast %swap3A_338 : vector<1x16xf32> to vector<16xf32>
        %swap3A_340 = vector.shape_cast %mul3A_335 : vector<16xf32> to vector<1x16xf32>
        tpu.vector_store %arg11[%swap3A_336, %swap3A_337], %swap3A_340 {strides = array<i32>} : memref<80x64xf32, #tpu.memory_space<vmem>>, vector<1x16xf32>,
        %mul3A_341 = arith.constant 8 : i32
        %mul3A_342 = arith.muli %scan3A_150, %mul3A_341 : i32
        %add3A_343 = arith.constant 4 : i32
        %add3A_344 = arith.addi %mul3A_342, %add3A_343 : i32
        %get3A_345 = arith.index_cast %add3A_344 : i32 to index
        %get3A_346 = arith.constant 0 : index
        %get3A_347 = tpu.vector_load %arg13[%get3A_345, %get3A_346] {strides = array<i32>} : memref<80x16xf32, #tpu.memory_space<vmem>>, vector<1x16xf32>,
        %get3A_348 = vector.shape_cast %get3A_347 : vector<1x16xf32> to vector<16xf32>
        %get3A_349 = arith.index_cast %add3A_344 : i32 to index
        %get3A_350 = arith.constant 0 : index
        %get3A_351 = tpu.vector_load %arg11[%get3A_349, %get3A_350] {strides = array<i32>} : memref<80x64xf32, #tpu.memory_space<vmem>>, vector<1x16xf32>,
        %get3A_352 = vector.shape_cast %get3A_351 : vector<1x16xf32> to vector<16xf32>
        %mul3A_353 = arith.mulf %get3A_352, %get3A_348 : vector<16xf32>
        %swap3A_354 = arith.index_cast %add3A_344 : i32 to index
        %swap3A_355 = arith.constant 0 : index
        %swap3A_356 = tpu.vector_load %arg11[%swap3A_354, %swap3A_355] {strides = array<i32>} : memref<80x64xf32, #tpu.memory_space<vmem>>, vector<1x16xf32>,
        %swap3A_357 = vector.shape_cast %swap3A_356 : vector<1x16xf32> to vector<16xf32>
        %swap3A_358 = vector.shape_cast %mul3A_353 : vector<16xf32> to vector<1x16xf32>
        tpu.vector_store %arg11[%swap3A_354, %swap3A_355], %swap3A_358 {strides = array<i32>} : memref<80x64xf32, #tpu.memory_space<vmem>>, vector<1x16xf32>,
        %get3A_359 = arith.index_cast %add3A_344 : i32 to index
        %get3A_360 = arith.constant 16 : index
        %get3A_361 = tpu.vector_load %arg11[%get3A_359, %get3A_360] {strides = array<i32>} : memref<80x64xf32, #tpu.memory_space<vmem>>, vector<1x16xf32>,
        %get3A_362 = vector.shape_cast %get3A_361 : vector<1x16xf32> to vector<16xf32>
        %mul3A_363 = arith.mulf %get3A_362, %get3A_348 : vector<16xf32>
        %swap3A_364 = arith.index_cast %add3A_344 : i32 to index
        %swap3A_365 = arith.constant 16 : index
        %swap3A_366 = tpu.vector_load %arg11[%swap3A_364, %swap3A_365] {strides = array<i32>} : memref<80x64xf32, #tpu.memory_space<vmem>>, vector<1x16xf32>,
        %swap3A_367 = vector.shape_cast %swap3A_366 : vector<1x16xf32> to vector<16xf32>
        %swap3A_368 = vector.shape_cast %mul3A_363 : vector<16xf32> to vector<1x16xf32>
        tpu.vector_store %arg11[%swap3A_364, %swap3A_365], %swap3A_368 {strides = array<i32>} : memref<80x64xf32, #tpu.memory_space<vmem>>, vector<1x16xf32>,
        %get3A_369 = arith.index_cast %add3A_344 : i32 to index
        %get3A_370 = arith.constant 32 : index
        %get3A_371 = tpu.vector_load %arg11[%get3A_369, %get3A_370] {strides = array<i32>} : memref<80x64xf32, #tpu.memory_space<vmem>>, vector<1x16xf32>,
        %get3A_372 = vector.shape_cast %get3A_371 : vector<1x16xf32> to vector<16xf32>
        %mul3A_373 = arith.mulf %get3A_372, %get3A_348 : vector<16xf32>
        %swap3A_374 = arith.index_cast %add3A_344 : i32 to index
        %swap3A_375 = arith.constant 32 : index
        %swap3A_376 = tpu.vector_load %arg11[%swap3A_374, %swap3A_375] {strides = array<i32>} : memref<80x64xf32, #tpu.memory_space<vmem>>, vector<1x16xf32>,
        %swap3A_377 = vector.shape_cast %swap3A_376 : vector<1x16xf32> to vector<16xf32>
        %swap3A_378 = vector.shape_cast %mul3A_373 : vector<16xf32> to vector<1x16xf32>
        tpu.vector_store %arg11[%swap3A_374, %swap3A_375], %swap3A_378 {strides = array<i32>} : memref<80x64xf32, #tpu.memory_space<vmem>>, vector<1x16xf32>,
        %get3A_379 = arith.index_cast %add3A_344 : i32 to index
        %get3A_380 = arith.constant 48 : index
        %get3A_381 = tpu.vector_load %arg11[%get3A_379, %get3A_380] {strides = array<i32>} : memref<80x64xf32, #tpu.memory_space<vmem>>, vector<1x16xf32>,
        %get3A_382 = vector.shape_cast %get3A_381 : vector<1x16xf32> to vector<16xf32>
        %mul3A_383 = arith.mulf %get3A_382, %get3A_348 : vector<16xf32>
        %swap3A_384 = arith.index_cast %add3A_344 : i32 to index
        %swap3A_385 = arith.constant 48 : index
        %swap3A_386 = tpu.vector_load %arg11[%swap3A_384, %swap3A_385] {strides = array<i32>} : memref<80x64xf32, #tpu.memory_space<vmem>>, vector<1x16xf32>,
        %swap3A_387 = vector.shape_cast %swap3A_386 : vector<1x16xf32> to vector<16xf32>
        %swap3A_388 = vector.shape_cast %mul3A_383 : vector<16xf32> to vector<1x16xf32>
        tpu.vector_store %arg11[%swap3A_384, %swap3A_385], %swap3A_388 {strides = array<i32>} : memref<80x64xf32, #tpu.memory_space<vmem>>, vector<1x16xf32>,
        %mul3A_389 = arith.constant 8 : i32
        %mul3A_390 = arith.muli %scan3A_150, %mul3A_389 : i32
        %add3A_391 = arith.constant 5 : i32
        %add3A_392 = arith.addi %mul3A_390, %add3A_391 : i32
        %get3A_393 = arith.index_cast %add3A_392 : i32 to index
        %get3A_394 = arith.constant 0 : index
        %get3A_395 = tpu.vector_load %arg13[%get3A_393, %get3A_394] {strides = array<i32>} : memref<80x16xf32, #tpu.memory_space<vmem>>, vector<1x16xf32>,
        %get3A_396 = vector.shape_cast %get3A_395 : vector<1x16xf32> to vector<16xf32>
        %get3A_397 = arith.index_cast %add3A_392 : i32 to index
        %get3A_398 = arith.constant 0 : index
        %get3A_399 = tpu.vector_load %arg11[%get3A_397, %get3A_398] {strides = array<i32>} : memref<80x64xf32, #tpu.memory_space<vmem>>, vector<1x16xf32>,
        %get3A_400 = vector.shape_cast %get3A_399 : vector<1x16xf32> to vector<16xf32>
        %mul3A_401 = arith.mulf %get3A_400, %get3A_396 : vector<16xf32>
        %swap3A_402 = arith.index_cast %add3A_392 : i32 to index
        %swap3A_403 = arith.constant 0 : index
        %swap3A_404 = tpu.vector_load %arg11[%swap3A_402, %swap3A_403] {strides = array<i32>} : memref<80x64xf32, #tpu.memory_space<vmem>>, vector<1x16xf32>,
        %swap3A_405 = vector.shape_cast %swap3A_404 : vector<1x16xf32> to vector<16xf32>
        %swap3A_406 = vector.shape_cast %mul3A_401 : vector<16xf32> to vector<1x16xf32>
        tpu.vector_store %arg11[%swap3A_402, %swap3A_403], %swap3A_406 {strides = array<i32>} : memref<80x64xf32, #tpu.memory_space<vmem>>, vector<1x16xf32>,
        %get3A_407 = arith.index_cast %add3A_392 : i32 to index
        %get3A_408 = arith.constant 16 : index
        %get3A_409 = tpu.vector_load %arg11[%get3A_407, %get3A_408] {strides = array<i32>} : memref<80x64xf32, #tpu.memory_space<vmem>>, vector<1x16xf32>,
        %get3A_410 = vector.shape_cast %get3A_409 : vector<1x16xf32> to vector<16xf32>
        %mul3A_411 = arith.mulf %get3A_410, %get3A_396 : vector<16xf32>
        %swap3A_412 = arith.index_cast %add3A_392 : i32 to index
        %swap3A_413 = arith.constant 16 : index
        %swap3A_414 = tpu.vector_load %arg11[%swap3A_412, %swap3A_413] {strides = array<i32>} : memref<80x64xf32, #tpu.memory_space<vmem>>, vector<1x16xf32>,
        %swap3A_415 = vector.shape_cast %swap3A_414 : vector<1x16xf32> to vector<16xf32>
        %swap3A_416 = vector.shape_cast %mul3A_411 : vector<16xf32> to vector<1x16xf32>
        tpu.vector_store %arg11[%swap3A_412, %swap3A_413], %swap3A_416 {strides = array<i32>} : memref<80x64xf32, #tpu.memory_space<vmem>>, vector<1x16xf32>,
        %get3A_417 = arith.index_cast %add3A_392 : i32 to index
        %get3A_418 = arith.constant 32 : index
        %get3A_419 = tpu.vector_load %arg11[%get3A_417, %get3A_418] {strides = array<i32>} : memref<80x64xf32, #tpu.memory_space<vmem>>, vector<1x16xf32>,
        %get3A_420 = vector.shape_cast %get3A_419 : vector<1x16xf32> to vector<16xf32>
        %mul3A_421 = arith.mulf %get3A_420, %get3A_396 : vector<16xf32>
        %swap3A_422 = arith.index_cast %add3A_392 : i32 to index
        %swap3A_423 = arith.constant 32 : index
        %swap3A_424 = tpu.vector_load %arg11[%swap3A_422, %swap3A_423] {strides = array<i32>} : memref<80x64xf32, #tpu.memory_space<vmem>>, vector<1x16xf32>,
        %swap3A_425 = vector.shape_cast %swap3A_424 : vector<1x16xf32> to vector<16xf32>
        %swap3A_426 = vector.shape_cast %mul3A_421 : vector<16xf32> to vector<1x16xf32>
        tpu.vector_store %arg11[%swap3A_422, %swap3A_423], %swap3A_426 {strides = array<i32>} : memref<80x64xf32, #tpu.memory_space<vmem>>, vector<1x16xf32>,
        %get3A_427 = arith.index_cast %add3A_392 : i32 to index
        %get3A_428 = arith.constant 48 : index
        %get3A_429 = tpu.vector_load %arg11[%get3A_427, %get3A_428] {strides = array<i32>} : memref<80x64xf32, #tpu.memory_space<vmem>>, vector<1x16xf32>,
        %get3A_430 = vector.shape_cast %get3A_429 : vector<1x16xf32> to vector<16xf32>
        %mul3A_431 = arith.mulf %get3A_430, %get3A_396 : vector<16xf32>
        %swap3A_432 = arith.index_cast %add3A_392 : i32 to index
        %swap3A_433 = arith.constant 48 : index
        %swap3A_434 = tpu.vector_load %arg11[%swap3A_432, %swap3A_433] {strides = array<i32>} : memref<80x64xf32, #tpu.memory_space<vmem>>, vector<1x16xf32>,
        %swap3A_435 = vector.shape_cast %swap3A_434 : vector<1x16xf32> to vector<16xf32>
        %swap3A_436 = vector.shape_cast %mul3A_431 : vector<16xf32> to vector<1x16xf32>
        tpu.vector_store %arg11[%swap3A_432, %swap3A_433], %swap3A_436 {strides = array<i32>} : memref<80x64xf32, #tpu.memory_space<vmem>>, vector<1x16xf32>,
        %mul3A_437 = arith.constant 8 : i32
        %mul3A_438 = arith.muli %scan3A_150, %mul3A_437 : i32
        %add3A_439 = arith.constant 6 : i32
        %add3A_440 = arith.addi %mul3A_438, %add3A_439 : i32
        %get3A_441 = arith.index_cast %add3A_440 : i32 to index
        %get3A_442 = arith.constant 0 : index
        %get3A_443 = tpu.vector_load %arg13[%get3A_441, %get3A_442] {strides = array<i32>} : memref<80x16xf32, #tpu.memory_space<vmem>>, vector<1x16xf32>,
        %get3A_444 = vector.shape_cast %get3A_443 : vector<1x16xf32> to vector<16xf32>
        %get3A_445 = arith.index_cast %add3A_440 : i32 to index
        %get3A_446 = arith.constant 0 : index
        %get3A_447 = tpu.vector_load %arg11[%get3A_445, %get3A_446] {strides = array<i32>} : memref<80x64xf32, #tpu.memory_space<vmem>>, vector<1x16xf32>,
        %get3A_448 = vector.shape_cast %get3A_447 : vector<1x16xf32> to vector<16xf32>
        %mul3A_449 = arith.mulf %get3A_448, %get3A_444 : vector<16xf32>
        %swap3A_450 = arith.index_cast %add3A_440 : i32 to index
        %swap3A_451 = arith.constant 0 : index
        %swap3A_452 = tpu.vector_load %arg11[%swap3A_450, %swap3A_451] {strides = array<i32>} : memref<80x64xf32, #tpu.memory_space<vmem>>, vector<1x16xf32>,
        %swap3A_453 = vector.shape_cast %swap3A_452 : vector<1x16xf32> to vector<16xf32>
        %swap3A_454 = vector.shape_cast %mul3A_449 : vector<16xf32> to vector<1x16xf32>
        tpu.vector_store %arg11[%swap3A_450, %swap3A_451], %swap3A_454 {strides = array<i32>} : memref<80x64xf32, #tpu.memory_space<vmem>>, vector<1x16xf32>,
        %get3A_455 = arith.index_cast %add3A_440 : i32 to index
        %get3A_456 = arith.constant 16 : index
        %get3A_457 = tpu.vector_load %arg11[%get3A_455, %get3A_456] {strides = array<i32>} : memref<80x64xf32, #tpu.memory_space<vmem>>, vector<1x16xf32>,
        %get3A_458 = vector.shape_cast %get3A_457 : vector<1x16xf32> to vector<16xf32>
        %mul3A_459 = arith.mulf %get3A_458, %get3A_444 : vector<16xf32>
        %swap3A_460 = arith.index_cast %add3A_440 : i32 to index
        %swap3A_461 = arith.constant 16 : index
        %swap3A_462 = tpu.vector_load %arg11[%swap3A_460, %swap3A_461] {strides = array<i32>} : memref<80x64xf32, #tpu.memory_space<vmem>>, vector<1x16xf32>,
        %swap3A_463 = vector.shape_cast %swap3A_462 : vector<1x16xf32> to vector<16xf32>
        %swap3A_464 = vector.shape_cast %mul3A_459 : vector<16xf32> to vector<1x16xf32>
        tpu.vector_store %arg11[%swap3A_460, %swap3A_461], %swap3A_464 {strides = array<i32>} : memref<80x64xf32, #tpu.memory_space<vmem>>, vector<1x16xf32>,
        %get3A_465 = arith.index_cast %add3A_440 : i32 to index
        %get3A_466 = arith.constant 32 : index
        %get3A_467 = tpu.vector_load %arg11[%get3A_465, %get3A_466] {strides = array<i32>} : memref<80x64xf32, #tpu.memory_space<vmem>>, vector<1x16xf32>,
        %get3A_468 = vector.shape_cast %get3A_467 : vector<1x16xf32> to vector<16xf32>
        %mul3A_469 = arith.mulf %get3A_468, %get3A_444 : vector<16xf32>
        %swap3A_470 = arith.index_cast %add3A_440 : i32 to index
        %swap3A_471 = arith.constant 32 : index
        %swap3A_472 = tpu.vector_load %arg11[%swap3A_470, %swap3A_471] {strides = array<i32>} : memref<80x64xf32, #tpu.memory_space<vmem>>, vector<1x16xf32>,
        %swap3A_473 = vector.shape_cast %swap3A_472 : vector<1x16xf32> to vector<16xf32>
        %swap3A_474 = vector.shape_cast %mul3A_469 : vector<16xf32> to vector<1x16xf32>
        tpu.vector_store %arg11[%swap3A_470, %swap3A_471], %swap3A_474 {strides = array<i32>} : memref<80x64xf32, #tpu.memory_space<vmem>>, vector<1x16xf32>,
        %get3A_475 = arith.index_cast %add3A_440 : i32 to index
        %get3A_476 = arith.constant 48 : index
        %get3A_477 = tpu.vector_load %arg11[%get3A_475, %get3A_476] {strides = array<i32>} : memref<80x64xf32, #tpu.memory_space<vmem>>, vector<1x16xf32>,
        %get3A_478 = vector.shape_cast %get3A_477 : vector<1x16xf32> to vector<16xf32>
        %mul3A_479 = arith.mulf %get3A_478, %get3A_444 : vector<16xf32>
        %swap3A_480 = arith.index_cast %add3A_440 : i32 to index
        %swap3A_481 = arith.constant 48 : index
        %swap3A_482 = tpu.vector_load %arg11[%swap3A_480, %swap3A_481] {strides = array<i32>} : memref<80x64xf32, #tpu.memory_space<vmem>>, vector<1x16xf32>,
        %swap3A_483 = vector.shape_cast %swap3A_482 : vector<1x16xf32> to vector<16xf32>
        %swap3A_484 = vector.shape_cast %mul3A_479 : vector<16xf32> to vector<1x16xf32>
        tpu.vector_store %arg11[%swap3A_480, %swap3A_481], %swap3A_484 {strides = array<i32>} : memref<80x64xf32, #tpu.memory_space<vmem>>, vector<1x16xf32>,
        %mul3A_485 = arith.constant 8 : i32
        %mul3A_486 = arith.muli %scan3A_150, %mul3A_485 : i32
        %add3A_487 = arith.constant 7 : i32
        %add3A_488 = arith.addi %mul3A_486, %add3A_487 : i32
        %get3A_489 = arith.index_cast %add3A_488 : i32 to index
        %get3A_490 = arith.constant 0 : index
        %get3A_491 = tpu.vector_load %arg13[%get3A_489, %get3A_490] {strides = array<i32>} : memref<80x16xf32, #tpu.memory_space<vmem>>, vector<1x16xf32>,
        %get3A_492 = vector.shape_cast %get3A_491 : vector<1x16xf32> to vector<16xf32>
        %get3A_493 = arith.index_cast %add3A_488 : i32 to index
        %get3A_494 = arith.constant 0 : index
        %get3A_495 = tpu.vector_load %arg11[%get3A_493, %get3A_494] {strides = array<i32>} : memref<80x64xf32, #tpu.memory_space<vmem>>, vector<1x16xf32>,
        %get3A_496 = vector.shape_cast %get3A_495 : vector<1x16xf32> to vector<16xf32>
        %mul3A_497 = arith.mulf %get3A_496, %get3A_492 : vector<16xf32>
        %swap3A_498 = arith.index_cast %add3A_488 : i32 to index
        %swap3A_499 = arith.constant 0 : index
        %swap3A_500 = tpu.vector_load %arg11[%swap3A_498, %swap3A_499] {strides = array<i32>} : memref<80x64xf32, #tpu.memory_space<vmem>>, vector<1x16xf32>,
        %swap3A_501 = vector.shape_cast %swap3A_500 : vector<1x16xf32> to vector<16xf32>
        %swap3A_502 = vector.shape_cast %mul3A_497 : vector<16xf32> to vector<1x16xf32>
        tpu.vector_store %arg11[%swap3A_498, %swap3A_499], %swap3A_502 {strides = array<i32>} : memref<80x64xf32, #tpu.memory_space<vmem>>, vector<1x16xf32>,
        %get3A_503 = arith.index_cast %add3A_488 : i32 to index
        %get3A_504 = arith.constant 16 : index
        %get3A_505 = tpu.vector_load %arg11[%get3A_503, %get3A_504] {strides = array<i32>} : memref<80x64xf32, #tpu.memory_space<vmem>>, vector<1x16xf32>,
        %get3A_506 = vector.shape_cast %get3A_505 : vector<1x16xf32> to vector<16xf32>
        %mul3A_507 = arith.mulf %get3A_506, %get3A_492 : vector<16xf32>
        %swap3A_508 = arith.index_cast %add3A_488 : i32 to index
        %swap3A_509 = arith.constant 16 : index
        %swap3A_510 = tpu.vector_load %arg11[%swap3A_508, %swap3A_509] {strides = array<i32>} : memref<80x64xf32, #tpu.memory_space<vmem>>, vector<1x16xf32>,
        %swap3A_511 = vector.shape_cast %swap3A_510 : vector<1x16xf32> to vector<16xf32>
        %swap3A_512 = vector.shape_cast %mul3A_507 : vector<16xf32> to vector<1x16xf32>
        tpu.vector_store %arg11[%swap3A_508, %swap3A_509], %swap3A_512 {strides = array<i32>} : memref<80x64xf32, #tpu.memory_space<vmem>>, vector<1x16xf32>,
        %get3A_513 = arith.index_cast %add3A_488 : i32 to index
        %get3A_514 = arith.constant 32 : index
        %get3A_515 = tpu.vector_load %arg11[%get3A_513, %get3A_514] {strides = array<i32>} : memref<80x64xf32, #tpu.memory_space<vmem>>, vector<1x16xf32>,
        %get3A_516 = vector.shape_cast %get3A_515 : vector<1x16xf32> to vector<16xf32>
        %mul3A_517 = arith.mulf %get3A_516, %get3A_492 : vector<16xf32>
        %swap3A_518 = arith.index_cast %add3A_488 : i32 to index
        %swap3A_519 = arith.constant 32 : index
        %swap3A_520 = tpu.vector_load %arg11[%swap3A_518, %swap3A_519] {strides = array<i32>} : memref<80x64xf32, #tpu.memory_space<vmem>>, vector<1x16xf32>,
        %swap3A_521 = vector.shape_cast %swap3A_520 : vector<1x16xf32> to vector<16xf32>
        %swap3A_522 = vector.shape_cast %mul3A_517 : vector<16xf32> to vector<1x16xf32>
        tpu.vector_store %arg11[%swap3A_518, %swap3A_519], %swap3A_522 {strides = array<i32>} : memref<80x64xf32, #tpu.memory_space<vmem>>, vector<1x16xf32>,
        %get3A_523 = arith.index_cast %add3A_488 : i32 to index
        %get3A_524 = arith.constant 48 : index
        %get3A_525 = tpu.vector_load %arg11[%get3A_523, %get3A_524] {strides = array<i32>} : memref<80x64xf32, #tpu.memory_space<vmem>>, vector<1x16xf32>,
        %get3A_526 = vector.shape_cast %get3A_525 : vector<1x16xf32> to vector<16xf32>
        %mul3A_527 = arith.mulf %get3A_526, %get3A_492 : vector<16xf32>
        %swap3A_528 = arith.index_cast %add3A_488 : i32 to index
        %swap3A_529 = arith.constant 48 : index
        %swap3A_530 = tpu.vector_load %arg11[%swap3A_528, %swap3A_529] {strides = array<i32>} : memref<80x64xf32, #tpu.memory_space<vmem>>, vector<1x16xf32>,
        %swap3A_531 = vector.shape_cast %swap3A_530 : vector<1x16xf32> to vector<16xf32>
        %swap3A_532 = vector.shape_cast %mul3A_527 : vector<16xf32> to vector<1x16xf32>
        tpu.vector_store %arg11[%swap3A_528, %swap3A_529], %swap3A_532 {strides = array<i32>} : memref<80x64xf32, #tpu.memory_space<vmem>>, vector<1x16xf32>,
      }
      %scan3A_137 = arith.constant 10 : i32
      "tpu.region"() ({
        %run_scoped3A = tpu.sem_alloc : memref<!tpu.dma_semaphore, #tpu.memory_space<semaphore_mem>>
        %dma_start3A_150 = arith.constant 0 : i32
        %dma_start3A_151 = tpu.memref_slice %arg9[%add3A_131, %dma_start3A_150] : memref<250x80xi32, #tpu.memory_space<vmem>> -> memref<1x80xi32, #tpu.memory_space<vmem>>
        %dma_start3A_152 = tpu.memref_squeeze %dma_start3A_151 : memref<1x80xi32, #tpu.memory_space<vmem>> -> memref<80xi32, #tpu.memory_space<vmem>>
        %dma_start3A_153 = arith.constant 0 : i32
        %dma_start3A_154 = arith.constant 0 : i32
        %dma_start3A_155 = tpu.memref_slice %arg16[%dma_start3A_153, %dma_start3A_154] : memref<10240x64xf32, #tpu.memory_space<vmem_shared>> -> memref<10240x64xf32, #tpu.memory_space<vmem_shared>>
        tpu.enqueue_indirect_dma source(%arg11 : memref<80x64xf32, #tpu.memory_space<vmem>>) target(%dma_start3A_155 : memref<10240x64xf32, #tpu.memory_space<vmem_shared>>) offsets(%dma_start3A_152 : memref<80xi32, #tpu.memory_space<vmem>>) semaphore(%run_scoped3A : memref<!tpu.dma_semaphore, #tpu.memory_space<semaphore_mem>>) {add = true}
        %dma_wait3A_156 = arith.constant 0 : i32
        %dma_wait3A_157 = tpu.memref_slice %arg9[%add3A_131, %dma_wait3A_156] : memref<250x80xi32, #tpu.memory_space<vmem>> -> memref<1x80xi32, #tpu.memory_space<vmem>>
        %dma_wait3A_158 = tpu.memref_squeeze %dma_wait3A_157 : memref<1x80xi32, #tpu.memory_space<vmem>> -> memref<80xi32, #tpu.memory_space<vmem>>
        %dma_wait3A_159 = arith.constant 0 : i32
        %dma_wait3A_160 = arith.constant 0 : i32
        %dma_wait3A_161 = tpu.memref_slice %arg16[%dma_wait3A_159, %dma_wait3A_160] : memref<10240x64xf32, #tpu.memory_space<vmem_shared>> -> memref<10240x64xf32, #tpu.memory_space<vmem_shared>>
        tpu.wait_indirect_dma semaphore(%run_scoped3A : memref<!tpu.dma_semaphore, #tpu.memory_space<semaphore_mem>>) src(%arg11 : memref<80x64xf32, #tpu.memory_space<vmem>>) dst(%dma_wait3A_161 : memref<10240x64xf32, #tpu.memory_space<vmem_shared>>)
        tpu.yield
      }) : () -> ()
      %eq3A_138 = arith.constant 0 : i32
      %eq3A_139 = arith.cmpi eq, %arg0, %eq3A_138 : i32
      %convert_element_type3A_140 = arith.extui %eq3A_139 : i1 to i32
      %cond3A_141 = arith.constant 0 : i32
      %cond3A_142 = arith.cmpi ne, %convert_element_type3A_140, %cond3A_141 : i32
      scf.if %cond3A_142 {
        "tpu.region"() ({
          %run_scoped3A = tpu.sem_alloc : memref<!tpu.dma_semaphore, #tpu.memory_space<semaphore_mem>>
          %dma_start3A_150 = arith.constant 0 : i32
          %dma_start3A_151 = tpu.memref_slice %arg9[%add3A_131, %dma_start3A_150] : memref<250x80xi32, #tpu.memory_space<vmem>> -> memref<1x80xi32, #tpu.memory_space<vmem>>
          %dma_start3A_152 = tpu.memref_squeeze %dma_start3A_151 : memref<1x80xi32, #tpu.memory_space<vmem>> -> memref<80xi32, #tpu.memory_space<vmem>>
          %dma_start3A_153 = arith.constant 0 : i32
          %dma_start3A_154 = arith.constant 0 : i32
          %dma_start3A_155 = tpu.memref_slice %arg17[%dma_start3A_153, %dma_start3A_154] : memref<10240x16xf32, #tpu.memory_space<vmem_shared>> -> memref<10240x16xf32, #tpu.memory_space<vmem_shared>>
          tpu.enqueue_indirect_dma source(%arg13 : memref<80x16xf32, #tpu.memory_space<vmem>>) target(%dma_start3A_155 : memref<10240x16xf32, #tpu.memory_space<vmem_shared>>) offsets(%dma_start3A_152 : memref<80xi32, #tpu.memory_space<vmem>>) semaphore(%run_scoped3A : memref<!tpu.dma_semaphore, #tpu.memory_space<semaphore_mem>>) {add = true}
          %dma_wait3A_156 = arith.constant 0 : i32
          %dma_wait3A_157 = tpu.memref_slice %arg9[%add3A_131, %dma_wait3A_156] : memref<250x80xi32, #tpu.memory_space<vmem>> -> memref<1x80xi32, #tpu.memory_space<vmem>>
          %dma_wait3A_158 = tpu.memref_squeeze %dma_wait3A_157 : memref<1x80xi32, #tpu.memory_space<vmem>> -> memref<80xi32, #tpu.memory_space<vmem>>
          %dma_wait3A_159 = arith.constant 0 : i32
          %dma_wait3A_160 = arith.constant 0 : i32
          %dma_wait3A_161 = tpu.memref_slice %arg17[%dma_wait3A_159, %dma_wait3A_160] : memref<10240x16xf32, #tpu.memory_space<vmem_shared>> -> memref<10240x16xf32, #tpu.memory_space<vmem_shared>>
          tpu.wait_indirect_dma semaphore(%run_scoped3A : memref<!tpu.dma_semaphore, #tpu.memory_space<semaphore_mem>>) src(%arg13 : memref<80x16xf32, #tpu.memory_space<vmem>>) dst(%dma_wait3A_161 : memref<10240x16xf32, #tpu.memory_space<vmem_shared>>)
          tpu.yield
        }) : () -> ()
      } else {
      }
      %add3A_143 = arith.constant 3 : i32
      %add3A_144 = arith.addi %mul3A_75, %add3A_143 : i32
      %lt3A_145 = arith.constant 250 : i32
      %lt3A_146 = arith.cmpi slt, %add3A_144, %lt3A_145 : i32
      %convert_element_type3A_147 = arith.extui %lt3A_146 : i1 to i32
      %cond3A_148 = arith.constant 0 : i32
      %cond3A_149 = arith.cmpi ne, %convert_element_type3A_147, %cond3A_148 : i32
      scf.if %cond3A_149 {
        %add3A_150 = arith.constant 3 : i32
        %add3A_151 = arith.addi %mul3A_75, %add3A_150 : i32
        %dma_start3A_152 = arith.constant 0 : i32
        %dma_start3A_153 = tpu.memref_slice %arg8[%add3A_151, %dma_start3A_152] : memref<250x80xi32, #tpu.memory_space<vmem>> -> memref<1x80xi32, #tpu.memory_space<vmem>>
        %dma_start3A_154 = tpu.memref_squeeze %dma_start3A_153 : memref<1x80xi32, #tpu.memory_space<vmem>> -> memref<80xi32, #tpu.memory_space<vmem>>
        %dma_start3A_155 = arith.constant 0 : i32
        %dma_start3A_156 = arith.constant 0 : i32
        %dma_start3A_157 = tpu.memref_slice %arg5[%arg0, %dma_start3A_155, %dma_start3A_156] : memref<2x10000x64xf32, #tpu.memory_space<hbm>> -> memref<1x10000x64xf32, #tpu.memory_space<hbm>>
        %dma_start3A_158 = tpu.memref_squeeze %dma_start3A_157 : memref<1x10000x64xf32, #tpu.memory_space<hbm>> -> memref<10000x64xf32, #tpu.memory_space<hbm>>
        %dma_start3A_159 = arith.constant 0 : i32
        %dma_start3A_160 = arith.constant 0 : i32
        %dma_start3A_161 = tpu.memref_slice %dma_start3A_158[%dma_start3A_159, %dma_start3A_160] : memref<10000x64xf32, #tpu.memory_space<hbm>> -> memref<10000x64xf32, #tpu.memory_space<hbm>>
        tpu.enqueue_indirect_dma source(%dma_start3A_161 : memref<10000x64xf32, #tpu.memory_space<hbm>>) target(%arg11 : memref<80x64xf32, #tpu.memory_space<vmem>>) offsets(%dma_start3A_154 : memref<80xi32, #tpu.memory_space<vmem>>) semaphore(%arg19 : memref<!tpu.dma_semaphore, #tpu.memory_space<semaphore_mem>>)
        %dma_start3A_162 = arith.constant 0 : i32
        %dma_start3A_163 = arith.constant 0 : i32
        %dma_start3A_164 = tpu.memref_slice %arg4[%arg1, %add3A_151, %dma_start3A_162, %dma_start3A_163] : memref<16x250x80x16xf32, #tpu.memory_space<hbm>> -> memref<1x1x80x16xf32, #tpu.memory_space<hbm>>
        %dma_start3A_165 = tpu.memref_squeeze %dma_start3A_164 : memref<1x1x80x16xf32, #tpu.memory_space<hbm>> -> memref<80x16xf32, #tpu.memory_space<hbm>>
        %dma_start3A_166 = arith.constant 0 : i32
        %dma_start3A_167 = arith.constant 0 : i32
        %dma_start3A_168 = tpu.memref_slice %arg4[%arg1, %add3A_151, %dma_start3A_166, %dma_start3A_167] : memref<16x250x80x16xf32, #tpu.memory_space<hbm>> -> memref<1x1x80x16xf32, #tpu.memory_space<hbm>>
        %dma_start3A_169 = tpu.memref_squeeze %dma_start3A_168 : memref<1x1x80x16xf32, #tpu.memory_space<hbm>> -> memref<80x16xf32, #tpu.memory_space<hbm>>
        tpu.enqueue_dma source(%dma_start3A_169 : memref<80x16xf32, #tpu.memory_space<hbm>>) target(%arg13 : memref<80x16xf32, #tpu.memory_space<vmem>>) target_semaphore(%arg19 : memref<!tpu.dma_semaphore, #tpu.memory_space<semaphore_mem>>)
      } else {
      }
    }
    %scan3A_67 = arith.constant 125 : i32
    %barrier3A_68 = arith.constant 0 : index
    tpu.barrier barrier_id(%barrier3A_68)
    %mul3A_69 = arith.constant 640 : i32
    %mul3A_70 = arith.muli %arg1, %mul3A_69 : i32
    "tpu.region"() ({
      %run_scoped3A = tpu.sem_alloc : memref<!tpu.dma_semaphore, #tpu.memory_space<semaphore_mem>>
      %dma_start3A_73 = arith.constant 0 : i32
      %dma_start3A_74 = tpu.memref_slice %arg6[%arg0, %mul3A_70, %dma_start3A_73] : memref<2x10240x64xf32, #tpu.memory_space<hbm>> -> memref<1x640x64xf32, #tpu.memory_space<hbm>>
      %dma_start3A_75 = tpu.memref_squeeze %dma_start3A_74 : memref<1x640x64xf32, #tpu.memory_space<hbm>> -> memref<640x64xf32, #tpu.memory_space<hbm>>
      %dma_start3A_76 = arith.constant 0 : i32
      %dma_start3A_77 = tpu.memref_slice %arg16[%mul3A_70, %dma_start3A_76] : memref<10240x64xf32, #tpu.memory_space<vmem_shared>> -> memref<640x64xf32, #tpu.memory_space<vmem_shared>>
      tpu.enqueue_dma source(%dma_start3A_77 : memref<640x64xf32, #tpu.memory_space<vmem_shared>>) target(%dma_start3A_75 : memref<640x64xf32, #tpu.memory_space<hbm>>) target_semaphore(%run_scoped3A : memref<!tpu.dma_semaphore, #tpu.memory_space<semaphore_mem>>)
      %dma_wait3A = arith.constant 0 : i32
      %dma_wait3A_78 = tpu.memref_slice %arg6[%arg0, %mul3A_70, %dma_wait3A] : memref<2x10240x64xf32, #tpu.memory_space<hbm>> -> memref<1x640x64xf32, #tpu.memory_space<hbm>>
      %dma_wait3A_79 = tpu.memref_squeeze %dma_wait3A_78 : memref<1x640x64xf32, #tpu.memory_space<hbm>> -> memref<640x64xf32, #tpu.memory_space<hbm>>
      %dma_wait3A_80 = arith.constant 0 : i32
      %dma_wait3A_81 = tpu.memref_slice %arg16[%mul3A_70, %dma_wait3A_80] : memref<10240x64xf32, #tpu.memory_space<vmem_shared>> -> memref<640x64xf32, #tpu.memory_space<vmem_shared>>
      tpu.wait_dma2 semaphore(%run_scoped3A : memref<!tpu.dma_semaphore, #tpu.memory_space<semaphore_mem>>) src(%dma_wait3A_81 : memref<640x64xf32, #tpu.memory_space<vmem_shared>>) dst(%dma_wait3A_79 : memref<640x64xf32, #tpu.memory_space<hbm>>)
      tpu.yield
    }) : () -> ()
    %eq3A = arith.constant 0 : i32
    %eq3A_71 = arith.cmpi eq, %arg0, %eq3A : i32
    %convert_element_type3A = arith.extui %eq3A_71 : i1 to i32
    %cond3A = arith.constant 0 : i32
    %cond3A_72 = arith.cmpi ne, %convert_element_type3A, %cond3A : i32
    scf.if %cond3A_72 {
      "tpu.region"() ({
        %run_scoped3A = tpu.sem_alloc : memref<!tpu.dma_semaphore, #tpu.memory_space<semaphore_mem>>
        %dma_start3A_73 = arith.constant 0 : i32
        %dma_start3A_74 = tpu.memref_slice %arg7[%mul3A_70, %dma_start3A_73] : memref<10240x16xf32, #tpu.memory_space<hbm>> -> memref<640x16xf32, #tpu.memory_space<hbm>>
        %dma_start3A_75 = arith.constant 0 : i32
        %dma_start3A_76 = tpu.memref_slice %arg17[%mul3A_70, %dma_start3A_75] : memref<10240x16xf32, #tpu.memory_space<vmem_shared>> -> memref<640x16xf32, #tpu.memory_space<vmem_shared>>
        tpu.enqueue_dma source(%dma_start3A_76 : memref<640x16xf32, #tpu.memory_space<vmem_shared>>) target(%dma_start3A_74 : memref<640x16xf32, #tpu.memory_space<hbm>>) target_semaphore(%run_scoped3A : memref<!tpu.dma_semaphore, #tpu.memory_space<semaphore_mem>>)
        %dma_wait3A = arith.constant 0 : i32
        %dma_wait3A_77 = tpu.memref_slice %arg7[%mul3A_70, %dma_wait3A] : memref<10240x16xf32, #tpu.memory_space<hbm>> -> memref<640x16xf32, #tpu.memory_space<hbm>>
        %dma_wait3A_78 = arith.constant 0 : i32
        %dma_wait3A_79 = tpu.memref_slice %arg17[%mul3A_70, %dma_wait3A_78] : memref<10240x16xf32, #tpu.memory_space<vmem_shared>> -> memref<640x16xf32, #tpu.memory_space<vmem_shared>>
        tpu.wait_dma2 semaphore(%run_scoped3A : memref<!tpu.dma_semaphore, #tpu.memory_space<semaphore_mem>>) src(%dma_wait3A_79 : memref<640x16xf32, #tpu.memory_space<vmem_shared>>) dst(%dma_wait3A_77 : memref<640x16xf32, #tpu.memory_space<hbm>>)
        tpu.yield
      }) : () -> ()
    } else {
    }
    return
  }
}

#map = affine_map<(d0, d1) -> (0, 0, 0)>
#map1 = affine_map<(d0, d1) -> (0, 0, 0, 0)>
module attributes {stable_mosaic.version = 14 : i64} {
  func.func @_edge_body_noden(%arg0: i32, %arg1: i32, %arg2: memref<16x250x80xi32, #tpu.memory_space<hbm>>, %arg3: memref<16x250x80xi32, #tpu.memory_space<hbm>>, %arg4: memref<16x250x80x16xf32, #tpu.memory_space<hbm>>, %arg5: memref<2x10000x32xf32, #tpu.memory_space<hbm>>, %arg6: memref<2x10240x32xf32, #tpu.memory_space<hbm>>, %arg7: memref<250x80xi32, #tpu.memory_space<vmem>>, %arg8: memref<250x80xi32, #tpu.memory_space<vmem>>, %arg9: memref<80x32xf32, #tpu.memory_space<vmem>>, %arg10: memref<80x32xf32, #tpu.memory_space<vmem>>, %arg11: memref<80x16xf32, #tpu.memory_space<vmem>>, %arg12: memref<80x16xf32, #tpu.memory_space<vmem>>, %arg13: memref<128x32xf32, #tpu.memory_space<vmem>>, %arg14: memref<10240x32xf32, #tpu.memory_space<vmem_shared>>, %arg15: memref<!tpu.dma_semaphore, #tpu.memory_space<semaphore_mem>>, %arg16: memref<!tpu.dma_semaphore, #tpu.memory_space<semaphore_mem>>, %arg17: memref<!tpu.dma_semaphore, #tpu.memory_space<semaphore_mem>>, %arg18: memref<!tpu.dma_semaphore, #tpu.memory_space<semaphore_mem>>) attributes {dimension_semantics = [#tpu.dimension_semantics<core_parallel>, #tpu.dimension_semantics<subcore_parallel>], iteration_bounds = array<i64: 2, 16>, scalar_prefetch = 0 : i64, scratch_operands = 12 : i64, tpu.core_type = #tpu.core_type<sc_vector_subcore>, window_params = [{transform_indices = #map}, {transform_indices = #map}, {transform_indices = #map1}, {transform_indices = #map}, {transform_indices = #map}]} {
    %scan3A = arith.constant 0 : i32
    %scan3A_0 = arith.constant 0 : i32
    %scan3A_1 = arith.constant 128 : i32
    %scan3A_2 = arith.addi %scan3A_0, %scan3A_1 : i32
    %scan3A_3 = arith.constant 1 : i32
    scf.for %scan3A_71 = %scan3A_0 to %scan3A_2 step %scan3A_3  : i32 {
      %broadcast_in_dim3A = arith.constant 0.000000e+00 : f32
      %broadcast_in_dim3A_72 = vector.broadcast %broadcast_in_dim3A : f32 to vector<16xf32>
      %swap3A = arith.index_cast %scan3A_71 : i32 to index
      %swap3A_73 = arith.constant 0 : index
      %swap3A_74 = tpu.vector_load %arg13[%swap3A, %swap3A_73] {strides = array<i32>} : memref<128x32xf32, #tpu.memory_space<vmem>>, vector<1x16xf32>,
      %swap3A_75 = vector.shape_cast %swap3A_74 : vector<1x16xf32> to vector<16xf32>
      %swap3A_76 = vector.shape_cast %broadcast_in_dim3A_72 : vector<16xf32> to vector<1x16xf32>
      tpu.vector_store %arg13[%swap3A, %swap3A_73], %swap3A_76 {strides = array<i32>} : memref<128x32xf32, #tpu.memory_space<vmem>>, vector<1x16xf32>,
      %broadcast_in_dim3A_77 = arith.constant 0.000000e+00 : f32
      %broadcast_in_dim3A_78 = vector.broadcast %broadcast_in_dim3A_77 : f32 to vector<16xf32>
      %swap3A_79 = arith.index_cast %scan3A_71 : i32 to index
      %swap3A_80 = arith.constant 16 : index
      %swap3A_81 = tpu.vector_load %arg13[%swap3A_79, %swap3A_80] {strides = array<i32>} : memref<128x32xf32, #tpu.memory_space<vmem>>, vector<1x16xf32>,
      %swap3A_82 = vector.shape_cast %swap3A_81 : vector<1x16xf32> to vector<16xf32>
      %swap3A_83 = vector.shape_cast %broadcast_in_dim3A_78 : vector<16xf32> to vector<1x16xf32>
      tpu.vector_store %arg13[%swap3A_79, %swap3A_80], %swap3A_83 {strides = array<i32>} : memref<128x32xf32, #tpu.memory_space<vmem>>, vector<1x16xf32>,
    }
    %scan3A_4 = arith.constant 128 : i32
    %mul3A = arith.constant 640 : i32
    %mul3A_5 = arith.muli %arg1, %mul3A : i32
    %add3A = arith.constant 0 : i32
    %add3A_6 = arith.addi %mul3A_5, %add3A : i32
    "tpu.region"() ({
      %run_scoped3A = tpu.sem_alloc : memref<!tpu.dma_semaphore, #tpu.memory_space<semaphore_mem>>
      %dma_start3A_71 = arith.constant 0 : i32
      %dma_start3A_72 = tpu.memref_slice %arg14[%add3A_6, %dma_start3A_71] : memref<10240x32xf32, #tpu.memory_space<vmem_shared>> -> memref<128x32xf32, #tpu.memory_space<vmem_shared>>
      %dma_start3A_73 = arith.constant 0 : i32
      %dma_start3A_74 = tpu.memref_slice %arg14[%add3A_6, %dma_start3A_73] : memref<10240x32xf32, #tpu.memory_space<vmem_shared>> -> memref<128x32xf32, #tpu.memory_space<vmem_shared>>
      tpu.enqueue_dma source(%arg13 : memref<128x32xf32, #tpu.memory_space<vmem>>) target(%dma_start3A_74 : memref<128x32xf32, #tpu.memory_space<vmem_shared>>) target_semaphore(%run_scoped3A : memref<!tpu.dma_semaphore, #tpu.memory_space<semaphore_mem>>)
      %dma_wait3A = arith.constant 0 : i32
      %dma_wait3A_75 = tpu.memref_slice %arg14[%add3A_6, %dma_wait3A] : memref<10240x32xf32, #tpu.memory_space<vmem_shared>> -> memref<128x32xf32, #tpu.memory_space<vmem_shared>>
      %dma_wait3A_76 = arith.constant 0 : i32
      %dma_wait3A_77 = tpu.memref_slice %arg14[%add3A_6, %dma_wait3A_76] : memref<10240x32xf32, #tpu.memory_space<vmem_shared>> -> memref<128x32xf32, #tpu.memory_space<vmem_shared>>
      tpu.wait_dma2 semaphore(%run_scoped3A : memref<!tpu.dma_semaphore, #tpu.memory_space<semaphore_mem>>) src(%arg13 : memref<128x32xf32, #tpu.memory_space<vmem>>) dst(%dma_wait3A_77 : memref<128x32xf32, #tpu.memory_space<vmem_shared>>)
      tpu.yield
    }) : () -> ()
    %mul3A_7 = arith.constant 640 : i32
    %mul3A_8 = arith.muli %arg1, %mul3A_7 : i32
    %add3A_9 = arith.constant 128 : i32
    %add3A_10 = arith.addi %mul3A_8, %add3A_9 : i32
    "tpu.region"() ({
      %run_scoped3A = tpu.sem_alloc : memref<!tpu.dma_semaphore, #tpu.memory_space<semaphore_mem>>
      %dma_start3A_71 = arith.constant 0 : i32
      %dma_start3A_72 = tpu.memref_slice %arg14[%add3A_10, %dma_start3A_71] : memref<10240x32xf32, #tpu.memory_space<vmem_shared>> -> memref<128x32xf32, #tpu.memory_space<vmem_shared>>
      %dma_start3A_73 = arith.constant 0 : i32
      %dma_start3A_74 = tpu.memref_slice %arg14[%add3A_10, %dma_start3A_73] : memref<10240x32xf32, #tpu.memory_space<vmem_shared>> -> memref<128x32xf32, #tpu.memory_space<vmem_shared>>
      tpu.enqueue_dma source(%arg13 : memref<128x32xf32, #tpu.memory_space<vmem>>) target(%dma_start3A_74 : memref<128x32xf32, #tpu.memory_space<vmem_shared>>) target_semaphore(%run_scoped3A : memref<!tpu.dma_semaphore, #tpu.memory_space<semaphore_mem>>)
      %dma_wait3A = arith.constant 0 : i32
      %dma_wait3A_75 = tpu.memref_slice %arg14[%add3A_10, %dma_wait3A] : memref<10240x32xf32, #tpu.memory_space<vmem_shared>> -> memref<128x32xf32, #tpu.memory_space<vmem_shared>>
      %dma_wait3A_76 = arith.constant 0 : i32
      %dma_wait3A_77 = tpu.memref_slice %arg14[%add3A_10, %dma_wait3A_76] : memref<10240x32xf32, #tpu.memory_space<vmem_shared>> -> memref<128x32xf32, #tpu.memory_space<vmem_shared>>
      tpu.wait_dma2 semaphore(%run_scoped3A : memref<!tpu.dma_semaphore, #tpu.memory_space<semaphore_mem>>) src(%arg13 : memref<128x32xf32, #tpu.memory_space<vmem>>) dst(%dma_wait3A_77 : memref<128x32xf32, #tpu.memory_space<vmem_shared>>)
      tpu.yield
    }) : () -> ()
    %mul3A_11 = arith.constant 640 : i32
    %mul3A_12 = arith.muli %arg1, %mul3A_11 : i32
    %add3A_13 = arith.constant 256 : i32
    %add3A_14 = arith.addi %mul3A_12, %add3A_13 : i32
    "tpu.region"() ({
      %run_scoped3A = tpu.sem_alloc : memref<!tpu.dma_semaphore, #tpu.memory_space<semaphore_mem>>
      %dma_start3A_71 = arith.constant 0 : i32
      %dma_start3A_72 = tpu.memref_slice %arg14[%add3A_14, %dma_start3A_71] : memref<10240x32xf32, #tpu.memory_space<vmem_shared>> -> memref<128x32xf32, #tpu.memory_space<vmem_shared>>
      %dma_start3A_73 = arith.constant 0 : i32
      %dma_start3A_74 = tpu.memref_slice %arg14[%add3A_14, %dma_start3A_73] : memref<10240x32xf32, #tpu.memory_space<vmem_shared>> -> memref<128x32xf32, #tpu.memory_space<vmem_shared>>
      tpu.enqueue_dma source(%arg13 : memref<128x32xf32, #tpu.memory_space<vmem>>) target(%dma_start3A_74 : memref<128x32xf32, #tpu.memory_space<vmem_shared>>) target_semaphore(%run_scoped3A : memref<!tpu.dma_semaphore, #tpu.memory_space<semaphore_mem>>)
      %dma_wait3A = arith.constant 0 : i32
      %dma_wait3A_75 = tpu.memref_slice %arg14[%add3A_14, %dma_wait3A] : memref<10240x32xf32, #tpu.memory_space<vmem_shared>> -> memref<128x32xf32, #tpu.memory_space<vmem_shared>>
      %dma_wait3A_76 = arith.constant 0 : i32
      %dma_wait3A_77 = tpu.memref_slice %arg14[%add3A_14, %dma_wait3A_76] : memref<10240x32xf32, #tpu.memory_space<vmem_shared>> -> memref<128x32xf32, #tpu.memory_space<vmem_shared>>
      tpu.wait_dma2 semaphore(%run_scoped3A : memref<!tpu.dma_semaphore, #tpu.memory_space<semaphore_mem>>) src(%arg13 : memref<128x32xf32, #tpu.memory_space<vmem>>) dst(%dma_wait3A_77 : memref<128x32xf32, #tpu.memory_space<vmem_shared>>)
      tpu.yield
    }) : () -> ()
    %mul3A_15 = arith.constant 640 : i32
    %mul3A_16 = arith.muli %arg1, %mul3A_15 : i32
    %add3A_17 = arith.constant 384 : i32
    %add3A_18 = arith.addi %mul3A_16, %add3A_17 : i32
    "tpu.region"() ({
      %run_scoped3A = tpu.sem_alloc : memref<!tpu.dma_semaphore, #tpu.memory_space<semaphore_mem>>
      %dma_start3A_71 = arith.constant 0 : i32
      %dma_start3A_72 = tpu.memref_slice %arg14[%add3A_18, %dma_start3A_71] : memref<10240x32xf32, #tpu.memory_space<vmem_shared>> -> memref<128x32xf32, #tpu.memory_space<vmem_shared>>
      %dma_start3A_73 = arith.constant 0 : i32
      %dma_start3A_74 = tpu.memref_slice %arg14[%add3A_18, %dma_start3A_73] : memref<10240x32xf32, #tpu.memory_space<vmem_shared>> -> memref<128x32xf32, #tpu.memory_space<vmem_shared>>
      tpu.enqueue_dma source(%arg13 : memref<128x32xf32, #tpu.memory_space<vmem>>) target(%dma_start3A_74 : memref<128x32xf32, #tpu.memory_space<vmem_shared>>) target_semaphore(%run_scoped3A : memref<!tpu.dma_semaphore, #tpu.memory_space<semaphore_mem>>)
      %dma_wait3A = arith.constant 0 : i32
      %dma_wait3A_75 = tpu.memref_slice %arg14[%add3A_18, %dma_wait3A] : memref<10240x32xf32, #tpu.memory_space<vmem_shared>> -> memref<128x32xf32, #tpu.memory_space<vmem_shared>>
      %dma_wait3A_76 = arith.constant 0 : i32
      %dma_wait3A_77 = tpu.memref_slice %arg14[%add3A_18, %dma_wait3A_76] : memref<10240x32xf32, #tpu.memory_space<vmem_shared>> -> memref<128x32xf32, #tpu.memory_space<vmem_shared>>
      tpu.wait_dma2 semaphore(%run_scoped3A : memref<!tpu.dma_semaphore, #tpu.memory_space<semaphore_mem>>) src(%arg13 : memref<128x32xf32, #tpu.memory_space<vmem>>) dst(%dma_wait3A_77 : memref<128x32xf32, #tpu.memory_space<vmem_shared>>)
      tpu.yield
    }) : () -> ()
    %mul3A_19 = arith.constant 640 : i32
    %mul3A_20 = arith.muli %arg1, %mul3A_19 : i32
    %add3A_21 = arith.constant 512 : i32
    %add3A_22 = arith.addi %mul3A_20, %add3A_21 : i32
    "tpu.region"() ({
      %run_scoped3A = tpu.sem_alloc : memref<!tpu.dma_semaphore, #tpu.memory_space<semaphore_mem>>
      %dma_start3A_71 = arith.constant 0 : i32
      %dma_start3A_72 = tpu.memref_slice %arg14[%add3A_22, %dma_start3A_71] : memref<10240x32xf32, #tpu.memory_space<vmem_shared>> -> memref<128x32xf32, #tpu.memory_space<vmem_shared>>
      %dma_start3A_73 = arith.constant 0 : i32
      %dma_start3A_74 = tpu.memref_slice %arg14[%add3A_22, %dma_start3A_73] : memref<10240x32xf32, #tpu.memory_space<vmem_shared>> -> memref<128x32xf32, #tpu.memory_space<vmem_shared>>
      tpu.enqueue_dma source(%arg13 : memref<128x32xf32, #tpu.memory_space<vmem>>) target(%dma_start3A_74 : memref<128x32xf32, #tpu.memory_space<vmem_shared>>) target_semaphore(%run_scoped3A : memref<!tpu.dma_semaphore, #tpu.memory_space<semaphore_mem>>)
      %dma_wait3A = arith.constant 0 : i32
      %dma_wait3A_75 = tpu.memref_slice %arg14[%add3A_22, %dma_wait3A] : memref<10240x32xf32, #tpu.memory_space<vmem_shared>> -> memref<128x32xf32, #tpu.memory_space<vmem_shared>>
      %dma_wait3A_76 = arith.constant 0 : i32
      %dma_wait3A_77 = tpu.memref_slice %arg14[%add3A_22, %dma_wait3A_76] : memref<10240x32xf32, #tpu.memory_space<vmem_shared>> -> memref<128x32xf32, #tpu.memory_space<vmem_shared>>
      tpu.wait_dma2 semaphore(%run_scoped3A : memref<!tpu.dma_semaphore, #tpu.memory_space<semaphore_mem>>) src(%arg13 : memref<128x32xf32, #tpu.memory_space<vmem>>) dst(%dma_wait3A_77 : memref<128x32xf32, #tpu.memory_space<vmem_shared>>)
      tpu.yield
    }) : () -> ()
    %barrier3A = arith.constant 0 : index
    tpu.barrier barrier_id(%barrier3A)
    "tpu.region"() ({
      %run_scoped3A = tpu.sem_alloc : memref<!tpu.dma_semaphore, #tpu.memory_space<semaphore_mem>>
      %dma_start3A_71 = arith.constant 0 : i32
      %dma_start3A_72 = arith.constant 0 : i32
      %dma_start3A_73 = tpu.memref_slice %arg2[%arg1, %dma_start3A_71, %dma_start3A_72] : memref<16x250x80xi32, #tpu.memory_space<hbm>> -> memref<1x250x80xi32, #tpu.memory_space<hbm>>
      %dma_start3A_74 = tpu.memref_squeeze %dma_start3A_73 : memref<1x250x80xi32, #tpu.memory_space<hbm>> -> memref<250x80xi32, #tpu.memory_space<hbm>>
      %dma_start3A_75 = arith.constant 0 : i32
      %dma_start3A_76 = arith.constant 0 : i32
      %dma_start3A_77 = tpu.memref_slice %arg2[%arg1, %dma_start3A_75, %dma_start3A_76] : memref<16x250x80xi32, #tpu.memory_space<hbm>> -> memref<1x250x80xi32, #tpu.memory_space<hbm>>
      %dma_start3A_78 = tpu.memref_squeeze %dma_start3A_77 : memref<1x250x80xi32, #tpu.memory_space<hbm>> -> memref<250x80xi32, #tpu.memory_space<hbm>>
      tpu.enqueue_dma source(%dma_start3A_78 : memref<250x80xi32, #tpu.memory_space<hbm>>) target(%arg7 : memref<250x80xi32, #tpu.memory_space<vmem>>) target_semaphore(%run_scoped3A : memref<!tpu.dma_semaphore, #tpu.memory_space<semaphore_mem>>)
      %dma_wait3A = arith.constant 0 : i32
      %dma_wait3A_79 = arith.constant 0 : i32
      %dma_wait3A_80 = tpu.memref_slice %arg2[%arg1, %dma_wait3A, %dma_wait3A_79] : memref<16x250x80xi32, #tpu.memory_space<hbm>> -> memref<1x250x80xi32, #tpu.memory_space<hbm>>
      %dma_wait3A_81 = tpu.memref_squeeze %dma_wait3A_80 : memref<1x250x80xi32, #tpu.memory_space<hbm>> -> memref<250x80xi32, #tpu.memory_space<hbm>>
      %dma_wait3A_82 = arith.constant 0 : i32
      %dma_wait3A_83 = arith.constant 0 : i32
      %dma_wait3A_84 = tpu.memref_slice %arg2[%arg1, %dma_wait3A_82, %dma_wait3A_83] : memref<16x250x80xi32, #tpu.memory_space<hbm>> -> memref<1x250x80xi32, #tpu.memory_space<hbm>>
      %dma_wait3A_85 = tpu.memref_squeeze %dma_wait3A_84 : memref<1x250x80xi32, #tpu.memory_space<hbm>> -> memref<250x80xi32, #tpu.memory_space<hbm>>
      tpu.wait_dma2 semaphore(%run_scoped3A : memref<!tpu.dma_semaphore, #tpu.memory_space<semaphore_mem>>) src(%dma_wait3A_85 : memref<250x80xi32, #tpu.memory_space<hbm>>) dst(%arg7 : memref<250x80xi32, #tpu.memory_space<vmem>>)
      tpu.yield
    }) : () -> ()
    "tpu.region"() ({
      %run_scoped3A = tpu.sem_alloc : memref<!tpu.dma_semaphore, #tpu.memory_space<semaphore_mem>>
      %dma_start3A_71 = arith.constant 0 : i32
      %dma_start3A_72 = arith.constant 0 : i32
      %dma_start3A_73 = tpu.memref_slice %arg3[%arg1, %dma_start3A_71, %dma_start3A_72] : memref<16x250x80xi32, #tpu.memory_space<hbm>> -> memref<1x250x80xi32, #tpu.memory_space<hbm>>
      %dma_start3A_74 = tpu.memref_squeeze %dma_start3A_73 : memref<1x250x80xi32, #tpu.memory_space<hbm>> -> memref<250x80xi32, #tpu.memory_space<hbm>>
      %dma_start3A_75 = arith.constant 0 : i32
      %dma_start3A_76 = arith.constant 0 : i32
      %dma_start3A_77 = tpu.memref_slice %arg3[%arg1, %dma_start3A_75, %dma_start3A_76] : memref<16x250x80xi32, #tpu.memory_space<hbm>> -> memref<1x250x80xi32, #tpu.memory_space<hbm>>
      %dma_start3A_78 = tpu.memref_squeeze %dma_start3A_77 : memref<1x250x80xi32, #tpu.memory_space<hbm>> -> memref<250x80xi32, #tpu.memory_space<hbm>>
      tpu.enqueue_dma source(%dma_start3A_78 : memref<250x80xi32, #tpu.memory_space<hbm>>) target(%arg8 : memref<250x80xi32, #tpu.memory_space<vmem>>) target_semaphore(%run_scoped3A : memref<!tpu.dma_semaphore, #tpu.memory_space<semaphore_mem>>)
      %dma_wait3A = arith.constant 0 : i32
      %dma_wait3A_79 = arith.constant 0 : i32
      %dma_wait3A_80 = tpu.memref_slice %arg3[%arg1, %dma_wait3A, %dma_wait3A_79] : memref<16x250x80xi32, #tpu.memory_space<hbm>> -> memref<1x250x80xi32, #tpu.memory_space<hbm>>
      %dma_wait3A_81 = tpu.memref_squeeze %dma_wait3A_80 : memref<1x250x80xi32, #tpu.memory_space<hbm>> -> memref<250x80xi32, #tpu.memory_space<hbm>>
      %dma_wait3A_82 = arith.constant 0 : i32
      %dma_wait3A_83 = arith.constant 0 : i32
      %dma_wait3A_84 = tpu.memref_slice %arg3[%arg1, %dma_wait3A_82, %dma_wait3A_83] : memref<16x250x80xi32, #tpu.memory_space<hbm>> -> memref<1x250x80xi32, #tpu.memory_space<hbm>>
      %dma_wait3A_85 = tpu.memref_squeeze %dma_wait3A_84 : memref<1x250x80xi32, #tpu.memory_space<hbm>> -> memref<250x80xi32, #tpu.memory_space<hbm>>
      tpu.wait_dma2 semaphore(%run_scoped3A : memref<!tpu.dma_semaphore, #tpu.memory_space<semaphore_mem>>) src(%dma_wait3A_85 : memref<250x80xi32, #tpu.memory_space<hbm>>) dst(%arg8 : memref<250x80xi32, #tpu.memory_space<vmem>>)
      tpu.yield
    }) : () -> ()
    %dma_start3A = arith.constant 0 : i32
    %dma_start3A_23 = arith.constant 0 : i32
    %dma_start3A_24 = tpu.memref_slice %arg7[%dma_start3A, %dma_start3A_23] : memref<250x80xi32, #tpu.memory_space<vmem>> -> memref<1x80xi32, #tpu.memory_space<vmem>>
    %dma_start3A_25 = tpu.memref_squeeze %dma_start3A_24 : memref<1x80xi32, #tpu.memory_space<vmem>> -> memref<80xi32, #tpu.memory_space<vmem>>
    %dma_start3A_26 = arith.constant 0 : i32
    %dma_start3A_27 = arith.constant 0 : i32
    %dma_start3A_28 = tpu.memref_slice %arg5[%arg0, %dma_start3A_26, %dma_start3A_27] : memref<2x10000x32xf32, #tpu.memory_space<hbm>> -> memref<1x10000x32xf32, #tpu.memory_space<hbm>>
    %dma_start3A_29 = tpu.memref_squeeze %dma_start3A_28 : memref<1x10000x32xf32, #tpu.memory_space<hbm>> -> memref<10000x32xf32, #tpu.memory_space<hbm>>
    %dma_start3A_30 = arith.constant 0 : i32
    %dma_start3A_31 = arith.constant 0 : i32
    %dma_start3A_32 = tpu.memref_slice %dma_start3A_29[%dma_start3A_30, %dma_start3A_31] : memref<10000x32xf32, #tpu.memory_space<hbm>> -> memref<10000x32xf32, #tpu.memory_space<hbm>>
    tpu.enqueue_indirect_dma source(%dma_start3A_32 : memref<10000x32xf32, #tpu.memory_space<hbm>>) target(%arg9 : memref<80x32xf32, #tpu.memory_space<vmem>>) offsets(%dma_start3A_25 : memref<80xi32, #tpu.memory_space<vmem>>) semaphore(%arg15 : memref<!tpu.dma_semaphore, #tpu.memory_space<semaphore_mem>>)
    %dma_start3A_33 = arith.constant 0 : i32
    %dma_start3A_34 = arith.constant 0 : i32
    %dma_start3A_35 = arith.constant 0 : i32
    %dma_start3A_36 = tpu.memref_slice %arg4[%arg1, %dma_start3A_33, %dma_start3A_34, %dma_start3A_35] : memref<16x250x80x16xf32, #tpu.memory_space<hbm>> -> memref<1x1x80x16xf32, #tpu.memory_space<hbm>>
    %dma_start3A_37 = tpu.memref_squeeze %dma_start3A_36 : memref<1x1x80x16xf32, #tpu.memory_space<hbm>> -> memref<80x16xf32, #tpu.memory_space<hbm>>
    %dma_start3A_38 = arith.constant 0 : i32
    %dma_start3A_39 = arith.constant 0 : i32
    %dma_start3A_40 = tpu.memref_slice %arg4[%arg1, %dma_start3A_33, %dma_start3A_38, %dma_start3A_39] : memref<16x250x80x16xf32, #tpu.memory_space<hbm>> -> memref<1x1x80x16xf32, #tpu.memory_space<hbm>>
    %dma_start3A_41 = tpu.memref_squeeze %dma_start3A_40 : memref<1x1x80x16xf32, #tpu.memory_space<hbm>> -> memref<80x16xf32, #tpu.memory_space<hbm>>
    tpu.enqueue_dma source(%dma_start3A_41 : memref<80x16xf32, #tpu.memory_space<hbm>>) target(%arg11 : memref<80x16xf32, #tpu.memory_space<vmem>>) target_semaphore(%arg15 : memref<!tpu.dma_semaphore, #tpu.memory_space<semaphore_mem>>)
    %dma_start3A_42 = arith.constant 1 : i32
    %dma_start3A_43 = arith.constant 0 : i32
    %dma_start3A_44 = tpu.memref_slice %arg7[%dma_start3A_42, %dma_start3A_43] : memref<250x80xi32, #tpu.memory_space<vmem>> -> memref<1x80xi32, #tpu.memory_space<vmem>>
    %dma_start3A_45 = tpu.memref_squeeze %dma_start3A_44 : memref<1x80xi32, #tpu.memory_space<vmem>> -> memref<80xi32, #tpu.memory_space<vmem>>
    %dma_start3A_46 = arith.constant 0 : i32
    %dma_start3A_47 = arith.constant 0 : i32
    %dma_start3A_48 = tpu.memref_slice %arg5[%arg0, %dma_start3A_46, %dma_start3A_47] : memref<2x10000x32xf32, #tpu.memory_space<hbm>> -> memref<1x10000x32xf32, #tpu.memory_space<hbm>>
    %dma_start3A_49 = tpu.memref_squeeze %dma_start3A_48 : memref<1x10000x32xf32, #tpu.memory_space<hbm>> -> memref<10000x32xf32, #tpu.memory_space<hbm>>
    %dma_start3A_50 = arith.constant 0 : i32
    %dma_start3A_51 = arith.constant 0 : i32
    %dma_start3A_52 = tpu.memref_slice %dma_start3A_49[%dma_start3A_50, %dma_start3A_51] : memref<10000x32xf32, #tpu.memory_space<hbm>> -> memref<10000x32xf32, #tpu.memory_space<hbm>>
    tpu.enqueue_indirect_dma source(%dma_start3A_52 : memref<10000x32xf32, #tpu.memory_space<hbm>>) target(%arg10 : memref<80x32xf32, #tpu.memory_space<vmem>>) offsets(%dma_start3A_45 : memref<80xi32, #tpu.memory_space<vmem>>) semaphore(%arg16 : memref<!tpu.dma_semaphore, #tpu.memory_space<semaphore_mem>>)
    %dma_start3A_53 = arith.constant 1 : i32
    %dma_start3A_54 = arith.constant 0 : i32
    %dma_start3A_55 = arith.constant 0 : i32
    %dma_start3A_56 = tpu.memref_slice %arg4[%arg1, %dma_start3A_53, %dma_start3A_54, %dma_start3A_55] : memref<16x250x80x16xf32, #tpu.memory_space<hbm>> -> memref<1x1x80x16xf32, #tpu.memory_space<hbm>>
    %dma_start3A_57 = tpu.memref_squeeze %dma_start3A_56 : memref<1x1x80x16xf32, #tpu.memory_space<hbm>> -> memref<80x16xf32, #tpu.memory_space<hbm>>
    %dma_start3A_58 = arith.constant 0 : i32
    %dma_start3A_59 = arith.constant 0 : i32
    %dma_start3A_60 = tpu.memref_slice %arg4[%arg1, %dma_start3A_53, %dma_start3A_58, %dma_start3A_59] : memref<16x250x80x16xf32, #tpu.memory_space<hbm>> -> memref<1x1x80x16xf32, #tpu.memory_space<hbm>>
    %dma_start3A_61 = tpu.memref_squeeze %dma_start3A_60 : memref<1x1x80x16xf32, #tpu.memory_space<hbm>> -> memref<80x16xf32, #tpu.memory_space<hbm>>
    tpu.enqueue_dma source(%dma_start3A_61 : memref<80x16xf32, #tpu.memory_space<hbm>>) target(%arg12 : memref<80x16xf32, #tpu.memory_space<vmem>>) target_semaphore(%arg16 : memref<!tpu.dma_semaphore, #tpu.memory_space<semaphore_mem>>)
    %scan3A_62 = arith.constant 0 : i32
    %scan3A_63 = arith.constant 0 : i32
    %scan3A_64 = arith.constant 125 : i32
    %scan3A_65 = arith.addi %scan3A_63, %scan3A_64 : i32
    %scan3A_66 = arith.constant 1 : i32
    scf.for %scan3A_71 = %scan3A_63 to %scan3A_65 step %scan3A_66  : i32 {
      %mul3A_72 = arith.constant 2 : i32
      %mul3A_73 = arith.muli %mul3A_72, %scan3A_71 : i32
      %dma_wait3A = arith.constant 0 : i32
      %dma_wait3A_74 = tpu.memref_slice %arg7[%mul3A_73, %dma_wait3A] : memref<250x80xi32, #tpu.memory_space<vmem>> -> memref<1x80xi32, #tpu.memory_space<vmem>>
      %dma_wait3A_75 = tpu.memref_squeeze %dma_wait3A_74 : memref<1x80xi32, #tpu.memory_space<vmem>> -> memref<80xi32, #tpu.memory_space<vmem>>
      %dma_wait3A_76 = arith.constant 0 : i32
      %dma_wait3A_77 = arith.constant 0 : i32
      %dma_wait3A_78 = tpu.memref_slice %arg5[%arg0, %dma_wait3A_76, %dma_wait3A_77] : memref<2x10000x32xf32, #tpu.memory_space<hbm>> -> memref<1x10000x32xf32, #tpu.memory_space<hbm>>
      %dma_wait3A_79 = tpu.memref_squeeze %dma_wait3A_78 : memref<1x10000x32xf32, #tpu.memory_space<hbm>> -> memref<10000x32xf32, #tpu.memory_space<hbm>>
      %dma_wait3A_80 = arith.constant 0 : i32
      %dma_wait3A_81 = arith.constant 0 : i32
      %dma_wait3A_82 = tpu.memref_slice %dma_wait3A_79[%dma_wait3A_80, %dma_wait3A_81] : memref<10000x32xf32, #tpu.memory_space<hbm>> -> memref<10000x32xf32, #tpu.memory_space<hbm>>
      tpu.wait_indirect_dma semaphore(%arg15 : memref<!tpu.dma_semaphore, #tpu.memory_space<semaphore_mem>>) src(%dma_wait3A_82 : memref<10000x32xf32, #tpu.memory_space<hbm>>) dst(%arg9 : memref<80x32xf32, #tpu.memory_space<vmem>>)
      %dma_wait3A_83 = arith.constant 0 : i32
      %dma_wait3A_84 = arith.constant 0 : i32
      %dma_wait3A_85 = tpu.memref_slice %arg4[%arg1, %mul3A_73, %dma_wait3A_83, %dma_wait3A_84] : memref<16x250x80x16xf32, #tpu.memory_space<hbm>> -> memref<1x1x80x16xf32, #tpu.memory_space<hbm>>
      %dma_wait3A_86 = tpu.memref_squeeze %dma_wait3A_85 : memref<1x1x80x16xf32, #tpu.memory_space<hbm>> -> memref<80x16xf32, #tpu.memory_space<hbm>>
      %dma_wait3A_87 = arith.constant 0 : i32
      %dma_wait3A_88 = arith.constant 0 : i32
      %dma_wait3A_89 = tpu.memref_slice %arg4[%arg1, %mul3A_73, %dma_wait3A_87, %dma_wait3A_88] : memref<16x250x80x16xf32, #tpu.memory_space<hbm>> -> memref<1x1x80x16xf32, #tpu.memory_space<hbm>>
      %dma_wait3A_90 = tpu.memref_squeeze %dma_wait3A_89 : memref<1x1x80x16xf32, #tpu.memory_space<hbm>> -> memref<80x16xf32, #tpu.memory_space<hbm>>
      tpu.wait_dma2 semaphore(%arg15 : memref<!tpu.dma_semaphore, #tpu.memory_space<semaphore_mem>>) src(%dma_wait3A_90 : memref<80x16xf32, #tpu.memory_space<hbm>>) dst(%arg11 : memref<80x16xf32, #tpu.memory_space<vmem>>)
      %scan3A_91 = arith.constant 0 : i32
      %scan3A_92 = arith.constant 0 : i32
      %scan3A_93 = arith.constant 10 : i32
      %scan3A_94 = arith.addi %scan3A_92, %scan3A_93 : i32
      %scan3A_95 = arith.constant 1 : i32
      scf.for %scan3A_136 = %scan3A_92 to %scan3A_94 step %scan3A_95  : i32 {
        %mul3A_137 = arith.constant 8 : i32
        %mul3A_138 = arith.muli %scan3A_136, %mul3A_137 : i32
        %add3A_139 = arith.constant 0 : i32
        %add3A_140 = arith.addi %mul3A_138, %add3A_139 : i32
        %get3A = arith.index_cast %add3A_140 : i32 to index
        %get3A_141 = arith.constant 0 : index
        %get3A_142 = tpu.vector_load %arg11[%get3A, %get3A_141] {strides = array<i32>} : memref<80x16xf32, #tpu.memory_space<vmem>>, vector<1x16xf32>,
        %get3A_143 = vector.shape_cast %get3A_142 : vector<1x16xf32> to vector<16xf32>
        %get3A_144 = arith.index_cast %add3A_140 : i32 to index
        %get3A_145 = arith.constant 0 : index
        %get3A_146 = tpu.vector_load %arg9[%get3A_144, %get3A_145] {strides = array<i32>} : memref<80x32xf32, #tpu.memory_space<vmem>>, vector<1x16xf32>,
        %get3A_147 = vector.shape_cast %get3A_146 : vector<1x16xf32> to vector<16xf32>
        %mul3A_148 = arith.mulf %get3A_147, %get3A_143 : vector<16xf32>
        %swap3A = arith.index_cast %add3A_140 : i32 to index
        %swap3A_149 = arith.constant 0 : index
        %swap3A_150 = tpu.vector_load %arg9[%swap3A, %swap3A_149] {strides = array<i32>} : memref<80x32xf32, #tpu.memory_space<vmem>>, vector<1x16xf32>,
        %swap3A_151 = vector.shape_cast %swap3A_150 : vector<1x16xf32> to vector<16xf32>
        %swap3A_152 = vector.shape_cast %mul3A_148 : vector<16xf32> to vector<1x16xf32>
        tpu.vector_store %arg9[%swap3A, %swap3A_149], %swap3A_152 {strides = array<i32>} : memref<80x32xf32, #tpu.memory_space<vmem>>, vector<1x16xf32>,
        %get3A_153 = arith.index_cast %add3A_140 : i32 to index
        %get3A_154 = arith.constant 16 : index
        %get3A_155 = tpu.vector_load %arg9[%get3A_153, %get3A_154] {strides = array<i32>} : memref<80x32xf32, #tpu.memory_space<vmem>>, vector<1x16xf32>,
        %get3A_156 = vector.shape_cast %get3A_155 : vector<1x16xf32> to vector<16xf32>
        %mul3A_157 = arith.mulf %get3A_156, %get3A_143 : vector<16xf32>
        %swap3A_158 = arith.index_cast %add3A_140 : i32 to index
        %swap3A_159 = arith.constant 16 : index
        %swap3A_160 = tpu.vector_load %arg9[%swap3A_158, %swap3A_159] {strides = array<i32>} : memref<80x32xf32, #tpu.memory_space<vmem>>, vector<1x16xf32>,
        %swap3A_161 = vector.shape_cast %swap3A_160 : vector<1x16xf32> to vector<16xf32>
        %swap3A_162 = vector.shape_cast %mul3A_157 : vector<16xf32> to vector<1x16xf32>
        tpu.vector_store %arg9[%swap3A_158, %swap3A_159], %swap3A_162 {strides = array<i32>} : memref<80x32xf32, #tpu.memory_space<vmem>>, vector<1x16xf32>,
        %mul3A_163 = arith.constant 8 : i32
        %mul3A_164 = arith.muli %scan3A_136, %mul3A_163 : i32
        %add3A_165 = arith.constant 1 : i32
        %add3A_166 = arith.addi %mul3A_164, %add3A_165 : i32
        %get3A_167 = arith.index_cast %add3A_166 : i32 to index
        %get3A_168 = arith.constant 0 : index
        %get3A_169 = tpu.vector_load %arg11[%get3A_167, %get3A_168] {strides = array<i32>} : memref<80x16xf32, #tpu.memory_space<vmem>>, vector<1x16xf32>,
        %get3A_170 = vector.shape_cast %get3A_169 : vector<1x16xf32> to vector<16xf32>
        %get3A_171 = arith.index_cast %add3A_166 : i32 to index
        %get3A_172 = arith.constant 0 : index
        %get3A_173 = tpu.vector_load %arg9[%get3A_171, %get3A_172] {strides = array<i32>} : memref<80x32xf32, #tpu.memory_space<vmem>>, vector<1x16xf32>,
        %get3A_174 = vector.shape_cast %get3A_173 : vector<1x16xf32> to vector<16xf32>
        %mul3A_175 = arith.mulf %get3A_174, %get3A_170 : vector<16xf32>
        %swap3A_176 = arith.index_cast %add3A_166 : i32 to index
        %swap3A_177 = arith.constant 0 : index
        %swap3A_178 = tpu.vector_load %arg9[%swap3A_176, %swap3A_177] {strides = array<i32>} : memref<80x32xf32, #tpu.memory_space<vmem>>, vector<1x16xf32>,
        %swap3A_179 = vector.shape_cast %swap3A_178 : vector<1x16xf32> to vector<16xf32>
        %swap3A_180 = vector.shape_cast %mul3A_175 : vector<16xf32> to vector<1x16xf32>
        tpu.vector_store %arg9[%swap3A_176, %swap3A_177], %swap3A_180 {strides = array<i32>} : memref<80x32xf32, #tpu.memory_space<vmem>>, vector<1x16xf32>,
        %get3A_181 = arith.index_cast %add3A_166 : i32 to index
        %get3A_182 = arith.constant 16 : index
        %get3A_183 = tpu.vector_load %arg9[%get3A_181, %get3A_182] {strides = array<i32>} : memref<80x32xf32, #tpu.memory_space<vmem>>, vector<1x16xf32>,
        %get3A_184 = vector.shape_cast %get3A_183 : vector<1x16xf32> to vector<16xf32>
        %mul3A_185 = arith.mulf %get3A_184, %get3A_170 : vector<16xf32>
        %swap3A_186 = arith.index_cast %add3A_166 : i32 to index
        %swap3A_187 = arith.constant 16 : index
        %swap3A_188 = tpu.vector_load %arg9[%swap3A_186, %swap3A_187] {strides = array<i32>} : memref<80x32xf32, #tpu.memory_space<vmem>>, vector<1x16xf32>,
        %swap3A_189 = vector.shape_cast %swap3A_188 : vector<1x16xf32> to vector<16xf32>
        %swap3A_190 = vector.shape_cast %mul3A_185 : vector<16xf32> to vector<1x16xf32>
        tpu.vector_store %arg9[%swap3A_186, %swap3A_187], %swap3A_190 {strides = array<i32>} : memref<80x32xf32, #tpu.memory_space<vmem>>, vector<1x16xf32>,
        %mul3A_191 = arith.constant 8 : i32
        %mul3A_192 = arith.muli %scan3A_136, %mul3A_191 : i32
        %add3A_193 = arith.constant 2 : i32
        %add3A_194 = arith.addi %mul3A_192, %add3A_193 : i32
        %get3A_195 = arith.index_cast %add3A_194 : i32 to index
        %get3A_196 = arith.constant 0 : index
        %get3A_197 = tpu.vector_load %arg11[%get3A_195, %get3A_196] {strides = array<i32>} : memref<80x16xf32, #tpu.memory_space<vmem>>, vector<1x16xf32>,
        %get3A_198 = vector.shape_cast %get3A_197 : vector<1x16xf32> to vector<16xf32>
        %get3A_199 = arith.index_cast %add3A_194 : i32 to index
        %get3A_200 = arith.constant 0 : index
        %get3A_201 = tpu.vector_load %arg9[%get3A_199, %get3A_200] {strides = array<i32>} : memref<80x32xf32, #tpu.memory_space<vmem>>, vector<1x16xf32>,
        %get3A_202 = vector.shape_cast %get3A_201 : vector<1x16xf32> to vector<16xf32>
        %mul3A_203 = arith.mulf %get3A_202, %get3A_198 : vector<16xf32>
        %swap3A_204 = arith.index_cast %add3A_194 : i32 to index
        %swap3A_205 = arith.constant 0 : index
        %swap3A_206 = tpu.vector_load %arg9[%swap3A_204, %swap3A_205] {strides = array<i32>} : memref<80x32xf32, #tpu.memory_space<vmem>>, vector<1x16xf32>,
        %swap3A_207 = vector.shape_cast %swap3A_206 : vector<1x16xf32> to vector<16xf32>
        %swap3A_208 = vector.shape_cast %mul3A_203 : vector<16xf32> to vector<1x16xf32>
        tpu.vector_store %arg9[%swap3A_204, %swap3A_205], %swap3A_208 {strides = array<i32>} : memref<80x32xf32, #tpu.memory_space<vmem>>, vector<1x16xf32>,
        %get3A_209 = arith.index_cast %add3A_194 : i32 to index
        %get3A_210 = arith.constant 16 : index
        %get3A_211 = tpu.vector_load %arg9[%get3A_209, %get3A_210] {strides = array<i32>} : memref<80x32xf32, #tpu.memory_space<vmem>>, vector<1x16xf32>,
        %get3A_212 = vector.shape_cast %get3A_211 : vector<1x16xf32> to vector<16xf32>
        %mul3A_213 = arith.mulf %get3A_212, %get3A_198 : vector<16xf32>
        %swap3A_214 = arith.index_cast %add3A_194 : i32 to index
        %swap3A_215 = arith.constant 16 : index
        %swap3A_216 = tpu.vector_load %arg9[%swap3A_214, %swap3A_215] {strides = array<i32>} : memref<80x32xf32, #tpu.memory_space<vmem>>, vector<1x16xf32>,
        %swap3A_217 = vector.shape_cast %swap3A_216 : vector<1x16xf32> to vector<16xf32>
        %swap3A_218 = vector.shape_cast %mul3A_213 : vector<16xf32> to vector<1x16xf32>
        tpu.vector_store %arg9[%swap3A_214, %swap3A_215], %swap3A_218 {strides = array<i32>} : memref<80x32xf32, #tpu.memory_space<vmem>>, vector<1x16xf32>,
        %mul3A_219 = arith.constant 8 : i32
        %mul3A_220 = arith.muli %scan3A_136, %mul3A_219 : i32
        %add3A_221 = arith.constant 3 : i32
        %add3A_222 = arith.addi %mul3A_220, %add3A_221 : i32
        %get3A_223 = arith.index_cast %add3A_222 : i32 to index
        %get3A_224 = arith.constant 0 : index
        %get3A_225 = tpu.vector_load %arg11[%get3A_223, %get3A_224] {strides = array<i32>} : memref<80x16xf32, #tpu.memory_space<vmem>>, vector<1x16xf32>,
        %get3A_226 = vector.shape_cast %get3A_225 : vector<1x16xf32> to vector<16xf32>
        %get3A_227 = arith.index_cast %add3A_222 : i32 to index
        %get3A_228 = arith.constant 0 : index
        %get3A_229 = tpu.vector_load %arg9[%get3A_227, %get3A_228] {strides = array<i32>} : memref<80x32xf32, #tpu.memory_space<vmem>>, vector<1x16xf32>,
        %get3A_230 = vector.shape_cast %get3A_229 : vector<1x16xf32> to vector<16xf32>
        %mul3A_231 = arith.mulf %get3A_230, %get3A_226 : vector<16xf32>
        %swap3A_232 = arith.index_cast %add3A_222 : i32 to index
        %swap3A_233 = arith.constant 0 : index
        %swap3A_234 = tpu.vector_load %arg9[%swap3A_232, %swap3A_233] {strides = array<i32>} : memref<80x32xf32, #tpu.memory_space<vmem>>, vector<1x16xf32>,
        %swap3A_235 = vector.shape_cast %swap3A_234 : vector<1x16xf32> to vector<16xf32>
        %swap3A_236 = vector.shape_cast %mul3A_231 : vector<16xf32> to vector<1x16xf32>
        tpu.vector_store %arg9[%swap3A_232, %swap3A_233], %swap3A_236 {strides = array<i32>} : memref<80x32xf32, #tpu.memory_space<vmem>>, vector<1x16xf32>,
        %get3A_237 = arith.index_cast %add3A_222 : i32 to index
        %get3A_238 = arith.constant 16 : index
        %get3A_239 = tpu.vector_load %arg9[%get3A_237, %get3A_238] {strides = array<i32>} : memref<80x32xf32, #tpu.memory_space<vmem>>, vector<1x16xf32>,
        %get3A_240 = vector.shape_cast %get3A_239 : vector<1x16xf32> to vector<16xf32>
        %mul3A_241 = arith.mulf %get3A_240, %get3A_226 : vector<16xf32>
        %swap3A_242 = arith.index_cast %add3A_222 : i32 to index
        %swap3A_243 = arith.constant 16 : index
        %swap3A_244 = tpu.vector_load %arg9[%swap3A_242, %swap3A_243] {strides = array<i32>} : memref<80x32xf32, #tpu.memory_space<vmem>>, vector<1x16xf32>,
        %swap3A_245 = vector.shape_cast %swap3A_244 : vector<1x16xf32> to vector<16xf32>
        %swap3A_246 = vector.shape_cast %mul3A_241 : vector<16xf32> to vector<1x16xf32>
        tpu.vector_store %arg9[%swap3A_242, %swap3A_243], %swap3A_246 {strides = array<i32>} : memref<80x32xf32, #tpu.memory_space<vmem>>, vector<1x16xf32>,
        %mul3A_247 = arith.constant 8 : i32
        %mul3A_248 = arith.muli %scan3A_136, %mul3A_247 : i32
        %add3A_249 = arith.constant 4 : i32
        %add3A_250 = arith.addi %mul3A_248, %add3A_249 : i32
        %get3A_251 = arith.index_cast %add3A_250 : i32 to index
        %get3A_252 = arith.constant 0 : index
        %get3A_253 = tpu.vector_load %arg11[%get3A_251, %get3A_252] {strides = array<i32>} : memref<80x16xf32, #tpu.memory_space<vmem>>, vector<1x16xf32>,
        %get3A_254 = vector.shape_cast %get3A_253 : vector<1x16xf32> to vector<16xf32>
        %get3A_255 = arith.index_cast %add3A_250 : i32 to index
        %get3A_256 = arith.constant 0 : index
        %get3A_257 = tpu.vector_load %arg9[%get3A_255, %get3A_256] {strides = array<i32>} : memref<80x32xf32, #tpu.memory_space<vmem>>, vector<1x16xf32>,
        %get3A_258 = vector.shape_cast %get3A_257 : vector<1x16xf32> to vector<16xf32>
        %mul3A_259 = arith.mulf %get3A_258, %get3A_254 : vector<16xf32>
        %swap3A_260 = arith.index_cast %add3A_250 : i32 to index
        %swap3A_261 = arith.constant 0 : index
        %swap3A_262 = tpu.vector_load %arg9[%swap3A_260, %swap3A_261] {strides = array<i32>} : memref<80x32xf32, #tpu.memory_space<vmem>>, vector<1x16xf32>,
        %swap3A_263 = vector.shape_cast %swap3A_262 : vector<1x16xf32> to vector<16xf32>
        %swap3A_264 = vector.shape_cast %mul3A_259 : vector<16xf32> to vector<1x16xf32>
        tpu.vector_store %arg9[%swap3A_260, %swap3A_261], %swap3A_264 {strides = array<i32>} : memref<80x32xf32, #tpu.memory_space<vmem>>, vector<1x16xf32>,
        %get3A_265 = arith.index_cast %add3A_250 : i32 to index
        %get3A_266 = arith.constant 16 : index
        %get3A_267 = tpu.vector_load %arg9[%get3A_265, %get3A_266] {strides = array<i32>} : memref<80x32xf32, #tpu.memory_space<vmem>>, vector<1x16xf32>,
        %get3A_268 = vector.shape_cast %get3A_267 : vector<1x16xf32> to vector<16xf32>
        %mul3A_269 = arith.mulf %get3A_268, %get3A_254 : vector<16xf32>
        %swap3A_270 = arith.index_cast %add3A_250 : i32 to index
        %swap3A_271 = arith.constant 16 : index
        %swap3A_272 = tpu.vector_load %arg9[%swap3A_270, %swap3A_271] {strides = array<i32>} : memref<80x32xf32, #tpu.memory_space<vmem>>, vector<1x16xf32>,
        %swap3A_273 = vector.shape_cast %swap3A_272 : vector<1x16xf32> to vector<16xf32>
        %swap3A_274 = vector.shape_cast %mul3A_269 : vector<16xf32> to vector<1x16xf32>
        tpu.vector_store %arg9[%swap3A_270, %swap3A_271], %swap3A_274 {strides = array<i32>} : memref<80x32xf32, #tpu.memory_space<vmem>>, vector<1x16xf32>,
        %mul3A_275 = arith.constant 8 : i32
        %mul3A_276 = arith.muli %scan3A_136, %mul3A_275 : i32
        %add3A_277 = arith.constant 5 : i32
        %add3A_278 = arith.addi %mul3A_276, %add3A_277 : i32
        %get3A_279 = arith.index_cast %add3A_278 : i32 to index
        %get3A_280 = arith.constant 0 : index
        %get3A_281 = tpu.vector_load %arg11[%get3A_279, %get3A_280] {strides = array<i32>} : memref<80x16xf32, #tpu.memory_space<vmem>>, vector<1x16xf32>,
        %get3A_282 = vector.shape_cast %get3A_281 : vector<1x16xf32> to vector<16xf32>
        %get3A_283 = arith.index_cast %add3A_278 : i32 to index
        %get3A_284 = arith.constant 0 : index
        %get3A_285 = tpu.vector_load %arg9[%get3A_283, %get3A_284] {strides = array<i32>} : memref<80x32xf32, #tpu.memory_space<vmem>>, vector<1x16xf32>,
        %get3A_286 = vector.shape_cast %get3A_285 : vector<1x16xf32> to vector<16xf32>
        %mul3A_287 = arith.mulf %get3A_286, %get3A_282 : vector<16xf32>
        %swap3A_288 = arith.index_cast %add3A_278 : i32 to index
        %swap3A_289 = arith.constant 0 : index
        %swap3A_290 = tpu.vector_load %arg9[%swap3A_288, %swap3A_289] {strides = array<i32>} : memref<80x32xf32, #tpu.memory_space<vmem>>, vector<1x16xf32>,
        %swap3A_291 = vector.shape_cast %swap3A_290 : vector<1x16xf32> to vector<16xf32>
        %swap3A_292 = vector.shape_cast %mul3A_287 : vector<16xf32> to vector<1x16xf32>
        tpu.vector_store %arg9[%swap3A_288, %swap3A_289], %swap3A_292 {strides = array<i32>} : memref<80x32xf32, #tpu.memory_space<vmem>>, vector<1x16xf32>,
        %get3A_293 = arith.index_cast %add3A_278 : i32 to index
        %get3A_294 = arith.constant 16 : index
        %get3A_295 = tpu.vector_load %arg9[%get3A_293, %get3A_294] {strides = array<i32>} : memref<80x32xf32, #tpu.memory_space<vmem>>, vector<1x16xf32>,
        %get3A_296 = vector.shape_cast %get3A_295 : vector<1x16xf32> to vector<16xf32>
        %mul3A_297 = arith.mulf %get3A_296, %get3A_282 : vector<16xf32>
        %swap3A_298 = arith.index_cast %add3A_278 : i32 to index
        %swap3A_299 = arith.constant 16 : index
        %swap3A_300 = tpu.vector_load %arg9[%swap3A_298, %swap3A_299] {strides = array<i32>} : memref<80x32xf32, #tpu.memory_space<vmem>>, vector<1x16xf32>,
        %swap3A_301 = vector.shape_cast %swap3A_300 : vector<1x16xf32> to vector<16xf32>
        %swap3A_302 = vector.shape_cast %mul3A_297 : vector<16xf32> to vector<1x16xf32>
        tpu.vector_store %arg9[%swap3A_298, %swap3A_299], %swap3A_302 {strides = array<i32>} : memref<80x32xf32, #tpu.memory_space<vmem>>, vector<1x16xf32>,
        %mul3A_303 = arith.constant 8 : i32
        %mul3A_304 = arith.muli %scan3A_136, %mul3A_303 : i32
        %add3A_305 = arith.constant 6 : i32
        %add3A_306 = arith.addi %mul3A_304, %add3A_305 : i32
        %get3A_307 = arith.index_cast %add3A_306 : i32 to index
        %get3A_308 = arith.constant 0 : index
        %get3A_309 = tpu.vector_load %arg11[%get3A_307, %get3A_308] {strides = array<i32>} : memref<80x16xf32, #tpu.memory_space<vmem>>, vector<1x16xf32>,
        %get3A_310 = vector.shape_cast %get3A_309 : vector<1x16xf32> to vector<16xf32>
        %get3A_311 = arith.index_cast %add3A_306 : i32 to index
        %get3A_312 = arith.constant 0 : index
        %get3A_313 = tpu.vector_load %arg9[%get3A_311, %get3A_312] {strides = array<i32>} : memref<80x32xf32, #tpu.memory_space<vmem>>, vector<1x16xf32>,
        %get3A_314 = vector.shape_cast %get3A_313 : vector<1x16xf32> to vector<16xf32>
        %mul3A_315 = arith.mulf %get3A_314, %get3A_310 : vector<16xf32>
        %swap3A_316 = arith.index_cast %add3A_306 : i32 to index
        %swap3A_317 = arith.constant 0 : index
        %swap3A_318 = tpu.vector_load %arg9[%swap3A_316, %swap3A_317] {strides = array<i32>} : memref<80x32xf32, #tpu.memory_space<vmem>>, vector<1x16xf32>,
        %swap3A_319 = vector.shape_cast %swap3A_318 : vector<1x16xf32> to vector<16xf32>
        %swap3A_320 = vector.shape_cast %mul3A_315 : vector<16xf32> to vector<1x16xf32>
        tpu.vector_store %arg9[%swap3A_316, %swap3A_317], %swap3A_320 {strides = array<i32>} : memref<80x32xf32, #tpu.memory_space<vmem>>, vector<1x16xf32>,
        %get3A_321 = arith.index_cast %add3A_306 : i32 to index
        %get3A_322 = arith.constant 16 : index
        %get3A_323 = tpu.vector_load %arg9[%get3A_321, %get3A_322] {strides = array<i32>} : memref<80x32xf32, #tpu.memory_space<vmem>>, vector<1x16xf32>,
        %get3A_324 = vector.shape_cast %get3A_323 : vector<1x16xf32> to vector<16xf32>
        %mul3A_325 = arith.mulf %get3A_324, %get3A_310 : vector<16xf32>
        %swap3A_326 = arith.index_cast %add3A_306 : i32 to index
        %swap3A_327 = arith.constant 16 : index
        %swap3A_328 = tpu.vector_load %arg9[%swap3A_326, %swap3A_327] {strides = array<i32>} : memref<80x32xf32, #tpu.memory_space<vmem>>, vector<1x16xf32>,
        %swap3A_329 = vector.shape_cast %swap3A_328 : vector<1x16xf32> to vector<16xf32>
        %swap3A_330 = vector.shape_cast %mul3A_325 : vector<16xf32> to vector<1x16xf32>
        tpu.vector_store %arg9[%swap3A_326, %swap3A_327], %swap3A_330 {strides = array<i32>} : memref<80x32xf32, #tpu.memory_space<vmem>>, vector<1x16xf32>,
        %mul3A_331 = arith.constant 8 : i32
        %mul3A_332 = arith.muli %scan3A_136, %mul3A_331 : i32
        %add3A_333 = arith.constant 7 : i32
        %add3A_334 = arith.addi %mul3A_332, %add3A_333 : i32
        %get3A_335 = arith.index_cast %add3A_334 : i32 to index
        %get3A_336 = arith.constant 0 : index
        %get3A_337 = tpu.vector_load %arg11[%get3A_335, %get3A_336] {strides = array<i32>} : memref<80x16xf32, #tpu.memory_space<vmem>>, vector<1x16xf32>,
        %get3A_338 = vector.shape_cast %get3A_337 : vector<1x16xf32> to vector<16xf32>
        %get3A_339 = arith.index_cast %add3A_334 : i32 to index
        %get3A_340 = arith.constant 0 : index
        %get3A_341 = tpu.vector_load %arg9[%get3A_339, %get3A_340] {strides = array<i32>} : memref<80x32xf32, #tpu.memory_space<vmem>>, vector<1x16xf32>,
        %get3A_342 = vector.shape_cast %get3A_341 : vector<1x16xf32> to vector<16xf32>
        %mul3A_343 = arith.mulf %get3A_342, %get3A_338 : vector<16xf32>
        %swap3A_344 = arith.index_cast %add3A_334 : i32 to index
        %swap3A_345 = arith.constant 0 : index
        %swap3A_346 = tpu.vector_load %arg9[%swap3A_344, %swap3A_345] {strides = array<i32>} : memref<80x32xf32, #tpu.memory_space<vmem>>, vector<1x16xf32>,
        %swap3A_347 = vector.shape_cast %swap3A_346 : vector<1x16xf32> to vector<16xf32>
        %swap3A_348 = vector.shape_cast %mul3A_343 : vector<16xf32> to vector<1x16xf32>
        tpu.vector_store %arg9[%swap3A_344, %swap3A_345], %swap3A_348 {strides = array<i32>} : memref<80x32xf32, #tpu.memory_space<vmem>>, vector<1x16xf32>,
        %get3A_349 = arith.index_cast %add3A_334 : i32 to index
        %get3A_350 = arith.constant 16 : index
        %get3A_351 = tpu.vector_load %arg9[%get3A_349, %get3A_350] {strides = array<i32>} : memref<80x32xf32, #tpu.memory_space<vmem>>, vector<1x16xf32>,
        %get3A_352 = vector.shape_cast %get3A_351 : vector<1x16xf32> to vector<16xf32>
        %mul3A_353 = arith.mulf %get3A_352, %get3A_338 : vector<16xf32>
        %swap3A_354 = arith.index_cast %add3A_334 : i32 to index
        %swap3A_355 = arith.constant 16 : index
        %swap3A_356 = tpu.vector_load %arg9[%swap3A_354, %swap3A_355] {strides = array<i32>} : memref<80x32xf32, #tpu.memory_space<vmem>>, vector<1x16xf32>,
        %swap3A_357 = vector.shape_cast %swap3A_356 : vector<1x16xf32> to vector<16xf32>
        %swap3A_358 = vector.shape_cast %mul3A_353 : vector<16xf32> to vector<1x16xf32>
        tpu.vector_store %arg9[%swap3A_354, %swap3A_355], %swap3A_358 {strides = array<i32>} : memref<80x32xf32, #tpu.memory_space<vmem>>, vector<1x16xf32>,
      }
      %scan3A_96 = arith.constant 10 : i32
      "tpu.region"() ({
        %run_scoped3A = tpu.sem_alloc : memref<!tpu.dma_semaphore, #tpu.memory_space<semaphore_mem>>
        %dma_start3A_136 = arith.constant 0 : i32
        %dma_start3A_137 = tpu.memref_slice %arg8[%mul3A_73, %dma_start3A_136] : memref<250x80xi32, #tpu.memory_space<vmem>> -> memref<1x80xi32, #tpu.memory_space<vmem>>
        %dma_start3A_138 = tpu.memref_squeeze %dma_start3A_137 : memref<1x80xi32, #tpu.memory_space<vmem>> -> memref<80xi32, #tpu.memory_space<vmem>>
        %dma_start3A_139 = arith.constant 0 : i32
        %dma_start3A_140 = arith.constant 0 : i32
        %dma_start3A_141 = tpu.memref_slice %arg14[%dma_start3A_139, %dma_start3A_140] : memref<10240x32xf32, #tpu.memory_space<vmem_shared>> -> memref<10240x32xf32, #tpu.memory_space<vmem_shared>>
        tpu.enqueue_indirect_dma source(%arg9 : memref<80x32xf32, #tpu.memory_space<vmem>>) target(%dma_start3A_141 : memref<10240x32xf32, #tpu.memory_space<vmem_shared>>) offsets(%dma_start3A_138 : memref<80xi32, #tpu.memory_space<vmem>>) semaphore(%run_scoped3A : memref<!tpu.dma_semaphore, #tpu.memory_space<semaphore_mem>>) {add = true}
        %dma_wait3A_142 = arith.constant 0 : i32
        %dma_wait3A_143 = tpu.memref_slice %arg8[%mul3A_73, %dma_wait3A_142] : memref<250x80xi32, #tpu.memory_space<vmem>> -> memref<1x80xi32, #tpu.memory_space<vmem>>
        %dma_wait3A_144 = tpu.memref_squeeze %dma_wait3A_143 : memref<1x80xi32, #tpu.memory_space<vmem>> -> memref<80xi32, #tpu.memory_space<vmem>>
        %dma_wait3A_145 = arith.constant 0 : i32
        %dma_wait3A_146 = arith.constant 0 : i32
        %dma_wait3A_147 = tpu.memref_slice %arg14[%dma_wait3A_145, %dma_wait3A_146] : memref<10240x32xf32, #tpu.memory_space<vmem_shared>> -> memref<10240x32xf32, #tpu.memory_space<vmem_shared>>
        tpu.wait_indirect_dma semaphore(%run_scoped3A : memref<!tpu.dma_semaphore, #tpu.memory_space<semaphore_mem>>) src(%arg9 : memref<80x32xf32, #tpu.memory_space<vmem>>) dst(%dma_wait3A_147 : memref<10240x32xf32, #tpu.memory_space<vmem_shared>>)
        tpu.yield
      }) : () -> ()
      %add3A_97 = arith.constant 2 : i32
      %add3A_98 = arith.addi %mul3A_73, %add3A_97 : i32
      %lt3A = arith.constant 250 : i32
      %lt3A_99 = arith.cmpi slt, %add3A_98, %lt3A : i32
      %convert_element_type3A = arith.extui %lt3A_99 : i1 to i32
      %cond3A = arith.constant 0 : i32
      %cond3A_100 = arith.cmpi ne, %convert_element_type3A, %cond3A : i32
      scf.if %cond3A_100 {
        %add3A_136 = arith.constant 2 : i32
        %add3A_137 = arith.addi %mul3A_73, %add3A_136 : i32
        %dma_start3A_138 = arith.constant 0 : i32
        %dma_start3A_139 = tpu.memref_slice %arg7[%add3A_137, %dma_start3A_138] : memref<250x80xi32, #tpu.memory_space<vmem>> -> memref<1x80xi32, #tpu.memory_space<vmem>>
        %dma_start3A_140 = tpu.memref_squeeze %dma_start3A_139 : memref<1x80xi32, #tpu.memory_space<vmem>> -> memref<80xi32, #tpu.memory_space<vmem>>
        %dma_start3A_141 = arith.constant 0 : i32
        %dma_start3A_142 = arith.constant 0 : i32
        %dma_start3A_143 = tpu.memref_slice %arg5[%arg0, %dma_start3A_141, %dma_start3A_142] : memref<2x10000x32xf32, #tpu.memory_space<hbm>> -> memref<1x10000x32xf32, #tpu.memory_space<hbm>>
        %dma_start3A_144 = tpu.memref_squeeze %dma_start3A_143 : memref<1x10000x32xf32, #tpu.memory_space<hbm>> -> memref<10000x32xf32, #tpu.memory_space<hbm>>
        %dma_start3A_145 = arith.constant 0 : i32
        %dma_start3A_146 = arith.constant 0 : i32
        %dma_start3A_147 = tpu.memref_slice %dma_start3A_144[%dma_start3A_145, %dma_start3A_146] : memref<10000x32xf32, #tpu.memory_space<hbm>> -> memref<10000x32xf32, #tpu.memory_space<hbm>>
        tpu.enqueue_indirect_dma source(%dma_start3A_147 : memref<10000x32xf32, #tpu.memory_space<hbm>>) target(%arg9 : memref<80x32xf32, #tpu.memory_space<vmem>>) offsets(%dma_start3A_140 : memref<80xi32, #tpu.memory_space<vmem>>) semaphore(%arg15 : memref<!tpu.dma_semaphore, #tpu.memory_space<semaphore_mem>>)
        %dma_start3A_148 = arith.constant 0 : i32
        %dma_start3A_149 = arith.constant 0 : i32
        %dma_start3A_150 = tpu.memref_slice %arg4[%arg1, %add3A_137, %dma_start3A_148, %dma_start3A_149] : memref<16x250x80x16xf32, #tpu.memory_space<hbm>> -> memref<1x1x80x16xf32, #tpu.memory_space<hbm>>
        %dma_start3A_151 = tpu.memref_squeeze %dma_start3A_150 : memref<1x1x80x16xf32, #tpu.memory_space<hbm>> -> memref<80x16xf32, #tpu.memory_space<hbm>>
        %dma_start3A_152 = arith.constant 0 : i32
        %dma_start3A_153 = arith.constant 0 : i32
        %dma_start3A_154 = tpu.memref_slice %arg4[%arg1, %add3A_137, %dma_start3A_152, %dma_start3A_153] : memref<16x250x80x16xf32, #tpu.memory_space<hbm>> -> memref<1x1x80x16xf32, #tpu.memory_space<hbm>>
        %dma_start3A_155 = tpu.memref_squeeze %dma_start3A_154 : memref<1x1x80x16xf32, #tpu.memory_space<hbm>> -> memref<80x16xf32, #tpu.memory_space<hbm>>
        tpu.enqueue_dma source(%dma_start3A_155 : memref<80x16xf32, #tpu.memory_space<hbm>>) target(%arg11 : memref<80x16xf32, #tpu.memory_space<vmem>>) target_semaphore(%arg15 : memref<!tpu.dma_semaphore, #tpu.memory_space<semaphore_mem>>)
      } else {
      }
      %add3A_101 = arith.constant 1 : i32
      %add3A_102 = arith.addi %mul3A_73, %add3A_101 : i32
      %dma_wait3A_103 = arith.constant 0 : i32
      %dma_wait3A_104 = tpu.memref_slice %arg7[%add3A_102, %dma_wait3A_103] : memref<250x80xi32, #tpu.memory_space<vmem>> -> memref<1x80xi32, #tpu.memory_space<vmem>>
      %dma_wait3A_105 = tpu.memref_squeeze %dma_wait3A_104 : memref<1x80xi32, #tpu.memory_space<vmem>> -> memref<80xi32, #tpu.memory_space<vmem>>
      %dma_wait3A_106 = arith.constant 0 : i32
      %dma_wait3A_107 = arith.constant 0 : i32
      %dma_wait3A_108 = tpu.memref_slice %arg5[%arg0, %dma_wait3A_106, %dma_wait3A_107] : memref<2x10000x32xf32, #tpu.memory_space<hbm>> -> memref<1x10000x32xf32, #tpu.memory_space<hbm>>
      %dma_wait3A_109 = tpu.memref_squeeze %dma_wait3A_108 : memref<1x10000x32xf32, #tpu.memory_space<hbm>> -> memref<10000x32xf32, #tpu.memory_space<hbm>>
      %dma_wait3A_110 = arith.constant 0 : i32
      %dma_wait3A_111 = arith.constant 0 : i32
      %dma_wait3A_112 = tpu.memref_slice %dma_wait3A_109[%dma_wait3A_110, %dma_wait3A_111] : memref<10000x32xf32, #tpu.memory_space<hbm>> -> memref<10000x32xf32, #tpu.memory_space<hbm>>
      tpu.wait_indirect_dma semaphore(%arg16 : memref<!tpu.dma_semaphore, #tpu.memory_space<semaphore_mem>>) src(%dma_wait3A_112 : memref<10000x32xf32, #tpu.memory_space<hbm>>) dst(%arg10 : memref<80x32xf32, #tpu.memory_space<vmem>>)
      %dma_wait3A_113 = arith.constant 0 : i32
      %dma_wait3A_114 = arith.constant 0 : i32
      %dma_wait3A_115 = tpu.memref_slice %arg4[%arg1, %add3A_102, %dma_wait3A_113, %dma_wait3A_114] : memref<16x250x80x16xf32, #tpu.memory_space<hbm>> -> memref<1x1x80x16xf32, #tpu.memory_space<hbm>>
      %dma_wait3A_116 = tpu.memref_squeeze %dma_wait3A_115 : memref<1x1x80x16xf32, #tpu.memory_space<hbm>> -> memref<80x16xf32, #tpu.memory_space<hbm>>
      %dma_wait3A_117 = arith.constant 0 : i32
      %dma_wait3A_118 = arith.constant 0 : i32
      %dma_wait3A_119 = tpu.memref_slice %arg4[%arg1, %add3A_102, %dma_wait3A_117, %dma_wait3A_118] : memref<16x250x80x16xf32, #tpu.memory_space<hbm>> -> memref<1x1x80x16xf32, #tpu.memory_space<hbm>>
      %dma_wait3A_120 = tpu.memref_squeeze %dma_wait3A_119 : memref<1x1x80x16xf32, #tpu.memory_space<hbm>> -> memref<80x16xf32, #tpu.memory_space<hbm>>
      tpu.wait_dma2 semaphore(%arg16 : memref<!tpu.dma_semaphore, #tpu.memory_space<semaphore_mem>>) src(%dma_wait3A_120 : memref<80x16xf32, #tpu.memory_space<hbm>>) dst(%arg12 : memref<80x16xf32, #tpu.memory_space<vmem>>)
      %add3A_121 = arith.constant 1 : i32
      %add3A_122 = arith.addi %mul3A_73, %add3A_121 : i32
      %scan3A_123 = arith.constant 0 : i32
      %scan3A_124 = arith.constant 0 : i32
      %scan3A_125 = arith.constant 10 : i32
      %scan3A_126 = arith.addi %scan3A_124, %scan3A_125 : i32
      %scan3A_127 = arith.constant 1 : i32
      scf.for %scan3A_136 = %scan3A_124 to %scan3A_126 step %scan3A_127  : i32 {
        %mul3A_137 = arith.constant 8 : i32
        %mul3A_138 = arith.muli %scan3A_136, %mul3A_137 : i32
        %add3A_139 = arith.constant 0 : i32
        %add3A_140 = arith.addi %mul3A_138, %add3A_139 : i32
        %get3A = arith.index_cast %add3A_140 : i32 to index
        %get3A_141 = arith.constant 0 : index
        %get3A_142 = tpu.vector_load %arg12[%get3A, %get3A_141] {strides = array<i32>} : memref<80x16xf32, #tpu.memory_space<vmem>>, vector<1x16xf32>,
        %get3A_143 = vector.shape_cast %get3A_142 : vector<1x16xf32> to vector<16xf32>
        %get3A_144 = arith.index_cast %add3A_140 : i32 to index
        %get3A_145 = arith.constant 0 : index
        %get3A_146 = tpu.vector_load %arg10[%get3A_144, %get3A_145] {strides = array<i32>} : memref<80x32xf32, #tpu.memory_space<vmem>>, vector<1x16xf32>,
        %get3A_147 = vector.shape_cast %get3A_146 : vector<1x16xf32> to vector<16xf32>
        %mul3A_148 = arith.mulf %get3A_147, %get3A_143 : vector<16xf32>
        %swap3A = arith.index_cast %add3A_140 : i32 to index
        %swap3A_149 = arith.constant 0 : index
        %swap3A_150 = tpu.vector_load %arg10[%swap3A, %swap3A_149] {strides = array<i32>} : memref<80x32xf32, #tpu.memory_space<vmem>>, vector<1x16xf32>,
        %swap3A_151 = vector.shape_cast %swap3A_150 : vector<1x16xf32> to vector<16xf32>
        %swap3A_152 = vector.shape_cast %mul3A_148 : vector<16xf32> to vector<1x16xf32>
        tpu.vector_store %arg10[%swap3A, %swap3A_149], %swap3A_152 {strides = array<i32>} : memref<80x32xf32, #tpu.memory_space<vmem>>, vector<1x16xf32>,
        %get3A_153 = arith.index_cast %add3A_140 : i32 to index
        %get3A_154 = arith.constant 16 : index
        %get3A_155 = tpu.vector_load %arg10[%get3A_153, %get3A_154] {strides = array<i32>} : memref<80x32xf32, #tpu.memory_space<vmem>>, vector<1x16xf32>,
        %get3A_156 = vector.shape_cast %get3A_155 : vector<1x16xf32> to vector<16xf32>
        %mul3A_157 = arith.mulf %get3A_156, %get3A_143 : vector<16xf32>
        %swap3A_158 = arith.index_cast %add3A_140 : i32 to index
        %swap3A_159 = arith.constant 16 : index
        %swap3A_160 = tpu.vector_load %arg10[%swap3A_158, %swap3A_159] {strides = array<i32>} : memref<80x32xf32, #tpu.memory_space<vmem>>, vector<1x16xf32>,
        %swap3A_161 = vector.shape_cast %swap3A_160 : vector<1x16xf32> to vector<16xf32>
        %swap3A_162 = vector.shape_cast %mul3A_157 : vector<16xf32> to vector<1x16xf32>
        tpu.vector_store %arg10[%swap3A_158, %swap3A_159], %swap3A_162 {strides = array<i32>} : memref<80x32xf32, #tpu.memory_space<vmem>>, vector<1x16xf32>,
        %mul3A_163 = arith.constant 8 : i32
        %mul3A_164 = arith.muli %scan3A_136, %mul3A_163 : i32
        %add3A_165 = arith.constant 1 : i32
        %add3A_166 = arith.addi %mul3A_164, %add3A_165 : i32
        %get3A_167 = arith.index_cast %add3A_166 : i32 to index
        %get3A_168 = arith.constant 0 : index
        %get3A_169 = tpu.vector_load %arg12[%get3A_167, %get3A_168] {strides = array<i32>} : memref<80x16xf32, #tpu.memory_space<vmem>>, vector<1x16xf32>,
        %get3A_170 = vector.shape_cast %get3A_169 : vector<1x16xf32> to vector<16xf32>
        %get3A_171 = arith.index_cast %add3A_166 : i32 to index
        %get3A_172 = arith.constant 0 : index
        %get3A_173 = tpu.vector_load %arg10[%get3A_171, %get3A_172] {strides = array<i32>} : memref<80x32xf32, #tpu.memory_space<vmem>>, vector<1x16xf32>,
        %get3A_174 = vector.shape_cast %get3A_173 : vector<1x16xf32> to vector<16xf32>
        %mul3A_175 = arith.mulf %get3A_174, %get3A_170 : vector<16xf32>
        %swap3A_176 = arith.index_cast %add3A_166 : i32 to index
        %swap3A_177 = arith.constant 0 : index
        %swap3A_178 = tpu.vector_load %arg10[%swap3A_176, %swap3A_177] {strides = array<i32>} : memref<80x32xf32, #tpu.memory_space<vmem>>, vector<1x16xf32>,
        %swap3A_179 = vector.shape_cast %swap3A_178 : vector<1x16xf32> to vector<16xf32>
        %swap3A_180 = vector.shape_cast %mul3A_175 : vector<16xf32> to vector<1x16xf32>
        tpu.vector_store %arg10[%swap3A_176, %swap3A_177], %swap3A_180 {strides = array<i32>} : memref<80x32xf32, #tpu.memory_space<vmem>>, vector<1x16xf32>,
        %get3A_181 = arith.index_cast %add3A_166 : i32 to index
        %get3A_182 = arith.constant 16 : index
        %get3A_183 = tpu.vector_load %arg10[%get3A_181, %get3A_182] {strides = array<i32>} : memref<80x32xf32, #tpu.memory_space<vmem>>, vector<1x16xf32>,
        %get3A_184 = vector.shape_cast %get3A_183 : vector<1x16xf32> to vector<16xf32>
        %mul3A_185 = arith.mulf %get3A_184, %get3A_170 : vector<16xf32>
        %swap3A_186 = arith.index_cast %add3A_166 : i32 to index
        %swap3A_187 = arith.constant 16 : index
        %swap3A_188 = tpu.vector_load %arg10[%swap3A_186, %swap3A_187] {strides = array<i32>} : memref<80x32xf32, #tpu.memory_space<vmem>>, vector<1x16xf32>,
        %swap3A_189 = vector.shape_cast %swap3A_188 : vector<1x16xf32> to vector<16xf32>
        %swap3A_190 = vector.shape_cast %mul3A_185 : vector<16xf32> to vector<1x16xf32>
        tpu.vector_store %arg10[%swap3A_186, %swap3A_187], %swap3A_190 {strides = array<i32>} : memref<80x32xf32, #tpu.memory_space<vmem>>, vector<1x16xf32>,
        %mul3A_191 = arith.constant 8 : i32
        %mul3A_192 = arith.muli %scan3A_136, %mul3A_191 : i32
        %add3A_193 = arith.constant 2 : i32
        %add3A_194 = arith.addi %mul3A_192, %add3A_193 : i32
        %get3A_195 = arith.index_cast %add3A_194 : i32 to index
        %get3A_196 = arith.constant 0 : index
        %get3A_197 = tpu.vector_load %arg12[%get3A_195, %get3A_196] {strides = array<i32>} : memref<80x16xf32, #tpu.memory_space<vmem>>, vector<1x16xf32>,
        %get3A_198 = vector.shape_cast %get3A_197 : vector<1x16xf32> to vector<16xf32>
        %get3A_199 = arith.index_cast %add3A_194 : i32 to index
        %get3A_200 = arith.constant 0 : index
        %get3A_201 = tpu.vector_load %arg10[%get3A_199, %get3A_200] {strides = array<i32>} : memref<80x32xf32, #tpu.memory_space<vmem>>, vector<1x16xf32>,
        %get3A_202 = vector.shape_cast %get3A_201 : vector<1x16xf32> to vector<16xf32>
        %mul3A_203 = arith.mulf %get3A_202, %get3A_198 : vector<16xf32>
        %swap3A_204 = arith.index_cast %add3A_194 : i32 to index
        %swap3A_205 = arith.constant 0 : index
        %swap3A_206 = tpu.vector_load %arg10[%swap3A_204, %swap3A_205] {strides = array<i32>} : memref<80x32xf32, #tpu.memory_space<vmem>>, vector<1x16xf32>,
        %swap3A_207 = vector.shape_cast %swap3A_206 : vector<1x16xf32> to vector<16xf32>
        %swap3A_208 = vector.shape_cast %mul3A_203 : vector<16xf32> to vector<1x16xf32>
        tpu.vector_store %arg10[%swap3A_204, %swap3A_205], %swap3A_208 {strides = array<i32>} : memref<80x32xf32, #tpu.memory_space<vmem>>, vector<1x16xf32>,
        %get3A_209 = arith.index_cast %add3A_194 : i32 to index
        %get3A_210 = arith.constant 16 : index
        %get3A_211 = tpu.vector_load %arg10[%get3A_209, %get3A_210] {strides = array<i32>} : memref<80x32xf32, #tpu.memory_space<vmem>>, vector<1x16xf32>,
        %get3A_212 = vector.shape_cast %get3A_211 : vector<1x16xf32> to vector<16xf32>
        %mul3A_213 = arith.mulf %get3A_212, %get3A_198 : vector<16xf32>
        %swap3A_214 = arith.index_cast %add3A_194 : i32 to index
        %swap3A_215 = arith.constant 16 : index
        %swap3A_216 = tpu.vector_load %arg10[%swap3A_214, %swap3A_215] {strides = array<i32>} : memref<80x32xf32, #tpu.memory_space<vmem>>, vector<1x16xf32>,
        %swap3A_217 = vector.shape_cast %swap3A_216 : vector<1x16xf32> to vector<16xf32>
        %swap3A_218 = vector.shape_cast %mul3A_213 : vector<16xf32> to vector<1x16xf32>
        tpu.vector_store %arg10[%swap3A_214, %swap3A_215], %swap3A_218 {strides = array<i32>} : memref<80x32xf32, #tpu.memory_space<vmem>>, vector<1x16xf32>,
        %mul3A_219 = arith.constant 8 : i32
        %mul3A_220 = arith.muli %scan3A_136, %mul3A_219 : i32
        %add3A_221 = arith.constant 3 : i32
        %add3A_222 = arith.addi %mul3A_220, %add3A_221 : i32
        %get3A_223 = arith.index_cast %add3A_222 : i32 to index
        %get3A_224 = arith.constant 0 : index
        %get3A_225 = tpu.vector_load %arg12[%get3A_223, %get3A_224] {strides = array<i32>} : memref<80x16xf32, #tpu.memory_space<vmem>>, vector<1x16xf32>,
        %get3A_226 = vector.shape_cast %get3A_225 : vector<1x16xf32> to vector<16xf32>
        %get3A_227 = arith.index_cast %add3A_222 : i32 to index
        %get3A_228 = arith.constant 0 : index
        %get3A_229 = tpu.vector_load %arg10[%get3A_227, %get3A_228] {strides = array<i32>} : memref<80x32xf32, #tpu.memory_space<vmem>>, vector<1x16xf32>,
        %get3A_230 = vector.shape_cast %get3A_229 : vector<1x16xf32> to vector<16xf32>
        %mul3A_231 = arith.mulf %get3A_230, %get3A_226 : vector<16xf32>
        %swap3A_232 = arith.index_cast %add3A_222 : i32 to index
        %swap3A_233 = arith.constant 0 : index
        %swap3A_234 = tpu.vector_load %arg10[%swap3A_232, %swap3A_233] {strides = array<i32>} : memref<80x32xf32, #tpu.memory_space<vmem>>, vector<1x16xf32>,
        %swap3A_235 = vector.shape_cast %swap3A_234 : vector<1x16xf32> to vector<16xf32>
        %swap3A_236 = vector.shape_cast %mul3A_231 : vector<16xf32> to vector<1x16xf32>
        tpu.vector_store %arg10[%swap3A_232, %swap3A_233], %swap3A_236 {strides = array<i32>} : memref<80x32xf32, #tpu.memory_space<vmem>>, vector<1x16xf32>,
        %get3A_237 = arith.index_cast %add3A_222 : i32 to index
        %get3A_238 = arith.constant 16 : index
        %get3A_239 = tpu.vector_load %arg10[%get3A_237, %get3A_238] {strides = array<i32>} : memref<80x32xf32, #tpu.memory_space<vmem>>, vector<1x16xf32>,
        %get3A_240 = vector.shape_cast %get3A_239 : vector<1x16xf32> to vector<16xf32>
        %mul3A_241 = arith.mulf %get3A_240, %get3A_226 : vector<16xf32>
        %swap3A_242 = arith.index_cast %add3A_222 : i32 to index
        %swap3A_243 = arith.constant 16 : index
        %swap3A_244 = tpu.vector_load %arg10[%swap3A_242, %swap3A_243] {strides = array<i32>} : memref<80x32xf32, #tpu.memory_space<vmem>>, vector<1x16xf32>,
        %swap3A_245 = vector.shape_cast %swap3A_244 : vector<1x16xf32> to vector<16xf32>
        %swap3A_246 = vector.shape_cast %mul3A_241 : vector<16xf32> to vector<1x16xf32>
        tpu.vector_store %arg10[%swap3A_242, %swap3A_243], %swap3A_246 {strides = array<i32>} : memref<80x32xf32, #tpu.memory_space<vmem>>, vector<1x16xf32>,
        %mul3A_247 = arith.constant 8 : i32
        %mul3A_248 = arith.muli %scan3A_136, %mul3A_247 : i32
        %add3A_249 = arith.constant 4 : i32
        %add3A_250 = arith.addi %mul3A_248, %add3A_249 : i32
        %get3A_251 = arith.index_cast %add3A_250 : i32 to index
        %get3A_252 = arith.constant 0 : index
        %get3A_253 = tpu.vector_load %arg12[%get3A_251, %get3A_252] {strides = array<i32>} : memref<80x16xf32, #tpu.memory_space<vmem>>, vector<1x16xf32>,
        %get3A_254 = vector.shape_cast %get3A_253 : vector<1x16xf32> to vector<16xf32>
        %get3A_255 = arith.index_cast %add3A_250 : i32 to index
        %get3A_256 = arith.constant 0 : index
        %get3A_257 = tpu.vector_load %arg10[%get3A_255, %get3A_256] {strides = array<i32>} : memref<80x32xf32, #tpu.memory_space<vmem>>, vector<1x16xf32>,
        %get3A_258 = vector.shape_cast %get3A_257 : vector<1x16xf32> to vector<16xf32>
        %mul3A_259 = arith.mulf %get3A_258, %get3A_254 : vector<16xf32>
        %swap3A_260 = arith.index_cast %add3A_250 : i32 to index
        %swap3A_261 = arith.constant 0 : index
        %swap3A_262 = tpu.vector_load %arg10[%swap3A_260, %swap3A_261] {strides = array<i32>} : memref<80x32xf32, #tpu.memory_space<vmem>>, vector<1x16xf32>,
        %swap3A_263 = vector.shape_cast %swap3A_262 : vector<1x16xf32> to vector<16xf32>
        %swap3A_264 = vector.shape_cast %mul3A_259 : vector<16xf32> to vector<1x16xf32>
        tpu.vector_store %arg10[%swap3A_260, %swap3A_261], %swap3A_264 {strides = array<i32>} : memref<80x32xf32, #tpu.memory_space<vmem>>, vector<1x16xf32>,
        %get3A_265 = arith.index_cast %add3A_250 : i32 to index
        %get3A_266 = arith.constant 16 : index
        %get3A_267 = tpu.vector_load %arg10[%get3A_265, %get3A_266] {strides = array<i32>} : memref<80x32xf32, #tpu.memory_space<vmem>>, vector<1x16xf32>,
        %get3A_268 = vector.shape_cast %get3A_267 : vector<1x16xf32> to vector<16xf32>
        %mul3A_269 = arith.mulf %get3A_268, %get3A_254 : vector<16xf32>
        %swap3A_270 = arith.index_cast %add3A_250 : i32 to index
        %swap3A_271 = arith.constant 16 : index
        %swap3A_272 = tpu.vector_load %arg10[%swap3A_270, %swap3A_271] {strides = array<i32>} : memref<80x32xf32, #tpu.memory_space<vmem>>, vector<1x16xf32>,
        %swap3A_273 = vector.shape_cast %swap3A_272 : vector<1x16xf32> to vector<16xf32>
        %swap3A_274 = vector.shape_cast %mul3A_269 : vector<16xf32> to vector<1x16xf32>
        tpu.vector_store %arg10[%swap3A_270, %swap3A_271], %swap3A_274 {strides = array<i32>} : memref<80x32xf32, #tpu.memory_space<vmem>>, vector<1x16xf32>,
        %mul3A_275 = arith.constant 8 : i32
        %mul3A_276 = arith.muli %scan3A_136, %mul3A_275 : i32
        %add3A_277 = arith.constant 5 : i32
        %add3A_278 = arith.addi %mul3A_276, %add3A_277 : i32
        %get3A_279 = arith.index_cast %add3A_278 : i32 to index
        %get3A_280 = arith.constant 0 : index
        %get3A_281 = tpu.vector_load %arg12[%get3A_279, %get3A_280] {strides = array<i32>} : memref<80x16xf32, #tpu.memory_space<vmem>>, vector<1x16xf32>,
        %get3A_282 = vector.shape_cast %get3A_281 : vector<1x16xf32> to vector<16xf32>
        %get3A_283 = arith.index_cast %add3A_278 : i32 to index
        %get3A_284 = arith.constant 0 : index
        %get3A_285 = tpu.vector_load %arg10[%get3A_283, %get3A_284] {strides = array<i32>} : memref<80x32xf32, #tpu.memory_space<vmem>>, vector<1x16xf32>,
        %get3A_286 = vector.shape_cast %get3A_285 : vector<1x16xf32> to vector<16xf32>
        %mul3A_287 = arith.mulf %get3A_286, %get3A_282 : vector<16xf32>
        %swap3A_288 = arith.index_cast %add3A_278 : i32 to index
        %swap3A_289 = arith.constant 0 : index
        %swap3A_290 = tpu.vector_load %arg10[%swap3A_288, %swap3A_289] {strides = array<i32>} : memref<80x32xf32, #tpu.memory_space<vmem>>, vector<1x16xf32>,
        %swap3A_291 = vector.shape_cast %swap3A_290 : vector<1x16xf32> to vector<16xf32>
        %swap3A_292 = vector.shape_cast %mul3A_287 : vector<16xf32> to vector<1x16xf32>
        tpu.vector_store %arg10[%swap3A_288, %swap3A_289], %swap3A_292 {strides = array<i32>} : memref<80x32xf32, #tpu.memory_space<vmem>>, vector<1x16xf32>,
        %get3A_293 = arith.index_cast %add3A_278 : i32 to index
        %get3A_294 = arith.constant 16 : index
        %get3A_295 = tpu.vector_load %arg10[%get3A_293, %get3A_294] {strides = array<i32>} : memref<80x32xf32, #tpu.memory_space<vmem>>, vector<1x16xf32>,
        %get3A_296 = vector.shape_cast %get3A_295 : vector<1x16xf32> to vector<16xf32>
        %mul3A_297 = arith.mulf %get3A_296, %get3A_282 : vector<16xf32>
        %swap3A_298 = arith.index_cast %add3A_278 : i32 to index
        %swap3A_299 = arith.constant 16 : index
        %swap3A_300 = tpu.vector_load %arg10[%swap3A_298, %swap3A_299] {strides = array<i32>} : memref<80x32xf32, #tpu.memory_space<vmem>>, vector<1x16xf32>,
        %swap3A_301 = vector.shape_cast %swap3A_300 : vector<1x16xf32> to vector<16xf32>
        %swap3A_302 = vector.shape_cast %mul3A_297 : vector<16xf32> to vector<1x16xf32>
        tpu.vector_store %arg10[%swap3A_298, %swap3A_299], %swap3A_302 {strides = array<i32>} : memref<80x32xf32, #tpu.memory_space<vmem>>, vector<1x16xf32>,
        %mul3A_303 = arith.constant 8 : i32
        %mul3A_304 = arith.muli %scan3A_136, %mul3A_303 : i32
        %add3A_305 = arith.constant 6 : i32
        %add3A_306 = arith.addi %mul3A_304, %add3A_305 : i32
        %get3A_307 = arith.index_cast %add3A_306 : i32 to index
        %get3A_308 = arith.constant 0 : index
        %get3A_309 = tpu.vector_load %arg12[%get3A_307, %get3A_308] {strides = array<i32>} : memref<80x16xf32, #tpu.memory_space<vmem>>, vector<1x16xf32>,
        %get3A_310 = vector.shape_cast %get3A_309 : vector<1x16xf32> to vector<16xf32>
        %get3A_311 = arith.index_cast %add3A_306 : i32 to index
        %get3A_312 = arith.constant 0 : index
        %get3A_313 = tpu.vector_load %arg10[%get3A_311, %get3A_312] {strides = array<i32>} : memref<80x32xf32, #tpu.memory_space<vmem>>, vector<1x16xf32>,
        %get3A_314 = vector.shape_cast %get3A_313 : vector<1x16xf32> to vector<16xf32>
        %mul3A_315 = arith.mulf %get3A_314, %get3A_310 : vector<16xf32>
        %swap3A_316 = arith.index_cast %add3A_306 : i32 to index
        %swap3A_317 = arith.constant 0 : index
        %swap3A_318 = tpu.vector_load %arg10[%swap3A_316, %swap3A_317] {strides = array<i32>} : memref<80x32xf32, #tpu.memory_space<vmem>>, vector<1x16xf32>,
        %swap3A_319 = vector.shape_cast %swap3A_318 : vector<1x16xf32> to vector<16xf32>
        %swap3A_320 = vector.shape_cast %mul3A_315 : vector<16xf32> to vector<1x16xf32>
        tpu.vector_store %arg10[%swap3A_316, %swap3A_317], %swap3A_320 {strides = array<i32>} : memref<80x32xf32, #tpu.memory_space<vmem>>, vector<1x16xf32>,
        %get3A_321 = arith.index_cast %add3A_306 : i32 to index
        %get3A_322 = arith.constant 16 : index
        %get3A_323 = tpu.vector_load %arg10[%get3A_321, %get3A_322] {strides = array<i32>} : memref<80x32xf32, #tpu.memory_space<vmem>>, vector<1x16xf32>,
        %get3A_324 = vector.shape_cast %get3A_323 : vector<1x16xf32> to vector<16xf32>
        %mul3A_325 = arith.mulf %get3A_324, %get3A_310 : vector<16xf32>
        %swap3A_326 = arith.index_cast %add3A_306 : i32 to index
        %swap3A_327 = arith.constant 16 : index
        %swap3A_328 = tpu.vector_load %arg10[%swap3A_326, %swap3A_327] {strides = array<i32>} : memref<80x32xf32, #tpu.memory_space<vmem>>, vector<1x16xf32>,
        %swap3A_329 = vector.shape_cast %swap3A_328 : vector<1x16xf32> to vector<16xf32>
        %swap3A_330 = vector.shape_cast %mul3A_325 : vector<16xf32> to vector<1x16xf32>
        tpu.vector_store %arg10[%swap3A_326, %swap3A_327], %swap3A_330 {strides = array<i32>} : memref<80x32xf32, #tpu.memory_space<vmem>>, vector<1x16xf32>,
        %mul3A_331 = arith.constant 8 : i32
        %mul3A_332 = arith.muli %scan3A_136, %mul3A_331 : i32
        %add3A_333 = arith.constant 7 : i32
        %add3A_334 = arith.addi %mul3A_332, %add3A_333 : i32
        %get3A_335 = arith.index_cast %add3A_334 : i32 to index
        %get3A_336 = arith.constant 0 : index
        %get3A_337 = tpu.vector_load %arg12[%get3A_335, %get3A_336] {strides = array<i32>} : memref<80x16xf32, #tpu.memory_space<vmem>>, vector<1x16xf32>,
        %get3A_338 = vector.shape_cast %get3A_337 : vector<1x16xf32> to vector<16xf32>
        %get3A_339 = arith.index_cast %add3A_334 : i32 to index
        %get3A_340 = arith.constant 0 : index
        %get3A_341 = tpu.vector_load %arg10[%get3A_339, %get3A_340] {strides = array<i32>} : memref<80x32xf32, #tpu.memory_space<vmem>>, vector<1x16xf32>,
        %get3A_342 = vector.shape_cast %get3A_341 : vector<1x16xf32> to vector<16xf32>
        %mul3A_343 = arith.mulf %get3A_342, %get3A_338 : vector<16xf32>
        %swap3A_344 = arith.index_cast %add3A_334 : i32 to index
        %swap3A_345 = arith.constant 0 : index
        %swap3A_346 = tpu.vector_load %arg10[%swap3A_344, %swap3A_345] {strides = array<i32>} : memref<80x32xf32, #tpu.memory_space<vmem>>, vector<1x16xf32>,
        %swap3A_347 = vector.shape_cast %swap3A_346 : vector<1x16xf32> to vector<16xf32>
        %swap3A_348 = vector.shape_cast %mul3A_343 : vector<16xf32> to vector<1x16xf32>
        tpu.vector_store %arg10[%swap3A_344, %swap3A_345], %swap3A_348 {strides = array<i32>} : memref<80x32xf32, #tpu.memory_space<vmem>>, vector<1x16xf32>,
        %get3A_349 = arith.index_cast %add3A_334 : i32 to index
        %get3A_350 = arith.constant 16 : index
        %get3A_351 = tpu.vector_load %arg10[%get3A_349, %get3A_350] {strides = array<i32>} : memref<80x32xf32, #tpu.memory_space<vmem>>, vector<1x16xf32>,
        %get3A_352 = vector.shape_cast %get3A_351 : vector<1x16xf32> to vector<16xf32>
        %mul3A_353 = arith.mulf %get3A_352, %get3A_338 : vector<16xf32>
        %swap3A_354 = arith.index_cast %add3A_334 : i32 to index
        %swap3A_355 = arith.constant 16 : index
        %swap3A_356 = tpu.vector_load %arg10[%swap3A_354, %swap3A_355] {strides = array<i32>} : memref<80x32xf32, #tpu.memory_space<vmem>>, vector<1x16xf32>,
        %swap3A_357 = vector.shape_cast %swap3A_356 : vector<1x16xf32> to vector<16xf32>
        %swap3A_358 = vector.shape_cast %mul3A_353 : vector<16xf32> to vector<1x16xf32>
        tpu.vector_store %arg10[%swap3A_354, %swap3A_355], %swap3A_358 {strides = array<i32>} : memref<80x32xf32, #tpu.memory_space<vmem>>, vector<1x16xf32>,
      }
      %scan3A_128 = arith.constant 10 : i32
      "tpu.region"() ({
        %run_scoped3A = tpu.sem_alloc : memref<!tpu.dma_semaphore, #tpu.memory_space<semaphore_mem>>
        %dma_start3A_136 = arith.constant 0 : i32
        %dma_start3A_137 = tpu.memref_slice %arg8[%add3A_122, %dma_start3A_136] : memref<250x80xi32, #tpu.memory_space<vmem>> -> memref<1x80xi32, #tpu.memory_space<vmem>>
        %dma_start3A_138 = tpu.memref_squeeze %dma_start3A_137 : memref<1x80xi32, #tpu.memory_space<vmem>> -> memref<80xi32, #tpu.memory_space<vmem>>
        %dma_start3A_139 = arith.constant 0 : i32
        %dma_start3A_140 = arith.constant 0 : i32
        %dma_start3A_141 = tpu.memref_slice %arg14[%dma_start3A_139, %dma_start3A_140] : memref<10240x32xf32, #tpu.memory_space<vmem_shared>> -> memref<10240x32xf32, #tpu.memory_space<vmem_shared>>
        tpu.enqueue_indirect_dma source(%arg10 : memref<80x32xf32, #tpu.memory_space<vmem>>) target(%dma_start3A_141 : memref<10240x32xf32, #tpu.memory_space<vmem_shared>>) offsets(%dma_start3A_138 : memref<80xi32, #tpu.memory_space<vmem>>) semaphore(%run_scoped3A : memref<!tpu.dma_semaphore, #tpu.memory_space<semaphore_mem>>) {add = true}
        %dma_wait3A_142 = arith.constant 0 : i32
        %dma_wait3A_143 = tpu.memref_slice %arg8[%add3A_122, %dma_wait3A_142] : memref<250x80xi32, #tpu.memory_space<vmem>> -> memref<1x80xi32, #tpu.memory_space<vmem>>
        %dma_wait3A_144 = tpu.memref_squeeze %dma_wait3A_143 : memref<1x80xi32, #tpu.memory_space<vmem>> -> memref<80xi32, #tpu.memory_space<vmem>>
        %dma_wait3A_145 = arith.constant 0 : i32
        %dma_wait3A_146 = arith.constant 0 : i32
        %dma_wait3A_147 = tpu.memref_slice %arg14[%dma_wait3A_145, %dma_wait3A_146] : memref<10240x32xf32, #tpu.memory_space<vmem_shared>> -> memref<10240x32xf32, #tpu.memory_space<vmem_shared>>
        tpu.wait_indirect_dma semaphore(%run_scoped3A : memref<!tpu.dma_semaphore, #tpu.memory_space<semaphore_mem>>) src(%arg10 : memref<80x32xf32, #tpu.memory_space<vmem>>) dst(%dma_wait3A_147 : memref<10240x32xf32, #tpu.memory_space<vmem_shared>>)
        tpu.yield
      }) : () -> ()
      %add3A_129 = arith.constant 3 : i32
      %add3A_130 = arith.addi %mul3A_73, %add3A_129 : i32
      %lt3A_131 = arith.constant 250 : i32
      %lt3A_132 = arith.cmpi slt, %add3A_130, %lt3A_131 : i32
      %convert_element_type3A_133 = arith.extui %lt3A_132 : i1 to i32
      %cond3A_134 = arith.constant 0 : i32
      %cond3A_135 = arith.cmpi ne, %convert_element_type3A_133, %cond3A_134 : i32
      scf.if %cond3A_135 {
        %add3A_136 = arith.constant 3 : i32
        %add3A_137 = arith.addi %mul3A_73, %add3A_136 : i32
        %dma_start3A_138 = arith.constant 0 : i32
        %dma_start3A_139 = tpu.memref_slice %arg7[%add3A_137, %dma_start3A_138] : memref<250x80xi32, #tpu.memory_space<vmem>> -> memref<1x80xi32, #tpu.memory_space<vmem>>
        %dma_start3A_140 = tpu.memref_squeeze %dma_start3A_139 : memref<1x80xi32, #tpu.memory_space<vmem>> -> memref<80xi32, #tpu.memory_space<vmem>>
        %dma_start3A_141 = arith.constant 0 : i32
        %dma_start3A_142 = arith.constant 0 : i32
        %dma_start3A_143 = tpu.memref_slice %arg5[%arg0, %dma_start3A_141, %dma_start3A_142] : memref<2x10000x32xf32, #tpu.memory_space<hbm>> -> memref<1x10000x32xf32, #tpu.memory_space<hbm>>
        %dma_start3A_144 = tpu.memref_squeeze %dma_start3A_143 : memref<1x10000x32xf32, #tpu.memory_space<hbm>> -> memref<10000x32xf32, #tpu.memory_space<hbm>>
        %dma_start3A_145 = arith.constant 0 : i32
        %dma_start3A_146 = arith.constant 0 : i32
        %dma_start3A_147 = tpu.memref_slice %dma_start3A_144[%dma_start3A_145, %dma_start3A_146] : memref<10000x32xf32, #tpu.memory_space<hbm>> -> memref<10000x32xf32, #tpu.memory_space<hbm>>
        tpu.enqueue_indirect_dma source(%dma_start3A_147 : memref<10000x32xf32, #tpu.memory_space<hbm>>) target(%arg10 : memref<80x32xf32, #tpu.memory_space<vmem>>) offsets(%dma_start3A_140 : memref<80xi32, #tpu.memory_space<vmem>>) semaphore(%arg16 : memref<!tpu.dma_semaphore, #tpu.memory_space<semaphore_mem>>)
        %dma_start3A_148 = arith.constant 0 : i32
        %dma_start3A_149 = arith.constant 0 : i32
        %dma_start3A_150 = tpu.memref_slice %arg4[%arg1, %add3A_137, %dma_start3A_148, %dma_start3A_149] : memref<16x250x80x16xf32, #tpu.memory_space<hbm>> -> memref<1x1x80x16xf32, #tpu.memory_space<hbm>>
        %dma_start3A_151 = tpu.memref_squeeze %dma_start3A_150 : memref<1x1x80x16xf32, #tpu.memory_space<hbm>> -> memref<80x16xf32, #tpu.memory_space<hbm>>
        %dma_start3A_152 = arith.constant 0 : i32
        %dma_start3A_153 = arith.constant 0 : i32
        %dma_start3A_154 = tpu.memref_slice %arg4[%arg1, %add3A_137, %dma_start3A_152, %dma_start3A_153] : memref<16x250x80x16xf32, #tpu.memory_space<hbm>> -> memref<1x1x80x16xf32, #tpu.memory_space<hbm>>
        %dma_start3A_155 = tpu.memref_squeeze %dma_start3A_154 : memref<1x1x80x16xf32, #tpu.memory_space<hbm>> -> memref<80x16xf32, #tpu.memory_space<hbm>>
        tpu.enqueue_dma source(%dma_start3A_155 : memref<80x16xf32, #tpu.memory_space<hbm>>) target(%arg12 : memref<80x16xf32, #tpu.memory_space<vmem>>) target_semaphore(%arg16 : memref<!tpu.dma_semaphore, #tpu.memory_space<semaphore_mem>>)
      } else {
      }
    }
    %scan3A_67 = arith.constant 125 : i32
    %barrier3A_68 = arith.constant 0 : index
    tpu.barrier barrier_id(%barrier3A_68)
    %mul3A_69 = arith.constant 640 : i32
    %mul3A_70 = arith.muli %arg1, %mul3A_69 : i32
    "tpu.region"() ({
      %run_scoped3A = tpu.sem_alloc : memref<!tpu.dma_semaphore, #tpu.memory_space<semaphore_mem>>
      %dma_start3A_71 = arith.constant 0 : i32
      %dma_start3A_72 = tpu.memref_slice %arg6[%arg0, %mul3A_70, %dma_start3A_71] : memref<2x10240x32xf32, #tpu.memory_space<hbm>> -> memref<1x640x32xf32, #tpu.memory_space<hbm>>
      %dma_start3A_73 = tpu.memref_squeeze %dma_start3A_72 : memref<1x640x32xf32, #tpu.memory_space<hbm>> -> memref<640x32xf32, #tpu.memory_space<hbm>>
      %dma_start3A_74 = arith.constant 0 : i32
      %dma_start3A_75 = tpu.memref_slice %arg14[%mul3A_70, %dma_start3A_74] : memref<10240x32xf32, #tpu.memory_space<vmem_shared>> -> memref<640x32xf32, #tpu.memory_space<vmem_shared>>
      tpu.enqueue_dma source(%dma_start3A_75 : memref<640x32xf32, #tpu.memory_space<vmem_shared>>) target(%dma_start3A_73 : memref<640x32xf32, #tpu.memory_space<hbm>>) target_semaphore(%run_scoped3A : memref<!tpu.dma_semaphore, #tpu.memory_space<semaphore_mem>>)
      %dma_wait3A = arith.constant 0 : i32
      %dma_wait3A_76 = tpu.memref_slice %arg6[%arg0, %mul3A_70, %dma_wait3A] : memref<2x10240x32xf32, #tpu.memory_space<hbm>> -> memref<1x640x32xf32, #tpu.memory_space<hbm>>
      %dma_wait3A_77 = tpu.memref_squeeze %dma_wait3A_76 : memref<1x640x32xf32, #tpu.memory_space<hbm>> -> memref<640x32xf32, #tpu.memory_space<hbm>>
      %dma_wait3A_78 = arith.constant 0 : i32
      %dma_wait3A_79 = tpu.memref_slice %arg14[%mul3A_70, %dma_wait3A_78] : memref<10240x32xf32, #tpu.memory_space<vmem_shared>> -> memref<640x32xf32, #tpu.memory_space<vmem_shared>>
      tpu.wait_dma2 semaphore(%run_scoped3A : memref<!tpu.dma_semaphore, #tpu.memory_space<semaphore_mem>>) src(%dma_wait3A_79 : memref<640x32xf32, #tpu.memory_space<vmem_shared>>) dst(%dma_wait3A_77 : memref<640x32xf32, #tpu.memory_space<hbm>>)
      tpu.yield
    }) : () -> ()
    return
  }
}

module attributes {stable_mosaic.version = 14 : i64} {
  func.func @_tc_ewb_body(%arg0: i32, %arg1: memref<4000x1xf32, #tpu.memory_space<vmem>>, %arg2: memref<4000x16xf32, #tpu.memory_space<vmem>>) attributes {dimension_semantics = [#tpu.dimension_semantics<arbitrary>], iteration_bounds = array<i64: 80>, scalar_prefetch = 0 : i64, scratch_operands = 0 : i64, tpu.core_type = #tpu.core_type<tc>, window_params = [{transform_indices = @transform_0, window_bounds = array<i64: 4000, 1>}, {transform_indices = @transform_1, window_bounds = array<i64: 4000, 16>}]} {
    %get3A = arith.constant 0 : index
    %get3A_0 = arith.constant 0 : index
    %get3A_1 = vector.load %arg1[%get3A, %get3A_0] : memref<4000x1xf32, #tpu.memory_space<vmem>>, vector<4000x1xf32>
    %broadcast_in_dim3A = vector.shape_cast %get3A_1 : vector<4000x1xf32> to vector<4000x1xf32>
    %broadcast_in_dim3A_2 = vector.broadcast %broadcast_in_dim3A : vector<4000x1xf32> to vector<4000x16xf32>
    %swap3A = arith.constant 0 : index
    %swap3A_3 = arith.constant 0 : index
    %swap3A_4 = vector.load %arg2[%swap3A, %swap3A_3] : memref<4000x16xf32, #tpu.memory_space<vmem>>, vector<4000x16xf32>
    tpu.vector_store %arg2[%swap3A, %swap3A_3], %broadcast_in_dim3A_2 {strides = array<i32>} : memref<4000x16xf32, #tpu.memory_space<vmem>>, vector<4000x16xf32>,
    return
  }
  func.func @transform_0(%arg0: i32) -> (i32, i32) {
    %c0_i32 = arith.constant 0 : i32
    %c0_i32_0 = arith.constant 0 : i32
    return %arg0, %c0_i32 : i32, i32
  }
  func.func @transform_1(%arg0: i32) -> (i32, i32) {
    %c0_i32 = arith.constant 0 : i32
    %c0_i32_0 = arith.constant 0 : i32
    return %arg0, %c0_i32 : i32, i32
  }
}

module attributes {stable_mosaic.version = 14 : i64} {
  func.func @_tc_pre_body(%arg0: i32, %arg1: memref<2000x128xf32, #tpu.memory_space<vmem>>, %arg2: memref<128x128xf32, #tpu.memory_space<vmem>>, %arg3: memref<1x128xf32, #tpu.memory_space<vmem>>, %arg4: memref<128x64xf32, #tpu.memory_space<vmem>>, %arg5: memref<128x64xf32, #tpu.memory_space<vmem>>, %arg6: memref<128x128xf32, #tpu.memory_space<vmem>>, %arg7: memref<1x128xf32, #tpu.memory_space<vmem>>, %arg8: memref<2000x64xf32, #tpu.memory_space<vmem>>, %arg9: memref<2000x64xf32, #tpu.memory_space<vmem>>, %arg10: memref<2000x128xf32, #tpu.memory_space<vmem>>) attributes {dimension_semantics = [#tpu.dimension_semantics<arbitrary>], iteration_bounds = array<i64: 5>, scalar_prefetch = 0 : i64, scratch_operands = 0 : i64, tpu.core_type = #tpu.core_type<tc>, window_params = [{transform_indices = @transform_0, window_bounds = array<i64: 2000, 128>}, {pipeline_mode = #tpu.pipeline_mode<synchronous>, transform_indices = @transform_1, window_bounds = array<i64: 128, 128>}, {pipeline_mode = #tpu.pipeline_mode<synchronous>, transform_indices = @transform_2, window_bounds = array<i64: 1, 128>}, {pipeline_mode = #tpu.pipeline_mode<synchronous>, transform_indices = @transform_3, window_bounds = array<i64: 128, 64>}, {pipeline_mode = #tpu.pipeline_mode<synchronous>, transform_indices = @transform_4, window_bounds = array<i64: 128, 64>}, {pipeline_mode = #tpu.pipeline_mode<synchronous>, transform_indices = @transform_5, window_bounds = array<i64: 128, 128>}, {pipeline_mode = #tpu.pipeline_mode<synchronous>, transform_indices = @transform_6, window_bounds = array<i64: 1, 128>}, {transform_indices = @transform_7, window_bounds = array<i64: 2000, 64>}, {transform_indices = @transform_8, window_bounds = array<i64: 2000, 64>}, {transform_indices = @transform_9, window_bounds = array<i64: 2000, 128>}]} {
    %get3A = arith.constant 0 : index
    %get3A_0 = arith.constant 0 : index
    %get3A_1 = vector.load %arg1[%get3A, %get3A_0] : memref<2000x128xf32, #tpu.memory_space<vmem>>, vector<2000x128xf32>
    %get3A_2 = arith.constant 0 : index
    %get3A_3 = arith.constant 0 : index
    %get3A_4 = vector.load %arg2[%get3A_2, %get3A_3] : memref<128x128xf32, #tpu.memory_space<vmem>>, vector<128x128xf32>
    %dot_general3A = arith.constant dense<0.000000e+00> : vector<2000x128xf32>
    %dot_general3A_5 = tpu.matmul %get3A_1, %get3A_4, %dot_general3A {dimension_numbers = #tpu.dot_dimension_numbers<[1], [0], [0], [1], [0, 0, 1, 1], [], []>, transpose_lhs_hint = false} : vector<2000x128xf32>, vector<128x128xf32>, vector<2000x128xf32> -> vector<2000x128xf32>
    %get3A_6 = arith.constant 0 : index
    %get3A_7 = arith.constant 0 : index
    %get3A_8 = vector.load %arg3[%get3A_6, %get3A_7] : memref<1x128xf32, #tpu.memory_space<vmem>>, vector<1x128xf32>
    %add3A = vector.broadcast %get3A_8 : vector<1x128xf32> to vector<2000x128xf32>
    %add3A_9 = arith.addf %dot_general3A_5, %add3A : vector<2000x128xf32>
    %max3A = arith.constant 0.000000e+00 : f32
    %max3A_10 = vector.broadcast %max3A : f32 to vector<2000x128xf32>
    %max3A_11 = arith.maximumf %add3A_9, %max3A_10 : vector<2000x128xf32>
    %get3A_12 = arith.constant 0 : index
    %get3A_13 = arith.constant 0 : index
    %get3A_14 = vector.load %arg4[%get3A_12, %get3A_13] : memref<128x64xf32, #tpu.memory_space<vmem>>, vector<128x64xf32>
    %dot_general3A_15 = arith.constant dense<0.000000e+00> : vector<2000x64xf32>
    %dot_general3A_16 = tpu.matmul %max3A_11, %get3A_14, %dot_general3A_15 {dimension_numbers = #tpu.dot_dimension_numbers<[1], [0], [0], [1], [0, 0, 1, 1], [], []>, transpose_lhs_hint = false} : vector<2000x128xf32>, vector<128x64xf32>, vector<2000x64xf32> -> vector<2000x64xf32>
    %swap3A = arith.constant 0 : index
    %swap3A_17 = arith.constant 0 : index
    %swap3A_18 = vector.load %arg8[%swap3A, %swap3A_17] : memref<2000x64xf32, #tpu.memory_space<vmem>>, vector<2000x64xf32>
    tpu.vector_store %arg8[%swap3A, %swap3A_17], %dot_general3A_16 {strides = array<i32>} : memref<2000x64xf32, #tpu.memory_space<vmem>>, vector<2000x64xf32>,
    %get3A_19 = arith.constant 0 : index
    %get3A_20 = arith.constant 0 : index
    %get3A_21 = vector.load %arg5[%get3A_19, %get3A_20] : memref<128x64xf32, #tpu.memory_space<vmem>>, vector<128x64xf32>
    %dot_general3A_22 = arith.constant dense<0.000000e+00> : vector<2000x64xf32>
    %dot_general3A_23 = tpu.matmul %max3A_11, %get3A_21, %dot_general3A_22 {dimension_numbers = #tpu.dot_dimension_numbers<[1], [0], [0], [1], [0, 0, 1, 1], [], []>, transpose_lhs_hint = false} : vector<2000x128xf32>, vector<128x64xf32>, vector<2000x64xf32> -> vector<2000x64xf32>
    %swap3A_24 = arith.constant 0 : index
    %swap3A_25 = arith.constant 0 : index
    %swap3A_26 = vector.load %arg9[%swap3A_24, %swap3A_25] : memref<2000x64xf32, #tpu.memory_space<vmem>>, vector<2000x64xf32>
    tpu.vector_store %arg9[%swap3A_24, %swap3A_25], %dot_general3A_23 {strides = array<i32>} : memref<2000x64xf32, #tpu.memory_space<vmem>>, vector<2000x64xf32>,
    %get3A_27 = arith.constant 0 : index
    %get3A_28 = arith.constant 0 : index
    %get3A_29 = vector.load %arg6[%get3A_27, %get3A_28] : memref<128x128xf32, #tpu.memory_space<vmem>>, vector<128x128xf32>
    %dot_general3A_30 = arith.constant dense<0.000000e+00> : vector<2000x128xf32>
    %dot_general3A_31 = tpu.matmul %max3A_11, %get3A_29, %dot_general3A_30 {dimension_numbers = #tpu.dot_dimension_numbers<[1], [0], [0], [1], [0, 0, 1, 1], [], []>, transpose_lhs_hint = false} : vector<2000x128xf32>, vector<128x128xf32>, vector<2000x128xf32> -> vector<2000x128xf32>
    %get3A_32 = arith.constant 0 : index
    %get3A_33 = arith.constant 0 : index
    %get3A_34 = vector.load %arg7[%get3A_32, %get3A_33] : memref<1x128xf32, #tpu.memory_space<vmem>>, vector<1x128xf32>
    %add3A_35 = vector.broadcast %get3A_34 : vector<1x128xf32> to vector<2000x128xf32>
    %add3A_36 = arith.addf %dot_general3A_31, %add3A_35 : vector<2000x128xf32>
    %swap3A_37 = arith.constant 0 : index
    %swap3A_38 = arith.constant 0 : index
    %swap3A_39 = vector.load %arg10[%swap3A_37, %swap3A_38] : memref<2000x128xf32, #tpu.memory_space<vmem>>, vector<2000x128xf32>
    tpu.vector_store %arg10[%swap3A_37, %swap3A_38], %add3A_36 {strides = array<i32>} : memref<2000x128xf32, #tpu.memory_space<vmem>>, vector<2000x128xf32>,
    return
  }
  func.func @transform_0(%arg0: i32) -> (i32, i32) {
    %c0_i32 = arith.constant 0 : i32
    %c0_i32_0 = arith.constant 0 : i32
    return %arg0, %c0_i32 : i32, i32
  }
  func.func @transform_1(%arg0: i32) -> (i32, i32) {
    %c0_i32 = arith.constant 0 : i32
    %c0_i32_0 = arith.constant 0 : i32
    %c0_i32_1 = arith.constant 0 : i32
    return %c0_i32, %c0_i32_0 : i32, i32
  }
  func.func @transform_2(%arg0: i32) -> (i32, i32) {
    %c0_i32 = arith.constant 0 : i32
    %c0_i32_0 = arith.constant 0 : i32
    %c0_i32_1 = arith.constant 0 : i32
    return %c0_i32, %c0_i32_0 : i32, i32
  }
  func.func @transform_3(%arg0: i32) -> (i32, i32) {
    %c0_i32 = arith.constant 0 : i32
    %c0_i32_0 = arith.constant 0 : i32
    %c0_i32_1 = arith.constant 0 : i32
    return %c0_i32, %c0_i32_0 : i32, i32
  }
  func.func @transform_4(%arg0: i32) -> (i32, i32) {
    %c0_i32 = arith.constant 0 : i32
    %c0_i32_0 = arith.constant 0 : i32
    %c0_i32_1 = arith.constant 0 : i32
    return %c0_i32, %c0_i32_0 : i32, i32
  }
  func.func @transform_5(%arg0: i32) -> (i32, i32) {
    %c0_i32 = arith.constant 0 : i32
    %c0_i32_0 = arith.constant 0 : i32
    %c0_i32_1 = arith.constant 0 : i32
    return %c0_i32, %c0_i32_0 : i32, i32
  }
  func.func @transform_6(%arg0: i32) -> (i32, i32) {
    %c0_i32 = arith.constant 0 : i32
    %c0_i32_0 = arith.constant 0 : i32
    %c0_i32_1 = arith.constant 0 : i32
    return %c0_i32, %c0_i32_0 : i32, i32
  }
  func.func @transform_7(%arg0: i32) -> (i32, i32) {
    %c0_i32 = arith.constant 0 : i32
    %c0_i32_0 = arith.constant 0 : i32
    return %arg0, %c0_i32 : i32, i32
  }
  func.func @transform_8(%arg0: i32) -> (i32, i32) {
    %c0_i32 = arith.constant 0 : i32
    %c0_i32_0 = arith.constant 0 : i32
    return %arg0, %c0_i32 : i32, i32
  }
  func.func @transform_9(%arg0: i32) -> (i32, i32) {
    %c0_i32 = arith.constant 0 : i32
    %c0_i32_0 = arith.constant 0 : i32
    return %arg0, %c0_i32 : i32, i32
  }
}

module attributes {stable_mosaic.version = 14 : i64} {
  func.func @_tc_mid_body(%arg0: i32, %arg1: memref<2000x64xf32, #tpu.memory_space<vmem>>, %arg2: memref<2000x64xf32, #tpu.memory_space<vmem>>, %arg3: memref<2000x16xf32, #tpu.memory_space<vmem>>, %arg4: memref<2000x128xf32, #tpu.memory_space<vmem>>, %arg5: memref<128x128xf32, #tpu.memory_space<vmem>>, %arg6: memref<1x128xf32, #tpu.memory_space<vmem>>, %arg7: memref<128x32xf32, #tpu.memory_space<vmem>>, %arg8: memref<128x32xf32, #tpu.memory_space<vmem>>, %arg9: memref<128x64xf32, #tpu.memory_space<vmem>>, %arg10: memref<1x64xf32, #tpu.memory_space<vmem>>, %arg11: memref<2000x32xf32, #tpu.memory_space<vmem>>, %arg12: memref<2000x32xf32, #tpu.memory_space<vmem>>, %arg13: memref<2000x64xf32, #tpu.memory_space<vmem>>) attributes {dimension_semantics = [#tpu.dimension_semantics<arbitrary>], iteration_bounds = array<i64: 5>, scalar_prefetch = 0 : i64, scratch_operands = 0 : i64, tpu.core_type = #tpu.core_type<tc>, window_params = [{transform_indices = @transform_0, window_bounds = array<i64: 2000, 64>}, {transform_indices = @transform_1, window_bounds = array<i64: 2000, 64>}, {transform_indices = @transform_2, window_bounds = array<i64: 2000, 16>}, {transform_indices = @transform_3, window_bounds = array<i64: 2000, 128>}, {pipeline_mode = #tpu.pipeline_mode<synchronous>, transform_indices = @transform_4, window_bounds = array<i64: 128, 128>}, {pipeline_mode = #tpu.pipeline_mode<synchronous>, transform_indices = @transform_5, window_bounds = array<i64: 1, 128>}, {pipeline_mode = #tpu.pipeline_mode<synchronous>, transform_indices = @transform_6, window_bounds = array<i64: 128, 32>}, {pipeline_mode = #tpu.pipeline_mode<synchronous>, transform_indices = @transform_7, window_bounds = array<i64: 128, 32>}, {pipeline_mode = #tpu.pipeline_mode<synchronous>, transform_indices = @transform_8, window_bounds = array<i64: 128, 64>}, {pipeline_mode = #tpu.pipeline_mode<synchronous>, transform_indices = @transform_9, window_bounds = array<i64: 1, 64>}, {transform_indices = @transform_10, window_bounds = array<i64: 2000, 32>}, {transform_indices = @transform_11, window_bounds = array<i64: 2000, 32>}, {transform_indices = @transform_12, window_bounds = array<i64: 2000, 64>}]} {
    %get3A = arith.constant 0 : index
    %get3A_0 = arith.constant 0 : index
    %get3A_1 = vector.load %arg3[%get3A, %get3A_0] : memref<2000x16xf32, #tpu.memory_space<vmem>>, vector<2000x16xf32>
    %slice3A = vector.extract_strided_slice %get3A_1 {offsets = [0, 0], sizes = [2000, 1], strides = [1, 1]} : vector<2000x16xf32> to vector<2000x1xf32>
    %max3A = arith.constant 9.99999997E-7 : f32
    %max3A_2 = vector.broadcast %max3A : f32 to vector<2000x1xf32>
    %max3A_3 = arith.maximumf %slice3A, %max3A_2 : vector<2000x1xf32>
    %get3A_4 = arith.constant 0 : index
    %get3A_5 = arith.constant 0 : index
    %get3A_6 = vector.load %arg1[%get3A_4, %get3A_5] : memref<2000x64xf32, #tpu.memory_space<vmem>>, vector<2000x64xf32>
    %get3A_7 = arith.constant 0 : index
    %get3A_8 = arith.constant 0 : index
    %get3A_9 = vector.load %arg2[%get3A_7, %get3A_8] : memref<2000x64xf32, #tpu.memory_space<vmem>>, vector<2000x64xf32>
    %concatenate3A = tpu.concatenate %get3A_6, %get3A_9 in 1 : vector<2000x64xf32>, vector<2000x64xf32> -> vector<2000x128xf32>
    %div3A = vector.broadcast %max3A_3 : vector<2000x1xf32> to vector<2000x128xf32>
    %div3A_10 = arith.divf %concatenate3A, %div3A : vector<2000x128xf32>
    %get3A_11 = arith.constant 0 : index
    %get3A_12 = arith.constant 0 : index
    %get3A_13 = vector.load %arg4[%get3A_11, %get3A_12] : memref<2000x128xf32, #tpu.memory_space<vmem>>, vector<2000x128xf32>
    %add3A = arith.addf %div3A_10, %get3A_13 : vector<2000x128xf32>
    %get3A_14 = arith.constant 0 : index
    %get3A_15 = arith.constant 0 : index
    %get3A_16 = vector.load %arg5[%get3A_14, %get3A_15] : memref<128x128xf32, #tpu.memory_space<vmem>>, vector<128x128xf32>
    %dot_general3A = arith.constant dense<0.000000e+00> : vector<2000x128xf32>
    %dot_general3A_17 = tpu.matmul %add3A, %get3A_16, %dot_general3A {dimension_numbers = #tpu.dot_dimension_numbers<[1], [0], [0], [1], [0, 0, 1, 1], [], []>, transpose_lhs_hint = false} : vector<2000x128xf32>, vector<128x128xf32>, vector<2000x128xf32> -> vector<2000x128xf32>
    %get3A_18 = arith.constant 0 : index
    %get3A_19 = arith.constant 0 : index
    %get3A_20 = vector.load %arg6[%get3A_18, %get3A_19] : memref<1x128xf32, #tpu.memory_space<vmem>>, vector<1x128xf32>
    %add3A_21 = vector.broadcast %get3A_20 : vector<1x128xf32> to vector<2000x128xf32>
    %add3A_22 = arith.addf %dot_general3A_17, %add3A_21 : vector<2000x128xf32>
    %max3A_23 = arith.constant 0.000000e+00 : f32
    %max3A_24 = vector.broadcast %max3A_23 : f32 to vector<2000x128xf32>
    %max3A_25 = arith.maximumf %add3A_22, %max3A_24 : vector<2000x128xf32>
    %get3A_26 = arith.constant 0 : index
    %get3A_27 = arith.constant 0 : index
    %get3A_28 = vector.load %arg7[%get3A_26, %get3A_27] : memref<128x32xf32, #tpu.memory_space<vmem>>, vector<128x32xf32>
    %dot_general3A_29 = arith.constant dense<0.000000e+00> : vector<2000x32xf32>
    %dot_general3A_30 = tpu.matmul %max3A_25, %get3A_28, %dot_general3A_29 {dimension_numbers = #tpu.dot_dimension_numbers<[1], [0], [0], [1], [0, 0, 1, 1], [], []>, transpose_lhs_hint = false} : vector<2000x128xf32>, vector<128x32xf32>, vector<2000x32xf32> -> vector<2000x32xf32>
    %swap3A = arith.constant 0 : index
    %swap3A_31 = arith.constant 0 : index
    %swap3A_32 = vector.load %arg11[%swap3A, %swap3A_31] : memref<2000x32xf32, #tpu.memory_space<vmem>>, vector<2000x32xf32>
    tpu.vector_store %arg11[%swap3A, %swap3A_31], %dot_general3A_30 {strides = array<i32>} : memref<2000x32xf32, #tpu.memory_space<vmem>>, vector<2000x32xf32>,
    %get3A_33 = arith.constant 0 : index
    %get3A_34 = arith.constant 0 : index
    %get3A_35 = vector.load %arg8[%get3A_33, %get3A_34] : memref<128x32xf32, #tpu.memory_space<vmem>>, vector<128x32xf32>
    %dot_general3A_36 = arith.constant dense<0.000000e+00> : vector<2000x32xf32>
    %dot_general3A_37 = tpu.matmul %max3A_25, %get3A_35, %dot_general3A_36 {dimension_numbers = #tpu.dot_dimension_numbers<[1], [0], [0], [1], [0, 0, 1, 1], [], []>, transpose_lhs_hint = false} : vector<2000x128xf32>, vector<128x32xf32>, vector<2000x32xf32> -> vector<2000x32xf32>
    %swap3A_38 = arith.constant 0 : index
    %swap3A_39 = arith.constant 0 : index
    %swap3A_40 = vector.load %arg12[%swap3A_38, %swap3A_39] : memref<2000x32xf32, #tpu.memory_space<vmem>>, vector<2000x32xf32>
    tpu.vector_store %arg12[%swap3A_38, %swap3A_39], %dot_general3A_37 {strides = array<i32>} : memref<2000x32xf32, #tpu.memory_space<vmem>>, vector<2000x32xf32>,
    %get3A_41 = arith.constant 0 : index
    %get3A_42 = arith.constant 0 : index
    %get3A_43 = vector.load %arg9[%get3A_41, %get3A_42] : memref<128x64xf32, #tpu.memory_space<vmem>>, vector<128x64xf32>
    %dot_general3A_44 = arith.constant dense<0.000000e+00> : vector<2000x64xf32>
    %dot_general3A_45 = tpu.matmul %max3A_25, %get3A_43, %dot_general3A_44 {dimension_numbers = #tpu.dot_dimension_numbers<[1], [0], [0], [1], [0, 0, 1, 1], [], []>, transpose_lhs_hint = false} : vector<2000x128xf32>, vector<128x64xf32>, vector<2000x64xf32> -> vector<2000x64xf32>
    %get3A_46 = arith.constant 0 : index
    %get3A_47 = arith.constant 0 : index
    %get3A_48 = vector.load %arg10[%get3A_46, %get3A_47] : memref<1x64xf32, #tpu.memory_space<vmem>>, vector<1x64xf32>
    %add3A_49 = vector.broadcast %get3A_48 : vector<1x64xf32> to vector<2000x64xf32>
    %add3A_50 = arith.addf %dot_general3A_45, %add3A_49 : vector<2000x64xf32>
    %swap3A_51 = arith.constant 0 : index
    %swap3A_52 = arith.constant 0 : index
    %swap3A_53 = vector.load %arg13[%swap3A_51, %swap3A_52] : memref<2000x64xf32, #tpu.memory_space<vmem>>, vector<2000x64xf32>
    tpu.vector_store %arg13[%swap3A_51, %swap3A_52], %add3A_50 {strides = array<i32>} : memref<2000x64xf32, #tpu.memory_space<vmem>>, vector<2000x64xf32>,
    return
  }
  func.func @transform_0(%arg0: i32) -> (i32, i32) {
    %c0_i32 = arith.constant 0 : i32
    %c0_i32_0 = arith.constant 0 : i32
    return %arg0, %c0_i32 : i32, i32
  }
  func.func @transform_1(%arg0: i32) -> (i32, i32) {
    %c0_i32 = arith.constant 0 : i32
    %c0_i32_0 = arith.constant 0 : i32
    return %arg0, %c0_i32 : i32, i32
  }
  func.func @transform_2(%arg0: i32) -> (i32, i32) {
    %c0_i32 = arith.constant 0 : i32
    %c0_i32_0 = arith.constant 0 : i32
    return %arg0, %c0_i32 : i32, i32
  }
  func.func @transform_3(%arg0: i32) -> (i32, i32) {
    %c0_i32 = arith.constant 0 : i32
    %c0_i32_0 = arith.constant 0 : i32
    return %arg0, %c0_i32 : i32, i32
  }
  func.func @transform_4(%arg0: i32) -> (i32, i32) {
    %c0_i32 = arith.constant 0 : i32
    %c0_i32_0 = arith.constant 0 : i32
    %c0_i32_1 = arith.constant 0 : i32
    return %c0_i32, %c0_i32_0 : i32, i32
  }
  func.func @transform_5(%arg0: i32) -> (i32, i32) {
    %c0_i32 = arith.constant 0 : i32
    %c0_i32_0 = arith.constant 0 : i32
    %c0_i32_1 = arith.constant 0 : i32
    return %c0_i32, %c0_i32_0 : i32, i32
  }
  func.func @transform_6(%arg0: i32) -> (i32, i32) {
    %c0_i32 = arith.constant 0 : i32
    %c0_i32_0 = arith.constant 0 : i32
    %c0_i32_1 = arith.constant 0 : i32
    return %c0_i32, %c0_i32_0 : i32, i32
  }
  func.func @transform_7(%arg0: i32) -> (i32, i32) {
    %c0_i32 = arith.constant 0 : i32
    %c0_i32_0 = arith.constant 0 : i32
    %c0_i32_1 = arith.constant 0 : i32
    return %c0_i32, %c0_i32_0 : i32, i32
  }
  func.func @transform_8(%arg0: i32) -> (i32, i32) {
    %c0_i32 = arith.constant 0 : i32
    %c0_i32_0 = arith.constant 0 : i32
    %c0_i32_1 = arith.constant 0 : i32
    return %c0_i32, %c0_i32_0 : i32, i32
  }
  func.func @transform_9(%arg0: i32) -> (i32, i32) {
    %c0_i32 = arith.constant 0 : i32
    %c0_i32_0 = arith.constant 0 : i32
    %c0_i32_1 = arith.constant 0 : i32
    return %c0_i32, %c0_i32_0 : i32, i32
  }
  func.func @transform_10(%arg0: i32) -> (i32, i32) {
    %c0_i32 = arith.constant 0 : i32
    %c0_i32_0 = arith.constant 0 : i32
    return %arg0, %c0_i32 : i32, i32
  }
  func.func @transform_11(%arg0: i32) -> (i32, i32) {
    %c0_i32 = arith.constant 0 : i32
    %c0_i32_0 = arith.constant 0 : i32
    return %arg0, %c0_i32 : i32, i32
  }
  func.func @transform_12(%arg0: i32) -> (i32, i32) {
    %c0_i32 = arith.constant 0 : i32
    %c0_i32_0 = arith.constant 0 : i32
    return %arg0, %c0_i32 : i32, i32
  }
}

module attributes {stable_mosaic.version = 14 : i64} {
  func.func @_tc_post_body(%arg0: i32, %arg1: memref<2000x32xf32, #tpu.memory_space<vmem>>, %arg2: memref<2000x32xf32, #tpu.memory_space<vmem>>, %arg3: memref<2000x16xf32, #tpu.memory_space<vmem>>, %arg4: memref<2000x64xf32, #tpu.memory_space<vmem>>, %arg5: memref<2000x64xf32, #tpu.memory_space<vmem>>) attributes {dimension_semantics = [#tpu.dimension_semantics<arbitrary>], iteration_bounds = array<i64: 5>, scalar_prefetch = 0 : i64, scratch_operands = 0 : i64, tpu.core_type = #tpu.core_type<tc>, window_params = [{transform_indices = @transform_0, window_bounds = array<i64: 2000, 32>}, {transform_indices = @transform_1, window_bounds = array<i64: 2000, 32>}, {transform_indices = @transform_2, window_bounds = array<i64: 2000, 16>}, {transform_indices = @transform_3, window_bounds = array<i64: 2000, 64>}, {transform_indices = @transform_4, window_bounds = array<i64: 2000, 64>}]} {
    %get3A = arith.constant 0 : index
    %get3A_0 = arith.constant 0 : index
    %get3A_1 = vector.load %arg3[%get3A, %get3A_0] : memref<2000x16xf32, #tpu.memory_space<vmem>>, vector<2000x16xf32>
    %slice3A = vector.extract_strided_slice %get3A_1 {offsets = [0, 0], sizes = [2000, 1], strides = [1, 1]} : vector<2000x16xf32> to vector<2000x1xf32>
    %max3A = arith.constant 9.99999997E-7 : f32
    %max3A_2 = vector.broadcast %max3A : f32 to vector<2000x1xf32>
    %max3A_3 = arith.maximumf %slice3A, %max3A_2 : vector<2000x1xf32>
    %get3A_4 = arith.constant 0 : index
    %get3A_5 = arith.constant 0 : index
    %get3A_6 = vector.load %arg1[%get3A_4, %get3A_5] : memref<2000x32xf32, #tpu.memory_space<vmem>>, vector<2000x32xf32>
    %get3A_7 = arith.constant 0 : index
    %get3A_8 = arith.constant 0 : index
    %get3A_9 = vector.load %arg2[%get3A_7, %get3A_8] : memref<2000x32xf32, #tpu.memory_space<vmem>>, vector<2000x32xf32>
    %concatenate3A = tpu.concatenate %get3A_6, %get3A_9 in 1 : vector<2000x32xf32>, vector<2000x32xf32> -> vector<2000x64xf32>
    %div3A = vector.broadcast %max3A_3 : vector<2000x1xf32> to vector<2000x64xf32>
    %div3A_10 = arith.divf %concatenate3A, %div3A : vector<2000x64xf32>
    %get3A_11 = arith.constant 0 : index
    %get3A_12 = arith.constant 0 : index
    %get3A_13 = vector.load %arg4[%get3A_11, %get3A_12] : memref<2000x64xf32, #tpu.memory_space<vmem>>, vector<2000x64xf32>
    %add3A = arith.addf %div3A_10, %get3A_13 : vector<2000x64xf32>
    %swap3A = arith.constant 0 : index
    %swap3A_14 = arith.constant 0 : index
    %swap3A_15 = vector.load %arg5[%swap3A, %swap3A_14] : memref<2000x64xf32, #tpu.memory_space<vmem>>, vector<2000x64xf32>
    tpu.vector_store %arg5[%swap3A, %swap3A_14], %add3A {strides = array<i32>} : memref<2000x64xf32, #tpu.memory_space<vmem>>, vector<2000x64xf32>,
    return
  }
  func.func @transform_0(%arg0: i32) -> (i32, i32) {
    %c0_i32 = arith.constant 0 : i32
    %c0_i32_0 = arith.constant 0 : i32
    return %arg0, %c0_i32 : i32, i32
  }
  func.func @transform_1(%arg0: i32) -> (i32, i32) {
    %c0_i32 = arith.constant 0 : i32
    %c0_i32_0 = arith.constant 0 : i32
    return %arg0, %c0_i32 : i32, i32
  }
  func.func @transform_2(%arg0: i32) -> (i32, i32) {
    %c0_i32 = arith.constant 0 : i32
    %c0_i32_0 = arith.constant 0 : i32
    return %arg0, %c0_i32 : i32, i32
  }
  func.func @transform_3(%arg0: i32) -> (i32, i32) {
    %c0_i32 = arith.constant 0 : i32
    %c0_i32_0 = arith.constant 0 : i32
    return %arg0, %c0_i32 : i32, i32
  }
  func.func @transform_4(%arg0: i32) -> (i32, i32) {
    %c0_i32 = arith.constant 0 : i32
    %c0_i32_0 = arith.constant 0 : i32
    return %arg0, %c0_i32 : i32, i32
  }
}

</mosaic_0001>

<sc_bundles>
// kernel: kernel.11.cloned.1.call-start
scs
__scs_entry_jumppad:
0x0: {  	(pc) =	sbr.rel $0x88, $3  }
0x1: {  	(tag) =	ssettag $0x0;
	lr =	simm.s32 $0x1  }
0x2: {  	[smem:$0x3F94] =	sst lr;
	_ =	strace $0xD0000000  }
0x3: {  	_ = 	snop  }
0x4: {  	_ = 	snop  }
0x5: {  	_ = 	snop  }
0x6: {  	_ = 	snop  }
0x7: {  	_ = 	snop  }
__scs_overlays_trampoline_lowered:
0x8: {  	[smem:$0x3FA3] =	sst s0  }
0x9: {  	[smem:$0x3FA4] =	sst s1  }
0xa: {  	[smem:$0x3FA5] =	sst s2  }
0xb: {  	[smem:$0x3FA6] =	sst s3  }
0xc: {  	[smem:$0x3FA7] =	sst s4  }
0xd: {  	[smem:$0x3FA8] =	sst s5  }
0xe: {  	[smem:$0x3FA9] =	sst s6  }
0xf: {  	[smem:$0x3FAA] =	sst s7  }
0x10: {  	[smem:$0x3FAB] =	sst s8  }
0x11: {  	[smem:$0x3FAC] =	sst s9;
	s0 =	simm.s32 @!p0 $0x0  }
0x12: {  	s1 =	sld [smem:$0x3F92];
	s0 =	simm.s32 @p0 $0x1  }
0x13: {  	[smem:$0x3FAD] =	sst s0;
	s0 =	simm.s32 @!p1 $0x0  }
0x14: {  	s2 =	sld [smem:$0x3F91];
	s0 =	simm.s32 @p1 $0x1  }
0x15: {  	[smem:$0x3FAE] =	sst s0;
	s0 =	simm.s32 @!p2 $0x0  }
0x16: {  	s3 =	sld [smem:$0x3FDB];
	s0 =	simm.s32 @p2 $0x1  }
0x17: {  	s4 =	simm.s32 $0x1BF5;
	[smem:$0x3FB0] =	sst s0  }
0x18: {  	s0 =	sld [smem:$0x3F93];
	_ =	swait.ge [sflag:s4], $0x0  }
0x19: {  	s7 =	sld [smem:$0x3F94]  }
0x1a: {  	s8 =	sadd.s32 $0xFFFFE003, lr  }
0x1b: {  	s9 =	sadd.s32 $0xFFFFFEF7, lr;
	s5 =	simm.s32 $0xFFFFFFFF;
	p2 =	slt.u32 s8, $0xFFFFF086  }
0x1c: {  	p1 =	slt.u32 s9, $0xF7A;
	s5 =	simm.s32 @!p2 $0x0  }
0x1d: {  	s5 =	simm.s32 @p1 $0x1;
	p0 =	seq.s32 s7, s2  }
0x1e: {  	s7 =	smul.u32 @!p0 $0xF7A, s2;
	p2 =	seq.s32 @!p0 s5, $0x0  }
0x1f: {  	s9 =	smul.u32 $0xF7A, s1;
	s8 =	simm.s32 @!p0 $0x1BF5;
	p2 =	por !p2, p0  }
0x20: {  	[sflag:s8] =	ssyncset.s32 @!p0 $0xFFFFF086;
	s6 =	sadd.s32 @!p0 s3, s7;
	s7 =	simm.s32 @!p0 $0x108  }
0x21: {  	s3 =	sadd.s32 s3, s9;
	s6 =	sadd.s32 @!p0 $0x88, s6;
	s7 =	simm.s32 @p2 $0x1082  }
0x22: {  	[simem:s7], [sflag:s8] =	dma.local @!p0 [hbm:s6], $0xF7A  }
0x23: {  	s9 =	sor.u32 $0xD0000000, s2;
	s6 =	simm.s32 $0x108;
	_ =	swait.ge @!p0 [sflag:s8], $0x0  }
0x24: {  	s3 =	sadd.s32 $0x88, s3;
	s6 =	simm.s32 @!p1 $0x1082;
	[sflag:s4] =	ssyncset.s32 $0xFFFFF086  }
0x25: {  	[simem:s6], [sflag:s4] =	dma.local [hbm:s3], $0xF7A  }
0x26: {  	[smem:$0x3F94] =	sst s1;
	(tag) =	ssettag s2;
	_ =	strace s9  }
0x27: {  	s1 =	sld [smem:$0x3FA4]  }
0x28: {  	s2 =	sld [smem:$0x3FA5]  }
0x29: {  	s4 =	sld [smem:$0x3FA7]  }
0x2a: {  	p0 =	seq.s32 s5, $0x0;
	s5 =	sld [smem:$0x3FA8]  }
0x2b: {  	s6 =	sld [smem:$0x3FA9]  }
0x2c: {  	s7 =	sld [smem:$0x3FAA]  }
0x2d: {  	s3 =	simm.s32 $0x108;
	s8 =	sld [smem:$0x3FAB]  }
0x2e: {  	s3 =	simm.s32 @!p0 $0x1082;
	s9 =	sld [smem:$0x3FAC]  }
0x2f: {  	lr =	sadd.s32 s0, s3;
	s0 =	sld [smem:$0x3FA3]  }
0x30: {  	s3 =	sld [smem:$0x3FA6]  }
0x31: {  	[smem:$0x3FAF] =	sst s10  }
0x32: {  	s10 =	sld [smem:$0x3FAD];
	_ =	sdelay $0x3  }
0x33: {  	p0 =	seq.s32 s10, $0x1;
	s10 =	sld [smem:$0x3FAF];
	_ =	sdelay $0x3  }
0x34: {  	[smem:$0x3FAF] =	sst s10  }
0x35: {  	s10 =	sld [smem:$0x3FAE];
	_ =	sdelay $0x3  }
0x36: {  	p1 =	seq.s32 s10, $0x1;
	s10 =	sld [smem:$0x3FAF];
	_ =	sdelay $0x3  }
0x37: {  	[smem:$0x3FAF] =	sst s10  }
0x38: {  	s10 =	sld [smem:$0x3FB0]  }
0x39: {  	_ = 	snop;
	(pc) =	sbr.ind lr, $3  }
0x3a: {  	_ = 	snop  }
0x3b: {  	_ = 	snop  }
0x3c: {  	p2 =	seq.s32 s10, $0x1;
	s10 =	sld [smem:$0x3FAF]  }
0x3d: {  	_ =	shalt  }
0x3e: {  	_ =	shalt  }
0x3f: {  	_ =	shalt  }
0x40: {  	_ =	shalt  }
0x41: {  	_ =	shalt  }
0x42: {  	_ =	shalt  }
0x43: {  	_ =	shalt  }
0x44: {  	_ =	shalt  }
0x45: {  	_ =	shalt  }
0x46: {  	_ =	shalt  }
0x47: {  	_ =	shalt  }
0x48: {  	_ =	shalt  }
0x49: {  	_ =	shalt  }
0x4a: {  	_ =	shalt  }
0x4b: {  	_ =	shalt  }
0x4c: {  	_ =	shalt  }
0x4d: {  	_ =	shalt  }
0x4e: {  	_ =	shalt  }
0x4f: {  	_ =	shalt  }
0x50: {  	_ =	shalt  }
0x51: {  	_ =	shalt  }
0x52: {  	_ =	shalt  }
0x53: {  	_ =	shalt  }
0x54: {  	_ =	shalt  }
0x55: {  	_ =	shalt  }
0x56: {  	_ =	shalt  }
0x57: {  	_ =	shalt  }
0x58: {  	_ =	shalt  }
0x59: {  	_ =	shalt  }
0x5a: {  	_ =	shalt  }
0x5b: {  	_ =	shalt  }
0x5c: {  	_ =	shalt  }
0x5d: {  	_ =	shalt  }
0x5e: {  	_ =	shalt  }
0x5f: {  	_ =	shalt  }
0x60: {  	_ =	shalt  }
0x61: {  	_ =	shalt  }
0x62: {  	_ =	shalt  }
0x63: {  	_ =	shalt  }
0x64: {  	_ =	shalt  }
0x65: {  	_ =	shalt  }
0x66: {  	_ =	shalt  }
0x67: {  	_ =	shalt  }
0x68: {  	_ =	shalt  }
0x69: {  	_ =	shalt  }
0x6a: {  	_ =	shalt  }
0x6b: {  	_ =	shalt  }
0x6c: {  	_ =	shalt  }
0x6d: {  	_ =	shalt  }
0x6e: {  	_ =	shalt  }
0x6f: {  	_ =	shalt  }
0x70: {  	_ =	shalt  }
0x71: {  	_ =	shalt  }
0x72: {  	_ =	shalt  }
0x73: {  	_ =	shalt  }
0x74: {  	_ =	shalt  }
0x75: {  	_ =	shalt  }
0x76: {  	_ =	shalt  }
0x77: {  	_ =	shalt  }
0x78: {  	_ =	shalt  }
0x79: {  	_ =	shalt  }
0x7a: {  	_ =	shalt  }
0x7b: {  	_ =	shalt  }
0x7c: {  	_ =	shalt  }
0x7d: {  	_ =	shalt  }
0x7e: {  	_ =	shalt  }
0x7f: {  	_ =	shalt  }
0x80: {  	_ =	shalt  }
0x81: {  	_ =	shalt  }
0x82: {  	_ =	shalt  }
0x83: {  	_ =	shalt  }
0x84: {  	_ =	shalt  }
0x85: {  	_ =	shalt  }
0x86: {  	_ =	shalt  }
0x87: {  	_ =	shalt  }
.Lfunc_end0:
.L_simem_size_0:
called_computation.1_lowered:
.L_overlay_start_0:
0x88: {  	s2 =	sld [smem:$0x3FD9]  }
0x89: {  	s3 =	sld [smem:$0x3FFE];
	_ =	sdelay $0x1  }
0x8a: {  	s1 =	srdreg.scid  }
0x8b: {  	s0 =	sand.u32 $0x1, s1  }
0x8c: {  	s17 =	sshll.u32 s0, $0xA;
	s2 =	sadd.s32 s3, s2  }
0x8d: {  	s2 =	sadd.s32 s2, s17  }
0x8e: {  	[smem:$0x3FBB] =	sst s2  }
0x8f: {  	_ = 	snop  }
0x90: {  	s2 =	sld [smem:$0x3FD0];
	(tm) =	ssettm $0x1  }
0x91: {  	s18 =	sld [smem:$0x3FFB];
	_ =	sdelay $0x3  }
0x92: {  	_ =	strace s18  }
0x93: {  	s3 =	sld [smem:$0x3FFC];
	_ =	sdelay $0x3  }
0x94: {  	_ =	strace s3  }
0x95: {  	s3 =	sld [smem:$0x3FFD];
	_ =	sdelay $0x3  }
0x96: {  	_ =	strace s3  }
0x97: {  	_ =	strace $0x8FFFFFFF  }
0x98: {  	s19 =	sld [smem:$0x3FDB];
	_ =	sdelay $0x1  }
0x99: {  	s4 =	simm.s32 $_scs_section_size  }
0x9a: {  	s5 =	simm.s32 $_size__tile_overlayer_lowered;
	s6 =	simm.s32 $_tile_overlayer_lowered  }
0x9b: {  	s22 =	simm.s32 $0x1BFF;
	s21 =	sshll.u32 s6, $0x1;
	s3 =	sadd.s32 s4, s19  }
0x9c: {  	s7 =	simm.s32 $0x0;
	s20 =	sshll.u32 s5, $0x1;
	s5 =	sadd.s32 s21, s3  }
0x9d: {  	[timem:s7], [sflag:s22] =	dma.local [hbm:s5], s20  }
0x9e: {  	_ =	swait.ge [sflag:s22], s20  }
0x9f: {  	s4 =	ssub.s32 $0x0, s20;
	[sflag:s22] =	ssyncset.done $0x0  }
0xa0: {  	[sflag:s22] =	ssyncadd.s32 s4;
	_ =	sdelay $0x1  }
0xa1: {  	s23 =	simm.s32 $0x1B8B  }
0xa2: {  	_ =	swait.ge [sflag:s23], $0x1  }
0xa3: {  	[sflag:s23] =	ssyncset.done $0x0  }
0xa4: {  	s25 =	simm.s32 $0x1B8E;
	s24 =	sld [smem:$0x3FFE];
	[sflag:s23] =	ssyncadd.s32 $0xFFFFFFFF  }
0xa5: {  	s26 =	simm.s32 $execute0_lowered;
	[smem:$0x3FD2] =	sst s25  }
0xa6: {  	s5 =	sshll.u32 s26, $0x1;
	_ =	strace $0x80000049;
	[dreg:$0x1] =	wrdreg $0xFFFFFFFF  }
0xa7: {  	s28 =	simm.s32 $_size_execute0_lowered;
	s3 =	sadd.s32 s3, s5;
	[dreg:$0x0] =	wrdreg $0x0  }
0xa8: {  	s5 =	sshll.u32 s28, $0x1;
	[dreg:$0x2] =	wrdreg s3  }
0xa9: {  	[dreg:$0x3] =	wrdreg s5  }
0xaa: {  	[dreg:$0x4] =	wrdreg $0xC0  }
0xab: {  	_ =	task [dreg:s7], $0x5FFFF  }
0xac: {  	[dreg:$0x1] =	wrdreg $0xFFFFFFFF  }
0xad: {  	[dreg:$0x0] =	wrdreg $0x60  }
0xae: {  	[dreg:$0x2] =	wrdreg s24  }
0xaf: {  	[dreg:$0x3] =	wrdreg s2  }
0xb0: {  	[dreg:$0x4] =	wrdreg $0xCA400  }
0xb1: {  	[dreg:$0x5] =	wrdreg $0x9  }
0xb2: {  	_ =	task.clear_ibuf [dreg:s7], $0x6FFFF;
	_ =	strace $0x90000049  }
0xb3: {  	s29 =	simm.s32 $0x9;
	_ =	strace $0x8000004B  }
0xb4: {  	_ =	swait.ge [sflag:s29], $0x1  }
0xb5: {  	[sflag:s29] =	ssyncadd.s32 $0xFFFFFFFF  }
0xb6: {  	_ =	strace $0x9000004B  }
0xb7: {  	_ =	sfence  }
0xb8: {  	s30 =	sld [smem:$0x0];
	_ =	sdelay $0x2  }
0xb9: {  	s31 =	sshll.u32 s1, $0xD;
	s1 =	sshrl.u32 s1, $0x2  }
0xba: {  	s3 =	sand.u32 $0x4000, s31;
	s1 =	sadd.s32 s1, s30  }
0xbb: {  	s0 =	sor.u32 s3, s0;
	s1 =	sshll.u32 s1, $0x11  }
0xbc: {  	s0 =	sor.u32 s1, s0  }
0xbd: {  	s0 =	sadd.s32 $0x8F2B, s0  }
0xbe: {  	[sflag:s0] =	ssyncadd.remote.s32 $0x1  }
0xbf: {  	_ =	sfence.sel $0xFFFF  }
0xc0: {  	[dreg:$0x0] =	wrdreg $0xFFFFFFFF;
	(pc) =	sbr.abs _section_cstart, $3  }
0xc1: {  	[dreg:$0x1] =	wrdreg $0xFFFFFFFF  }
0xc2: {  	_ =	task.clear_ibuf [dreg:s7], $0x2FFFF;
	_ =	strace $0x9FFFFFFF  }
0xc3: {  	(tm) =	ssettm $0x7FFFFFFF  }
tec
execute0_lowered:
.L_overlay_start_1:
0x0: {  	(tag) =	ssettag $0x1  }
0x1: {  	s0 =	rddreg [dreg:$0x0]  }
0x2: {  	s1 =	rddreg [dreg:$0x1]  }
0x3: {  	s2 =	rddreg [dreg:$0x2];
	s11 =	stileid.u32  }
0x4: {  	s5 =	srdreg.scid;
	s3 =	simm.s32 $0x0;
	s18 =	simm.s32 $0xBA40  }
0x5: {  	s19 =	simm.s32 $0x3;
	s21 =	simm.s32 $0x50;
	s4 =	smul.u32 $0x9C4, s11  }
0x6: {  	s22 =	simm.s32 $0x9C40;
	s24 =	simm.s32 $0xA640;
	s25 =	smul.u32 $0x5000, s11  }
0x7: {  	s28 =	simm.s32 $0x2;
	s7 =	sand.u32 $0x1, s5;
	s9 =	smul.u32 $0x14000, s11  }
0x8: {  	s29 =	simm.s32 $0x0;
	[smem:$0x7FF] =	sst s3;
	s6 =	smul.u32 $0x50000, s7  }
0x9: {  	_ =	strace $0x8000004A;
	s8 =	ssub.s32 $0x2, s7;
	s7 =	smul.u32 $0x9C40, s7  }
0xa: {  	s12 =	sadd.s32 s4, s0;
	s4 =	sadd.s32 $0x17200, s0;
	s10 =	sshrl.u32 s8, $0x1  }
0xb: {  	s26 =	sshrl.u32 s9, $0x2;
	s5 =	sadd.s32 s25, s2;
	s6 =	sadd.s32 s25, s6  }
0xc: {  	s17 =	ssub.s32 s8, s10;
	s30 =	sadd.s32 s26, s2;
	s6 =	sshrl.u32 s6, $0x3  }
0xd: {  	s14 =	sadd.s32 s1, s7;
	s0 =	sadd.s32 s6, s0;
	s6 =	smul.u32 $0x4E200, s11  }
.Ltmp0:
0xe: {  	s25 =	simm.s32 $0xB540;
	s26 =	simm.s32 $0x1;
	(pc) =	sbr.rel .LBB2_1-.Ltmp0, $4  }
0xf: {  	s31 =	sadd.s32 $0x1000, s30;
	s8 =	sadd.s32 $0x2000, s30;
	s9 =	sadd.s32 $0x3000, s30  }
0x10: {  	s10 =	sadd.s32 $0x4000, s30;
	s17 =	smax.u32 s17, $0x1;
	s13 =	sshrl.u32 s6, $0x3  }
0x11: {  	[dreg:$0x4] =	wrdreg s31;
	s11 =	sadd.s32 $0xD400, s12;
	s13 =	sadd.s32 s4, s13  }
0x12: {  	v0 =	vimm.f32 $0.0e+00;
	s12 =	sadd.s32 $0x3600, s12;
	s16 =	sadd.s32 $0xDA800, s0;
	s15 =	sadd.s32 $0xA0, s13  }
.LBB2_10:
0x13: {  	s0 =	stileid.u32;
	s29 =	sadd.s32 $0x1, s29  }
0x14: {  	[bflag:$0x0] =	sbarrier.arrive $0xFFFF;
	s0 =	sshll.u32 s0, $0x6;
	p0 =	sne.s32 s29, s17  }
.Ltmp1:
0x15: {  	s1 =	sshrl.u32 s5, $0x3;
	s0 =	sor.u32 $0x1C03, s0;
	(pc) =	sbr.rel @!p0 .LBB2_11-.Ltmp1, $4  }
0x16: {  	[hbm:s16], [sflag:s0] =	dma.local [spmem:s1], $0xA00  }
0x17: {  	_ =	swait.ge [sflag:s19], $0xA00  }
0x18: {  	[sflag:s19] =	ssyncset.done $0x0  }
0x19: {  	[sflag:s19] =	ssyncadd.s32 $0xFFFFF600  }
.LBB2_1:
0x1a: {  	s0 =	simm.s32 $0x80;
	s1 =	simm.s32 $0x0  }
.LBB2_2:
0x1b: {  	p0 =	sne.s32 s0, $0x3F80;
	[tilespmem:s1+$0xBA40] =	vst v0;
	s7 =	smov.u32 s0;
	s0 =	sadd.s32 $0x80, s0  }
.Ltmp2:
0x1c: {  	[tilespmem:s1+$0xBA50] =	vst v0;
	(pc) =	sbr.rel @p0 .LBB2_2-.Ltmp2, $2  }
0x1d: {  	_ =	sdelay $0x2  }
0x1e: {  	s1 =	sshra.s32 s7, $0x2  }
0x1f: {  	[tilespmem:s1+$0xBA40] =	vst v0  }
0x20: {  	[tilespmem:s1+$0xBA50] =	vst v0  }
0x21: {  	[spmem:s5] =	stream.linear.scatter [tilespmem:s18], [sflag:$0x3], $0x1000, $0x38;
	[tilespmem:$0x11A40] =	vst v63  }
0x22: {  	_ =	swait.ge [sflag:s19], $0x1000  }
0x23: {  	[sflag:s19] =	ssyncset.done $0x0  }
0x24: {  	s0 =	rddreg [dreg:$0x4];
	[sflag:s19] =	ssyncadd.s32 $0xFFFFF000  }
0x25: {  	[spmem:s0] =	stream.linear.scatter [tilespmem:s18], [sflag:$0x3], $0x1000, $0x38;
	[tilespmem:$0x11A40] =	vst v63  }
0x26: {  	_ =	swait.ge [sflag:s19], $0x1000  }
0x27: {  	[sflag:s19] =	ssyncset.done $0x0  }
0x28: {  	[sflag:s19] =	ssyncadd.s32 $0xFFFFF000  }
0x29: {  	[spmem:s8] =	stream.linear.scatter [tilespmem:s18], [sflag:$0x3], $0x1000, $0x38;
	[tilespmem:$0x11A40] =	vst v63  }
0x2a: {  	_ =	swait.ge [sflag:s19], $0x1000  }
0x2b: {  	[sflag:s19] =	ssyncset.done $0x0  }
0x2c: {  	[sflag:s19] =	ssyncadd.s32 $0xFFFFF000  }
0x2d: {  	[spmem:s9] =	stream.linear.scatter [tilespmem:s18], [sflag:$0x3], $0x1000, $0x38;
	[tilespmem:$0x11A40] =	vst v63  }
0x2e: {  	_ =	swait.ge [sflag:s19], $0x1000  }
0x2f: {  	[sflag:s19] =	ssyncset.done $0x0  }
0x30: {  	[sflag:s19] =	ssyncadd.s32 $0xFFFFF000  }
0x31: {  	[spmem:s10] =	stream.linear.scatter [tilespmem:s18], [sflag:$0x3], $0x1000, $0x38;
	[tilespmem:$0x11A40] =	vst v63  }
0x32: {  	_ =	swait.ge [sflag:s19], $0x1000  }
0x33: {  	[sflag:s19] =	ssyncset.done $0x0  }
0x34: {  	[sflag:s19] =	ssyncadd.s32 $0xFFFFF000  }
0x35: {  	s30 =	simm.s32 $0x0;
	[bflag:$0x0] =	sbarrier.arrive $0xFFFF  }
0x36: {  	[tilespmem:s30], [sflag:$0x3] =	stream.linear.gather [hbm4b:s11+s30], $0x4E20, $0x38;
	[tilespmem:$0x11A40] =	vst v63  }
0x37: {  	_ =	swait.ge [sflag:s19], $0x4E20  }
0x38: {  	[sflag:s19] =	ssyncset.done $0x0  }
0x39: {  	s23 =	simm.s32 $0x4E20;
	[sflag:s19] =	ssyncadd.s32 $0xFFFFB1E0  }
0x3a: {  	[tilespmem:s23], [sflag:$0x3] =	stream.linear.gather [hbm4b:s12+s30], $0x4E20, $0x38;
	[tilespmem:$0x11A40] =	vst v63  }
0x3b: {  	_ =	swait.ge [sflag:s19], $0x4E20  }
0x3c: {  	[sflag:s19] =	ssyncset.done $0x0  }
0x3d: {  	[sflag:s19] =	ssyncadd.s32 $0xFFFFB1E0  }
0x3e: {  	[tilespmem:s22], [sflag:$0x1] =	stream.indirect.gather [hbm4b:s14+s21], $0x20, s30, s21, $0xb8;
	[tilespmem:$0x11A40] =	vst v63  }
0x3f: {  	s31 =	simm.s32 $0xB040  }
0x40: {  	[tilespmem:s31], [sflag:$0x1] =	stream.linear.gather [hbm4b:s13+s30], $0x500, $0x38;
	[tilespmem:$0x11A40] =	vst v63  }
0x41: {  	_ = 	snop  }
0x42: {  	[tilespmem:s24], [sflag:$0x2] =	stream.indirect.gather [hbm4b:s14+s21], $0x20, s21, s21, $0xb8;
	[tilespmem:$0x11A40] =	vst v63  }
0x43: {  	_ = 	snop  }
0x44: {  	[tilespmem:s25], [sflag:$0x2] =	stream.linear.gather [hbm4b:s15+s30], $0x500, $0x38;
	[tilespmem:$0x11A40] =	vst v63  }
.LBB2_4:
0x45: {  	_ =	swait.ge [sflag:s26], $0xA00  }
0x46: {  	[sflag:s26] =	ssyncset.done $0x0  }
0x47: {  	[sflag:s26] =	ssyncadd.s32 $0xFFFFF600  }
0x48: {  	_ =	swait.ge [sflag:s26], $0x500  }
0x49: {  	[sflag:s26] =	ssyncset.done $0x0  }
0x4a: {  	s0 =	simm.s32 $0x9CC0;
	[sflag:s26] =	ssyncadd.s32 $0xFFFFFB00  }
0x4b: {  	s20 =	simm.s32 $0x70;
	v1 =	vld [tilespmem:s0+$0xFFFFFF80]  }
0x4c: {  	v2 =	vld [tilespmem:s20+$0xAFD0]  }
0x4d: {  	v3 =	vld [tilespmem:s0+$0xFFFFFF90];
	_ =	sdelay $0x3  }
0x4e: {  	v1 =	vmul.f32 v1, v2  }
0x4f: {  	v2 =	vmul.f32 v3, v2  }
0x50: {  	[tilespmem:s0+$0xFFFFFF80] =	vst v1  }
0x51: {  	[tilespmem:s0+$0xFFFFFF90] =	vst v2;
	v2 =	vld [tilespmem:s0+$0xFFFFFFA0]  }
0x52: {  	v3 =	vld [tilespmem:s20+$0xAFE0]  }
0x53: {  	v1 =	vld [tilespmem:s0+$0xFFFFFFB0];
	_ =	sdelay $0x3  }
0x54: {  	v2 =	vmul.f32 v2, v3  }
0x55: {  	v1 =	vmul.f32 v1, v3  }
0x56: {  	[tilespmem:s0+$0xFFFFFFA0] =	vst v2  }
0x57: {  	[tilespmem:s0+$0xFFFFFFB0] =	vst v1;
	v1 =	vld [tilespmem:s0+$0xFFFFFFC0]  }
0x58: {  	v3 =	vld [tilespmem:s20+$0xAFF0]  }
0x59: {  	v2 =	vld [tilespmem:s0+$0xFFFFFFD0];
	_ =	sdelay $0x3  }
0x5a: {  	v1 =	vmul.f32 v1, v3  }
0x5b: {  	v2 =	vmul.f32 v2, v3  }
0x5c: {  	[tilespmem:s0+$0xFFFFFFC0] =	vst v1  }
0x5d: {  	[tilespmem:s0+$0xFFFFFFD0] =	vst v2;
	v1 =	vld [tilespmem:s0+$0xFFFFFFE0]  }
0x5e: {  	v2 =	vld [tilespmem:s20+$0xB000]  }
0x5f: {  	v3 =	vld [tilespmem:s0+$0xFFFFFFF0];
	_ =	sdelay $0x3  }
0x60: {  	v1 =	vmul.f32 v1, v2  }
0x61: {  	v2 =	vmul.f32 v3, v2  }
0x62: {  	[tilespmem:s0+$0xFFFFFFE0] =	vst v1  }
0x63: {  	[tilespmem:s0+$0xFFFFFFF0] =	vst v2;
	v2 =	vld [tilespmem:s0+$0x0]  }
0x64: {  	v3 =	vld [tilespmem:s20+$0xB010]  }
0x65: {  	v1 =	vld [tilespmem:s0+$0x10];
	_ =	sdelay $0x3  }
0x66: {  	v2 =	vmul.f32 v2, v3  }
0x67: {  	v1 =	vmul.f32 v1, v3  }
0x68: {  	[tilespmem:s0+$0x0] =	vst v2  }
0x69: {  	[tilespmem:s0+$0x10] =	vst v1;
	v1 =	vld [tilespmem:s0+$0x20]  }
0x6a: {  	v3 =	vld [tilespmem:s20+$0xB020]  }
0x6b: {  	v2 =	vld [tilespmem:s0+$0x30];
	_ =	sdelay $0x3  }
0x6c: {  	v4 =	vmul.f32 v1, v3  }
0x6d: {  	v2 =	vmul.f32 v2, v3  }
0x6e: {  	[tilespmem:s0+$0x20] =	vst v4  }
0x6f: {  	[tilespmem:s0+$0x30] =	vst v2;
	v2 =	vld [tilespmem:s0+$0x40]  }
0x70: {  	v4 =	vld [tilespmem:s20+$0xB030]  }
0x71: {  	v3 =	vld [tilespmem:s0+$0x50];
	_ =	sdelay $0x3  }
0x72: {  	v5 =	vmul.f32 v2, v4  }
0x73: {  	v3 =	vmul.f32 v3, v4  }
0x74: {  	v1 =	vld [tilespmem:s0+$0x60];
	[tilespmem:s0+$0x40] =	vst v5  }
0x75: {  	s1 =	simm.s32 $0x3C0;
	s23 =	simm.s32 $0x9CC0;
	v2 =	vld [tilespmem:s0+$0x70];
	[tilespmem:s0+$0x50] =	vst v3  }
.LBB2_5:
0x76: {  	p0 =	sne.s32 s1, $0x13C0  }
0x77: {  	v3 =	vld [tilespmem:s20+$0xB040];
	s0 =	sadd.s32 $0x100, s0;
	s7 =	smov.u32 s1;
	s1 =	sadd.s32 $0x200, s1  }
0x78: {  	_ =	sdelay $0x3  }
0x79: {  	v1 =	vmul.f32 v1, v3;
	v2 =	vmul.f32 v2, v3;
	_ =	sdelay $0x1  }
0x7a: {  	v3 =	vld [tilespmem:s0+$0xFFFFFF90];
	[tilespmem:s23+$0x60] =	vst v1  }
0x7b: {  	s20 =	sshra.s32 s7, $0x2;
	v4 =	vld [tilespmem:s0+$0xFFFFFF80];
	[tilespmem:s23+$0x70] =	vst v2;
	s23 =	smov.u32 s0  }
0x7c: {  	v5 =	vld [tilespmem:s20+$0xAFD0]  }
0x7d: {  	v2 =	vld [tilespmem:s0+$0x70]  }
0x7e: {  	v1 =	vld [tilespmem:s0+$0x60];
	_ =	sdelay $0x2  }
0x7f: {  	v4 =	vmul.f32 v4, v5;
	v3 =	vmul.f32 v3, v5;
	_ =	sdelay $0x1  }
0x80: {  	[tilespmem:s0+$0xFFFFFF80] =	vst v4;
	v4 =	vld [tilespmem:s0+$0xFFFFFFB0]  }
0x81: {  	[tilespmem:s0+$0xFFFFFF90] =	vst v3;
	v3 =	vld [tilespmem:s0+$0xFFFFFFA0]  }
0x82: {  	v5 =	vld [tilespmem:s20+$0xAFE0];
	_ =	sdelay $0x4  }
0x83: {  	v3 =	vmul.f32 v3, v5;
	v4 =	vmul.f32 v4, v5;
	_ =	sdelay $0x1  }
0x84: {  	[tilespmem:s0+$0xFFFFFFA0] =	vst v3;
	v3 =	vld [tilespmem:s0+$0xFFFFFFD0]  }
0x85: {  	[tilespmem:s0+$0xFFFFFFB0] =	vst v4;
	v4 =	vld [tilespmem:s0+$0xFFFFFFC0]  }
0x86: {  	v5 =	vld [tilespmem:s20+$0xAFF0];
	_ =	sdelay $0x4  }
0x87: {  	v4 =	vmul.f32 v4, v5;
	v3 =	vmul.f32 v3, v5  }
0x88: {  	v5 =	vld [tilespmem:s0+$0xFFFFFFF0]  }
0x89: {  	[tilespmem:s0+$0xFFFFFFC0] =	vst v4  }
0x8a: {  	[tilespmem:s0+$0xFFFFFFD0] =	vst v3;
	v3 =	vld [tilespmem:s0+$0xFFFFFFE0]  }
0x8b: {  	v4 =	vld [tilespmem:s20+$0xB000];
	_ =	sdelay $0x4  }
0x8c: {  	v3 =	vmul.f32 v3, v4;
	v4 =	vmul.f32 v5, v4;
	_ =	sdelay $0x1  }
0x8d: {  	[tilespmem:s0+$0xFFFFFFE0] =	vst v3;
	v3 =	vld [tilespmem:s0+$0x10]  }
0x8e: {  	[tilespmem:s0+$0xFFFFFFF0] =	vst v4;
	v4 =	vld [tilespmem:s0+$0x0]  }
0x8f: {  	v5 =	vld [tilespmem:s20+$0xB010];
	_ =	sdelay $0x4  }
0x90: {  	v4 =	vmul.f32 v4, v5;
	v3 =	vmul.f32 v3, v5;
	_ =	sdelay $0x1  }
0x91: {  	[tilespmem:s0+$0x0] =	vst v4;
	v4 =	vld [tilespmem:s0+$0x30]  }
0x92: {  	[tilespmem:s0+$0x10] =	vst v3;
	v3 =	vld [tilespmem:s0+$0x20]  }
0x93: {  	v5 =	vld [tilespmem:s20+$0xB020];
	_ =	sdelay $0x4  }
0x94: {  	v3 =	vmul.f32 v3, v5;
	v4 =	vmul.f32 v4, v5;
	_ =	sdelay $0x1  }
0x95: {  	[tilespmem:s0+$0x20] =	vst v3;
	v3 =	vld [tilespmem:s0+$0x50]  }
0x96: {  	[tilespmem:s0+$0x30] =	vst v4;
	v4 =	vld [tilespmem:s0+$0x40]  }
0x97: {  	v5 =	vld [tilespmem:s20+$0xB030];
	_ =	sdelay $0x3  }
.Ltmp3:
0x98: {  	(pc) =	sbr.rel @p0 .LBB2_5-.Ltmp3, $3  }
0x99: {  	v4 =	vmul.f32 v4, v5;
	v3 =	vmul.f32 v3, v5;
	_ =	sdelay $0x1  }
0x9a: {  	[tilespmem:s0+$0x40] =	vst v4  }
0x9b: {  	[tilespmem:s0+$0x50] =	vst v3  }
0x9c: {  	v3 =	vld [tilespmem:s20+$0xB040];
	_ =	sdelay $0x4  }
0x9d: {  	s0 =	smul.u32 $0x280, s30;
	v1 =	vmul.f32 v1, v3  }
0x9e: {  	v2 =	vmul.f32 v2, v3  }
0x9f: {  	s0 =	sshra.s32 s0, $0x2;
	[tilespmem:s23+$0x60] =	vst v1  }
0xa0: {  	s31 =	sshll.u32 s30, $0x1;
	p0 =	seq.s32 s30, $0x7C;
	s1 =	sadd.s32 $0x4E20, s0;
	[tilespmem:s23+$0x70] =	vst v2  }
0xa1: {  	[spmem:s2] =	stream.indirect.scatter.add.f32 [tilespmem:s22], [sflag:$0x3], $0x20, s1, s21, $0xb8;
	[tilespmem:$0x11A40] =	vst v63  }
0xa2: {  	s1 =	sadd.s32 @!p0 $0x2, s31  }
0xa3: {  	s7 =	smul.u32 @!p0 $0x140, s1  }
0xa4: {  	_ =	swait.ge [sflag:s19], $0xA00;
	s1 =	smul.u32 @!p0 $0x500, s1  }
0xa5: {  	s20 =	simm.s32 @!p0 $0x50;
	s23 =	simm.s32 @!p0 $0x9C40;
	[sflag:s19] =	ssyncset.done $0x0  }
0xa6: {  	[sflag:s19] =	ssyncadd.s32 $0xFFFFF600;
	s7 =	sshra.s32 @!p0 s7, $0x2;
	s1 =	sadd.s32 @!p0 s6, s1  }
0xa7: {  	[tilespmem:s23], [sflag:$0x1] =	stream.indirect.gather @!p0 [hbm4b:s14+s20], $0x20, s7, s20, $0xb8;
	[tilespmem:$0x11A40] =	vst v63  }
0xa8: {  	s1 =	sshrl.u32 @!p0 s1, $0x3  }
0xa9: {  	s7 =	simm.s32 @!p0 $0x0;
	s20 =	simm.s32 @!p0 $0xB040;
	s1 =	sadd.s32 @!p0 s4, s1  }
0xaa: {  	[tilespmem:s20], [sflag:$0x1] =	stream.linear.gather @!p0 [hbm4b:s1+s7], $0x500, $0x38;
	[tilespmem:$0x11A40] =	vst v63  }
0xab: {  	_ =	swait.ge [sflag:s28], $0xA00  }
0xac: {  	[sflag:s28] =	ssyncset.done $0x0  }
0xad: {  	[sflag:s28] =	ssyncadd.s32 $0xFFFFF600  }
0xae: {  	_ =	swait.ge [sflag:s28], $0x500  }
0xaf: {  	[sflag:s28] =	ssyncset.done $0x0  }
0xb0: {  	s20 =	simm.s32 $0xA6C0;
	[sflag:s28] =	ssyncadd.s32 $0xFFFFFB00  }
0xb1: {  	s23 =	simm.s32 $0x70;
	v1 =	vld [tilespmem:s20+$0xFFFFFF80]  }
0xb2: {  	v2 =	vld [tilespmem:s23+$0xB4D0]  }
0xb3: {  	v3 =	vld [tilespmem:s20+$0xFFFFFF90];
	_ =	sdelay $0x3  }
0xb4: {  	v1 =	vmul.f32 v1, v2  }
0xb5: {  	v2 =	vmul.f32 v3, v2  }
0xb6: {  	[tilespmem:s20+$0xFFFFFF80] =	vst v1  }
0xb7: {  	[tilespmem:s20+$0xFFFFFF90] =	vst v2;
	v2 =	vld [tilespmem:s20+$0xFFFFFFA0]  }
0xb8: {  	v3 =	vld [tilespmem:s23+$0xB4E0]  }
0xb9: {  	v1 =	vld [tilespmem:s20+$0xFFFFFFB0];
	_ =	sdelay $0x3  }
0xba: {  	v2 =	vmul.f32 v2, v3  }
0xbb: {  	v1 =	vmul.f32 v1, v3  }
0xbc: {  	[tilespmem:s20+$0xFFFFFFA0] =	vst v2  }
0xbd: {  	[tilespmem:s20+$0xFFFFFFB0] =	vst v1;
	v1 =	vld [tilespmem:s20+$0xFFFFFFC0]  }
0xbe: {  	v3 =	vld [tilespmem:s23+$0xB4F0]  }
0xbf: {  	v2 =	vld [tilespmem:s20+$0xFFFFFFD0];
	_ =	sdelay $0x3  }
0xc0: {  	v1 =	vmul.f32 v1, v3  }
0xc1: {  	v2 =	vmul.f32 v2, v3  }
0xc2: {  	[tilespmem:s20+$0xFFFFFFC0] =	vst v1  }
0xc3: {  	[tilespmem:s20+$0xFFFFFFD0] =	vst v2;
	v1 =	vld [tilespmem:s20+$0xFFFFFFE0]  }
0xc4: {  	v2 =	vld [tilespmem:s23+$0xB500]  }
0xc5: {  	v3 =	vld [tilespmem:s20+$0xFFFFFFF0];
	_ =	sdelay $0x3  }
0xc6: {  	v1 =	vmul.f32 v1, v2  }
0xc7: {  	v2 =	vmul.f32 v3, v2  }
0xc8: {  	[tilespmem:s20+$0xFFFFFFE0] =	vst v1  }
0xc9: {  	[tilespmem:s20+$0xFFFFFFF0] =	vst v2;
	v2 =	vld [tilespmem:s20+$0x0]  }
0xca: {  	v3 =	vld [tilespmem:s23+$0xB510]  }
0xcb: {  	v1 =	vld [tilespmem:s20+$0x10];
	_ =	sdelay $0x3  }
0xcc: {  	v2 =	vmul.f32 v2, v3  }
0xcd: {  	v1 =	vmul.f32 v1, v3  }
0xce: {  	[tilespmem:s20+$0x0] =	vst v2  }
0xcf: {  	[tilespmem:s20+$0x10] =	vst v1;
	v1 =	vld [tilespmem:s20+$0x20]  }
0xd0: {  	v3 =	vld [tilespmem:s23+$0xB520]  }
0xd1: {  	v2 =	vld [tilespmem:s20+$0x30];
	_ =	sdelay $0x3  }
0xd2: {  	v4 =	vmul.f32 v1, v3  }
0xd3: {  	v2 =	vmul.f32 v2, v3  }
0xd4: {  	[tilespmem:s20+$0x20] =	vst v4  }
0xd5: {  	[tilespmem:s20+$0x30] =	vst v2;
	v2 =	vld [tilespmem:s20+$0x40]  }
0xd6: {  	v4 =	vld [tilespmem:s23+$0xB530]  }
0xd7: {  	v3 =	vld [tilespmem:s20+$0x50];
	_ =	sdelay $0x3  }
0xd8: {  	v5 =	vmul.f32 v2, v4  }
0xd9: {  	v3 =	vmul.f32 v3, v4  }
0xda: {  	v1 =	vld [tilespmem:s20+$0x60];
	[tilespmem:s20+$0x40] =	vst v5  }
0xdb: {  	s7 =	simm.s32 $0x3C0;
	s1 =	simm.s32 $0xA6C0;
	v2 =	vld [tilespmem:s20+$0x70];
	[tilespmem:s20+$0x50] =	vst v3  }
.LBB2_7:
0xdc: {  	p1 =	sne.s32 s7, $0x13C0  }
0xdd: {  	v3 =	vld [tilespmem:s23+$0xB540];
	s20 =	sadd.s32 $0x100, s20;
	s23 =	smov.u32 s7;
	s7 =	sadd.s32 $0x200, s7  }
0xde: {  	_ =	sdelay $0x3  }
0xdf: {  	v1 =	vmul.f32 v1, v3;
	v2 =	vmul.f32 v2, v3;
	_ =	sdelay $0x1  }
0xe0: {  	v3 =	vld [tilespmem:s20+$0xFFFFFF90];
	[tilespmem:s1+$0x60] =	vst v1  }
0xe1: {  	s23 =	sshra.s32 s23, $0x2;
	v4 =	vld [tilespmem:s20+$0xFFFFFF80];
	[tilespmem:s1+$0x70] =	vst v2;
	s1 =	smov.u32 s20  }
0xe2: {  	v5 =	vld [tilespmem:s23+$0xB4D0]  }
0xe3: {  	v2 =	vld [tilespmem:s20+$0x70]  }
0xe4: {  	v1 =	vld [tilespmem:s20+$0x60];
	_ =	sdelay $0x2  }
0xe5: {  	v4 =	vmul.f32 v4, v5;
	v3 =	vmul.f32 v3, v5;
	_ =	sdelay $0x1  }
0xe6: {  	[tilespmem:s20+$0xFFFFFF80] =	vst v4;
	v4 =	vld [tilespmem:s20+$0xFFFFFFB0]  }
0xe7: {  	[tilespmem:s20+$0xFFFFFF90] =	vst v3;
	v3 =	vld [tilespmem:s20+$0xFFFFFFA0]  }
0xe8: {  	v5 =	vld [tilespmem:s23+$0xB4E0];
	_ =	sdelay $0x4  }
0xe9: {  	v3 =	vmul.f32 v3, v5;
	v4 =	vmul.f32 v4, v5;
	_ =	sdelay $0x1  }
0xea: {  	[tilespmem:s20+$0xFFFFFFA0] =	vst v3;
	v3 =	vld [tilespmem:s20+$0xFFFFFFD0]  }
0xeb: {  	[tilespmem:s20+$0xFFFFFFB0] =	vst v4;
	v4 =	vld [tilespmem:s20+$0xFFFFFFC0]  }
0xec: {  	v5 =	vld [tilespmem:s23+$0xB4F0];
	_ =	sdelay $0x4  }
0xed: {  	v4 =	vmul.f32 v4, v5;
	v3 =	vmul.f32 v3, v5  }
0xee: {  	v5 =	vld [tilespmem:s20+$0xFFFFFFF0]  }
0xef: {  	[tilespmem:s20+$0xFFFFFFC0] =	vst v4  }
0xf0: {  	[tilespmem:s20+$0xFFFFFFD0] =	vst v3;
	v3 =	vld [tilespmem:s20+$0xFFFFFFE0]  }
0xf1: {  	v4 =	vld [tilespmem:s23+$0xB500];
	_ =	sdelay $0x4  }
0xf2: {  	v3 =	vmul.f32 v3, v4;
	v4 =	vmul.f32 v5, v4;
	_ =	sdelay $0x1  }
0xf3: {  	[tilespmem:s20+$0xFFFFFFE0] =	vst v3;
	v3 =	vld [tilespmem:s20+$0x10]  }
0xf4: {  	[tilespmem:s20+$0xFFFFFFF0] =	vst v4;
	v4 =	vld [tilespmem:s20+$0x0]  }
0xf5: {  	v5 =	vld [tilespmem:s23+$0xB510];
	_ =	sdelay $0x4  }
0xf6: {  	v4 =	vmul.f32 v4, v5;
	v3 =	vmul.f32 v3, v5;
	_ =	sdelay $0x1  }
0xf7: {  	[tilespmem:s20+$0x0] =	vst v4;
	v4 =	vld [tilespmem:s20+$0x30]  }
0xf8: {  	[tilespmem:s20+$0x10] =	vst v3;
	v3 =	vld [tilespmem:s20+$0x20]  }
0xf9: {  	v5 =	vld [tilespmem:s23+$0xB520];
	_ =	sdelay $0x4  }
0xfa: {  	v3 =	vmul.f32 v3, v5;
	v4 =	vmul.f32 v4, v5;
	_ =	sdelay $0x1  }
0xfb: {  	[tilespmem:s20+$0x20] =	vst v3;
	v3 =	vld [tilespmem:s20+$0x50]  }
0xfc: {  	[tilespmem:s20+$0x30] =	vst v4;
	v4 =	vld [tilespmem:s20+$0x40]  }
0xfd: {  	v5 =	vld [tilespmem:s23+$0xB530];
	_ =	sdelay $0x3  }
.Ltmp4:
0xfe: {  	(pc) =	sbr.rel @p1 .LBB2_7-.Ltmp4, $3  }
0xff: {  	v4 =	vmul.f32 v4, v5;
	v3 =	vmul.f32 v3, v5;
	_ =	sdelay $0x1  }
0x100: {  	[tilespmem:s20+$0x40] =	vst v4  }
0x101: {  	[tilespmem:s20+$0x50] =	vst v3  }
0x102: {  	v3 =	vld [tilespmem:s23+$0xB540];
	_ =	sdelay $0x4  }
0x103: {  	v1 =	vmul.f32 v1, v3  }
0x104: {  	v2 =	vmul.f32 v2, v3  }
0x105: {  	[tilespmem:s1+$0x60] =	vst v1  }
.Ltmp5:
0x106: {  	s0 =	sadd.s32 $0x4E70, s0;
	[tilespmem:s1+$0x70] =	vst v2;
	(pc) =	sbr.rel @p0 .LBB2_10-.Ltmp5, $4  }
0x107: {  	[spmem:s2] =	stream.indirect.scatter.add.f32 [tilespmem:s24], [sflag:$0x3], $0x20, s0, s21, $0xb8;
	[tilespmem:$0x11A40] =	vst v63  }
0x108: {  	_ =	swait.ge [sflag:s19], $0xA00  }
0x109: {  	[sflag:s19] =	ssyncset.done $0x0  }
0x10a: {  	[sflag:s19] =	ssyncadd.s32 $0xFFFFF600  }
0x10b: {  	s0 =	sadd.s32 $0x3, s31  }
0x10c: {  	s1 =	smul.u32 $0x140, s0  }
0x10d: {  	s0 =	smul.u32 $0x500, s0;
	_ =	sdelay $0x1  }
.Ltmp6:
0x10e: {  	s1 =	sshra.s32 s1, $0x2;
	s0 =	sadd.s32 s6, s0;
	(pc) =	sbr.rel .LBB2_4-.Ltmp6, $4  }
0x10f: {  	[tilespmem:s24], [sflag:$0x2] =	stream.indirect.gather [hbm4b:s14+s21], $0x20, s1, s21, $0xb8;
	[tilespmem:$0x11A40] =	vst v63  }
0x110: {  	s0 =	sshrl.u32 s0, $0x3  }
0x111: {  	s30 =	sadd.s32 $0x1, s30;
	s0 =	sadd.s32 s4, s0  }
0x112: {  	[tilespmem:s25], [sflag:$0x2] =	stream.linear.gather [hbm4b:s0+s3], $0x500, $0x38;
	[tilespmem:$0x11A40] =	vst v63  }
.LBB2_11:
0x113: {  	_ =	sfence.sel $0x180000  }
0x114: {  	[bflag:$0x0] =	sbarrier.arrive $0xFFFF  }
0x115: {  	_ =	strace $0x9000004A  }
0x116: {  	s0 =	stileid.u32;
	[bflag:$0x2] =	sbarrier.arrive $0xFFFF  }
0x117: {  	p0 =	sne.s32 s0, $0x0;
	s0 =	rddreg [dreg:$0x3]  }
0x118: {  	s0 =	sadd.s32 @!p0 $0x100000, s0  }
0x119: {  	[sflag:s0] =	ssyncadd.tile.s32 @!p0 $0x1;
	_ =	shalt  }
.Lfunc_end2:
_tile_overlayer_lowered:
.L_overlay_start_2:
0x11a: {  	(tag) =	ssettag $0x2  }
0x11b: {  	s0 =	rddreg [dreg:$0x0];
	s2 =	stileid.u32  }
0x11c: {  	s1 =	rddreg [dreg:$0x1];
	p0 =	sne.s32 s2, $0x0  }
0x11d: {  	s3 =	rddreg [dreg:$0x2];
	[bflag:$0x3] =	sbarrier.arrive $0xFFFF;
	s2 =	simm.s32 @!p0 $0x1C03  }
0x11e: {  	[timem:s3], [sflag:s2] =	dma.local @!p0 [hbm:s0], s1  }
0x11f: {  	s0 =	simm.s32 @!p0 $0x3  }
0x120: {  	_ =	swait.ge @!p0 [sflag:s0], s1  }
0x121: {  	s1 =	ssub.s32 @!p0 $0x0, s1;
	[sflag:s0] =	ssyncset.done @!p0 $0x0  }
0x122: {  	[sflag:s0] =	ssyncadd.s32 @!p0 s1  }
0x123: {  	[bflag:$0x3] =	sbarrier.arrive $0xFFFF  }
0x124: {  	_ =	shalt  }

// kernel: kernel.8.cloned.1.call-start
scs
__scs_entry_jumppad:
0x0: {  	(pc) =	sbr.rel $0x88, $3  }
0x1: {  	(tag) =	ssettag $0x0;
	lr =	simm.s32 $0x1  }
0x2: {  	[smem:$0x3F94] =	sst lr;
	_ =	strace $0xD0000000  }
0x3: {  	_ = 	snop  }
0x4: {  	_ = 	snop  }
0x5: {  	_ = 	snop  }
0x6: {  	_ = 	snop  }
0x7: {  	_ = 	snop  }
__scs_overlays_trampoline_lowered:
0x8: {  	[smem:$0x3FA3] =	sst s0  }
0x9: {  	[smem:$0x3FA4] =	sst s1  }
0xa: {  	[smem:$0x3FA5] =	sst s2  }
0xb: {  	[smem:$0x3FA6] =	sst s3  }
0xc: {  	[smem:$0x3FA7] =	sst s4  }
0xd: {  	[smem:$0x3FA8] =	sst s5  }
0xe: {  	[smem:$0x3FA9] =	sst s6  }
0xf: {  	[smem:$0x3FAA] =	sst s7  }
0x10: {  	[smem:$0x3FAB] =	sst s8  }
0x11: {  	[smem:$0x3FAC] =	sst s9;
	s0 =	simm.s32 @!p0 $0x0  }
0x12: {  	s1 =	sld [smem:$0x3F92];
	s0 =	simm.s32 @p0 $0x1  }
0x13: {  	[smem:$0x3FAD] =	sst s0;
	s0 =	simm.s32 @!p1 $0x0  }
0x14: {  	s2 =	sld [smem:$0x3F91];
	s0 =	simm.s32 @p1 $0x1  }
0x15: {  	[smem:$0x3FAE] =	sst s0;
	s0 =	simm.s32 @!p2 $0x0  }
0x16: {  	s3 =	sld [smem:$0x3FDB];
	s0 =	simm.s32 @p2 $0x1  }
0x17: {  	s4 =	simm.s32 $0x1BF5;
	[smem:$0x3FB0] =	sst s0  }
0x18: {  	s0 =	sld [smem:$0x3F93];
	_ =	swait.ge [sflag:s4], $0x0  }
0x19: {  	s7 =	sld [smem:$0x3F94]  }
0x1a: {  	s8 =	sadd.s32 $0xFFFFE003, lr  }
0x1b: {  	s9 =	sadd.s32 $0xFFFFFEF7, lr;
	s5 =	simm.s32 $0xFFFFFFFF;
	p2 =	slt.u32 s8, $0xFFFFF086  }
0x1c: {  	p1 =	slt.u32 s9, $0xF7A;
	s5 =	simm.s32 @!p2 $0x0  }
0x1d: {  	s5 =	simm.s32 @p1 $0x1;
	p0 =	seq.s32 s7, s2  }
0x1e: {  	s7 =	smul.u32 @!p0 $0xF7A, s2;
	p2 =	seq.s32 @!p0 s5, $0x0  }
0x1f: {  	s9 =	smul.u32 $0xF7A, s1;
	s8 =	simm.s32 @!p0 $0x1BF5;
	p2 =	por !p2, p0  }
0x20: {  	[sflag:s8] =	ssyncset.s32 @!p0 $0xFFFFF086;
	s6 =	sadd.s32 @!p0 s3, s7;
	s7 =	simm.s32 @!p0 $0x108  }
0x21: {  	s3 =	sadd.s32 s3, s9;
	s6 =	sadd.s32 @!p0 $0x88, s6;
	s7 =	simm.s32 @p2 $0x1082  }
0x22: {  	[simem:s7], [sflag:s8] =	dma.local @!p0 [hbm:s6], $0xF7A  }
0x23: {  	s9 =	sor.u32 $0xD0000000, s2;
	s6 =	simm.s32 $0x108;
	_ =	swait.ge @!p0 [sflag:s8], $0x0  }
0x24: {  	s3 =	sadd.s32 $0x88, s3;
	s6 =	simm.s32 @!p1 $0x1082;
	[sflag:s4] =	ssyncset.s32 $0xFFFFF086  }
0x25: {  	[simem:s6], [sflag:s4] =	dma.local [hbm:s3], $0xF7A  }
0x26: {  	[smem:$0x3F94] =	sst s1;
	(tag) =	ssettag s2;
	_ =	strace s9  }
0x27: {  	s1 =	sld [smem:$0x3FA4]  }
0x28: {  	s2 =	sld [smem:$0x3FA5]  }
0x29: {  	s4 =	sld [smem:$0x3FA7]  }
0x2a: {  	p0 =	seq.s32 s5, $0x0;
	s5 =	sld [smem:$0x3FA8]  }
0x2b: {  	s6 =	sld [smem:$0x3FA9]  }
0x2c: {  	s7 =	sld [smem:$0x3FAA]  }
0x2d: {  	s3 =	simm.s32 $0x108;
	s8 =	sld [smem:$0x3FAB]  }
0x2e: {  	s3 =	simm.s32 @!p0 $0x1082;
	s9 =	sld [smem:$0x3FAC]  }
0x2f: {  	lr =	sadd.s32 s0, s3;
	s0 =	sld [smem:$0x3FA3]  }
0x30: {  	s3 =	sld [smem:$0x3FA6]  }
0x31: {  	[smem:$0x3FAF] =	sst s10  }
0x32: {  	s10 =	sld [smem:$0x3FAD];
	_ =	sdelay $0x3  }
0x33: {  	p0 =	seq.s32 s10, $0x1;
	s10 =	sld [smem:$0x3FAF];
	_ =	sdelay $0x3  }
0x34: {  	[smem:$0x3FAF] =	sst s10  }
0x35: {  	s10 =	sld [smem:$0x3FAE];
	_ =	sdelay $0x3  }
0x36: {  	p1 =	seq.s32 s10, $0x1;
	s10 =	sld [smem:$0x3FAF];
	_ =	sdelay $0x3  }
0x37: {  	[smem:$0x3FAF] =	sst s10  }
0x38: {  	s10 =	sld [smem:$0x3FB0]  }
0x39: {  	_ = 	snop;
	(pc) =	sbr.ind lr, $3  }
0x3a: {  	_ = 	snop  }
0x3b: {  	_ = 	snop  }
0x3c: {  	p2 =	seq.s32 s10, $0x1;
	s10 =	sld [smem:$0x3FAF]  }
0x3d: {  	_ =	shalt  }
0x3e: {  	_ =	shalt  }
0x3f: {  	_ =	shalt  }
0x40: {  	_ =	shalt  }
0x41: {  	_ =	shalt  }
0x42: {  	_ =	shalt  }
0x43: {  	_ =	shalt  }
0x44: {  	_ =	shalt  }
0x45: {  	_ =	shalt  }
0x46: {  	_ =	shalt  }
0x47: {  	_ =	shalt  }
0x48: {  	_ =	shalt  }
0x49: {  	_ =	shalt  }
0x4a: {  	_ =	shalt  }
0x4b: {  	_ =	shalt  }
0x4c: {  	_ =	shalt  }
0x4d: {  	_ =	shalt  }
0x4e: {  	_ =	shalt  }
0x4f: {  	_ =	shalt  }
0x50: {  	_ =	shalt  }
0x51: {  	_ =	shalt  }
0x52: {  	_ =	shalt  }
0x53: {  	_ =	shalt  }
0x54: {  	_ =	shalt  }
0x55: {  	_ =	shalt  }
0x56: {  	_ =	shalt  }
0x57: {  	_ =	shalt  }
0x58: {  	_ =	shalt  }
0x59: {  	_ =	shalt  }
0x5a: {  	_ =	shalt  }
0x5b: {  	_ =	shalt  }
0x5c: {  	_ =	shalt  }
0x5d: {  	_ =	shalt  }
0x5e: {  	_ =	shalt  }
0x5f: {  	_ =	shalt  }
0x60: {  	_ =	shalt  }
0x61: {  	_ =	shalt  }
0x62: {  	_ =	shalt  }
0x63: {  	_ =	shalt  }
0x64: {  	_ =	shalt  }
0x65: {  	_ =	shalt  }
0x66: {  	_ =	shalt  }
0x67: {  	_ =	shalt  }
0x68: {  	_ =	shalt  }
0x69: {  	_ =	shalt  }
0x6a: {  	_ =	shalt  }
0x6b: {  	_ =	shalt  }
0x6c: {  	_ =	shalt  }
0x6d: {  	_ =	shalt  }
0x6e: {  	_ =	shalt  }
0x6f: {  	_ =	shalt  }
0x70: {  	_ =	shalt  }
0x71: {  	_ =	shalt  }
0x72: {  	_ =	shalt  }
0x73: {  	_ =	shalt  }
0x74: {  	_ =	shalt  }
0x75: {  	_ =	shalt  }
0x76: {  	_ =	shalt  }
0x77: {  	_ =	shalt  }
0x78: {  	_ =	shalt  }
0x79: {  	_ =	shalt  }
0x7a: {  	_ =	shalt  }
0x7b: {  	_ =	shalt  }
0x7c: {  	_ =	shalt  }
0x7d: {  	_ =	shalt  }
0x7e: {  	_ =	shalt  }
0x7f: {  	_ =	shalt  }
0x80: {  	_ =	shalt  }
0x81: {  	_ =	shalt  }
0x82: {  	_ =	shalt  }
0x83: {  	_ =	shalt  }
0x84: {  	_ =	shalt  }
0x85: {  	_ =	shalt  }
0x86: {  	_ =	shalt  }
0x87: {  	_ =	shalt  }
.Lfunc_end0:
.L_simem_size_0:
called_computation_lowered:
.L_overlay_start_0:
0x88: {  	s2 =	sld [smem:$0x3FD9]  }
0x89: {  	s3 =	sld [smem:$0x3FFE];
	_ =	sdelay $0x1  }
0x8a: {  	s1 =	srdreg.scid  }
0x8b: {  	s0 =	sand.u32 $0x1, s1  }
0x8c: {  	s17 =	sshll.u32 s0, $0xA;
	s2 =	sadd.s32 s3, s2  }
0x8d: {  	s2 =	sadd.s32 s2, s17  }
0x8e: {  	[smem:$0x3FBB] =	sst s2  }
0x8f: {  	_ = 	snop  }
0x90: {  	s2 =	sld [smem:$0x3FD0];
	(tm) =	ssettm $0x1  }
0x91: {  	s18 =	sld [smem:$0x3FFB];
	_ =	sdelay $0x3  }
0x92: {  	_ =	strace s18  }
0x93: {  	s3 =	sld [smem:$0x3FFC];
	_ =	sdelay $0x3  }
0x94: {  	_ =	strace s3  }
0x95: {  	s3 =	sld [smem:$0x3FFD];
	_ =	sdelay $0x3  }
0x96: {  	_ =	strace s3  }
0x97: {  	_ =	strace $0x8FFFFFFF  }
0x98: {  	s19 =	sld [smem:$0x3FDB];
	_ =	sdelay $0x1  }
0x99: {  	s4 =	simm.s32 $_scs_section_size  }
0x9a: {  	s5 =	simm.s32 $_size__tile_overlayer_lowered;
	s6 =	simm.s32 $_tile_overlayer_lowered  }
0x9b: {  	s22 =	simm.s32 $0x1BFF;
	s21 =	sshll.u32 s6, $0x1;
	s3 =	sadd.s32 s4, s19  }
0x9c: {  	s7 =	simm.s32 $0x0;
	s20 =	sshll.u32 s5, $0x1;
	s5 =	sadd.s32 s21, s3  }
0x9d: {  	[timem:s7], [sflag:s22] =	dma.local [hbm:s5], s20  }
0x9e: {  	_ =	swait.ge [sflag:s22], s20  }
0x9f: {  	s4 =	ssub.s32 $0x0, s20;
	[sflag:s22] =	ssyncset.done $0x0  }
0xa0: {  	[sflag:s22] =	ssyncadd.s32 s4;
	_ =	sdelay $0x1  }
0xa1: {  	s23 =	simm.s32 $0x1B8B  }
0xa2: {  	_ =	swait.ge [sflag:s23], $0x1  }
0xa3: {  	[sflag:s23] =	ssyncset.done $0x0  }
0xa4: {  	s25 =	simm.s32 $0x1B8E;
	s24 =	sld [smem:$0x3FFE];
	[sflag:s23] =	ssyncadd.s32 $0xFFFFFFFF  }
0xa5: {  	s26 =	simm.s32 $execute0_lowered;
	[smem:$0x3FD2] =	sst s25  }
0xa6: {  	s5 =	sshll.u32 s26, $0x1;
	_ =	strace $0x80000046;
	[dreg:$0x1] =	wrdreg $0xFFFFFFFF  }
0xa7: {  	s28 =	simm.s32 $_size_execute0_lowered;
	s3 =	sadd.s32 s3, s5;
	[dreg:$0x0] =	wrdreg $0x0  }
0xa8: {  	s5 =	sshll.u32 s28, $0x1;
	[dreg:$0x2] =	wrdreg s3  }
0xa9: {  	[dreg:$0x3] =	wrdreg s5  }
0xaa: {  	[dreg:$0x4] =	wrdreg $0xC0  }
0xab: {  	_ =	task [dreg:s7], $0x5FFFF  }
0xac: {  	[dreg:$0x1] =	wrdreg $0xFFFFFFFF  }
0xad: {  	[dreg:$0x0] =	wrdreg $0x60  }
0xae: {  	[dreg:$0x2] =	wrdreg s24  }
0xaf: {  	[dreg:$0x3] =	wrdreg s2  }
0xb0: {  	[dreg:$0x4] =	wrdreg $0xF6400  }
0xb1: {  	[dreg:$0x5] =	wrdreg $0x196400  }
0xb2: {  	[dreg:$0x6] =	wrdreg $0x9  }
0xb3: {  	_ =	task.clear_ibuf [dreg:s7], $0x7FFFF;
	_ =	strace $0x90000046  }
0xb4: {  	s29 =	simm.s32 $0x9;
	_ =	strace $0x80000048  }
0xb5: {  	_ =	swait.ge [sflag:s29], $0x1  }
0xb6: {  	[sflag:s29] =	ssyncadd.s32 $0xFFFFFFFF  }
0xb7: {  	_ =	strace $0x90000048  }
0xb8: {  	_ =	sfence  }
0xb9: {  	s30 =	sld [smem:$0x0];
	_ =	sdelay $0x2  }
0xba: {  	s31 =	sshll.u32 s1, $0xD;
	s1 =	sshrl.u32 s1, $0x2  }
0xbb: {  	s3 =	sand.u32 $0x4000, s31;
	s1 =	sadd.s32 s1, s30  }
0xbc: {  	s0 =	sor.u32 s3, s0;
	s1 =	sshll.u32 s1, $0x11  }
0xbd: {  	s0 =	sor.u32 s1, s0  }
0xbe: {  	s0 =	sadd.s32 $0x8F2B, s0  }
0xbf: {  	[sflag:s0] =	ssyncadd.remote.s32 $0x1  }
0xc0: {  	_ =	sfence.sel $0xFFFF  }
0xc1: {  	[dreg:$0x0] =	wrdreg $0xFFFFFFFF;
	(pc) =	sbr.abs _section_cstart, $3  }
0xc2: {  	[dreg:$0x1] =	wrdreg $0xFFFFFFFF  }
0xc3: {  	_ =	task.clear_ibuf [dreg:s7], $0x2FFFF;
	_ =	strace $0x9FFFFFFF  }
0xc4: {  	(tm) =	ssettm $0x7FFFFFFF  }
0xc5: {  	_ =	shalt  }
tec
execute0_lowered:
.L_overlay_start_1:
0x0: {  	(tag) =	ssettag $0x1  }
0x1: {  	s0 =	rddreg [dreg:$0x0]  }
0x2: {  	s1 =	rddreg [dreg:$0x1]  }
0x3: {  	s2 =	rddreg [dreg:$0x2];
	s17 =	stileid.u32  }
0x4: {  	s4 =	srdreg.scid;
	s5 =	smul.u32 $0x9C4, s17  }
0x5: {  	s3 =	rddreg [dreg:$0x3];
	s7 =	smul.u32 $0xA000, s17  }
0x6: {  	s28 =	simm.s32 $0xEE40;
	s30 =	simm.s32 $0x50;
	s12 =	smul.u32 $0x280, s17  }
0x7: {  	s31 =	simm.s32 $0x9C40;
	s8 =	sand.u32 $0x1, s4;
	s14 =	smul.u32 $0x2800, s17  }
0x8: {  	s29 =	simm.s32 $0xB040;
	s4 =	simm.s32 $0x0;
	s6 =	smul.u32 $0x13880, s8  }
0x9: {  	[smem:$0x7FF] =	sst s4;
	s9 =	smul.u32 $0xA0000, s8;
	s23 =	ssub.s32 $0x2, s8  }
0xa: {  	p0 =	sne.s32 s8, $0x0;
	s8 =	simm.s32 $0x2;
	_ =	strace $0x80000047  }
0xb: {  	s10 =	sadd.s32 s5, s0;
	s5 =	sadd.s32 $0x17200, s0;
	s13 =	sshrl.u32 s23, $0x1  }
0xc: {  	s24 =	sadd.s32 $0x80, s12;
	s25 =	sadd.s32 $0x100, s12;
	s16 =	sadd.s32 $0x180, s12  }
0xd: {  	s12 =	sadd.s32 $0x200, s12;
	s11 =	sadd.s32 s6, s0;
	s22 =	sadd.s32 s7, s9  }
0xe: {  	s9 =	ssub.s32 s23, s13;
	s15 =	sshll.u32 s24, $0x6;
	s13 =	sshll.u32 s24, $0x4  }
0xf: {  	s26 =	sshll.u32 s25, $0x6;
	s18 =	sshll.u32 s25, $0x4;
	s19 =	sshll.u32 s16, $0x6  }
0x10: {  	s21 =	sshll.u32 s16, $0x4;
	s24 =	sadd.s32 $0xD400, s10;
	s10 =	sadd.s32 $0x3600, s10  }
0x11: {  	s6 =	sshrl.u32 s22, $0x3;
	s15 =	sadd.s32 s15, s2;
	[dreg:$0xd] =	wrdreg s24  }
0x12: {  	s13 =	sadd.s32 s13, s3;
	s20 =	sadd.s32 s19, s2;
	[dreg:$0xe] =	wrdreg s10  }
0x13: {  	s22 =	sshll.u32 s12, $0x6;
	s12 =	sshll.u32 s12, $0x4;
	[dreg:$0x5] =	wrdreg s15  }
0x14: {  	s24 =	smax.u32 s9, $0x1;
	s9 =	simm.s32 $0x0;
	[dreg:$0x6] =	wrdreg s13  }
0x15: {  	s0 =	sadd.s32 s6, s0;
	s13 =	sadd.s32 s26, s2;
	[dreg:$0x9] =	wrdreg s20  }
0x16: {  	s6 =	sadd.s32 s7, s2;
	s15 =	sadd.s32 s21, s3;
	[dreg:$0x7] =	wrdreg s13  }
0x17: {  	s7 =	sadd.s32 s14, s3;
	s13 =	sadd.s32 s18, s3;
	[dreg:$0xa] =	wrdreg s15  }
0x18: {  	s23 =	sadd.s32 s22, s2;
	[dreg:$0x8] =	wrdreg s13;
	s13 =	smul.u32 $0x4E200, s17  }
.Ltmp0:
0x19: {  	s12 =	sadd.s32 s12, s3;
	[dreg:$0xb] =	wrdreg s23;
	(pc) =	sbr.rel .LBB2_1-.Ltmp0, $4  }
0x1a: {  	s26 =	sshrl.u32 s14, $0x3;
	s20 =	sadd.s32 $0xDA800, s11;
	[dreg:$0xc] =	wrdreg s12  }
0x1b: {  	s21 =	sadd.s32 s1, s26;
	s23 =	sadd.s32 $0x101A00, s0;
	s25 =	sshrl.u32 s13, $0x3  }
0x1c: {  	s26 =	simm.s32 $0x3;
	s1 =	simm.s32 $0xC940;
	s19 =	sadd.s32 s5, s25  }
0x1d: {  	v0 =	vimm.f32 $0.0e+00;
	s0 =	simm.s32 $0x1;
	s25 =	simm.s32 $0xCE40;
	s22 =	sadd.s32 $0xA0, s19  }
.LBB2_10:
0x1e: {  	s10 =	stileid.u32  }
0x1f: {  	s10 =	sshll.u32 s10, $0x6  }
0x20: {  	[bflag:$0x0] =	sbarrier.arrive $0xFFFF;
	s11 =	sshrl.u32 s6, $0x3;
	s10 =	sor.u32 $0x1C03, s10  }
0x21: {  	[hbm:s23], [sflag:s10] =	dma.local [spmem:s11], $0x1400  }
0x22: {  	s9 =	sadd.s32 $0x1, s9;
	_ =	swait.ge [sflag:s26], $0x1400  }
0x23: {  	p1 =	sne.s32 s9, s24;
	[sflag:s26] =	ssyncset.done $0x0  }
.Ltmp1:
0x24: {  	s11 =	sshrl.u32 @!p0 s7, $0x3;
	[sflag:s26] =	ssyncadd.s32 $0xFFFFEC00;
	(pc) =	sbr.rel @!p1 .LBB2_11-.Ltmp1, $4  }
0x25: {  	[hbm:s21], [sflag:s10] =	dma.local @!p0 [spmem:s11], $0x500  }
0x26: {  	_ =	swait.ge @!p0 [sflag:s12], $0x500  }
0x27: {  	[sflag:s12] =	ssyncset.done @!p0 $0x0  }
0x28: {  	[sflag:s12] =	ssyncadd.s32 @!p0 $0xFFFFFB00  }
.LBB2_1:
0x29: {  	s10 =	simm.s32 $0xCE60  }
0x2a: {  	[tilespmem:s10+$0x0] =	vst v0  }
0x2b: {  	[tilespmem:s10+$0xFFFFFFE0] =	vst v0  }
0x2c: {  	[tilespmem:s10+$0x10] =	vst v0  }
0x2d: {  	s11 =	simm.s32 $0x40;
	s12 =	simm.s32 $0x0;
	[tilespmem:s10+$0xFFFFFFF0] =	vst v0  }
.LBB2_2:
0x2e: {  	p1 =	sne.s32 s11, $0x1FC0  }
0x2f: {  	[tilespmem:s12+$0xEE40] =	vst v0;
	s10 =	sadd.s32 $0x40, s10;
	s12 =	smov.u32 s11;
	s11 =	sadd.s32 $0x40, s11  }
.Ltmp2:
0x30: {  	[tilespmem:s10+$0x0] =	vst v0;
	(pc) =	sbr.rel @p1 .LBB2_2-.Ltmp2, $4  }
0x31: {  	_ = 	snop  }
0x32: {  	[tilespmem:s10+$0xFFFFFFE0] =	vst v0  }
0x33: {  	[tilespmem:s10+$0x10] =	vst v0  }
0x34: {  	s12 =	sshra.s32 s12, $0x2;
	[tilespmem:s10+$0xFFFFFFF0] =	vst v0  }
0x35: {  	[tilespmem:s12+$0xEE40] =	vst v0  }
0x36: {  	[spmem:s6] =	stream.linear.scatter [tilespmem:s25], [sflag:$0x3], $0x2000, $0x38;
	[tilespmem:$0x1BE40] =	vst v63  }
0x37: {  	_ =	swait.ge [sflag:s26], $0x2000  }
0x38: {  	[sflag:s26] =	ssyncset.done $0x0  }
0x39: {  	[sflag:s26] =	ssyncadd.s32 $0xFFFFE000  }
0x3a: {  	[spmem:s7] =	stream.linear.scatter [tilespmem:s28], [sflag:$0x3], $0x800, $0x38;
	[tilespmem:$0x1BE40] =	vst v63  }
0x3b: {  	_ =	swait.ge [sflag:s26], $0x800  }
0x3c: {  	[sflag:s26] =	ssyncset.done $0x0  }
0x3d: {  	s10 =	rddreg [dreg:$0x5];
	[sflag:s26] =	ssyncadd.s32 $0xFFFFF800  }
0x3e: {  	[spmem:s10] =	stream.linear.scatter [tilespmem:s25], [sflag:$0x3], $0x2000, $0x38;
	[tilespmem:$0x1BE40] =	vst v63  }
0x3f: {  	_ =	swait.ge [sflag:s26], $0x2000  }
0x40: {  	[sflag:s26] =	ssyncset.done $0x0  }
0x41: {  	s16 =	rddreg [dreg:$0x6];
	[sflag:s26] =	ssyncadd.s32 $0xFFFFE000  }
0x42: {  	[spmem:s16] =	stream.linear.scatter [tilespmem:s28], [sflag:$0x3], $0x800, $0x38;
	[tilespmem:$0x1BE40] =	vst v63  }
0x43: {  	_ =	swait.ge [sflag:s26], $0x800  }
0x44: {  	[sflag:s26] =	ssyncset.done $0x0  }
0x45: {  	s17 =	rddreg [dreg:$0x7];
	[sflag:s26] =	ssyncadd.s32 $0xFFFFF800  }
0x46: {  	[spmem:s17] =	stream.linear.scatter [tilespmem:s25], [sflag:$0x3], $0x2000, $0x38;
	[tilespmem:$0x1BE40] =	vst v63  }
0x47: {  	_ =	swait.ge [sflag:s26], $0x2000  }
0x48: {  	[sflag:s26] =	ssyncset.done $0x0  }
0x49: {  	s18 =	rddreg [dreg:$0x8];
	[sflag:s26] =	ssyncadd.s32 $0xFFFFE000  }
0x4a: {  	[spmem:s18] =	stream.linear.scatter [tilespmem:s28], [sflag:$0x3], $0x800, $0x38;
	[tilespmem:$0x1BE40] =	vst v63  }
0x4b: {  	_ =	swait.ge [sflag:s26], $0x800  }
0x4c: {  	[sflag:s26] =	ssyncset.done $0x0  }
0x4d: {  	s11 =	rddreg [dreg:$0x9];
	[sflag:s26] =	ssyncadd.s32 $0xFFFFF800  }
0x4e: {  	[spmem:s11] =	stream.linear.scatter [tilespmem:s25], [sflag:$0x3], $0x2000, $0x38;
	[tilespmem:$0x1BE40] =	vst v63  }
0x4f: {  	_ =	swait.ge [sflag:s26], $0x2000  }
0x50: {  	[sflag:s26] =	ssyncset.done $0x0  }
0x51: {  	s12 =	rddreg [dreg:$0xa];
	[sflag:s26] =	ssyncadd.s32 $0xFFFFE000  }
0x52: {  	[spmem:s12] =	stream.linear.scatter [tilespmem:s28], [sflag:$0x3], $0x800, $0x38;
	[tilespmem:$0x1BE40] =	vst v63  }
0x53: {  	_ =	swait.ge [sflag:s26], $0x800  }
0x54: {  	[sflag:s26] =	ssyncset.done $0x0  }
0x55: {  	s14 =	rddreg [dreg:$0xb];
	[sflag:s26] =	ssyncadd.s32 $0xFFFFF800  }
0x56: {  	[spmem:s14] =	stream.linear.scatter [tilespmem:s25], [sflag:$0x3], $0x2000, $0x38;
	[tilespmem:$0x1BE40] =	vst v63  }
0x57: {  	_ =	swait.ge [sflag:s26], $0x2000  }
0x58: {  	[sflag:s26] =	ssyncset.done $0x0  }
0x59: {  	s15 =	rddreg [dreg:$0xc];
	[sflag:s26] =	ssyncadd.s32 $0xFFFFE000  }
0x5a: {  	[spmem:s15] =	stream.linear.scatter [tilespmem:s28], [sflag:$0x3], $0x800, $0x38;
	[tilespmem:$0x1BE40] =	vst v63  }
0x5b: {  	_ =	swait.ge [sflag:s26], $0x800  }
0x5c: {  	[sflag:s26] =	ssyncset.done $0x0  }
0x5d: {  	[sflag:s26] =	ssyncadd.s32 $0xFFFFF800  }
0x5e: {  	[bflag:$0x0] =	sbarrier.arrive $0xFFFF  }
0x5f: {  	s10 =	simm.s32 $0x0;
	s11 =	rddreg [dreg:$0xd]  }
0x60: {  	[tilespmem:s10], [sflag:$0x3] =	stream.linear.gather [hbm4b:s11+s10], $0x4E20, $0x38;
	[tilespmem:$0x1BE40] =	vst v63  }
0x61: {  	_ =	swait.ge [sflag:s26], $0x4E20  }
0x62: {  	[sflag:s26] =	ssyncset.done $0x0  }
0x63: {  	s17 =	simm.s32 $0x4E20;
	s16 =	rddreg [dreg:$0xe];
	[sflag:s26] =	ssyncadd.s32 $0xFFFFB1E0  }
0x64: {  	[tilespmem:s17], [sflag:$0x3] =	stream.linear.gather [hbm4b:s16+s10], $0x4E20, $0x38;
	[tilespmem:$0x1BE40] =	vst v63  }
0x65: {  	_ =	swait.ge [sflag:s26], $0x4E20  }
0x66: {  	[sflag:s26] =	ssyncset.done $0x0  }
0x67: {  	[sflag:s26] =	ssyncadd.s32 $0xFFFFB1E0  }
0x68: {  	[tilespmem:s31], [sflag:$0x1] =	stream.indirect.gather [hbm4b:s20+s30], $0x40, s10, s30, $0xb8;
	[tilespmem:$0x1BE40] =	vst v63  }
0x69: {  	s18 =	simm.s32 $0xC440  }
0x6a: {  	[tilespmem:s18], [sflag:$0x1] =	stream.linear.gather [hbm4b:s19+s10], $0x500, $0x38;
	[tilespmem:$0x1BE40] =	vst v63  }
0x6b: {  	_ = 	snop  }
0x6c: {  	[tilespmem:s29], [sflag:$0x2] =	stream.indirect.gather [hbm4b:s20+s30], $0x40, s30, s30, $0xb8;
	[tilespmem:$0x1BE40] =	vst v63  }
0x6d: {  	_ = 	snop  }
0x6e: {  	[tilespmem:s1], [sflag:$0x2] =	stream.linear.gather [hbm4b:s22+s10], $0x500, $0x38;
	[tilespmem:$0x1BE40] =	vst v63  }
.LBB2_4:
0x6f: {  	_ =	swait.ge [sflag:s0], $0x1400  }
0x70: {  	[sflag:s0] =	ssyncset.done $0x0  }
0x71: {  	[sflag:s0] =	ssyncadd.s32 $0xFFFFEC00  }
0x72: {  	_ =	swait.ge [sflag:s0], $0x500  }
0x73: {  	[sflag:s0] =	ssyncset.done $0x0  }
0x74: {  	s11 =	simm.s32 $0x9D40;
	[sflag:s0] =	ssyncadd.s32 $0xFFFFFB00  }
0x75: {  	s12 =	simm.s32 $0x0;
	v1 =	vld [tilespmem:s11+$0xFFFFFF30]  }
0x76: {  	v2 =	vld [tilespmem:s12+$0xC440]  }
0x77: {  	v3 =	vld [tilespmem:s11+$0xFFFFFF00]  }
0x78: {  	v4 =	vld [tilespmem:s11+$0xFFFFFF10]  }
0x79: {  	v5 =	vld [tilespmem:s11+$0xFFFFFF20];
	_ =	sdelay $0x1  }
0x7a: {  	v1 =	vmul.f32 v1, v2  }
0x7b: {  	v3 =	vmul.f32 v3, v2  }
0x7c: {  	v4 =	vmul.f32 v4, v2;
	[tilespmem:s11+$0xFFFFFF30] =	vst v1  }
0x7d: {  	v1 =	vmul.f32 v5, v2;
	[tilespmem:s11+$0xFFFFFF00] =	vst v3  }
0x7e: {  	[tilespmem:s11+$0xFFFFFF10] =	vst v4  }
0x7f: {  	[tilespmem:s11+$0xFFFFFF20] =	vst v1;
	v1 =	vld [tilespmem:s11+$0xFFFFFF40]  }
0x80: {  	v3 =	vld [tilespmem:s12+$0xC450]  }
0x81: {  	v2 =	vld [tilespmem:s11+$0xFFFFFF50]  }
0x82: {  	v4 =	vld [tilespmem:s11+$0xFFFFFF70]  }
0x83: {  	v5 =	vld [tilespmem:s11+$0xFFFFFF60];
	_ =	sdelay $0x1  }
0x84: {  	v1 =	vmul.f32 v1, v3  }
0x85: {  	v2 =	vmul.f32 v2, v3  }
0x86: {  	v4 =	vmul.f32 v4, v3;
	[tilespmem:s11+$0xFFFFFF40] =	vst v1  }
0x87: {  	[tilespmem:s11+$0xFFFFFF50] =	vst v2;
	v1 =	vmul.f32 v5, v3  }
0x88: {  	[tilespmem:s11+$0xFFFFFF70] =	vst v4  }
0x89: {  	[tilespmem:s11+$0xFFFFFF60] =	vst v1;
	v1 =	vld [tilespmem:s11+$0xFFFFFF80]  }
0x8a: {  	v3 =	vld [tilespmem:s12+$0xC460]  }
0x8b: {  	v4 =	vld [tilespmem:s11+$0xFFFFFFB0]  }
0x8c: {  	v2 =	vld [tilespmem:s11+$0xFFFFFF90]  }
0x8d: {  	v5 =	vld [tilespmem:s11+$0xFFFFFFA0];
	_ =	sdelay $0x1  }
0x8e: {  	v1 =	vmul.f32 v1, v3  }
0x8f: {  	v4 =	vmul.f32 v4, v3  }
0x90: {  	v2 =	vmul.f32 v2, v3;
	[tilespmem:s11+$0xFFFFFF80] =	vst v1  }
0x91: {  	v1 =	vmul.f32 v5, v3;
	[tilespmem:s11+$0xFFFFFFB0] =	vst v4  }
0x92: {  	[tilespmem:s11+$0xFFFFFF90] =	vst v2  }
0x93: {  	[tilespmem:s11+$0xFFFFFFA0] =	vst v1;
	v1 =	vld [tilespmem:s11+$0xFFFFFFC0]  }
0x94: {  	v3 =	vld [tilespmem:s12+$0xC470]  }
0x95: {  	v2 =	vld [tilespmem:s11+$0xFFFFFFD0]  }
0x96: {  	v4 =	vld [tilespmem:s11+$0xFFFFFFF0]  }
0x97: {  	v5 =	vld [tilespmem:s11+$0xFFFFFFE0];
	_ =	sdelay $0x1  }
0x98: {  	v1 =	vmul.f32 v1, v3  }
0x99: {  	v2 =	vmul.f32 v2, v3  }
0x9a: {  	v4 =	vmul.f32 v4, v3;
	[tilespmem:s11+$0xFFFFFFC0] =	vst v1  }
0x9b: {  	[tilespmem:s11+$0xFFFFFFD0] =	vst v2;
	v1 =	vmul.f32 v5, v3  }
0x9c: {  	[tilespmem:s11+$0xFFFFFFF0] =	vst v4  }
0x9d: {  	[tilespmem:s11+$0xFFFFFFE0] =	vst v1;
	v1 =	vld [tilespmem:s11+$0x0]  }
0x9e: {  	v3 =	vld [tilespmem:s12+$0xC480]  }
0x9f: {  	v4 =	vld [tilespmem:s11+$0x30]  }
0xa0: {  	v2 =	vld [tilespmem:s11+$0x10]  }
0xa1: {  	v5 =	vld [tilespmem:s11+$0x20];
	_ =	sdelay $0x1  }
0xa2: {  	v1 =	vmul.f32 v1, v3  }
0xa3: {  	v4 =	vmul.f32 v4, v3  }
0xa4: {  	[tilespmem:s11+$0x0] =	vst v1;
	v1 =	vmul.f32 v2, v3  }
0xa5: {  	[tilespmem:s11+$0x30] =	vst v4;
	v2 =	vmul.f32 v5, v3  }
0xa6: {  	v3 =	vld [tilespmem:s11+$0x40];
	[tilespmem:s11+$0x10] =	vst v1  }
0xa7: {  	v4 =	vld [tilespmem:s11+$0x70];
	[tilespmem:s11+$0x20] =	vst v2  }
0xa8: {  	v2 =	vld [tilespmem:s12+$0xC490]  }
0xa9: {  	v1 =	vld [tilespmem:s11+$0x50]  }
0xaa: {  	v5 =	vld [tilespmem:s11+$0x60];
	_ =	sdelay $0x2  }
0xab: {  	v6 =	vmul.f32 v3, v2  }
0xac: {  	v3 =	vmul.f32 v1, v2  }
0xad: {  	s14 =	simm.s32 $0x200;
	s15 =	simm.s32 $0x9D40;
	v1 =	vmul.f32 v5, v2;
	v2 =	vmul.f32 v4, v2;
	[tilespmem:s11+$0x40] =	vst v6  }
.LBB2_5:
0xae: {  	p1 =	sne.s32 s14, $0x1200  }
0xaf: {  	[tilespmem:s11+$0x50] =	vst v3;
	v3 =	vld [tilespmem:s11+$0x80];
	s15 =	sadd.s32 $0x200, s15;
	s16 =	smov.u32 s14;
	s14 =	sadd.s32 $0x200, s14  }
0xb0: {  	[tilespmem:s11+$0x70] =	vst v2;
	v2 =	vld [tilespmem:s11+$0xB0]  }
0xb1: {  	[tilespmem:s11+$0x60] =	vst v1;
	v1 =	vld [tilespmem:s11+$0x90]  }
0xb2: {  	v4 =	vld [tilespmem:s12+$0xC4A0]  }
0xb3: {  	v5 =	vld [tilespmem:s11+$0xA0];
	_ =	sdelay $0x3  }
0xb4: {  	v3 =	vmul.f32 v3, v4;
	v1 =	vmul.f32 v1, v4  }
0xb5: {  	v2 =	vmul.f32 v2, v4;
	v5 =	vmul.f32 v5, v4  }
0xb6: {  	[tilespmem:s11+$0x80] =	vst v3  }
0xb7: {  	[tilespmem:s11+$0xB0] =	vst v2;
	v2 =	vld [tilespmem:s11+$0xC0]  }
0xb8: {  	[tilespmem:s11+$0x90] =	vst v1;
	v1 =	vld [tilespmem:s11+$0xF0]  }
0xb9: {  	[tilespmem:s11+$0xA0] =	vst v5;
	v3 =	vld [tilespmem:s11+$0xD0]  }
0xba: {  	v4 =	vld [tilespmem:s12+$0xC4B0]  }
0xbb: {  	v5 =	vld [tilespmem:s11+$0xE0];
	_ =	sdelay $0x3  }
0xbc: {  	v2 =	vmul.f32 v2, v4;
	v3 =	vmul.f32 v3, v4  }
0xbd: {  	v1 =	vmul.f32 v1, v4;
	v5 =	vmul.f32 v5, v4  }
0xbe: {  	[tilespmem:s11+$0xC0] =	vst v2  }
0xbf: {  	v2 =	vld [tilespmem:s15+$0xFFFFFF20];
	[tilespmem:s11+$0xD0] =	vst v3  }
0xc0: {  	v3 =	vld [tilespmem:s15+$0xFFFFFF30];
	[tilespmem:s11+$0xF0] =	vst v1  }
0xc1: {  	s12 =	sshra.s32 s16, $0x2;
	v1 =	vld [tilespmem:s15+$0xFFFFFF00];
	[tilespmem:s11+$0xE0] =	vst v5;
	s11 =	smov.u32 s15  }
0xc2: {  	v4 =	vld [tilespmem:s12+$0xC440]  }
0xc3: {  	v5 =	vld [tilespmem:s15+$0xFFFFFF10];
	_ =	sdelay $0x3  }
0xc4: {  	v1 =	vmul.f32 v1, v4;
	v3 =	vmul.f32 v3, v4  }
0xc5: {  	v2 =	vmul.f32 v2, v4;
	v5 =	vmul.f32 v5, v4  }
0xc6: {  	[tilespmem:s15+$0xFFFFFF30] =	vst v3  }
0xc7: {  	[tilespmem:s15+$0xFFFFFF00] =	vst v1;
	v1 =	vld [tilespmem:s15+$0xFFFFFF70]  }
0xc8: {  	[tilespmem:s15+$0xFFFFFF10] =	vst v5;
	v3 =	vld [tilespmem:s15+$0xFFFFFF50]  }
0xc9: {  	[tilespmem:s15+$0xFFFFFF20] =	vst v2;
	v2 =	vld [tilespmem:s15+$0xFFFFFF40]  }
0xca: {  	v4 =	vld [tilespmem:s12+$0xC450]  }
0xcb: {  	v5 =	vld [tilespmem:s15+$0xFFFFFF60];
	_ =	sdelay $0x3  }
0xcc: {  	v2 =	vmul.f32 v2, v4;
	v3 =	vmul.f32 v3, v4  }
0xcd: {  	v1 =	vmul.f32 v1, v4;
	v5 =	vmul.f32 v5, v4  }
0xce: {  	[tilespmem:s15+$0xFFFFFF40] =	vst v2  }
0xcf: {  	[tilespmem:s15+$0xFFFFFF50] =	vst v3;
	v2 =	vld [tilespmem:s15+$0xFFFFFFB0]  }
0xd0: {  	[tilespmem:s15+$0xFFFFFF70] =	vst v1;
	v1 =	vld [tilespmem:s15+$0xFFFFFF90]  }
0xd1: {  	[tilespmem:s15+$0xFFFFFF60] =	vst v5;
	v3 =	vld [tilespmem:s15+$0xFFFFFF80]  }
0xd2: {  	v4 =	vld [tilespmem:s12+$0xC460]  }
0xd3: {  	v5 =	vld [tilespmem:s15+$0xFFFFFFA0];
	_ =	sdelay $0x3  }
0xd4: {  	v3 =	vmul.f32 v3, v4;
	v1 =	vmul.f32 v1, v4  }
0xd5: {  	v2 =	vmul.f32 v2, v4;
	v5 =	vmul.f32 v5, v4  }
0xd6: {  	[tilespmem:s15+$0xFFFFFF80] =	vst v3  }
0xd7: {  	[tilespmem:s15+$0xFFFFFFB0] =	vst v2;
	v2 =	vld [tilespmem:s15+$0xFFFFFFF0]  }
0xd8: {  	[tilespmem:s15+$0xFFFFFF90] =	vst v1;
	v1 =	vld [tilespmem:s15+$0xFFFFFFD0]  }
0xd9: {  	[tilespmem:s15+$0xFFFFFFA0] =	vst v5;
	v3 =	vld [tilespmem:s15+$0xFFFFFFC0]  }
0xda: {  	v4 =	vld [tilespmem:s12+$0xC470]  }
0xdb: {  	v5 =	vld [tilespmem:s15+$0xFFFFFFE0];
	_ =	sdelay $0x3  }
0xdc: {  	v3 =	vmul.f32 v3, v4;
	v1 =	vmul.f32 v1, v4  }
0xdd: {  	v2 =	vmul.f32 v2, v4;
	v5 =	vmul.f32 v5, v4  }
0xde: {  	[tilespmem:s15+$0xFFFFFFC0] =	vst v3  }
0xdf: {  	[tilespmem:s15+$0xFFFFFFD0] =	vst v1;
	v1 =	vld [tilespmem:s15+$0x30]  }
0xe0: {  	[tilespmem:s15+$0xFFFFFFF0] =	vst v2;
	v2 =	vld [tilespmem:s15+$0x10]  }
0xe1: {  	[tilespmem:s15+$0xFFFFFFE0] =	vst v5;
	v3 =	vld [tilespmem:s15+$0x0]  }
0xe2: {  	v4 =	vld [tilespmem:s12+$0xC480]  }
0xe3: {  	v5 =	vld [tilespmem:s15+$0x20];
	_ =	sdelay $0x3  }
0xe4: {  	v3 =	vmul.f32 v3, v4;
	v2 =	vmul.f32 v2, v4  }
0xe5: {  	v1 =	vmul.f32 v1, v4;
	v5 =	vmul.f32 v5, v4  }
0xe6: {  	[tilespmem:s15+$0x0] =	vst v3  }
0xe7: {  	[tilespmem:s15+$0x30] =	vst v1;
	v1 =	vld [tilespmem:s15+$0x40]  }
0xe8: {  	[tilespmem:s15+$0x10] =	vst v2;
	v2 =	vld [tilespmem:s15+$0x70]  }
0xe9: {  	[tilespmem:s15+$0x20] =	vst v5;
	v3 =	vld [tilespmem:s15+$0x50]  }
0xea: {  	v4 =	vld [tilespmem:s12+$0xC490]  }
0xeb: {  	v5 =	vld [tilespmem:s15+$0x60];
	_ =	sdelay $0x1  }
.Ltmp3:
0xec: {  	(pc) =	sbr.rel @p1 .LBB2_5-.Ltmp3, $4  }
0xed: {  	_ = 	snop  }
0xee: {  	v6 =	vmul.f32 v1, v4;
	v3 =	vmul.f32 v3, v4  }
0xef: {  	v2 =	vmul.f32 v2, v4;
	v1 =	vmul.f32 v5, v4  }
0xf0: {  	[tilespmem:s15+$0x40] =	vst v6  }
0xf1: {  	[tilespmem:s11+$0x50] =	vst v3  }
0xf2: {  	[tilespmem:s11+$0x70] =	vst v2  }
0xf3: {  	v3 =	vld [tilespmem:s11+$0x80];
	[tilespmem:s11+$0x60] =	vst v1  }
0xf4: {  	v1 =	vld [tilespmem:s12+$0xC4A0]  }
0xf5: {  	v2 =	vld [tilespmem:s11+$0xB0]  }
0xf6: {  	v4 =	vld [tilespmem:s11+$0x90]  }
0xf7: {  	v5 =	vld [tilespmem:s11+$0xA0];
	_ =	sdelay $0x1  }
0xf8: {  	v3 =	vmul.f32 v3, v1  }
0xf9: {  	v2 =	vmul.f32 v2, v1  }
0xfa: {  	[tilespmem:s11+$0x80] =	vst v3;
	v3 =	vmul.f32 v4, v1  }
0xfb: {  	[tilespmem:s11+$0xB0] =	vst v2;
	v1 =	vmul.f32 v5, v1  }
0xfc: {  	[tilespmem:s11+$0x90] =	vst v3  }
0xfd: {  	v2 =	vld [tilespmem:s11+$0xC0];
	[tilespmem:s11+$0xA0] =	vst v1  }
0xfe: {  	v1 =	vld [tilespmem:s12+$0xC4B0]  }
0xff: {  	v3 =	vld [tilespmem:s11+$0xD0]  }
0x100: {  	v4 =	vld [tilespmem:s11+$0xF0]  }
0x101: {  	v5 =	vld [tilespmem:s11+$0xE0];
	_ =	sdelay $0x1  }
0x102: {  	v2 =	vmul.f32 v2, v1  }
0x103: {  	v3 =	vmul.f32 v3, v1  }
0x104: {  	s18 =	smul.u32 $0x280, s10;
	v4 =	vmul.f32 v4, v1;
	[tilespmem:s11+$0xC0] =	vst v2  }
0x105: {  	v1 =	vmul.f32 v5, v1;
	[tilespmem:s11+$0xD0] =	vst v3  }
0x106: {  	s12 =	sshra.s32 s18, $0x2;
	[tilespmem:s11+$0xF0] =	vst v4  }
0x107: {  	[tilespmem:s11+$0xE0] =	vst v1;
	s11 =	sadd.s32 $0x4E20, s12  }
0x108: {  	[spmem:s2] =	stream.indirect.scatter.add.f32 [tilespmem:s31], [sflag:$0x3], $0x40, s11, s30, $0xb8;
	[tilespmem:$0x1BE40] =	vst v63  }
0x109: {  	_ =	swait.ge [sflag:s26], $0x1400  }
0x10a: {  	[sflag:s26] =	ssyncset.done $0x0  }
0x10b: {  	s14 =	simm.s32 @!p0 $0x50;
	s15 =	simm.s32 @!p0 $0xC440;
	[sflag:s26] =	ssyncadd.s32 $0xFFFFEC00  }
0x10c: {  	[spmem:s3] =	stream.indirect.scatter.add.f32 @!p0 [tilespmem:s15], [sflag:$0x3], $0x10, s11, s14, $0xb8;
	[tilespmem:$0x1BE40] =	vst v63  }
0x10d: {  	p1 =	seq.s32 s10, $0x7C;
	s11 =	sshll.u32 s10, $0x1  }
0x10e: {  	s14 =	simm.s32 @!p0 $0x3;
	s15 =	sadd.s32 @!p1 $0x2, s11  }
0x10f: {  	_ =	swait.ge @!p0 [sflag:s14], $0x500;
	s16 =	smul.u32 @!p1 $0x140, s15  }
0x110: {  	s17 =	simm.s32 @!p1 $0x9C40;
	[sflag:s14] =	ssyncset.done @!p0 $0x0;
	s15 =	smul.u32 @!p1 $0x500, s15  }
0x111: {  	[sflag:s14] =	ssyncadd.s32 @!p0 $0xFFFFFB00;
	s14 =	sshra.s32 @!p1 s16, $0x2;
	s16 =	simm.s32 @!p1 $0x50  }
0x112: {  	[tilespmem:s17], [sflag:$0x1] =	stream.indirect.gather @!p1 [hbm4b:s20+s16], $0x40, s14, s16, $0xb8;
	[tilespmem:$0x1BE40] =	vst v63  }
0x113: {  	s14 =	sadd.s32 @!p1 s13, s15  }
0x114: {  	s14 =	sshrl.u32 @!p1 s14, $0x3  }
0x115: {  	s15 =	simm.s32 @!p1 $0x0;
	s16 =	simm.s32 @!p1 $0xC440;
	s14 =	sadd.s32 @!p1 s5, s14  }
0x116: {  	[tilespmem:s16], [sflag:$0x1] =	stream.linear.gather @!p1 [hbm4b:s14+s15], $0x500, $0x38;
	[tilespmem:$0x1BE40] =	vst v63  }
0x117: {  	_ =	swait.ge [sflag:s8], $0x1400  }
0x118: {  	[sflag:s8] =	ssyncset.done $0x0  }
0x119: {  	[sflag:s8] =	ssyncadd.s32 $0xFFFFEC00  }
0x11a: {  	_ =	swait.ge [sflag:s8], $0x500  }
0x11b: {  	[sflag:s8] =	ssyncset.done $0x0  }
0x11c: {  	s14 =	simm.s32 $0xB140;
	[sflag:s8] =	ssyncadd.s32 $0xFFFFFB00  }
0x11d: {  	s15 =	simm.s32 $0x0;
	v1 =	vld [tilespmem:s14+$0xFFFFFF30]  }
0x11e: {  	v2 =	vld [tilespmem:s15+$0xC940]  }
0x11f: {  	v3 =	vld [tilespmem:s14+$0xFFFFFF00]  }
0x120: {  	v4 =	vld [tilespmem:s14+$0xFFFFFF10]  }
0x121: {  	v5 =	vld [tilespmem:s14+$0xFFFFFF20];
	_ =	sdelay $0x1  }
0x122: {  	v1 =	vmul.f32 v1, v2  }
0x123: {  	v3 =	vmul.f32 v3, v2  }
0x124: {  	v4 =	vmul.f32 v4, v2;
	[tilespmem:s14+$0xFFFFFF30] =	vst v1  }
0x125: {  	v1 =	vmul.f32 v5, v2;
	[tilespmem:s14+$0xFFFFFF00] =	vst v3  }
0x126: {  	[tilespmem:s14+$0xFFFFFF10] =	vst v4  }
0x127: {  	[tilespmem:s14+$0xFFFFFF20] =	vst v1;
	v1 =	vld [tilespmem:s14+$0xFFFFFF40]  }
0x128: {  	v3 =	vld [tilespmem:s15+$0xC950]  }
0x129: {  	v2 =	vld [tilespmem:s14+$0xFFFFFF50]  }
0x12a: {  	v4 =	vld [tilespmem:s14+$0xFFFFFF70]  }
0x12b: {  	v5 =	vld [tilespmem:s14+$0xFFFFFF60];
	_ =	sdelay $0x1  }
0x12c: {  	v1 =	vmul.f32 v1, v3  }
0x12d: {  	v2 =	vmul.f32 v2, v3  }
0x12e: {  	v4 =	vmul.f32 v4, v3;
	[tilespmem:s14+$0xFFFFFF40] =	vst v1  }
0x12f: {  	[tilespmem:s14+$0xFFFFFF50] =	vst v2;
	v1 =	vmul.f32 v5, v3  }
0x130: {  	[tilespmem:s14+$0xFFFFFF70] =	vst v4  }
0x131: {  	[tilespmem:s14+$0xFFFFFF60] =	vst v1;
	v1 =	vld [tilespmem:s14+$0xFFFFFF80]  }
0x132: {  	v3 =	vld [tilespmem:s15+$0xC960]  }
0x133: {  	v4 =	vld [tilespmem:s14+$0xFFFFFFB0]  }
0x134: {  	v2 =	vld [tilespmem:s14+$0xFFFFFF90]  }
0x135: {  	v5 =	vld [tilespmem:s14+$0xFFFFFFA0];
	_ =	sdelay $0x1  }
0x136: {  	v1 =	vmul.f32 v1, v3  }
0x137: {  	v4 =	vmul.f32 v4, v3  }
0x138: {  	v2 =	vmul.f32 v2, v3;
	[tilespmem:s14+$0xFFFFFF80] =	vst v1  }
0x139: {  	v1 =	vmul.f32 v5, v3;
	[tilespmem:s14+$0xFFFFFFB0] =	vst v4  }
0x13a: {  	[tilespmem:s14+$0xFFFFFF90] =	vst v2  }
0x13b: {  	[tilespmem:s14+$0xFFFFFFA0] =	vst v1;
	v1 =	vld [tilespmem:s14+$0xFFFFFFC0]  }
0x13c: {  	v3 =	vld [tilespmem:s15+$0xC970]  }
0x13d: {  	v2 =	vld [tilespmem:s14+$0xFFFFFFD0]  }
0x13e: {  	v4 =	vld [tilespmem:s14+$0xFFFFFFF0]  }
0x13f: {  	v5 =	vld [tilespmem:s14+$0xFFFFFFE0];
	_ =	sdelay $0x1  }
0x140: {  	v1 =	vmul.f32 v1, v3  }
0x141: {  	v2 =	vmul.f32 v2, v3  }
0x142: {  	v4 =	vmul.f32 v4, v3;
	[tilespmem:s14+$0xFFFFFFC0] =	vst v1  }
0x143: {  	[tilespmem:s14+$0xFFFFFFD0] =	vst v2;
	v1 =	vmul.f32 v5, v3  }
0x144: {  	[tilespmem:s14+$0xFFFFFFF0] =	vst v4  }
0x145: {  	[tilespmem:s14+$0xFFFFFFE0] =	vst v1;
	v1 =	vld [tilespmem:s14+$0x0]  }
0x146: {  	v3 =	vld [tilespmem:s15+$0xC980]  }
0x147: {  	v4 =	vld [tilespmem:s14+$0x30]  }
0x148: {  	v2 =	vld [tilespmem:s14+$0x10]  }
0x149: {  	v5 =	vld [tilespmem:s14+$0x20];
	_ =	sdelay $0x1  }
0x14a: {  	v1 =	vmul.f32 v1, v3  }
0x14b: {  	v4 =	vmul.f32 v4, v3  }
0x14c: {  	[tilespmem:s14+$0x0] =	vst v1;
	v1 =	vmul.f32 v2, v3  }
0x14d: {  	[tilespmem:s14+$0x30] =	vst v4;
	v2 =	vmul.f32 v5, v3  }
0x14e: {  	v3 =	vld [tilespmem:s14+$0x40];
	[tilespmem:s14+$0x10] =	vst v1  }
0x14f: {  	v4 =	vld [tilespmem:s14+$0x70];
	[tilespmem:s14+$0x20] =	vst v2  }
0x150: {  	v2 =	vld [tilespmem:s15+$0xC990]  }
0x151: {  	v1 =	vld [tilespmem:s14+$0x50]  }
0x152: {  	v5 =	vld [tilespmem:s14+$0x60];
	_ =	sdelay $0x2  }
0x153: {  	v6 =	vmul.f32 v3, v2  }
0x154: {  	v3 =	vmul.f32 v1, v2  }
0x155: {  	s17 =	simm.s32 $0xB140;
	s16 =	simm.s32 $0x200;
	v1 =	vmul.f32 v5, v2;
	v2 =	vmul.f32 v4, v2;
	[tilespmem:s14+$0x40] =	vst v6  }
.LBB2_7:
0x156: {  	p2 =	sne.s32 s16, $0x1200  }
0x157: {  	[tilespmem:s14+$0x50] =	vst v3;
	v3 =	vld [tilespmem:s14+$0x80];
	s17 =	sadd.s32 $0x200, s17;
	s18 =	smov.u32 s16;
	s16 =	sadd.s32 $0x200, s16  }
0x158: {  	[tilespmem:s14+$0x70] =	vst v2;
	v2 =	vld [tilespmem:s14+$0xB0]  }
0x159: {  	[tilespmem:s14+$0x60] =	vst v1;
	v1 =	vld [tilespmem:s14+$0x90]  }
0x15a: {  	v4 =	vld [tilespmem:s15+$0xC9A0]  }
0x15b: {  	v5 =	vld [tilespmem:s14+$0xA0];
	_ =	sdelay $0x3  }
0x15c: {  	v3 =	vmul.f32 v3, v4;
	v1 =	vmul.f32 v1, v4  }
0x15d: {  	v2 =	vmul.f32 v2, v4;
	v5 =	vmul.f32 v5, v4  }
0x15e: {  	[tilespmem:s14+$0x80] =	vst v3  }
0x15f: {  	[tilespmem:s14+$0xB0] =	vst v2;
	v2 =	vld [tilespmem:s14+$0xC0]  }
0x160: {  	[tilespmem:s14+$0x90] =	vst v1;
	v1 =	vld [tilespmem:s14+$0xF0]  }
0x161: {  	[tilespmem:s14+$0xA0] =	vst v5;
	v3 =	vld [tilespmem:s14+$0xD0]  }
0x162: {  	v4 =	vld [tilespmem:s15+$0xC9B0]  }
0x163: {  	v5 =	vld [tilespmem:s14+$0xE0];
	_ =	sdelay $0x3  }
0x164: {  	v2 =	vmul.f32 v2, v4;
	v3 =	vmul.f32 v3, v4  }
0x165: {  	v1 =	vmul.f32 v1, v4;
	v5 =	vmul.f32 v5, v4  }
0x166: {  	[tilespmem:s14+$0xC0] =	vst v2  }
0x167: {  	v2 =	vld [tilespmem:s17+$0xFFFFFF20];
	[tilespmem:s14+$0xD0] =	vst v3  }
0x168: {  	v3 =	vld [tilespmem:s17+$0xFFFFFF30];
	[tilespmem:s14+$0xF0] =	vst v1  }
0x169: {  	s15 =	sshra.s32 s18, $0x2;
	v1 =	vld [tilespmem:s17+$0xFFFFFF00];
	[tilespmem:s14+$0xE0] =	vst v5;
	s14 =	smov.u32 s17  }
0x16a: {  	v4 =	vld [tilespmem:s15+$0xC940]  }
0x16b: {  	v5 =	vld [tilespmem:s17+$0xFFFFFF10];
	_ =	sdelay $0x3  }
0x16c: {  	v1 =	vmul.f32 v1, v4;
	v3 =	vmul.f32 v3, v4  }
0x16d: {  	v2 =	vmul.f32 v2, v4;
	v5 =	vmul.f32 v5, v4  }
0x16e: {  	[tilespmem:s17+$0xFFFFFF30] =	vst v3  }
0x16f: {  	[tilespmem:s17+$0xFFFFFF00] =	vst v1;
	v1 =	vld [tilespmem:s17+$0xFFFFFF70]  }
0x170: {  	[tilespmem:s17+$0xFFFFFF10] =	vst v5;
	v3 =	vld [tilespmem:s17+$0xFFFFFF50]  }
0x171: {  	[tilespmem:s17+$0xFFFFFF20] =	vst v2;
	v2 =	vld [tilespmem:s17+$0xFFFFFF40]  }
0x172: {  	v4 =	vld [tilespmem:s15+$0xC950]  }
0x173: {  	v5 =	vld [tilespmem:s17+$0xFFFFFF60];
	_ =	sdelay $0x3  }
0x174: {  	v2 =	vmul.f32 v2, v4;
	v3 =	vmul.f32 v3, v4  }
0x175: {  	v1 =	vmul.f32 v1, v4;
	v5 =	vmul.f32 v5, v4  }
0x176: {  	[tilespmem:s17+$0xFFFFFF40] =	vst v2  }
0x177: {  	[tilespmem:s17+$0xFFFFFF50] =	vst v3;
	v2 =	vld [tilespmem:s17+$0xFFFFFFB0]  }
0x178: {  	[tilespmem:s17+$0xFFFFFF70] =	vst v1;
	v1 =	vld [tilespmem:s17+$0xFFFFFF90]  }
0x179: {  	[tilespmem:s17+$0xFFFFFF60] =	vst v5;
	v3 =	vld [tilespmem:s17+$0xFFFFFF80]  }
0x17a: {  	v4 =	vld [tilespmem:s15+$0xC960]  }
0x17b: {  	v5 =	vld [tilespmem:s17+$0xFFFFFFA0];
	_ =	sdelay $0x3  }
0x17c: {  	v3 =	vmul.f32 v3, v4;
	v1 =	vmul.f32 v1, v4  }
0x17d: {  	v2 =	vmul.f32 v2, v4;
	v5 =	vmul.f32 v5, v4  }
0x17e: {  	[tilespmem:s17+$0xFFFFFF80] =	vst v3  }
0x17f: {  	[tilespmem:s17+$0xFFFFFFB0] =	vst v2;
	v2 =	vld [tilespmem:s17+$0xFFFFFFF0]  }
0x180: {  	[tilespmem:s17+$0xFFFFFF90] =	vst v1;
	v1 =	vld [tilespmem:s17+$0xFFFFFFD0]  }
0x181: {  	[tilespmem:s17+$0xFFFFFFA0] =	vst v5;
	v3 =	vld [tilespmem:s17+$0xFFFFFFC0]  }
0x182: {  	v4 =	vld [tilespmem:s15+$0xC970]  }
0x183: {  	v5 =	vld [tilespmem:s17+$0xFFFFFFE0];
	_ =	sdelay $0x3  }
0x184: {  	v3 =	vmul.f32 v3, v4;
	v1 =	vmul.f32 v1, v4  }
0x185: {  	v2 =	vmul.f32 v2, v4;
	v5 =	vmul.f32 v5, v4  }
0x186: {  	[tilespmem:s17+$0xFFFFFFC0] =	vst v3  }
0x187: {  	[tilespmem:s17+$0xFFFFFFD0] =	vst v1;
	v1 =	vld [tilespmem:s17+$0x30]  }
0x188: {  	[tilespmem:s17+$0xFFFFFFF0] =	vst v2;
	v2 =	vld [tilespmem:s17+$0x10]  }
0x189: {  	[tilespmem:s17+$0xFFFFFFE0] =	vst v5;
	v3 =	vld [tilespmem:s17+$0x0]  }
0x18a: {  	v4 =	vld [tilespmem:s15+$0xC980]  }
0x18b: {  	v5 =	vld [tilespmem:s17+$0x20];
	_ =	sdelay $0x3  }
0x18c: {  	v3 =	vmul.f32 v3, v4;
	v2 =	vmul.f32 v2, v4  }
0x18d: {  	v1 =	vmul.f32 v1, v4;
	v5 =	vmul.f32 v5, v4  }
0x18e: {  	[tilespmem:s17+$0x0] =	vst v3  }
0x18f: {  	[tilespmem:s17+$0x30] =	vst v1;
	v1 =	vld [tilespmem:s17+$0x40]  }
0x190: {  	[tilespmem:s17+$0x10] =	vst v2;
	v2 =	vld [tilespmem:s17+$0x70]  }
0x191: {  	[tilespmem:s17+$0x20] =	vst v5;
	v3 =	vld [tilespmem:s17+$0x50]  }
0x192: {  	v4 =	vld [tilespmem:s15+$0xC990]  }
0x193: {  	v5 =	vld [tilespmem:s17+$0x60];
	_ =	sdelay $0x1  }
.Ltmp4:
0x194: {  	(pc) =	sbr.rel @p2 .LBB2_7-.Ltmp4, $4  }
0x195: {  	_ = 	snop  }
0x196: {  	v6 =	vmul.f32 v1, v4;
	v3 =	vmul.f32 v3, v4  }
0x197: {  	v2 =	vmul.f32 v2, v4;
	v1 =	vmul.f32 v5, v4  }
0x198: {  	[tilespmem:s17+$0x40] =	vst v6  }
0x199: {  	[tilespmem:s14+$0x50] =	vst v3  }
0x19a: {  	[tilespmem:s14+$0x70] =	vst v2  }
0x19b: {  	v3 =	vld [tilespmem:s14+$0x80];
	[tilespmem:s14+$0x60] =	vst v1  }
0x19c: {  	v1 =	vld [tilespmem:s15+$0xC9A0]  }
0x19d: {  	v2 =	vld [tilespmem:s14+$0xB0]  }
0x19e: {  	v4 =	vld [tilespmem:s14+$0x90]  }
0x19f: {  	v5 =	vld [tilespmem:s14+$0xA0];
	_ =	sdelay $0x1  }
0x1a0: {  	v3 =	vmul.f32 v3, v1  }
0x1a1: {  	v2 =	vmul.f32 v2, v1  }
0x1a2: {  	[tilespmem:s14+$0x80] =	vst v3;
	v3 =	vmul.f32 v4, v1  }
0x1a3: {  	[tilespmem:s14+$0xB0] =	vst v2;
	v1 =	vmul.f32 v5, v1  }
0x1a4: {  	[tilespmem:s14+$0x90] =	vst v3  }
0x1a5: {  	v2 =	vld [tilespmem:s14+$0xC0];
	[tilespmem:s14+$0xA0] =	vst v1  }
0x1a6: {  	v1 =	vld [tilespmem:s15+$0xC9B0]  }
0x1a7: {  	v3 =	vld [tilespmem:s14+$0xD0]  }
0x1a8: {  	v62 =	vld [tilespmem:s14+$0xF0]  }
0x1a9: {  	v63 =	vld [tilespmem:s14+$0xE0];
	_ =	sdelay $0x1  }
0x1aa: {  	v2 =	vmul.f32 v2, v1  }
0x1ab: {  	v3 =	vmul.f32 v3, v1  }
0x1ac: {  	v4 =	vmul.f32 v62, v1;
	[tilespmem:s14+$0xC0] =	vst v2  }
0x1ad: {  	v1 =	vmul.f32 v63, v1;
	[tilespmem:s14+$0xD0] =	vst v3  }
0x1ae: {  	[tilespmem:s14+$0xF0] =	vst v4  }
0x1af: {  	s12 =	sadd.s32 $0x4E70, s12;
	[tilespmem:s14+$0xE0] =	vst v1  }
0x1b0: {  	[spmem:s2] =	stream.indirect.scatter.add.f32 [tilespmem:s29], [sflag:$0x3], $0x40, s12, s30, $0xb8;
	[tilespmem:$0x1BE40] =	vst v63  }
0x1b1: {  	_ =	swait.ge [sflag:s26], $0x1400  }
0x1b2: {  	[sflag:s26] =	ssyncset.done $0x0  }
0x1b3: {  	s15 =	simm.s32 @!p0 $0xC940;
	s14 =	simm.s32 @!p0 $0x50;
	[sflag:s26] =	ssyncadd.s32 $0xFFFFEC00  }
0x1b4: {  	[spmem:s3] =	stream.indirect.scatter.add.f32 @!p0 [tilespmem:s15], [sflag:$0x3], $0x10, s12, s14, $0xb8;
	[tilespmem:$0x1BE40] =	vst v63  }
.Ltmp5:
0x1b5: {  	_ = 	snop;
	(pc) =	sbr.rel @p1 .LBB2_10-.Ltmp5, $4  }
0x1b6: {  	s12 =	simm.s32 @!p0 $0x3  }
0x1b7: {  	_ =	swait.ge @!p0 [sflag:s12], $0x500  }
0x1b8: {  	[sflag:s12] =	ssyncset.done @!p0 $0x0  }
0x1b9: {  	[sflag:s12] =	ssyncadd.s32 @!p0 $0xFFFFFB00  }
0x1ba: {  	s11 =	sadd.s32 $0x3, s11  }
0x1bb: {  	s12 =	smul.u32 $0x140, s11  }
0x1bc: {  	s11 =	smul.u32 $0x500, s11;
	_ =	sdelay $0x1  }
.Ltmp6:
0x1bd: {  	s12 =	sshra.s32 s12, $0x2;
	s11 =	sadd.s32 s13, s11;
	(pc) =	sbr.rel .LBB2_4-.Ltmp6, $4  }
0x1be: {  	[tilespmem:s29], [sflag:$0x2] =	stream.indirect.gather [hbm4b:s20+s30], $0x40, s12, s30, $0xb8;
	[tilespmem:$0x1BE40] =	vst v63  }
0x1bf: {  	s11 =	sshrl.u32 s11, $0x3  }
0x1c0: {  	s10 =	sadd.s32 $0x1, s10;
	s11 =	sadd.s32 s5, s11  }
0x1c1: {  	[tilespmem:s1], [sflag:$0x2] =	stream.linear.gather [hbm4b:s11+s4], $0x500, $0x38;
	[tilespmem:$0x1BE40] =	vst v63  }
.LBB2_11:
0x1c2: {  	_ =	sfence.sel $0x180000  }
0x1c3: {  	[bflag:$0x0] =	sbarrier.arrive $0xFFFF  }
0x1c4: {  	_ =	strace $0x90000047  }
0x1c5: {  	s0 =	stileid.u32;
	[bflag:$0x2] =	sbarrier.arrive $0xFFFF  }
0x1c6: {  	p0 =	sne.s32 s0, $0x0;
	s0 =	rddreg [dreg:$0x4]  }
0x1c7: {  	s0 =	sadd.s32 @!p0 $0x100000, s0  }
0x1c8: {  	[sflag:s0] =	ssyncadd.tile.s32 @!p0 $0x1;
	_ =	shalt  }
.Lfunc_end2:
_tile_overlayer_lowered:
.L_overlay_start_2:
0x1c9: {  	(tag) =	ssettag $0x2  }
0x1ca: {  	s0 =	rddreg [dreg:$0x0];
	s2 =	stileid.u32  }
0x1cb: {  	s1 =	rddreg [dreg:$0x1];
	p0 =	sne.s32 s2, $0x0  }
0x1cc: {  	s3 =	rddreg [dreg:$0x2];
	[bflag:$0x3] =	sbarrier.arrive $0xFFFF;
	s2 =	simm.s32 @!p0 $0x1C03  }
0x1cd: {  	[timem:s3], [sflag:s2] =	dma.local @!p0 [hbm:s0], s1  }
0x1ce: {  	s0 =	simm.s32 @!p0 $0x3  }
0x1cf: {  	_ =	swait.ge @!p0 [sflag:s0], s1  }
0x1d0: {  	s1 =	ssub.s32 @!p0 $0x0, s1;
	[sflag:s0] =	ssyncset.done @!p0 $0x0  }
0x1d1: {  	[sflag:s0] =	ssyncadd.s32 @!p0 s1  }
0x1d2: {  	[bflag:$0x3] =	sbarrier.arrive $0xFFFF  }
0x1d3: {  	_ =	shalt  }

</sc_bundles>
